<compile_context>
chip_gen: v7x
topology: tpu7x:2x2x1
jax: 0.10.2.dev20260603
libtpu: 0.0.44.dev20260713+nightly
codegen_flags: <defaults>
</compile_context>

<pallas_src>
import functools

import numpy as np

import jax
import jax.numpy as jnp
from jax import lax
from jax.experimental import pallas as pl
from jax.experimental.pallas import tpu as pltpu
from jax.experimental.pallas import tpu_sc as plsc

N_NODES = 10000
N_EDGES = 320000

NC, NS = 2, 16
NW = NC * NS
CHUNK = 128
NROWS_E = N_EDGES // CHUNK
BASE_CHUNKS = NROWS_E // NW
EXTRA_FROM = NW - (NROWS_E - BASE_CHUNKS * NW)
N_ACC = 10000
ZROWS = 632
WB_ROWS = 624


def _tile_chunks(wid):
  cs = BASE_CHUNKS * wid + jnp.maximum(wid - EXTRA_FROM, 0)
  nct = BASE_CHUNKS + (wid >= EXTRA_FROM).astype(jnp.int32)
  return cs, nct


def _zero_acc(zrows, acc, s):
  @pl.when(s < NS - 1)
  def _full():
    pltpu.sync_copy(zrows, acc.at[pl.ds(s * ZROWS, ZROWS)])

  @pl.when(s == NS - 1)
  def _last():
    rem = N_ACC - (NS - 1) * ZROWS
    pltpu.sync_copy(zrows.at[pl.ds(0, rem)],
                    acc.at[pl.ds((NS - 1) * ZROWS, rem)])


def _write_back(acc, out, c, s):
  pltpu.sync_copy(acc.at[pl.ds(s * WB_ROWS, WB_ROWS)],
                  out.at[c, pl.ds(s * WB_ROWS, WB_ROWS)])

  @pl.when(s == NS - 1)
  def _tail():
    base = NS * WB_ROWS
    pltpu.sync_copy(acc.at[pl.ds(base, N_NODES - base)],
                    out.at[c, pl.ds(base, N_NODES - base)])


def _make_sc_cnt():
  mesh = plsc.VectorSubcoreMesh(core_axis_name="c", subcore_axis_name="s")

  @functools.partial(
      pl.kernel,
      out_type=jax.ShapeDtypeStruct((NC, N_NODES, 16), jnp.float32),
      mesh=mesh,
      scratch_types=[
          pltpu.VMEM((BASE_CHUNKS + 1, CHUNK), jnp.int32),
          pltpu.VMEM((CHUNK, 16), jnp.float32),
          pltpu.VMEM_SHARED((N_ACC, 16), jnp.float32),
          pltpu.SemaphoreType.DMA,
      ],
      compiler_params=pltpu.CompilerParams(use_tc_tiling_on_sc=False),
  )
  def cnt(edges, zrows, out, dst_v, ones_v, acc, sem):
    c = lax.axis_index("c")
    s = lax.axis_index("s")
    wid = c * NS + s
    cs, nct = _tile_chunks(wid)

    _zero_acc(zrows, acc, s)
    pltpu.sync_copy(edges.at[1, pl.ds(cs, BASE_CHUNKS + 1)], dst_v)

    def fill_ones(r, carry):
      ones_v[r] = jnp.ones((16,), jnp.float32)
      return carry

    lax.fori_loop(0, CHUNK, fill_ones, 0)
    plsc.subcore_barrier()

    K = 8

    def outer(io, carry):
      base = io * K
      for k in range(K):
        pltpu.async_copy(ones_v, acc.at[dst_v.at[base + k]], sem, add=True)
      for k in range(K):
        pltpu.make_async_copy(ones_v, acc.at[dst_v.at[base + k]], sem).wait()
      return carry

    nfull = BASE_CHUNKS // K
    lax.fori_loop(0, nfull, outer, 0)
    for k in range(nfull * K, BASE_CHUNKS + 1):
      @pl.when(k < nct)
      def _fire():
        pltpu.async_copy(ones_v, acc.at[dst_v.at[k]], sem, add=True)
    for k in range(nfull * K, BASE_CHUNKS + 1):
      @pl.when(k < nct)
      def _drain():
        pltpu.make_async_copy(ones_v, acc.at[dst_v.at[k]], sem).wait()

    plsc.subcore_barrier()
    _write_back(acc, out, c, s)

  return cnt


def _make_sc_agg(D, nbuf, staged):
  mesh = plsc.VectorSubcoreMesh(core_axis_name="c", subcore_axis_name="s")
  sbuf = 40 if staged else BASE_CHUNKS + 1

  @functools.partial(
      pl.kernel,
      out_type=jax.ShapeDtypeStruct((NC, N_NODES, D), jnp.float32),
      mesh=mesh,
      scratch_types=[
          pltpu.VMEM((sbuf, CHUNK), jnp.int32),
          pltpu.VMEM((sbuf, CHUNK), jnp.int32),
          [pltpu.VMEM((CHUNK, D), jnp.float32) for _ in range(nbuf)],
          pltpu.VMEM_SHARED((N_ACC, D), jnp.float32),
          [pltpu.SemaphoreType.DMA] * nbuf,
      ],
      compiler_params=pltpu.CompilerParams(use_tc_tiling_on_sc=False),
  )
  def agg(table, edges, zrows, out, src_v, dst_v, rows_v, acc, sems):
    c = lax.axis_index("c")
    s = lax.axis_index("s")
    wid = c * NS + s
    cs, nct = _tile_chunks(wid)

    _zero_acc(zrows, acc, s)

    def load_idx(row0):
      pltpu.sync_copy(edges.at[0, pl.ds(row0, sbuf)], src_v)
      pltpu.sync_copy(edges.at[1, pl.ds(row0, sbuf)], dst_v)

    load_idx(cs)
    plsc.subcore_barrier()

    def run_chunks(r0, count, count_max):
      for b in range(nbuf):
        pltpu.async_copy(table.at[src_v.at[r0 + b]], rows_v[b], sems[b])

      def outer(io, carry):
        for b in range(nbuf):
          k = io * nbuf + b
          pltpu.make_async_copy(table.at[src_v.at[r0 + k]], rows_v[b],
                                sems[b]).wait()
          pltpu.sync_copy(rows_v[b], acc.at[dst_v.at[r0 + k]], add=True)

          @pl.when(k + nbuf < count)
          def _refill():
            pltpu.async_copy(table.at[src_v.at[r0 + k + nbuf]], rows_v[b],
                             sems[b])
        return carry

      nfull = (count_max // nbuf) - 1
      lax.fori_loop(0, nfull, outer, 0)
      for k in range(nfull * nbuf, count_max):
        b = k % nbuf

        @pl.when(k < count)
        def _epi():
          pltpu.make_async_copy(table.at[src_v.at[r0 + k]], rows_v[b],
                                sems[b]).wait()
          pltpu.sync_copy(rows_v[b], acc.at[dst_v.at[r0 + k]], add=True)

          @pl.when(k + nbuf < count)
          def _refill():
            pltpu.async_copy(table.at[src_v.at[r0 + k + nbuf]], rows_v[b],
                             sems[b])

    if staged:
      run_chunks(jnp.int32(0), jnp.int32(40), 40)
      load_idx(cs + nct - 40)
      run_chunks(40 - (nct - 40), nct - 40, BASE_CHUNKS + 1 - 40)
    else:
      run_chunks(jnp.int32(0), nct, BASE_CHUNKS + 1)

    plsc.subcore_barrier()
    _write_back(acc, out, c, s)

  return agg


_sc_cnt = _make_sc_cnt()
_sc_agg_128 = _make_sc_agg(128, nbuf=2, staged=True)
_sc_agg_16 = _make_sc_agg(16, nbuf=8, staged=False)


_TC_BLK = 5000
_GRID = N_NODES // _TC_BLK


def _tc1_body(s1_ref, ic_ref, x_ref, w1r_ref, b1_ref, w1t_ref, w2r_ref,
              w2t_ref, b2_ref, p2_ref, r2_ref):
  ic = ic_ref[...]
  agg = (s1_ref[0] + s1_ref[1]) * ic[:, :1]
  h1 = jnp.maximum(
      jnp.dot(agg, w1r_ref[...], preferred_element_type=jnp.float32)
      + b1_ref[...]
      + jnp.dot(x_ref[...], w1t_ref[...], preferred_element_type=jnp.float32),
      0.0)
  p2_ref[...] = jnp.dot(h1, w2r_ref[...], preferred_element_type=jnp.float32)
  r2_ref[...] = (
      jnp.dot(h1, w2t_ref[...], preferred_element_type=jnp.float32)
      + b2_ref[...])


def _tc2_body(s2_ref, r2_ref, ic_ref, wmr_ref, wlr_ref, wmt_ref, wlt_ref,
              bm_ref, bl_ref, p3_ref, r3_ref):
  h2 = jnp.maximum(
      (s2_ref[0] + s2_ref[1]) * ic_ref[:, :1] + r2_ref[...], 0.0)
  w3r = jnp.concatenate(
      [wmr_ref[...], wlr_ref[...],
       jnp.zeros((128, 12), jnp.float32)], axis=1)
  w3t = jnp.concatenate(
      [wmt_ref[...], wlt_ref[...],
       jnp.zeros((128, 12), jnp.float32)], axis=1)
  b3 = jnp.concatenate(
      [bm_ref[...], bl_ref[...], jnp.zeros((1, 12), jnp.float32)], axis=1)
  p3_ref[...] = jnp.dot(h2, w3r, preferred_element_type=jnp.float32)
  r3_ref[...] = jnp.dot(h2, w3t, preferred_element_type=jnp.float32) + b3


def _row_blk(shape_tail):
  return pl.BlockSpec((_TC_BLK,) + shape_tail,
                      lambda i: (i,) + (0,) * len(shape_tail))


def _part_blk(d):
  return pl.BlockSpec((NC, _TC_BLK, d), lambda i: (0, i, 0))


def _full_blk(shape):
  return pl.BlockSpec(shape, lambda i: (0,) * len(shape))


def kernel(x, W1_rel, b1, W1_root, W2_rel, b2, W2_root, Wmu_rel, bmu,
           Wmu_root, Wls_rel, bls, Wls_root, edge_index):
  e3 = edge_index.reshape(2, NROWS_E, CHUNK)

  z128 = jnp.zeros((ZROWS, 128), jnp.float32)
  z16 = jnp.zeros((ZROWS, 16), jnp.float32)

  cnt = _sc_cnt(e3, z16)
  ic = 1.0 / jnp.maximum(cnt[0, :, :8] + cnt[1, :, :8], 1.0)
  s1 = _sc_agg_128(x, e3, z128)

  p2, r2 = pl.pallas_call(
      _tc1_body,
      grid=(_GRID,),
      in_specs=[
          _part_blk(128),
          _row_blk((8,)),
          _row_blk((128,)),
          _full_blk((128, 256)),
          _full_blk((1, 256)),
          _full_blk((128, 256)),
          _full_blk((256, 128)),
          _full_blk((256, 128)),
          _full_blk((1, 128)),
      ],
      out_specs=[_row_blk((128,)), _row_blk((128,))],
      out_shape=[
          jax.ShapeDtypeStruct((N_NODES, 128), jnp.float32),
          jax.ShapeDtypeStruct((N_NODES, 128), jnp.float32),
      ],
  )(s1, ic, x, W1_rel, b1.reshape(1, 256), W1_root, W2_rel, W2_root,
    b2.reshape(1, 128))

  s2 = _sc_agg_128(p2, e3, z128)

  p3, r3 = pl.pallas_call(
      _tc2_body,
      grid=(_GRID,),
      in_specs=[
          _part_blk(128),
          _row_blk((128,)),
          _row_blk((8,)),
          _full_blk((128, 2)),
          _full_blk((128, 2)),
          _full_blk((128, 2)),
          _full_blk((128, 2)),
          _full_blk((1, 2)),
          _full_blk((1, 2)),
      ],
      out_specs=[_row_blk((16,)), _row_blk((16,))],
      out_shape=[
          jax.ShapeDtypeStruct((N_NODES, 16), jnp.float32),
          jax.ShapeDtypeStruct((N_NODES, 16), jnp.float32),
      ],
  )(s2, r2, ic, Wmu_rel, Wls_rel, Wmu_root, Wls_root,
    bmu.reshape(1, 2), bls.reshape(1, 2))

  s3 = _sc_agg_16(p3, e3, z16)

  mu = (s3[0, :, 0:2] + s3[1, :, 0:2]) * ic[:, :1] + r3[:, 0:2]
  ls = (s3[0, :, 2:4] + s3[1, :, 2:4]) * ic[:, :1] + r3[:, 2:4]

  return mu, ls

# --- scband reference (transcript-rebuilt; emitter-appended) ---
"""Pipeline reference for scband-encoder-47107201302764 (READ-ONLY COPY).

The authoritative reference and input builder live on the scoring server;
editing this copy changes nothing except your own understanding.
"""

import jax, jax.numpy as jnp
import numpy as np

N_NODES = 10000
N_EDGES = 320000
D_IN = 128
OUT = 2
H1 = 128 * OUT  # 256
H2 = 64 * OUT   # 128


def setup_inputs(seed: int = 0) -> dict:
    key = jax.random.key(seed)
    ks = jax.random.split(key, 16)
    x = jax.random.normal(ks[0], (N_NODES, D_IN), dtype=jnp.float32)
    edge_index = jax.random.randint(ks[1], (2, N_EDGES), 0, N_NODES, dtype=jnp.int32)

    def lin(k, fan_in, fan_out):
        return jax.random.normal(k, (fan_in, fan_out), dtype=jnp.float32) * (1.0 / np.sqrt(fan_in))

    inp = {
        "x": x,
        "W1_rel": lin(ks[2], D_IN, H1),
        "b1": jnp.zeros((H1,), dtype=jnp.float32),
        "W1_root": lin(ks[3], D_IN, H1),
        "W2_rel": lin(ks[4], H1, H2),
        "b2": jnp.zeros((H2,), dtype=jnp.float32),
        "W2_root": lin(ks[5], H1, H2),
        "Wmu_rel": lin(ks[6], H2, OUT),
        "bmu": jnp.zeros((OUT,), dtype=jnp.float32),
        "Wmu_root": lin(ks[7], H2, OUT),
        "Wls_rel": lin(ks[8], H2, OUT),
        "bls": jnp.zeros((OUT,), dtype=jnp.float32),
        "Wls_root": lin(ks[9], H2, OUT),
        "edge_index": edge_index,
    }
    return inp


def _graph_conv_mean(x, src, dst, W_rel, b_rel, W_root, n_nodes):
    # PyG GraphConv with aggr='mean':
    #   out_i = W_rel * mean_{j in N(i)} x_j + b_rel + W_root * x_i
    msg = jnp.take(x, src, axis=0)
    agg_sum = jax.ops.segment_sum(msg, dst, num_segments=n_nodes)
    cnt = jax.ops.segment_sum(jnp.ones((src.shape[0],), dtype=x.dtype), dst, num_segments=n_nodes)
    agg_mean = agg_sum / jnp.maximum(cnt, 1.0)[:, None]
    return agg_mean @ W_rel + b_rel + x @ W_root


def reference(x, W1_rel, b1, W1_root, W2_rel, b2, W2_root, Wmu_rel, bmu, Wmu_root, Wls_rel, bls, Wls_root, edge_index):
    src = edge_index[0]
    dst = edge_index[1]
    h = jax.nn.relu(_graph_conv_mean(x, src, dst, W1_rel, b1, W1_root, N_NODES))
    h = jax.nn.relu(_graph_conv_mean(h, src, dst, W2_rel, b2, W2_root, N_NODES))
    mu = _graph_conv_mean(h, src, dst, Wmu_rel, bmu, Wmu_root, N_NODES)
    logstd = _graph_conv_mean(h, src, dst, Wls_rel, bls, Wls_root, N_NODES)
    return (mu, logstd)

if __name__ == "__main__":
    import jax
    _d = setup_inputs()
    print(jax.jit(kernel)(*tuple(_d.values())))

</pallas_src>

<mosaic_0001>
#map = affine_map<(d0, d1) -> (0, 0)>
#map1 = affine_map<(d0, d1) -> (0, 0, 0)>
module attributes {stable_mosaic.version = 14 : i64} {
  func.func @agg(%arg0: i32, %arg1: i32, %arg2: memref<10000x128xf32, #tpu.memory_space<hbm>>, %arg3: memref<2x2500x128xi32, #tpu.memory_space<hbm>>, %arg4: memref<632x128xf32, #tpu.memory_space<hbm>>, %arg5: memref<2x10000x128xf32, #tpu.memory_space<hbm>>, %arg6: memref<40x128xi32, #tpu.memory_space<vmem>>, %arg7: memref<40x128xi32, #tpu.memory_space<vmem>>, %arg8: memref<128x128xf32, #tpu.memory_space<vmem>>, %arg9: memref<128x128xf32, #tpu.memory_space<vmem>>, %arg10: memref<10000x128xf32, #tpu.memory_space<vmem_shared>>, %arg11: memref<!tpu.dma_semaphore, #tpu.memory_space<semaphore_mem>>, %arg12: memref<!tpu.dma_semaphore, #tpu.memory_space<semaphore_mem>>) attributes {dimension_semantics = [#tpu.dimension_semantics<core_parallel>, #tpu.dimension_semantics<subcore_parallel>], iteration_bounds = array<i64: 2, 16>, scalar_prefetch = 0 : i64, scratch_operands = 7 : i64, tpu.core_type = #tpu.core_type<sc_vector_subcore>, window_params = [{transform_indices = #map}, {transform_indices = #map1}, {transform_indices = #map}, {transform_indices = #map1}]} {
    %mul3A = arith.constant 16 : i32
    %mul3A_0 = arith.muli %arg0, %mul3A : i32
    %add3A = arith.addi %mul3A_0, %arg1 : i32
    %mul3A_1 = arith.constant 78 : i32
    %mul3A_2 = arith.muli %mul3A_1, %add3A : i32
    %sub3A = arith.constant 28 : i32
    %sub3A_3 = arith.subi %add3A, %sub3A : i32
    %max3A = arith.constant 0 : i32
    %max3A_4 = arith.maxsi %sub3A_3, %max3A : i32
    %add3A_5 = arith.addi %mul3A_2, %max3A_4 : i32
    %ge3A = arith.constant 28 : i32
    %ge3A_6 = arith.cmpi sge, %add3A, %ge3A : i32
    %convert_element_type3A = arith.extui %ge3A_6 : i1 to i32
    %add3A_7 = arith.constant 78 : i32
    %add3A_8 = arith.addi %add3A_7, %convert_element_type3A : i32
    %lt3A = arith.constant 15 : i32
    %lt3A_9 = arith.cmpi slt, %arg1, %lt3A : i32
    %convert_element_type3A_10 = arith.extui %lt3A_9 : i1 to i32
    %cond3A = arith.constant 0 : i32
    %cond3A_11 = arith.cmpi ne, %convert_element_type3A_10, %cond3A : i32
    scf.if %cond3A_11 {
      %mul3A_114 = arith.constant 632 : i32
      %mul3A_115 = arith.muli %arg1, %mul3A_114 : i32
      "tpu.region"() ({
        %run_scoped3A_116 = tpu.sem_alloc : memref<!tpu.dma_semaphore, #tpu.memory_space<semaphore_mem>>
        %dma_start3A_117 = arith.constant 0 : i32
        %dma_start3A_118 = tpu.memref_slice %arg10[%mul3A_115, %dma_start3A_117] : memref<10000x128xf32, #tpu.memory_space<vmem_shared>> -> memref<632x128xf32, #tpu.memory_space<vmem_shared>>
        tpu.enqueue_dma source(%arg4 : memref<632x128xf32, #tpu.memory_space<hbm>>) target(%dma_start3A_118 : memref<632x128xf32, #tpu.memory_space<vmem_shared>>) target_semaphore(%run_scoped3A_116 : memref<!tpu.dma_semaphore, #tpu.memory_space<semaphore_mem>>)
        %dma_wait3A = arith.constant 0 : i32
        %dma_wait3A_119 = tpu.memref_slice %arg10[%mul3A_115, %dma_wait3A] : memref<10000x128xf32, #tpu.memory_space<vmem_shared>> -> memref<632x128xf32, #tpu.memory_space<vmem_shared>>
        tpu.wait_dma2 semaphore(%run_scoped3A_116 : memref<!tpu.dma_semaphore, #tpu.memory_space<semaphore_mem>>) src(%arg4 : memref<632x128xf32, #tpu.memory_space<hbm>>) dst(%dma_wait3A_119 : memref<632x128xf32, #tpu.memory_space<vmem_shared>>)
        tpu.yield
      }) : () -> ()
    } else {
    }
    %eq3A = arith.constant 15 : i32
    %eq3A_12 = arith.cmpi eq, %arg1, %eq3A : i32
    %convert_element_type3A_13 = arith.extui %eq3A_12 : i1 to i32
    %cond3A_14 = arith.constant 0 : i32
    %cond3A_15 = arith.cmpi ne, %convert_element_type3A_13, %cond3A_14 : i32
    scf.if %cond3A_15 {
      "tpu.region"() ({
        %run_scoped3A_114 = tpu.sem_alloc : memref<!tpu.dma_semaphore, #tpu.memory_space<semaphore_mem>>
        %dma_start3A_115 = arith.constant 9480 : i32
        %dma_start3A_116 = arith.constant 0 : i32
        %dma_start3A_117 = tpu.memref_slice %arg10[%dma_start3A_115, %dma_start3A_116] : memref<10000x128xf32, #tpu.memory_space<vmem_shared>> -> memref<520x128xf32, #tpu.memory_space<vmem_shared>>
        %dma_start3A_118 = arith.constant 0 : i32
        %dma_start3A_119 = arith.constant 0 : i32
        %dma_start3A_120 = tpu.memref_slice %arg4[%dma_start3A_118, %dma_start3A_119] : memref<632x128xf32, #tpu.memory_space<hbm>> -> memref<520x128xf32, #tpu.memory_space<hbm>>
        tpu.enqueue_dma source(%dma_start3A_120 : memref<520x128xf32, #tpu.memory_space<hbm>>) target(%dma_start3A_117 : memref<520x128xf32, #tpu.memory_space<vmem_shared>>) target_semaphore(%run_scoped3A_114 : memref<!tpu.dma_semaphore, #tpu.memory_space<semaphore_mem>>)
        %dma_wait3A = arith.constant 9480 : i32
        %dma_wait3A_121 = arith.constant 0 : i32
        %dma_wait3A_122 = tpu.memref_slice %arg10[%dma_wait3A, %dma_wait3A_121] : memref<10000x128xf32, #tpu.memory_space<vmem_shared>> -> memref<520x128xf32, #tpu.memory_space<vmem_shared>>
        %dma_wait3A_123 = arith.constant 0 : i32
        %dma_wait3A_124 = arith.constant 0 : i32
        %dma_wait3A_125 = tpu.memref_slice %arg4[%dma_wait3A_123, %dma_wait3A_124] : memref<632x128xf32, #tpu.memory_space<hbm>> -> memref<520x128xf32, #tpu.memory_space<hbm>>
        tpu.wait_dma2 semaphore(%run_scoped3A_114 : memref<!tpu.dma_semaphore, #tpu.memory_space<semaphore_mem>>) src(%dma_wait3A_125 : memref<520x128xf32, #tpu.memory_space<hbm>>) dst(%dma_wait3A_122 : memref<520x128xf32, #tpu.memory_space<vmem_shared>>)
        tpu.yield
      }) : () -> ()
    } else {
    }
    %run_scoped3A = arith.constant 0 : i32
    "tpu.region"() ({
      %run_scoped3A_114 = tpu.sem_alloc : memref<!tpu.dma_semaphore, #tpu.memory_space<semaphore_mem>>
      %dma_start3A_115 = arith.constant 0 : i32
      %dma_start3A_116 = tpu.memref_slice %arg3[%run_scoped3A, %add3A_5, %dma_start3A_115] : memref<2x2500x128xi32, #tpu.memory_space<hbm>> -> memref<1x40x128xi32, #tpu.memory_space<hbm>>
      %dma_start3A_117 = tpu.memref_squeeze %dma_start3A_116 : memref<1x40x128xi32, #tpu.memory_space<hbm>> -> memref<40x128xi32, #tpu.memory_space<hbm>>
      %dma_start3A_118 = arith.constant 0 : i32
      %dma_start3A_119 = tpu.memref_slice %arg3[%run_scoped3A, %add3A_5, %dma_start3A_118] : memref<2x2500x128xi32, #tpu.memory_space<hbm>> -> memref<1x40x128xi32, #tpu.memory_space<hbm>>
      %dma_start3A_120 = tpu.memref_squeeze %dma_start3A_119 : memref<1x40x128xi32, #tpu.memory_space<hbm>> -> memref<40x128xi32, #tpu.memory_space<hbm>>
      tpu.enqueue_dma source(%dma_start3A_120 : memref<40x128xi32, #tpu.memory_space<hbm>>) target(%arg6 : memref<40x128xi32, #tpu.memory_space<vmem>>) target_semaphore(%run_scoped3A_114 : memref<!tpu.dma_semaphore, #tpu.memory_space<semaphore_mem>>)
      %dma_wait3A = arith.constant 0 : i32
      %dma_wait3A_121 = tpu.memref_slice %arg3[%run_scoped3A, %add3A_5, %dma_wait3A] : memref<2x2500x128xi32, #tpu.memory_space<hbm>> -> memref<1x40x128xi32, #tpu.memory_space<hbm>>
      %dma_wait3A_122 = tpu.memref_squeeze %dma_wait3A_121 : memref<1x40x128xi32, #tpu.memory_space<hbm>> -> memref<40x128xi32, #tpu.memory_space<hbm>>
      %dma_wait3A_123 = arith.constant 0 : i32
      %dma_wait3A_124 = tpu.memref_slice %arg3[%run_scoped3A, %add3A_5, %dma_wait3A_123] : memref<2x2500x128xi32, #tpu.memory_space<hbm>> -> memref<1x40x128xi32, #tpu.memory_space<hbm>>
      %dma_wait3A_125 = tpu.memref_squeeze %dma_wait3A_124 : memref<1x40x128xi32, #tpu.memory_space<hbm>> -> memref<40x128xi32, #tpu.memory_space<hbm>>
      tpu.wait_dma2 semaphore(%run_scoped3A_114 : memref<!tpu.dma_semaphore, #tpu.memory_space<semaphore_mem>>) src(%dma_wait3A_125 : memref<40x128xi32, #tpu.memory_space<hbm>>) dst(%arg6 : memref<40x128xi32, #tpu.memory_space<vmem>>)
      tpu.yield
    }) : () -> ()
    %run_scoped3A_16 = arith.constant 1 : i32
    "tpu.region"() ({
      %run_scoped3A_114 = tpu.sem_alloc : memref<!tpu.dma_semaphore, #tpu.memory_space<semaphore_mem>>
      %dma_start3A_115 = arith.constant 0 : i32
      %dma_start3A_116 = tpu.memref_slice %arg3[%run_scoped3A_16, %add3A_5, %dma_start3A_115] : memref<2x2500x128xi32, #tpu.memory_space<hbm>> -> memref<1x40x128xi32, #tpu.memory_space<hbm>>
      %dma_start3A_117 = tpu.memref_squeeze %dma_start3A_116 : memref<1x40x128xi32, #tpu.memory_space<hbm>> -> memref<40x128xi32, #tpu.memory_space<hbm>>
      %dma_start3A_118 = arith.constant 0 : i32
      %dma_start3A_119 = tpu.memref_slice %arg3[%run_scoped3A_16, %add3A_5, %dma_start3A_118] : memref<2x2500x128xi32, #tpu.memory_space<hbm>> -> memref<1x40x128xi32, #tpu.memory_space<hbm>>
      %dma_start3A_120 = tpu.memref_squeeze %dma_start3A_119 : memref<1x40x128xi32, #tpu.memory_space<hbm>> -> memref<40x128xi32, #tpu.memory_space<hbm>>
      tpu.enqueue_dma source(%dma_start3A_120 : memref<40x128xi32, #tpu.memory_space<hbm>>) target(%arg7 : memref<40x128xi32, #tpu.memory_space<vmem>>) target_semaphore(%run_scoped3A_114 : memref<!tpu.dma_semaphore, #tpu.memory_space<semaphore_mem>>)
      %dma_wait3A = arith.constant 0 : i32
      %dma_wait3A_121 = tpu.memref_slice %arg3[%run_scoped3A_16, %add3A_5, %dma_wait3A] : memref<2x2500x128xi32, #tpu.memory_space<hbm>> -> memref<1x40x128xi32, #tpu.memory_space<hbm>>
      %dma_wait3A_122 = tpu.memref_squeeze %dma_wait3A_121 : memref<1x40x128xi32, #tpu.memory_space<hbm>> -> memref<40x128xi32, #tpu.memory_space<hbm>>
      %dma_wait3A_123 = arith.constant 0 : i32
      %dma_wait3A_124 = tpu.memref_slice %arg3[%run_scoped3A_16, %add3A_5, %dma_wait3A_123] : memref<2x2500x128xi32, #tpu.memory_space<hbm>> -> memref<1x40x128xi32, #tpu.memory_space<hbm>>
      %dma_wait3A_125 = tpu.memref_squeeze %dma_wait3A_124 : memref<1x40x128xi32, #tpu.memory_space<hbm>> -> memref<40x128xi32, #tpu.memory_space<hbm>>
      tpu.wait_dma2 semaphore(%run_scoped3A_114 : memref<!tpu.dma_semaphore, #tpu.memory_space<semaphore_mem>>) src(%dma_wait3A_125 : memref<40x128xi32, #tpu.memory_space<hbm>>) dst(%arg7 : memref<40x128xi32, #tpu.memory_space<vmem>>)
      tpu.yield
    }) : () -> ()
    %barrier3A = arith.constant 0 : index
    tpu.barrier barrier_id(%barrier3A)
    %add3A_17 = arith.constant 0 : i32
    %add3A_18 = arith.constant 0 : i32
    %add3A_19 = arith.addi %add3A_17, %add3A_18 : i32
    %dma_start3A = arith.constant 0 : i32
    %dma_start3A_20 = tpu.memref_slice %arg6[%add3A_19, %dma_start3A] : memref<40x128xi32, #tpu.memory_space<vmem>> -> memref<1x128xi32, #tpu.memory_space<vmem>>
    %dma_start3A_21 = tpu.memref_squeeze %dma_start3A_20 : memref<1x128xi32, #tpu.memory_space<vmem>> -> memref<128xi32, #tpu.memory_space<vmem>>
    %dma_start3A_22 = arith.constant 0 : i32
    %dma_start3A_23 = arith.constant 0 : i32
    %dma_start3A_24 = tpu.memref_slice %arg2[%dma_start3A_22, %dma_start3A_23] : memref<10000x128xf32, #tpu.memory_space<hbm>> -> memref<10000x128xf32, #tpu.memory_space<hbm>>
    tpu.enqueue_indirect_dma source(%dma_start3A_24 : memref<10000x128xf32, #tpu.memory_space<hbm>>) target(%arg8 : memref<128x128xf32, #tpu.memory_space<vmem>>) offsets(%dma_start3A_21 : memref<128xi32, #tpu.memory_space<vmem>>) semaphore(%arg11 : memref<!tpu.dma_semaphore, #tpu.memory_space<semaphore_mem>>)
    %add3A_25 = arith.constant 0 : i32
    %add3A_26 = arith.constant 1 : i32
    %add3A_27 = arith.addi %add3A_25, %add3A_26 : i32
    %dma_start3A_28 = arith.constant 0 : i32
    %dma_start3A_29 = tpu.memref_slice %arg6[%add3A_27, %dma_start3A_28] : memref<40x128xi32, #tpu.memory_space<vmem>> -> memref<1x128xi32, #tpu.memory_space<vmem>>
    %dma_start3A_30 = tpu.memref_squeeze %dma_start3A_29 : memref<1x128xi32, #tpu.memory_space<vmem>> -> memref<128xi32, #tpu.memory_space<vmem>>
    %dma_start3A_31 = arith.constant 0 : i32
    %dma_start3A_32 = arith.constant 0 : i32
    %dma_start3A_33 = tpu.memref_slice %arg2[%dma_start3A_31, %dma_start3A_32] : memref<10000x128xf32, #tpu.memory_space<hbm>> -> memref<10000x128xf32, #tpu.memory_space<hbm>>
    tpu.enqueue_indirect_dma source(%dma_start3A_33 : memref<10000x128xf32, #tpu.memory_space<hbm>>) target(%arg9 : memref<128x128xf32, #tpu.memory_space<vmem>>) offsets(%dma_start3A_30 : memref<128xi32, #tpu.memory_space<vmem>>) semaphore(%arg12 : memref<!tpu.dma_semaphore, #tpu.memory_space<semaphore_mem>>)
    %scan3A = arith.constant 0 : i32
    %scan3A_34 = arith.constant 0 : i32
    %scan3A_35 = arith.constant 40 : i32
    %scan3A_36 = arith.constant 0 : i32
    %scan3A_37 = arith.constant 19 : i32
    %scan3A_38 = arith.addi %scan3A_36, %scan3A_37 : i32
    %scan3A_39 = arith.constant 1 : i32
    scf.for %scan3A_114 = %scan3A_36 to %scan3A_38 step %scan3A_39  : i32 {
      %mul3A_115 = arith.constant 2 : i32
      %mul3A_116 = arith.muli %scan3A_114, %mul3A_115 : i32
      %add3A_117 = arith.constant 0 : i32
      %add3A_118 = arith.addi %mul3A_116, %add3A_117 : i32
      %add3A_119 = arith.addi %scan3A_34, %add3A_118 : i32
      %dma_wait3A = arith.constant 0 : i32
      %dma_wait3A_120 = tpu.memref_slice %arg6[%add3A_119, %dma_wait3A] : memref<40x128xi32, #tpu.memory_space<vmem>> -> memref<1x128xi32, #tpu.memory_space<vmem>>
      %dma_wait3A_121 = tpu.memref_squeeze %dma_wait3A_120 : memref<1x128xi32, #tpu.memory_space<vmem>> -> memref<128xi32, #tpu.memory_space<vmem>>
      %dma_wait3A_122 = arith.constant 0 : i32
      %dma_wait3A_123 = arith.constant 0 : i32
      %dma_wait3A_124 = tpu.memref_slice %arg2[%dma_wait3A_122, %dma_wait3A_123] : memref<10000x128xf32, #tpu.memory_space<hbm>> -> memref<10000x128xf32, #tpu.memory_space<hbm>>
      tpu.wait_indirect_dma semaphore(%arg11 : memref<!tpu.dma_semaphore, #tpu.memory_space<semaphore_mem>>) src(%dma_wait3A_124 : memref<10000x128xf32, #tpu.memory_space<hbm>>) dst(%arg8 : memref<128x128xf32, #tpu.memory_space<vmem>>)
      %add3A_125 = arith.addi %scan3A_34, %add3A_118 : i32
      "tpu.region"() ({
        %run_scoped3A_150 = tpu.sem_alloc : memref<!tpu.dma_semaphore, #tpu.memory_space<semaphore_mem>>
        %dma_start3A_151 = arith.constant 0 : i32
        %dma_start3A_152 = tpu.memref_slice %arg7[%add3A_125, %dma_start3A_151] : memref<40x128xi32, #tpu.memory_space<vmem>> -> memref<1x128xi32, #tpu.memory_space<vmem>>
        %dma_start3A_153 = tpu.memref_squeeze %dma_start3A_152 : memref<1x128xi32, #tpu.memory_space<vmem>> -> memref<128xi32, #tpu.memory_space<vmem>>
        %dma_start3A_154 = arith.constant 0 : i32
        %dma_start3A_155 = arith.constant 0 : i32
        %dma_start3A_156 = tpu.memref_slice %arg10[%dma_start3A_154, %dma_start3A_155] : memref<10000x128xf32, #tpu.memory_space<vmem_shared>> -> memref<10000x128xf32, #tpu.memory_space<vmem_shared>>
        tpu.enqueue_indirect_dma source(%arg8 : memref<128x128xf32, #tpu.memory_space<vmem>>) target(%dma_start3A_156 : memref<10000x128xf32, #tpu.memory_space<vmem_shared>>) offsets(%dma_start3A_153 : memref<128xi32, #tpu.memory_space<vmem>>) semaphore(%run_scoped3A_150 : memref<!tpu.dma_semaphore, #tpu.memory_space<semaphore_mem>>) {add = true}
        %dma_wait3A_157 = arith.constant 0 : i32
        %dma_wait3A_158 = tpu.memref_slice %arg7[%add3A_125, %dma_wait3A_157] : memref<40x128xi32, #tpu.memory_space<vmem>> -> memref<1x128xi32, #tpu.memory_space<vmem>>
        %dma_wait3A_159 = tpu.memref_squeeze %dma_wait3A_158 : memref<1x128xi32, #tpu.memory_space<vmem>> -> memref<128xi32, #tpu.memory_space<vmem>>
        %dma_wait3A_160 = arith.constant 0 : i32
        %dma_wait3A_161 = arith.constant 0 : i32
        %dma_wait3A_162 = tpu.memref_slice %arg10[%dma_wait3A_160, %dma_wait3A_161] : memref<10000x128xf32, #tpu.memory_space<vmem_shared>> -> memref<10000x128xf32, #tpu.memory_space<vmem_shared>>
        tpu.wait_indirect_dma semaphore(%run_scoped3A_150 : memref<!tpu.dma_semaphore, #tpu.memory_space<semaphore_mem>>) src(%arg8 : memref<128x128xf32, #tpu.memory_space<vmem>>) dst(%dma_wait3A_162 : memref<10000x128xf32, #tpu.memory_space<vmem_shared>>)
        tpu.yield
      }) : () -> ()
      %add3A_126 = arith.constant 2 : i32
      %add3A_127 = arith.addi %add3A_118, %add3A_126 : i32
      %lt3A_128 = arith.cmpi slt, %add3A_127, %scan3A_35 : i32
      %convert_element_type3A_129 = arith.extui %lt3A_128 : i1 to i32
      %cond3A_130 = arith.constant 0 : i32
      %cond3A_131 = arith.cmpi ne, %convert_element_type3A_129, %cond3A_130 : i32
      scf.if %cond3A_131 {
        %add3A_150 = arith.addi %scan3A_34, %add3A_118 : i32
        %add3A_151 = arith.constant 2 : i32
        %add3A_152 = arith.addi %add3A_150, %add3A_151 : i32
        %dma_start3A_153 = arith.constant 0 : i32
        %dma_start3A_154 = tpu.memref_slice %arg6[%add3A_152, %dma_start3A_153] : memref<40x128xi32, #tpu.memory_space<vmem>> -> memref<1x128xi32, #tpu.memory_space<vmem>>
        %dma_start3A_155 = tpu.memref_squeeze %dma_start3A_154 : memref<1x128xi32, #tpu.memory_space<vmem>> -> memref<128xi32, #tpu.memory_space<vmem>>
        %dma_start3A_156 = arith.constant 0 : i32
        %dma_start3A_157 = arith.constant 0 : i32
        %dma_start3A_158 = tpu.memref_slice %arg2[%dma_start3A_156, %dma_start3A_157] : memref<10000x128xf32, #tpu.memory_space<hbm>> -> memref<10000x128xf32, #tpu.memory_space<hbm>>
        tpu.enqueue_indirect_dma source(%dma_start3A_158 : memref<10000x128xf32, #tpu.memory_space<hbm>>) target(%arg8 : memref<128x128xf32, #tpu.memory_space<vmem>>) offsets(%dma_start3A_155 : memref<128xi32, #tpu.memory_space<vmem>>) semaphore(%arg11 : memref<!tpu.dma_semaphore, #tpu.memory_space<semaphore_mem>>)
      } else {
      }
      %mul3A_132 = arith.constant 2 : i32
      %mul3A_133 = arith.muli %scan3A_114, %mul3A_132 : i32
      %add3A_134 = arith.constant 1 : i32
      %add3A_135 = arith.addi %mul3A_133, %add3A_134 : i32
      %add3A_136 = arith.addi %scan3A_34, %add3A_135 : i32
      %dma_wait3A_137 = arith.constant 0 : i32
      %dma_wait3A_138 = tpu.memref_slice %arg6[%add3A_136, %dma_wait3A_137] : memref<40x128xi32, #tpu.memory_space<vmem>> -> memref<1x128xi32, #tpu.memory_space<vmem>>
      %dma_wait3A_139 = tpu.memref_squeeze %dma_wait3A_138 : memref<1x128xi32, #tpu.memory_space<vmem>> -> memref<128xi32, #tpu.memory_space<vmem>>
      %dma_wait3A_140 = arith.constant 0 : i32
      %dma_wait3A_141 = arith.constant 0 : i32
      %dma_wait3A_142 = tpu.memref_slice %arg2[%dma_wait3A_140, %dma_wait3A_141] : memref<10000x128xf32, #tpu.memory_space<hbm>> -> memref<10000x128xf32, #tpu.memory_space<hbm>>
      tpu.wait_indirect_dma semaphore(%arg12 : memref<!tpu.dma_semaphore, #tpu.memory_space<semaphore_mem>>) src(%dma_wait3A_142 : memref<10000x128xf32, #tpu.memory_space<hbm>>) dst(%arg9 : memref<128x128xf32, #tpu.memory_space<vmem>>)
      %add3A_143 = arith.addi %scan3A_34, %add3A_135 : i32
      "tpu.region"() ({
        %run_scoped3A_150 = tpu.sem_alloc : memref<!tpu.dma_semaphore, #tpu.memory_space<semaphore_mem>>
        %dma_start3A_151 = arith.constant 0 : i32
        %dma_start3A_152 = tpu.memref_slice %arg7[%add3A_143, %dma_start3A_151] : memref<40x128xi32, #tpu.memory_space<vmem>> -> memref<1x128xi32, #tpu.memory_space<vmem>>
        %dma_start3A_153 = tpu.memref_squeeze %dma_start3A_152 : memref<1x128xi32, #tpu.memory_space<vmem>> -> memref<128xi32, #tpu.memory_space<vmem>>
        %dma_start3A_154 = arith.constant 0 : i32
        %dma_start3A_155 = arith.constant 0 : i32
        %dma_start3A_156 = tpu.memref_slice %arg10[%dma_start3A_154, %dma_start3A_155] : memref<10000x128xf32, #tpu.memory_space<vmem_shared>> -> memref<10000x128xf32, #tpu.memory_space<vmem_shared>>
        tpu.enqueue_indirect_dma source(%arg9 : memref<128x128xf32, #tpu.memory_space<vmem>>) target(%dma_start3A_156 : memref<10000x128xf32, #tpu.memory_space<vmem_shared>>) offsets(%dma_start3A_153 : memref<128xi32, #tpu.memory_space<vmem>>) semaphore(%run_scoped3A_150 : memref<!tpu.dma_semaphore, #tpu.memory_space<semaphore_mem>>) {add = true}
        %dma_wait3A_157 = arith.constant 0 : i32
        %dma_wait3A_158 = tpu.memref_slice %arg7[%add3A_143, %dma_wait3A_157] : memref<40x128xi32, #tpu.memory_space<vmem>> -> memref<1x128xi32, #tpu.memory_space<vmem>>
        %dma_wait3A_159 = tpu.memref_squeeze %dma_wait3A_158 : memref<1x128xi32, #tpu.memory_space<vmem>> -> memref<128xi32, #tpu.memory_space<vmem>>
        %dma_wait3A_160 = arith.constant 0 : i32
        %dma_wait3A_161 = arith.constant 0 : i32
        %dma_wait3A_162 = tpu.memref_slice %arg10[%dma_wait3A_160, %dma_wait3A_161] : memref<10000x128xf32, #tpu.memory_space<vmem_shared>> -> memref<10000x128xf32, #tpu.memory_space<vmem_shared>>
        tpu.wait_indirect_dma semaphore(%run_scoped3A_150 : memref<!tpu.dma_semaphore, #tpu.memory_space<semaphore_mem>>) src(%arg9 : memref<128x128xf32, #tpu.memory_space<vmem>>) dst(%dma_wait3A_162 : memref<10000x128xf32, #tpu.memory_space<vmem_shared>>)
        tpu.yield
      }) : () -> ()
      %add3A_144 = arith.constant 2 : i32
      %add3A_145 = arith.addi %add3A_135, %add3A_144 : i32
      %lt3A_146 = arith.cmpi slt, %add3A_145, %scan3A_35 : i32
      %convert_element_type3A_147 = arith.extui %lt3A_146 : i1 to i32
      %cond3A_148 = arith.constant 0 : i32
      %cond3A_149 = arith.cmpi ne, %convert_element_type3A_147, %cond3A_148 : i32
      scf.if %cond3A_149 {
        %add3A_150 = arith.addi %scan3A_34, %add3A_135 : i32
        %add3A_151 = arith.constant 2 : i32
        %add3A_152 = arith.addi %add3A_150, %add3A_151 : i32
        %dma_start3A_153 = arith.constant 0 : i32
        %dma_start3A_154 = tpu.memref_slice %arg6[%add3A_152, %dma_start3A_153] : memref<40x128xi32, #tpu.memory_space<vmem>> -> memref<1x128xi32, #tpu.memory_space<vmem>>
        %dma_start3A_155 = tpu.memref_squeeze %dma_start3A_154 : memref<1x128xi32, #tpu.memory_space<vmem>> -> memref<128xi32, #tpu.memory_space<vmem>>
        %dma_start3A_156 = arith.constant 0 : i32
        %dma_start3A_157 = arith.constant 0 : i32
        %dma_start3A_158 = tpu.memref_slice %arg2[%dma_start3A_156, %dma_start3A_157] : memref<10000x128xf32, #tpu.memory_space<hbm>> -> memref<10000x128xf32, #tpu.memory_space<hbm>>
        tpu.enqueue_indirect_dma source(%dma_start3A_158 : memref<10000x128xf32, #tpu.memory_space<hbm>>) target(%arg9 : memref<128x128xf32, #tpu.memory_space<vmem>>) offsets(%dma_start3A_155 : memref<128xi32, #tpu.memory_space<vmem>>) semaphore(%arg12 : memref<!tpu.dma_semaphore, #tpu.memory_space<semaphore_mem>>)
      } else {
      }
    }
    %scan3A_40 = arith.constant 19 : i32
    %gt3A = arith.constant 40 : i32
    %gt3A_41 = arith.constant 38 : i32
    %gt3A_42 = arith.cmpi sgt, %gt3A, %gt3A_41 : i32
    %convert_element_type3A_43 = arith.extui %gt3A_42 : i1 to i32
    %cond3A_44 = arith.constant 0 : i32
    %cond3A_45 = arith.constant 40 : i32
    %cond3A_46 = arith.constant 0 : i32
    %cond3A_47 = arith.cmpi ne, %convert_element_type3A_43, %cond3A_46 : i32
    scf.if %cond3A_47 {
      %add3A_114 = arith.constant 38 : i32
      %add3A_115 = arith.addi %cond3A_44, %add3A_114 : i32
      %dma_wait3A = arith.constant 0 : i32
      %dma_wait3A_116 = tpu.memref_slice %arg6[%add3A_115, %dma_wait3A] : memref<40x128xi32, #tpu.memory_space<vmem>> -> memref<1x128xi32, #tpu.memory_space<vmem>>
      %dma_wait3A_117 = tpu.memref_squeeze %dma_wait3A_116 : memref<1x128xi32, #tpu.memory_space<vmem>> -> memref<128xi32, #tpu.memory_space<vmem>>
      %dma_wait3A_118 = arith.constant 0 : i32
      %dma_wait3A_119 = arith.constant 0 : i32
      %dma_wait3A_120 = tpu.memref_slice %arg2[%dma_wait3A_118, %dma_wait3A_119] : memref<10000x128xf32, #tpu.memory_space<hbm>> -> memref<10000x128xf32, #tpu.memory_space<hbm>>
      tpu.wait_indirect_dma semaphore(%arg11 : memref<!tpu.dma_semaphore, #tpu.memory_space<semaphore_mem>>) src(%dma_wait3A_120 : memref<10000x128xf32, #tpu.memory_space<hbm>>) dst(%arg8 : memref<128x128xf32, #tpu.memory_space<vmem>>)
      %add3A_121 = arith.constant 38 : i32
      %add3A_122 = arith.addi %cond3A_44, %add3A_121 : i32
      "tpu.region"() ({
        %run_scoped3A_128 = tpu.sem_alloc : memref<!tpu.dma_semaphore, #tpu.memory_space<semaphore_mem>>
        %dma_start3A_129 = arith.constant 0 : i32
        %dma_start3A_130 = tpu.memref_slice %arg7[%add3A_122, %dma_start3A_129] : memref<40x128xi32, #tpu.memory_space<vmem>> -> memref<1x128xi32, #tpu.memory_space<vmem>>
        %dma_start3A_131 = tpu.memref_squeeze %dma_start3A_130 : memref<1x128xi32, #tpu.memory_space<vmem>> -> memref<128xi32, #tpu.memory_space<vmem>>
        %dma_start3A_132 = arith.constant 0 : i32
        %dma_start3A_133 = arith.constant 0 : i32
        %dma_start3A_134 = tpu.memref_slice %arg10[%dma_start3A_132, %dma_start3A_133] : memref<10000x128xf32, #tpu.memory_space<vmem_shared>> -> memref<10000x128xf32, #tpu.memory_space<vmem_shared>>
        tpu.enqueue_indirect_dma source(%arg8 : memref<128x128xf32, #tpu.memory_space<vmem>>) target(%dma_start3A_134 : memref<10000x128xf32, #tpu.memory_space<vmem_shared>>) offsets(%dma_start3A_131 : memref<128xi32, #tpu.memory_space<vmem>>) semaphore(%run_scoped3A_128 : memref<!tpu.dma_semaphore, #tpu.memory_space<semaphore_mem>>) {add = true}
        %dma_wait3A_135 = arith.constant 0 : i32
        %dma_wait3A_136 = tpu.memref_slice %arg7[%add3A_122, %dma_wait3A_135] : memref<40x128xi32, #tpu.memory_space<vmem>> -> memref<1x128xi32, #tpu.memory_space<vmem>>
        %dma_wait3A_137 = tpu.memref_squeeze %dma_wait3A_136 : memref<1x128xi32, #tpu.memory_space<vmem>> -> memref<128xi32, #tpu.memory_space<vmem>>
        %dma_wait3A_138 = arith.constant 0 : i32
        %dma_wait3A_139 = arith.constant 0 : i32
        %dma_wait3A_140 = tpu.memref_slice %arg10[%dma_wait3A_138, %dma_wait3A_139] : memref<10000x128xf32, #tpu.memory_space<vmem_shared>> -> memref<10000x128xf32, #tpu.memory_space<vmem_shared>>
        tpu.wait_indirect_dma semaphore(%run_scoped3A_128 : memref<!tpu.dma_semaphore, #tpu.memory_space<semaphore_mem>>) src(%arg8 : memref<128x128xf32, #tpu.memory_space<vmem>>) dst(%dma_wait3A_140 : memref<10000x128xf32, #tpu.memory_space<vmem_shared>>)
        tpu.yield
      }) : () -> ()
      %gt3A_123 = arith.constant 40 : i32
      %gt3A_124 = arith.cmpi sgt, %cond3A_45, %gt3A_123 : i32
      %convert_element_type3A_125 = arith.extui %gt3A_124 : i1 to i32
      %cond3A_126 = arith.constant 0 : i32
      %cond3A_127 = arith.cmpi ne, %convert_element_type3A_125, %cond3A_126 : i32
      scf.if %cond3A_127 {
        %add3A_128 = arith.constant 38 : i32
        %add3A_129 = arith.addi %cond3A_44, %add3A_128 : i32
        %add3A_130 = arith.constant 2 : i32
        %add3A_131 = arith.addi %add3A_129, %add3A_130 : i32
        %dma_start3A_132 = arith.constant 0 : i32
        %dma_start3A_133 = tpu.memref_slice %arg6[%add3A_131, %dma_start3A_132] : memref<40x128xi32, #tpu.memory_space<vmem>> -> memref<1x128xi32, #tpu.memory_space<vmem>>
        %dma_start3A_134 = tpu.memref_squeeze %dma_start3A_133 : memref<1x128xi32, #tpu.memory_space<vmem>> -> memref<128xi32, #tpu.memory_space<vmem>>
        %dma_start3A_135 = arith.constant 0 : i32
        %dma_start3A_136 = arith.constant 0 : i32
        %dma_start3A_137 = tpu.memref_slice %arg2[%dma_start3A_135, %dma_start3A_136] : memref<10000x128xf32, #tpu.memory_space<hbm>> -> memref<10000x128xf32, #tpu.memory_space<hbm>>
        tpu.enqueue_indirect_dma source(%dma_start3A_137 : memref<10000x128xf32, #tpu.memory_space<hbm>>) target(%arg8 : memref<128x128xf32, #tpu.memory_space<vmem>>) offsets(%dma_start3A_134 : memref<128xi32, #tpu.memory_space<vmem>>) semaphore(%arg11 : memref<!tpu.dma_semaphore, #tpu.memory_space<semaphore_mem>>)
      } else {
      }
    } else {
    }
    %gt3A_48 = arith.constant 40 : i32
    %gt3A_49 = arith.constant 39 : i32
    %gt3A_50 = arith.cmpi sgt, %gt3A_48, %gt3A_49 : i32
    %convert_element_type3A_51 = arith.extui %gt3A_50 : i1 to i32
    %cond3A_52 = arith.constant 0 : i32
    %cond3A_53 = arith.constant 40 : i32
    %cond3A_54 = arith.constant 0 : i32
    %cond3A_55 = arith.cmpi ne, %convert_element_type3A_51, %cond3A_54 : i32
    scf.if %cond3A_55 {
      %add3A_114 = arith.constant 39 : i32
      %add3A_115 = arith.addi %cond3A_52, %add3A_114 : i32
      %dma_wait3A = arith.constant 0 : i32
      %dma_wait3A_116 = tpu.memref_slice %arg6[%add3A_115, %dma_wait3A] : memref<40x128xi32, #tpu.memory_space<vmem>> -> memref<1x128xi32, #tpu.memory_space<vmem>>
      %dma_wait3A_117 = tpu.memref_squeeze %dma_wait3A_116 : memref<1x128xi32, #tpu.memory_space<vmem>> -> memref<128xi32, #tpu.memory_space<vmem>>
      %dma_wait3A_118 = arith.constant 0 : i32
      %dma_wait3A_119 = arith.constant 0 : i32
      %dma_wait3A_120 = tpu.memref_slice %arg2[%dma_wait3A_118, %dma_wait3A_119] : memref<10000x128xf32, #tpu.memory_space<hbm>> -> memref<10000x128xf32, #tpu.memory_space<hbm>>
      tpu.wait_indirect_dma semaphore(%arg12 : memref<!tpu.dma_semaphore, #tpu.memory_space<semaphore_mem>>) src(%dma_wait3A_120 : memref<10000x128xf32, #tpu.memory_space<hbm>>) dst(%arg9 : memref<128x128xf32, #tpu.memory_space<vmem>>)
      %add3A_121 = arith.constant 39 : i32
      %add3A_122 = arith.addi %cond3A_52, %add3A_121 : i32
      "tpu.region"() ({
        %run_scoped3A_128 = tpu.sem_alloc : memref<!tpu.dma_semaphore, #tpu.memory_space<semaphore_mem>>
        %dma_start3A_129 = arith.constant 0 : i32
        %dma_start3A_130 = tpu.memref_slice %arg7[%add3A_122, %dma_start3A_129] : memref<40x128xi32, #tpu.memory_space<vmem>> -> memref<1x128xi32, #tpu.memory_space<vmem>>
        %dma_start3A_131 = tpu.memref_squeeze %dma_start3A_130 : memref<1x128xi32, #tpu.memory_space<vmem>> -> memref<128xi32, #tpu.memory_space<vmem>>
        %dma_start3A_132 = arith.constant 0 : i32
        %dma_start3A_133 = arith.constant 0 : i32
        %dma_start3A_134 = tpu.memref_slice %arg10[%dma_start3A_132, %dma_start3A_133] : memref<10000x128xf32, #tpu.memory_space<vmem_shared>> -> memref<10000x128xf32, #tpu.memory_space<vmem_shared>>
        tpu.enqueue_indirect_dma source(%arg9 : memref<128x128xf32, #tpu.memory_space<vmem>>) target(%dma_start3A_134 : memref<10000x128xf32, #tpu.memory_space<vmem_shared>>) offsets(%dma_start3A_131 : memref<128xi32, #tpu.memory_space<vmem>>) semaphore(%run_scoped3A_128 : memref<!tpu.dma_semaphore, #tpu.memory_space<semaphore_mem>>) {add = true}
        %dma_wait3A_135 = arith.constant 0 : i32
        %dma_wait3A_136 = tpu.memref_slice %arg7[%add3A_122, %dma_wait3A_135] : memref<40x128xi32, #tpu.memory_space<vmem>> -> memref<1x128xi32, #tpu.memory_space<vmem>>
        %dma_wait3A_137 = tpu.memref_squeeze %dma_wait3A_136 : memref<1x128xi32, #tpu.memory_space<vmem>> -> memref<128xi32, #tpu.memory_space<vmem>>
        %dma_wait3A_138 = arith.constant 0 : i32
        %dma_wait3A_139 = arith.constant 0 : i32
        %dma_wait3A_140 = tpu.memref_slice %arg10[%dma_wait3A_138, %dma_wait3A_139] : memref<10000x128xf32, #tpu.memory_space<vmem_shared>> -> memref<10000x128xf32, #tpu.memory_space<vmem_shared>>
        tpu.wait_indirect_dma semaphore(%run_scoped3A_128 : memref<!tpu.dma_semaphore, #tpu.memory_space<semaphore_mem>>) src(%arg9 : memref<128x128xf32, #tpu.memory_space<vmem>>) dst(%dma_wait3A_140 : memref<10000x128xf32, #tpu.memory_space<vmem_shared>>)
        tpu.yield
      }) : () -> ()
      %gt3A_123 = arith.constant 41 : i32
      %gt3A_124 = arith.cmpi sgt, %cond3A_53, %gt3A_123 : i32
      %convert_element_type3A_125 = arith.extui %gt3A_124 : i1 to i32
      %cond3A_126 = arith.constant 0 : i32
      %cond3A_127 = arith.cmpi ne, %convert_element_type3A_125, %cond3A_126 : i32
      scf.if %cond3A_127 {
        %add3A_128 = arith.constant 39 : i32
        %add3A_129 = arith.addi %cond3A_52, %add3A_128 : i32
        %add3A_130 = arith.constant 2 : i32
        %add3A_131 = arith.addi %add3A_129, %add3A_130 : i32
        %dma_start3A_132 = arith.constant 0 : i32
        %dma_start3A_133 = tpu.memref_slice %arg6[%add3A_131, %dma_start3A_132] : memref<40x128xi32, #tpu.memory_space<vmem>> -> memref<1x128xi32, #tpu.memory_space<vmem>>
        %dma_start3A_134 = tpu.memref_squeeze %dma_start3A_133 : memref<1x128xi32, #tpu.memory_space<vmem>> -> memref<128xi32, #tpu.memory_space<vmem>>
        %dma_start3A_135 = arith.constant 0 : i32
        %dma_start3A_136 = arith.constant 0 : i32
        %dma_start3A_137 = tpu.memref_slice %arg2[%dma_start3A_135, %dma_start3A_136] : memref<10000x128xf32, #tpu.memory_space<hbm>> -> memref<10000x128xf32, #tpu.memory_space<hbm>>
        tpu.enqueue_indirect_dma source(%dma_start3A_137 : memref<10000x128xf32, #tpu.memory_space<hbm>>) target(%arg9 : memref<128x128xf32, #tpu.memory_space<vmem>>) offsets(%dma_start3A_134 : memref<128xi32, #tpu.memory_space<vmem>>) semaphore(%arg12 : memref<!tpu.dma_semaphore, #tpu.memory_space<semaphore_mem>>)
      } else {
      }
    } else {
    }
    %add3A_56 = arith.addi %add3A_5, %add3A_8 : i32
    %sub3A_57 = arith.constant 40 : i32
    %sub3A_58 = arith.subi %add3A_56, %sub3A_57 : i32
    %run_scoped3A_59 = arith.constant 0 : i32
    "tpu.region"() ({
      %run_scoped3A_114 = tpu.sem_alloc : memref<!tpu.dma_semaphore, #tpu.memory_space<semaphore_mem>>
      %dma_start3A_115 = arith.constant 0 : i32
      %dma_start3A_116 = tpu.memref_slice %arg3[%run_scoped3A_59, %sub3A_58, %dma_start3A_115] : memref<2x2500x128xi32, #tpu.memory_space<hbm>> -> memref<1x40x128xi32, #tpu.memory_space<hbm>>
      %dma_start3A_117 = tpu.memref_squeeze %dma_start3A_116 : memref<1x40x128xi32, #tpu.memory_space<hbm>> -> memref<40x128xi32, #tpu.memory_space<hbm>>
      %dma_start3A_118 = arith.constant 0 : i32
      %dma_start3A_119 = tpu.memref_slice %arg3[%run_scoped3A_59, %sub3A_58, %dma_start3A_118] : memref<2x2500x128xi32, #tpu.memory_space<hbm>> -> memref<1x40x128xi32, #tpu.memory_space<hbm>>
      %dma_start3A_120 = tpu.memref_squeeze %dma_start3A_119 : memref<1x40x128xi32, #tpu.memory_space<hbm>> -> memref<40x128xi32, #tpu.memory_space<hbm>>
      tpu.enqueue_dma source(%dma_start3A_120 : memref<40x128xi32, #tpu.memory_space<hbm>>) target(%arg6 : memref<40x128xi32, #tpu.memory_space<vmem>>) target_semaphore(%run_scoped3A_114 : memref<!tpu.dma_semaphore, #tpu.memory_space<semaphore_mem>>)
      %dma_wait3A = arith.constant 0 : i32
      %dma_wait3A_121 = tpu.memref_slice %arg3[%run_scoped3A_59, %sub3A_58, %dma_wait3A] : memref<2x2500x128xi32, #tpu.memory_space<hbm>> -> memref<1x40x128xi32, #tpu.memory_space<hbm>>
      %dma_wait3A_122 = tpu.memref_squeeze %dma_wait3A_121 : memref<1x40x128xi32, #tpu.memory_space<hbm>> -> memref<40x128xi32, #tpu.memory_space<hbm>>
      %dma_wait3A_123 = arith.constant 0 : i32
      %dma_wait3A_124 = tpu.memref_slice %arg3[%run_scoped3A_59, %sub3A_58, %dma_wait3A_123] : memref<2x2500x128xi32, #tpu.memory_space<hbm>> -> memref<1x40x128xi32, #tpu.memory_space<hbm>>
      %dma_wait3A_125 = tpu.memref_squeeze %dma_wait3A_124 : memref<1x40x128xi32, #tpu.memory_space<hbm>> -> memref<40x128xi32, #tpu.memory_space<hbm>>
      tpu.wait_dma2 semaphore(%run_scoped3A_114 : memref<!tpu.dma_semaphore, #tpu.memory_space<semaphore_mem>>) src(%dma_wait3A_125 : memref<40x128xi32, #tpu.memory_space<hbm>>) dst(%arg6 : memref<40x128xi32, #tpu.memory_space<vmem>>)
      tpu.yield
    }) : () -> ()
    %run_scoped3A_60 = arith.constant 1 : i32
    "tpu.region"() ({
      %run_scoped3A_114 = tpu.sem_alloc : memref<!tpu.dma_semaphore, #tpu.memory_space<semaphore_mem>>
      %dma_start3A_115 = arith.constant 0 : i32
      %dma_start3A_116 = tpu.memref_slice %arg3[%run_scoped3A_60, %sub3A_58, %dma_start3A_115] : memref<2x2500x128xi32, #tpu.memory_space<hbm>> -> memref<1x40x128xi32, #tpu.memory_space<hbm>>
      %dma_start3A_117 = tpu.memref_squeeze %dma_start3A_116 : memref<1x40x128xi32, #tpu.memory_space<hbm>> -> memref<40x128xi32, #tpu.memory_space<hbm>>
      %dma_start3A_118 = arith.constant 0 : i32
      %dma_start3A_119 = tpu.memref_slice %arg3[%run_scoped3A_60, %sub3A_58, %dma_start3A_118] : memref<2x2500x128xi32, #tpu.memory_space<hbm>> -> memref<1x40x128xi32, #tpu.memory_space<hbm>>
      %dma_start3A_120 = tpu.memref_squeeze %dma_start3A_119 : memref<1x40x128xi32, #tpu.memory_space<hbm>> -> memref<40x128xi32, #tpu.memory_space<hbm>>
      tpu.enqueue_dma source(%dma_start3A_120 : memref<40x128xi32, #tpu.memory_space<hbm>>) target(%arg7 : memref<40x128xi32, #tpu.memory_space<vmem>>) target_semaphore(%run_scoped3A_114 : memref<!tpu.dma_semaphore, #tpu.memory_space<semaphore_mem>>)
      %dma_wait3A = arith.constant 0 : i32
      %dma_wait3A_121 = tpu.memref_slice %arg3[%run_scoped3A_60, %sub3A_58, %dma_wait3A] : memref<2x2500x128xi32, #tpu.memory_space<hbm>> -> memref<1x40x128xi32, #tpu.memory_space<hbm>>
      %dma_wait3A_122 = tpu.memref_squeeze %dma_wait3A_121 : memref<1x40x128xi32, #tpu.memory_space<hbm>> -> memref<40x128xi32, #tpu.memory_space<hbm>>
      %dma_wait3A_123 = arith.constant 0 : i32
      %dma_wait3A_124 = tpu.memref_slice %arg3[%run_scoped3A_60, %sub3A_58, %dma_wait3A_123] : memref<2x2500x128xi32, #tpu.memory_space<hbm>> -> memref<1x40x128xi32, #tpu.memory_space<hbm>>
      %dma_wait3A_125 = tpu.memref_squeeze %dma_wait3A_124 : memref<1x40x128xi32, #tpu.memory_space<hbm>> -> memref<40x128xi32, #tpu.memory_space<hbm>>
      tpu.wait_dma2 semaphore(%run_scoped3A_114 : memref<!tpu.dma_semaphore, #tpu.memory_space<semaphore_mem>>) src(%dma_wait3A_125 : memref<40x128xi32, #tpu.memory_space<hbm>>) dst(%arg7 : memref<40x128xi32, #tpu.memory_space<vmem>>)
      tpu.yield
    }) : () -> ()
    %sub3A_61 = arith.constant 40 : i32
    %sub3A_62 = arith.subi %add3A_8, %sub3A_61 : i32
    %sub3A_63 = arith.constant 40 : i32
    %sub3A_64 = arith.subi %sub3A_63, %sub3A_62 : i32
    %sub3A_65 = arith.constant 40 : i32
    %sub3A_66 = arith.subi %add3A_8, %sub3A_65 : i32
    %add3A_67 = arith.constant 0 : i32
    %add3A_68 = arith.addi %sub3A_64, %add3A_67 : i32
    %dma_start3A_69 = arith.constant 0 : i32
    %dma_start3A_70 = tpu.memref_slice %arg6[%add3A_68, %dma_start3A_69] : memref<40x128xi32, #tpu.memory_space<vmem>> -> memref<1x128xi32, #tpu.memory_space<vmem>>
    %dma_start3A_71 = tpu.memref_squeeze %dma_start3A_70 : memref<1x128xi32, #tpu.memory_space<vmem>> -> memref<128xi32, #tpu.memory_space<vmem>>
    %dma_start3A_72 = arith.constant 0 : i32
    %dma_start3A_73 = arith.constant 0 : i32
    %dma_start3A_74 = tpu.memref_slice %arg2[%dma_start3A_72, %dma_start3A_73] : memref<10000x128xf32, #tpu.memory_space<hbm>> -> memref<10000x128xf32, #tpu.memory_space<hbm>>
    tpu.enqueue_indirect_dma source(%dma_start3A_74 : memref<10000x128xf32, #tpu.memory_space<hbm>>) target(%arg8 : memref<128x128xf32, #tpu.memory_space<vmem>>) offsets(%dma_start3A_71 : memref<128xi32, #tpu.memory_space<vmem>>) semaphore(%arg11 : memref<!tpu.dma_semaphore, #tpu.memory_space<semaphore_mem>>)
    %add3A_75 = arith.constant 1 : i32
    %add3A_76 = arith.addi %sub3A_64, %add3A_75 : i32
    %dma_start3A_77 = arith.constant 0 : i32
    %dma_start3A_78 = tpu.memref_slice %arg6[%add3A_76, %dma_start3A_77] : memref<40x128xi32, #tpu.memory_space<vmem>> -> memref<1x128xi32, #tpu.memory_space<vmem>>
    %dma_start3A_79 = tpu.memref_squeeze %dma_start3A_78 : memref<1x128xi32, #tpu.memory_space<vmem>> -> memref<128xi32, #tpu.memory_space<vmem>>
    %dma_start3A_80 = arith.constant 0 : i32
    %dma_start3A_81 = arith.constant 0 : i32
    %dma_start3A_82 = tpu.memref_slice %arg2[%dma_start3A_80, %dma_start3A_81] : memref<10000x128xf32, #tpu.memory_space<hbm>> -> memref<10000x128xf32, #tpu.memory_space<hbm>>
    tpu.enqueue_indirect_dma source(%dma_start3A_82 : memref<10000x128xf32, #tpu.memory_space<hbm>>) target(%arg9 : memref<128x128xf32, #tpu.memory_space<vmem>>) offsets(%dma_start3A_79 : memref<128xi32, #tpu.memory_space<vmem>>) semaphore(%arg12 : memref<!tpu.dma_semaphore, #tpu.memory_space<semaphore_mem>>)
    %scan3A_83 = arith.constant 0 : i32
    %scan3A_84 = arith.constant 0 : i32
    %scan3A_85 = arith.constant 18 : i32
    %scan3A_86 = arith.addi %scan3A_84, %scan3A_85 : i32
    %scan3A_87 = arith.constant 1 : i32
    scf.for %scan3A_114 = %scan3A_84 to %scan3A_86 step %scan3A_87  : i32 {
      %mul3A_115 = arith.constant 2 : i32
      %mul3A_116 = arith.muli %scan3A_114, %mul3A_115 : i32
      %add3A_117 = arith.constant 0 : i32
      %add3A_118 = arith.addi %mul3A_116, %add3A_117 : i32
      %add3A_119 = arith.addi %sub3A_64, %add3A_118 : i32
      %dma_wait3A = arith.constant 0 : i32
      %dma_wait3A_120 = tpu.memref_slice %arg6[%add3A_119, %dma_wait3A] : memref<40x128xi32, #tpu.memory_space<vmem>> -> memref<1x128xi32, #tpu.memory_space<vmem>>
      %dma_wait3A_121 = tpu.memref_squeeze %dma_wait3A_120 : memref<1x128xi32, #tpu.memory_space<vmem>> -> memref<128xi32, #tpu.memory_space<vmem>>
      %dma_wait3A_122 = arith.constant 0 : i32
      %dma_wait3A_123 = arith.constant 0 : i32
      %dma_wait3A_124 = tpu.memref_slice %arg2[%dma_wait3A_122, %dma_wait3A_123] : memref<10000x128xf32, #tpu.memory_space<hbm>> -> memref<10000x128xf32, #tpu.memory_space<hbm>>
      tpu.wait_indirect_dma semaphore(%arg11 : memref<!tpu.dma_semaphore, #tpu.memory_space<semaphore_mem>>) src(%dma_wait3A_124 : memref<10000x128xf32, #tpu.memory_space<hbm>>) dst(%arg8 : memref<128x128xf32, #tpu.memory_space<vmem>>)
      %add3A_125 = arith.addi %sub3A_64, %add3A_118 : i32
      "tpu.region"() ({
        %run_scoped3A_150 = tpu.sem_alloc : memref<!tpu.dma_semaphore, #tpu.memory_space<semaphore_mem>>
        %dma_start3A_151 = arith.constant 0 : i32
        %dma_start3A_152 = tpu.memref_slice %arg7[%add3A_125, %dma_start3A_151] : memref<40x128xi32, #tpu.memory_space<vmem>> -> memref<1x128xi32, #tpu.memory_space<vmem>>
        %dma_start3A_153 = tpu.memref_squeeze %dma_start3A_152 : memref<1x128xi32, #tpu.memory_space<vmem>> -> memref<128xi32, #tpu.memory_space<vmem>>
        %dma_start3A_154 = arith.constant 0 : i32
        %dma_start3A_155 = arith.constant 0 : i32
        %dma_start3A_156 = tpu.memref_slice %arg10[%dma_start3A_154, %dma_start3A_155] : memref<10000x128xf32, #tpu.memory_space<vmem_shared>> -> memref<10000x128xf32, #tpu.memory_space<vmem_shared>>
        tpu.enqueue_indirect_dma source(%arg8 : memref<128x128xf32, #tpu.memory_space<vmem>>) target(%dma_start3A_156 : memref<10000x128xf32, #tpu.memory_space<vmem_shared>>) offsets(%dma_start3A_153 : memref<128xi32, #tpu.memory_space<vmem>>) semaphore(%run_scoped3A_150 : memref<!tpu.dma_semaphore, #tpu.memory_space<semaphore_mem>>) {add = true}
        %dma_wait3A_157 = arith.constant 0 : i32
        %dma_wait3A_158 = tpu.memref_slice %arg7[%add3A_125, %dma_wait3A_157] : memref<40x128xi32, #tpu.memory_space<vmem>> -> memref<1x128xi32, #tpu.memory_space<vmem>>
        %dma_wait3A_159 = tpu.memref_squeeze %dma_wait3A_158 : memref<1x128xi32, #tpu.memory_space<vmem>> -> memref<128xi32, #tpu.memory_space<vmem>>
        %dma_wait3A_160 = arith.constant 0 : i32
        %dma_wait3A_161 = arith.constant 0 : i32
        %dma_wait3A_162 = tpu.memref_slice %arg10[%dma_wait3A_160, %dma_wait3A_161] : memref<10000x128xf32, #tpu.memory_space<vmem_shared>> -> memref<10000x128xf32, #tpu.memory_space<vmem_shared>>
        tpu.wait_indirect_dma semaphore(%run_scoped3A_150 : memref<!tpu.dma_semaphore, #tpu.memory_space<semaphore_mem>>) src(%arg8 : memref<128x128xf32, #tpu.memory_space<vmem>>) dst(%dma_wait3A_162 : memref<10000x128xf32, #tpu.memory_space<vmem_shared>>)
        tpu.yield
      }) : () -> ()
      %add3A_126 = arith.constant 2 : i32
      %add3A_127 = arith.addi %add3A_118, %add3A_126 : i32
      %lt3A_128 = arith.cmpi slt, %add3A_127, %sub3A_66 : i32
      %convert_element_type3A_129 = arith.extui %lt3A_128 : i1 to i32
      %cond3A_130 = arith.constant 0 : i32
      %cond3A_131 = arith.cmpi ne, %convert_element_type3A_129, %cond3A_130 : i32
      scf.if %cond3A_131 {
        %add3A_150 = arith.addi %sub3A_64, %add3A_118 : i32
        %add3A_151 = arith.constant 2 : i32
        %add3A_152 = arith.addi %add3A_150, %add3A_151 : i32
        %dma_start3A_153 = arith.constant 0 : i32
        %dma_start3A_154 = tpu.memref_slice %arg6[%add3A_152, %dma_start3A_153] : memref<40x128xi32, #tpu.memory_space<vmem>> -> memref<1x128xi32, #tpu.memory_space<vmem>>
        %dma_start3A_155 = tpu.memref_squeeze %dma_start3A_154 : memref<1x128xi32, #tpu.memory_space<vmem>> -> memref<128xi32, #tpu.memory_space<vmem>>
        %dma_start3A_156 = arith.constant 0 : i32
        %dma_start3A_157 = arith.constant 0 : i32
        %dma_start3A_158 = tpu.memref_slice %arg2[%dma_start3A_156, %dma_start3A_157] : memref<10000x128xf32, #tpu.memory_space<hbm>> -> memref<10000x128xf32, #tpu.memory_space<hbm>>
        tpu.enqueue_indirect_dma source(%dma_start3A_158 : memref<10000x128xf32, #tpu.memory_space<hbm>>) target(%arg8 : memref<128x128xf32, #tpu.memory_space<vmem>>) offsets(%dma_start3A_155 : memref<128xi32, #tpu.memory_space<vmem>>) semaphore(%arg11 : memref<!tpu.dma_semaphore, #tpu.memory_space<semaphore_mem>>)
      } else {
      }
      %mul3A_132 = arith.constant 2 : i32
      %mul3A_133 = arith.muli %scan3A_114, %mul3A_132 : i32
      %add3A_134 = arith.constant 1 : i32
      %add3A_135 = arith.addi %mul3A_133, %add3A_134 : i32
      %add3A_136 = arith.addi %sub3A_64, %add3A_135 : i32
      %dma_wait3A_137 = arith.constant 0 : i32
      %dma_wait3A_138 = tpu.memref_slice %arg6[%add3A_136, %dma_wait3A_137] : memref<40x128xi32, #tpu.memory_space<vmem>> -> memref<1x128xi32, #tpu.memory_space<vmem>>
      %dma_wait3A_139 = tpu.memref_squeeze %dma_wait3A_138 : memref<1x128xi32, #tpu.memory_space<vmem>> -> memref<128xi32, #tpu.memory_space<vmem>>
      %dma_wait3A_140 = arith.constant 0 : i32
      %dma_wait3A_141 = arith.constant 0 : i32
      %dma_wait3A_142 = tpu.memref_slice %arg2[%dma_wait3A_140, %dma_wait3A_141] : memref<10000x128xf32, #tpu.memory_space<hbm>> -> memref<10000x128xf32, #tpu.memory_space<hbm>>
      tpu.wait_indirect_dma semaphore(%arg12 : memref<!tpu.dma_semaphore, #tpu.memory_space<semaphore_mem>>) src(%dma_wait3A_142 : memref<10000x128xf32, #tpu.memory_space<hbm>>) dst(%arg9 : memref<128x128xf32, #tpu.memory_space<vmem>>)
      %add3A_143 = arith.addi %sub3A_64, %add3A_135 : i32
      "tpu.region"() ({
        %run_scoped3A_150 = tpu.sem_alloc : memref<!tpu.dma_semaphore, #tpu.memory_space<semaphore_mem>>
        %dma_start3A_151 = arith.constant 0 : i32
        %dma_start3A_152 = tpu.memref_slice %arg7[%add3A_143, %dma_start3A_151] : memref<40x128xi32, #tpu.memory_space<vmem>> -> memref<1x128xi32, #tpu.memory_space<vmem>>
        %dma_start3A_153 = tpu.memref_squeeze %dma_start3A_152 : memref<1x128xi32, #tpu.memory_space<vmem>> -> memref<128xi32, #tpu.memory_space<vmem>>
        %dma_start3A_154 = arith.constant 0 : i32
        %dma_start3A_155 = arith.constant 0 : i32
        %dma_start3A_156 = tpu.memref_slice %arg10[%dma_start3A_154, %dma_start3A_155] : memref<10000x128xf32, #tpu.memory_space<vmem_shared>> -> memref<10000x128xf32, #tpu.memory_space<vmem_shared>>
        tpu.enqueue_indirect_dma source(%arg9 : memref<128x128xf32, #tpu.memory_space<vmem>>) target(%dma_start3A_156 : memref<10000x128xf32, #tpu.memory_space<vmem_shared>>) offsets(%dma_start3A_153 : memref<128xi32, #tpu.memory_space<vmem>>) semaphore(%run_scoped3A_150 : memref<!tpu.dma_semaphore, #tpu.memory_space<semaphore_mem>>) {add = true}
        %dma_wait3A_157 = arith.constant 0 : i32
        %dma_wait3A_158 = tpu.memref_slice %arg7[%add3A_143, %dma_wait3A_157] : memref<40x128xi32, #tpu.memory_space<vmem>> -> memref<1x128xi32, #tpu.memory_space<vmem>>
        %dma_wait3A_159 = tpu.memref_squeeze %dma_wait3A_158 : memref<1x128xi32, #tpu.memory_space<vmem>> -> memref<128xi32, #tpu.memory_space<vmem>>
        %dma_wait3A_160 = arith.constant 0 : i32
        %dma_wait3A_161 = arith.constant 0 : i32
        %dma_wait3A_162 = tpu.memref_slice %arg10[%dma_wait3A_160, %dma_wait3A_161] : memref<10000x128xf32, #tpu.memory_space<vmem_shared>> -> memref<10000x128xf32, #tpu.memory_space<vmem_shared>>
        tpu.wait_indirect_dma semaphore(%run_scoped3A_150 : memref<!tpu.dma_semaphore, #tpu.memory_space<semaphore_mem>>) src(%arg9 : memref<128x128xf32, #tpu.memory_space<vmem>>) dst(%dma_wait3A_162 : memref<10000x128xf32, #tpu.memory_space<vmem_shared>>)
        tpu.yield
      }) : () -> ()
      %add3A_144 = arith.constant 2 : i32
      %add3A_145 = arith.addi %add3A_135, %add3A_144 : i32
      %lt3A_146 = arith.cmpi slt, %add3A_145, %sub3A_66 : i32
      %convert_element_type3A_147 = arith.extui %lt3A_146 : i1 to i32
      %cond3A_148 = arith.constant 0 : i32
      %cond3A_149 = arith.cmpi ne, %convert_element_type3A_147, %cond3A_148 : i32
      scf.if %cond3A_149 {
        %add3A_150 = arith.addi %sub3A_64, %add3A_135 : i32
        %add3A_151 = arith.constant 2 : i32
        %add3A_152 = arith.addi %add3A_150, %add3A_151 : i32
        %dma_start3A_153 = arith.constant 0 : i32
        %dma_start3A_154 = tpu.memref_slice %arg6[%add3A_152, %dma_start3A_153] : memref<40x128xi32, #tpu.memory_space<vmem>> -> memref<1x128xi32, #tpu.memory_space<vmem>>
        %dma_start3A_155 = tpu.memref_squeeze %dma_start3A_154 : memref<1x128xi32, #tpu.memory_space<vmem>> -> memref<128xi32, #tpu.memory_space<vmem>>
        %dma_start3A_156 = arith.constant 0 : i32
        %dma_start3A_157 = arith.constant 0 : i32
        %dma_start3A_158 = tpu.memref_slice %arg2[%dma_start3A_156, %dma_start3A_157] : memref<10000x128xf32, #tpu.memory_space<hbm>> -> memref<10000x128xf32, #tpu.memory_space<hbm>>
        tpu.enqueue_indirect_dma source(%dma_start3A_158 : memref<10000x128xf32, #tpu.memory_space<hbm>>) target(%arg9 : memref<128x128xf32, #tpu.memory_space<vmem>>) offsets(%dma_start3A_155 : memref<128xi32, #tpu.memory_space<vmem>>) semaphore(%arg12 : memref<!tpu.dma_semaphore, #tpu.memory_space<semaphore_mem>>)
      } else {
      }
    }
    %scan3A_88 = arith.constant 18 : i32
    %gt3A_89 = arith.constant 36 : i32
    %gt3A_90 = arith.cmpi sgt, %sub3A_66, %gt3A_89 : i32
    %convert_element_type3A_91 = arith.extui %gt3A_90 : i1 to i32
    %cond3A_92 = arith.constant 0 : i32
    %cond3A_93 = arith.cmpi ne, %convert_element_type3A_91, %cond3A_92 : i32
    scf.if %cond3A_93 {
      %add3A_114 = arith.constant 36 : i32
      %add3A_115 = arith.addi %sub3A_64, %add3A_114 : i32
      %dma_wait3A = arith.constant 0 : i32
      %dma_wait3A_116 = tpu.memref_slice %arg6[%add3A_115, %dma_wait3A] : memref<40x128xi32, #tpu.memory_space<vmem>> -> memref<1x128xi32, #tpu.memory_space<vmem>>
      %dma_wait3A_117 = tpu.memref_squeeze %dma_wait3A_116 : memref<1x128xi32, #tpu.memory_space<vmem>> -> memref<128xi32, #tpu.memory_space<vmem>>
      %dma_wait3A_118 = arith.constant 0 : i32
      %dma_wait3A_119 = arith.constant 0 : i32
      %dma_wait3A_120 = tpu.memref_slice %arg2[%dma_wait3A_118, %dma_wait3A_119] : memref<10000x128xf32, #tpu.memory_space<hbm>> -> memref<10000x128xf32, #tpu.memory_space<hbm>>
      tpu.wait_indirect_dma semaphore(%arg11 : memref<!tpu.dma_semaphore, #tpu.memory_space<semaphore_mem>>) src(%dma_wait3A_120 : memref<10000x128xf32, #tpu.memory_space<hbm>>) dst(%arg8 : memref<128x128xf32, #tpu.memory_space<vmem>>)
      %add3A_121 = arith.constant 36 : i32
      %add3A_122 = arith.addi %sub3A_64, %add3A_121 : i32
      "tpu.region"() ({
        %run_scoped3A_128 = tpu.sem_alloc : memref<!tpu.dma_semaphore, #tpu.memory_space<semaphore_mem>>
        %dma_start3A_129 = arith.constant 0 : i32
        %dma_start3A_130 = tpu.memref_slice %arg7[%add3A_122, %dma_start3A_129] : memref<40x128xi32, #tpu.memory_space<vmem>> -> memref<1x128xi32, #tpu.memory_space<vmem>>
        %dma_start3A_131 = tpu.memref_squeeze %dma_start3A_130 : memref<1x128xi32, #tpu.memory_space<vmem>> -> memref<128xi32, #tpu.memory_space<vmem>>
        %dma_start3A_132 = arith.constant 0 : i32
        %dma_start3A_133 = arith.constant 0 : i32
        %dma_start3A_134 = tpu.memref_slice %arg10[%dma_start3A_132, %dma_start3A_133] : memref<10000x128xf32, #tpu.memory_space<vmem_shared>> -> memref<10000x128xf32, #tpu.memory_space<vmem_shared>>
        tpu.enqueue_indirect_dma source(%arg8 : memref<128x128xf32, #tpu.memory_space<vmem>>) target(%dma_start3A_134 : memref<10000x128xf32, #tpu.memory_space<vmem_shared>>) offsets(%dma_start3A_131 : memref<128xi32, #tpu.memory_space<vmem>>) semaphore(%run_scoped3A_128 : memref<!tpu.dma_semaphore, #tpu.memory_space<semaphore_mem>>) {add = true}
        %dma_wait3A_135 = arith.constant 0 : i32
        %dma_wait3A_136 = tpu.memref_slice %arg7[%add3A_122, %dma_wait3A_135] : memref<40x128xi32, #tpu.memory_space<vmem>> -> memref<1x128xi32, #tpu.memory_space<vmem>>
        %dma_wait3A_137 = tpu.memref_squeeze %dma_wait3A_136 : memref<1x128xi32, #tpu.memory_space<vmem>> -> memref<128xi32, #tpu.memory_space<vmem>>
        %dma_wait3A_138 = arith.constant 0 : i32
        %dma_wait3A_139 = arith.constant 0 : i32
        %dma_wait3A_140 = tpu.memref_slice %arg10[%dma_wait3A_138, %dma_wait3A_139] : memref<10000x128xf32, #tpu.memory_space<vmem_shared>> -> memref<10000x128xf32, #tpu.memory_space<vmem_shared>>
        tpu.wait_indirect_dma semaphore(%run_scoped3A_128 : memref<!tpu.dma_semaphore, #tpu.memory_space<semaphore_mem>>) src(%arg8 : memref<128x128xf32, #tpu.memory_space<vmem>>) dst(%dma_wait3A_140 : memref<10000x128xf32, #tpu.memory_space<vmem_shared>>)
        tpu.yield
      }) : () -> ()
      %gt3A_123 = arith.constant 38 : i32
      %gt3A_124 = arith.cmpi sgt, %sub3A_66, %gt3A_123 : i32
      %convert_element_type3A_125 = arith.extui %gt3A_124 : i1 to i32
      %cond3A_126 = arith.constant 0 : i32
      %cond3A_127 = arith.cmpi ne, %convert_element_type3A_125, %cond3A_126 : i32
      scf.if %cond3A_127 {
        %add3A_128 = arith.constant 36 : i32
        %add3A_129 = arith.addi %sub3A_64, %add3A_128 : i32
        %add3A_130 = arith.constant 2 : i32
        %add3A_131 = arith.addi %add3A_129, %add3A_130 : i32
        %dma_start3A_132 = arith.constant 0 : i32
        %dma_start3A_133 = tpu.memref_slice %arg6[%add3A_131, %dma_start3A_132] : memref<40x128xi32, #tpu.memory_space<vmem>> -> memref<1x128xi32, #tpu.memory_space<vmem>>
        %dma_start3A_134 = tpu.memref_squeeze %dma_start3A_133 : memref<1x128xi32, #tpu.memory_space<vmem>> -> memref<128xi32, #tpu.memory_space<vmem>>
        %dma_start3A_135 = arith.constant 0 : i32
        %dma_start3A_136 = arith.constant 0 : i32
        %dma_start3A_137 = tpu.memref_slice %arg2[%dma_start3A_135, %dma_start3A_136] : memref<10000x128xf32, #tpu.memory_space<hbm>> -> memref<10000x128xf32, #tpu.memory_space<hbm>>
        tpu.enqueue_indirect_dma source(%dma_start3A_137 : memref<10000x128xf32, #tpu.memory_space<hbm>>) target(%arg8 : memref<128x128xf32, #tpu.memory_space<vmem>>) offsets(%dma_start3A_134 : memref<128xi32, #tpu.memory_space<vmem>>) semaphore(%arg11 : memref<!tpu.dma_semaphore, #tpu.memory_space<semaphore_mem>>)
      } else {
      }
    } else {
    }
    %gt3A_94 = arith.constant 37 : i32
    %gt3A_95 = arith.cmpi sgt, %sub3A_66, %gt3A_94 : i32
    %convert_element_type3A_96 = arith.extui %gt3A_95 : i1 to i32
    %cond3A_97 = arith.constant 0 : i32
    %cond3A_98 = arith.cmpi ne, %convert_element_type3A_96, %cond3A_97 : i32
    scf.if %cond3A_98 {
      %add3A_114 = arith.constant 37 : i32
      %add3A_115 = arith.addi %sub3A_64, %add3A_114 : i32
      %dma_wait3A = arith.constant 0 : i32
      %dma_wait3A_116 = tpu.memref_slice %arg6[%add3A_115, %dma_wait3A] : memref<40x128xi32, #tpu.memory_space<vmem>> -> memref<1x128xi32, #tpu.memory_space<vmem>>
      %dma_wait3A_117 = tpu.memref_squeeze %dma_wait3A_116 : memref<1x128xi32, #tpu.memory_space<vmem>> -> memref<128xi32, #tpu.memory_space<vmem>>
      %dma_wait3A_118 = arith.constant 0 : i32
      %dma_wait3A_119 = arith.constant 0 : i32
      %dma_wait3A_120 = tpu.memref_slice %arg2[%dma_wait3A_118, %dma_wait3A_119] : memref<10000x128xf32, #tpu.memory_space<hbm>> -> memref<10000x128xf32, #tpu.memory_space<hbm>>
      tpu.wait_indirect_dma semaphore(%arg12 : memref<!tpu.dma_semaphore, #tpu.memory_space<semaphore_mem>>) src(%dma_wait3A_120 : memref<10000x128xf32, #tpu.memory_space<hbm>>) dst(%arg9 : memref<128x128xf32, #tpu.memory_space<vmem>>)
      %add3A_121 = arith.constant 37 : i32
      %add3A_122 = arith.addi %sub3A_64, %add3A_121 : i32
      "tpu.region"() ({
        %run_scoped3A_128 = tpu.sem_alloc : memref<!tpu.dma_semaphore, #tpu.memory_space<semaphore_mem>>
        %dma_start3A_129 = arith.constant 0 : i32
        %dma_start3A_130 = tpu.memref_slice %arg7[%add3A_122, %dma_start3A_129] : memref<40x128xi32, #tpu.memory_space<vmem>> -> memref<1x128xi32, #tpu.memory_space<vmem>>
        %dma_start3A_131 = tpu.memref_squeeze %dma_start3A_130 : memref<1x128xi32, #tpu.memory_space<vmem>> -> memref<128xi32, #tpu.memory_space<vmem>>
        %dma_start3A_132 = arith.constant 0 : i32
        %dma_start3A_133 = arith.constant 0 : i32
        %dma_start3A_134 = tpu.memref_slice %arg10[%dma_start3A_132, %dma_start3A_133] : memref<10000x128xf32, #tpu.memory_space<vmem_shared>> -> memref<10000x128xf32, #tpu.memory_space<vmem_shared>>
        tpu.enqueue_indirect_dma source(%arg9 : memref<128x128xf32, #tpu.memory_space<vmem>>) target(%dma_start3A_134 : memref<10000x128xf32, #tpu.memory_space<vmem_shared>>) offsets(%dma_start3A_131 : memref<128xi32, #tpu.memory_space<vmem>>) semaphore(%run_scoped3A_128 : memref<!tpu.dma_semaphore, #tpu.memory_space<semaphore_mem>>) {add = true}
        %dma_wait3A_135 = arith.constant 0 : i32
        %dma_wait3A_136 = tpu.memref_slice %arg7[%add3A_122, %dma_wait3A_135] : memref<40x128xi32, #tpu.memory_space<vmem>> -> memref<1x128xi32, #tpu.memory_space<vmem>>
        %dma_wait3A_137 = tpu.memref_squeeze %dma_wait3A_136 : memref<1x128xi32, #tpu.memory_space<vmem>> -> memref<128xi32, #tpu.memory_space<vmem>>
        %dma_wait3A_138 = arith.constant 0 : i32
        %dma_wait3A_139 = arith.constant 0 : i32
        %dma_wait3A_140 = tpu.memref_slice %arg10[%dma_wait3A_138, %dma_wait3A_139] : memref<10000x128xf32, #tpu.memory_space<vmem_shared>> -> memref<10000x128xf32, #tpu.memory_space<vmem_shared>>
        tpu.wait_indirect_dma semaphore(%run_scoped3A_128 : memref<!tpu.dma_semaphore, #tpu.memory_space<semaphore_mem>>) src(%arg9 : memref<128x128xf32, #tpu.memory_space<vmem>>) dst(%dma_wait3A_140 : memref<10000x128xf32, #tpu.memory_space<vmem_shared>>)
        tpu.yield
      }) : () -> ()
      %gt3A_123 = arith.constant 39 : i32
      %gt3A_124 = arith.cmpi sgt, %sub3A_66, %gt3A_123 : i32
      %convert_element_type3A_125 = arith.extui %gt3A_124 : i1 to i32
      %cond3A_126 = arith.constant 0 : i32
      %cond3A_127 = arith.cmpi ne, %convert_element_type3A_125, %cond3A_126 : i32
      scf.if %cond3A_127 {
        %add3A_128 = arith.constant 37 : i32
        %add3A_129 = arith.addi %sub3A_64, %add3A_128 : i32
        %add3A_130 = arith.constant 2 : i32
        %add3A_131 = arith.addi %add3A_129, %add3A_130 : i32
        %dma_start3A_132 = arith.constant 0 : i32
        %dma_start3A_133 = tpu.memref_slice %arg6[%add3A_131, %dma_start3A_132] : memref<40x128xi32, #tpu.memory_space<vmem>> -> memref<1x128xi32, #tpu.memory_space<vmem>>
        %dma_start3A_134 = tpu.memref_squeeze %dma_start3A_133 : memref<1x128xi32, #tpu.memory_space<vmem>> -> memref<128xi32, #tpu.memory_space<vmem>>
        %dma_start3A_135 = arith.constant 0 : i32
        %dma_start3A_136 = arith.constant 0 : i32
        %dma_start3A_137 = tpu.memref_slice %arg2[%dma_start3A_135, %dma_start3A_136] : memref<10000x128xf32, #tpu.memory_space<hbm>> -> memref<10000x128xf32, #tpu.memory_space<hbm>>
        tpu.enqueue_indirect_dma source(%dma_start3A_137 : memref<10000x128xf32, #tpu.memory_space<hbm>>) target(%arg9 : memref<128x128xf32, #tpu.memory_space<vmem>>) offsets(%dma_start3A_134 : memref<128xi32, #tpu.memory_space<vmem>>) semaphore(%arg12 : memref<!tpu.dma_semaphore, #tpu.memory_space<semaphore_mem>>)
      } else {
      }
    } else {
    }
    %gt3A_99 = arith.constant 38 : i32
    %gt3A_100 = arith.cmpi sgt, %sub3A_66, %gt3A_99 : i32
    %convert_element_type3A_101 = arith.extui %gt3A_100 : i1 to i32
    %cond3A_102 = arith.constant 0 : i32
    %cond3A_103 = arith.cmpi ne, %convert_element_type3A_101, %cond3A_102 : i32
    scf.if %cond3A_103 {
      %add3A_114 = arith.constant 38 : i32
      %add3A_115 = arith.addi %sub3A_64, %add3A_114 : i32
      %dma_wait3A = arith.constant 0 : i32
      %dma_wait3A_116 = tpu.memref_slice %arg6[%add3A_115, %dma_wait3A] : memref<40x128xi32, #tpu.memory_space<vmem>> -> memref<1x128xi32, #tpu.memory_space<vmem>>
      %dma_wait3A_117 = tpu.memref_squeeze %dma_wait3A_116 : memref<1x128xi32, #tpu.memory_space<vmem>> -> memref<128xi32, #tpu.memory_space<vmem>>
      %dma_wait3A_118 = arith.constant 0 : i32
      %dma_wait3A_119 = arith.constant 0 : i32
      %dma_wait3A_120 = tpu.memref_slice %arg2[%dma_wait3A_118, %dma_wait3A_119] : memref<10000x128xf32, #tpu.memory_space<hbm>> -> memref<10000x128xf32, #tpu.memory_space<hbm>>
      tpu.wait_indirect_dma semaphore(%arg11 : memref<!tpu.dma_semaphore, #tpu.memory_space<semaphore_mem>>) src(%dma_wait3A_120 : memref<10000x128xf32, #tpu.memory_space<hbm>>) dst(%arg8 : memref<128x128xf32, #tpu.memory_space<vmem>>)
      %add3A_121 = arith.constant 38 : i32
      %add3A_122 = arith.addi %sub3A_64, %add3A_121 : i32
      "tpu.region"() ({
        %run_scoped3A_128 = tpu.sem_alloc : memref<!tpu.dma_semaphore, #tpu.memory_space<semaphore_mem>>
        %dma_start3A_129 = arith.constant 0 : i32
        %dma_start3A_130 = tpu.memref_slice %arg7[%add3A_122, %dma_start3A_129] : memref<40x128xi32, #tpu.memory_space<vmem>> -> memref<1x128xi32, #tpu.memory_space<vmem>>
        %dma_start3A_131 = tpu.memref_squeeze %dma_start3A_130 : memref<1x128xi32, #tpu.memory_space<vmem>> -> memref<128xi32, #tpu.memory_space<vmem>>
        %dma_start3A_132 = arith.constant 0 : i32
        %dma_start3A_133 = arith.constant 0 : i32
        %dma_start3A_134 = tpu.memref_slice %arg10[%dma_start3A_132, %dma_start3A_133] : memref<10000x128xf32, #tpu.memory_space<vmem_shared>> -> memref<10000x128xf32, #tpu.memory_space<vmem_shared>>
        tpu.enqueue_indirect_dma source(%arg8 : memref<128x128xf32, #tpu.memory_space<vmem>>) target(%dma_start3A_134 : memref<10000x128xf32, #tpu.memory_space<vmem_shared>>) offsets(%dma_start3A_131 : memref<128xi32, #tpu.memory_space<vmem>>) semaphore(%run_scoped3A_128 : memref<!tpu.dma_semaphore, #tpu.memory_space<semaphore_mem>>) {add = true}
        %dma_wait3A_135 = arith.constant 0 : i32
        %dma_wait3A_136 = tpu.memref_slice %arg7[%add3A_122, %dma_wait3A_135] : memref<40x128xi32, #tpu.memory_space<vmem>> -> memref<1x128xi32, #tpu.memory_space<vmem>>
        %dma_wait3A_137 = tpu.memref_squeeze %dma_wait3A_136 : memref<1x128xi32, #tpu.memory_space<vmem>> -> memref<128xi32, #tpu.memory_space<vmem>>
        %dma_wait3A_138 = arith.constant 0 : i32
        %dma_wait3A_139 = arith.constant 0 : i32
        %dma_wait3A_140 = tpu.memref_slice %arg10[%dma_wait3A_138, %dma_wait3A_139] : memref<10000x128xf32, #tpu.memory_space<vmem_shared>> -> memref<10000x128xf32, #tpu.memory_space<vmem_shared>>
        tpu.wait_indirect_dma semaphore(%run_scoped3A_128 : memref<!tpu.dma_semaphore, #tpu.memory_space<semaphore_mem>>) src(%arg8 : memref<128x128xf32, #tpu.memory_space<vmem>>) dst(%dma_wait3A_140 : memref<10000x128xf32, #tpu.memory_space<vmem_shared>>)
        tpu.yield
      }) : () -> ()
      %gt3A_123 = arith.constant 40 : i32
      %gt3A_124 = arith.cmpi sgt, %sub3A_66, %gt3A_123 : i32
      %convert_element_type3A_125 = arith.extui %gt3A_124 : i1 to i32
      %cond3A_126 = arith.constant 0 : i32
      %cond3A_127 = arith.cmpi ne, %convert_element_type3A_125, %cond3A_126 : i32
      scf.if %cond3A_127 {
        %add3A_128 = arith.constant 38 : i32
        %add3A_129 = arith.addi %sub3A_64, %add3A_128 : i32
        %add3A_130 = arith.constant 2 : i32
        %add3A_131 = arith.addi %add3A_129, %add3A_130 : i32
        %dma_start3A_132 = arith.constant 0 : i32
        %dma_start3A_133 = tpu.memref_slice %arg6[%add3A_131, %dma_start3A_132] : memref<40x128xi32, #tpu.memory_space<vmem>> -> memref<1x128xi32, #tpu.memory_space<vmem>>
        %dma_start3A_134 = tpu.memref_squeeze %dma_start3A_133 : memref<1x128xi32, #tpu.memory_space<vmem>> -> memref<128xi32, #tpu.memory_space<vmem>>
        %dma_start3A_135 = arith.constant 0 : i32
        %dma_start3A_136 = arith.constant 0 : i32
        %dma_start3A_137 = tpu.memref_slice %arg2[%dma_start3A_135, %dma_start3A_136] : memref<10000x128xf32, #tpu.memory_space<hbm>> -> memref<10000x128xf32, #tpu.memory_space<hbm>>
        tpu.enqueue_indirect_dma source(%dma_start3A_137 : memref<10000x128xf32, #tpu.memory_space<hbm>>) target(%arg8 : memref<128x128xf32, #tpu.memory_space<vmem>>) offsets(%dma_start3A_134 : memref<128xi32, #tpu.memory_space<vmem>>) semaphore(%arg11 : memref<!tpu.dma_semaphore, #tpu.memory_space<semaphore_mem>>)
      } else {
      }
    } else {
    }
    %barrier3A_104 = arith.constant 0 : index
    tpu.barrier barrier_id(%barrier3A_104)
    %mul3A_105 = arith.constant 624 : i32
    %mul3A_106 = arith.muli %arg1, %mul3A_105 : i32
    %mul3A_107 = arith.constant 624 : i32
    %mul3A_108 = arith.muli %arg1, %mul3A_107 : i32
    "tpu.region"() ({
      %run_scoped3A_114 = tpu.sem_alloc : memref<!tpu.dma_semaphore, #tpu.memory_space<semaphore_mem>>
      %dma_start3A_115 = arith.constant 0 : i32
      %dma_start3A_116 = tpu.memref_slice %arg5[%arg0, %mul3A_108, %dma_start3A_115] : memref<2x10000x128xf32, #tpu.memory_space<hbm>> -> memref<1x624x128xf32, #tpu.memory_space<hbm>>
      %dma_start3A_117 = tpu.memref_squeeze %dma_start3A_116 : memref<1x624x128xf32, #tpu.memory_space<hbm>> -> memref<624x128xf32, #tpu.memory_space<hbm>>
      %dma_start3A_118 = arith.constant 0 : i32
      %dma_start3A_119 = tpu.memref_slice %arg10[%mul3A_106, %dma_start3A_118] : memref<10000x128xf32, #tpu.memory_space<vmem_shared>> -> memref<624x128xf32, #tpu.memory_space<vmem_shared>>
      tpu.enqueue_dma source(%dma_start3A_119 : memref<624x128xf32, #tpu.memory_space<vmem_shared>>) target(%dma_start3A_117 : memref<624x128xf32, #tpu.memory_space<hbm>>) target_semaphore(%run_scoped3A_114 : memref<!tpu.dma_semaphore, #tpu.memory_space<semaphore_mem>>)
      %dma_wait3A = arith.constant 0 : i32
      %dma_wait3A_120 = tpu.memref_slice %arg5[%arg0, %mul3A_108, %dma_wait3A] : memref<2x10000x128xf32, #tpu.memory_space<hbm>> -> memref<1x624x128xf32, #tpu.memory_space<hbm>>
      %dma_wait3A_121 = tpu.memref_squeeze %dma_wait3A_120 : memref<1x624x128xf32, #tpu.memory_space<hbm>> -> memref<624x128xf32, #tpu.memory_space<hbm>>
      %dma_wait3A_122 = arith.constant 0 : i32
      %dma_wait3A_123 = tpu.memref_slice %arg10[%mul3A_106, %dma_wait3A_122] : memref<10000x128xf32, #tpu.memory_space<vmem_shared>> -> memref<624x128xf32, #tpu.memory_space<vmem_shared>>
      tpu.wait_dma2 semaphore(%run_scoped3A_114 : memref<!tpu.dma_semaphore, #tpu.memory_space<semaphore_mem>>) src(%dma_wait3A_123 : memref<624x128xf32, #tpu.memory_space<vmem_shared>>) dst(%dma_wait3A_121 : memref<624x128xf32, #tpu.memory_space<hbm>>)
      tpu.yield
    }) : () -> ()
    %eq3A_109 = arith.constant 15 : i32
    %eq3A_110 = arith.cmpi eq, %arg1, %eq3A_109 : i32
    %convert_element_type3A_111 = arith.extui %eq3A_110 : i1 to i32
    %cond3A_112 = arith.constant 0 : i32
    %cond3A_113 = arith.cmpi ne, %convert_element_type3A_111, %cond3A_112 : i32
    scf.if %cond3A_113 {
      "tpu.region"() ({
        %run_scoped3A_114 = tpu.sem_alloc : memref<!tpu.dma_semaphore, #tpu.memory_space<semaphore_mem>>
        %dma_start3A_115 = arith.constant 9984 : i32
        %dma_start3A_116 = arith.constant 0 : i32
        %dma_start3A_117 = tpu.memref_slice %arg5[%arg0, %dma_start3A_115, %dma_start3A_116] : memref<2x10000x128xf32, #tpu.memory_space<hbm>> -> memref<1x16x128xf32, #tpu.memory_space<hbm>>
        %dma_start3A_118 = tpu.memref_squeeze %dma_start3A_117 : memref<1x16x128xf32, #tpu.memory_space<hbm>> -> memref<16x128xf32, #tpu.memory_space<hbm>>
        %dma_start3A_119 = arith.constant 9984 : i32
        %dma_start3A_120 = arith.constant 0 : i32
        %dma_start3A_121 = tpu.memref_slice %arg10[%dma_start3A_119, %dma_start3A_120] : memref<10000x128xf32, #tpu.memory_space<vmem_shared>> -> memref<16x128xf32, #tpu.memory_space<vmem_shared>>
        tpu.enqueue_dma source(%dma_start3A_121 : memref<16x128xf32, #tpu.memory_space<vmem_shared>>) target(%dma_start3A_118 : memref<16x128xf32, #tpu.memory_space<hbm>>) target_semaphore(%run_scoped3A_114 : memref<!tpu.dma_semaphore, #tpu.memory_space<semaphore_mem>>)
        %dma_wait3A = arith.constant 9984 : i32
        %dma_wait3A_122 = arith.constant 0 : i32
        %dma_wait3A_123 = tpu.memref_slice %arg5[%arg0, %dma_wait3A, %dma_wait3A_122] : memref<2x10000x128xf32, #tpu.memory_space<hbm>> -> memref<1x16x128xf32, #tpu.memory_space<hbm>>
        %dma_wait3A_124 = tpu.memref_squeeze %dma_wait3A_123 : memref<1x16x128xf32, #tpu.memory_space<hbm>> -> memref<16x128xf32, #tpu.memory_space<hbm>>
        %dma_wait3A_125 = arith.constant 9984 : i32
        %dma_wait3A_126 = arith.constant 0 : i32
        %dma_wait3A_127 = tpu.memref_slice %arg10[%dma_wait3A_125, %dma_wait3A_126] : memref<10000x128xf32, #tpu.memory_space<vmem_shared>> -> memref<16x128xf32, #tpu.memory_space<vmem_shared>>
        tpu.wait_dma2 semaphore(%run_scoped3A_114 : memref<!tpu.dma_semaphore, #tpu.memory_space<semaphore_mem>>) src(%dma_wait3A_127 : memref<16x128xf32, #tpu.memory_space<vmem_shared>>) dst(%dma_wait3A_124 : memref<16x128xf32, #tpu.memory_space<hbm>>)
        tpu.yield
      }) : () -> ()
    } else {
    }
    return
  }
}

#map = affine_map<(d0, d1) -> (0, 0, 0)>
#map1 = affine_map<(d0, d1) -> (0, 0)>
module attributes {stable_mosaic.version = 14 : i64} {
  func.func @cnt(%arg0: i32, %arg1: i32, %arg2: memref<2x2500x128xi32, #tpu.memory_space<hbm>>, %arg3: memref<632x16xf32, #tpu.memory_space<hbm>>, %arg4: memref<2x10000x16xf32, #tpu.memory_space<hbm>>, %arg5: memref<79x128xi32, #tpu.memory_space<vmem>>, %arg6: memref<128x16xf32, #tpu.memory_space<vmem>>, %arg7: memref<10000x16xf32, #tpu.memory_space<vmem_shared>>, %arg8: memref<!tpu.dma_semaphore, #tpu.memory_space<semaphore_mem>>) attributes {dimension_semantics = [#tpu.dimension_semantics<core_parallel>, #tpu.dimension_semantics<subcore_parallel>], iteration_bounds = array<i64: 2, 16>, scalar_prefetch = 0 : i64, scratch_operands = 4 : i64, tpu.core_type = #tpu.core_type<sc_vector_subcore>, window_params = [{transform_indices = #map}, {transform_indices = #map1}, {transform_indices = #map}]} {
    %mul3A = arith.constant 16 : i32
    %mul3A_0 = arith.muli %arg0, %mul3A : i32
    %add3A = arith.addi %mul3A_0, %arg1 : i32
    %mul3A_1 = arith.constant 78 : i32
    %mul3A_2 = arith.muli %mul3A_1, %add3A : i32
    %sub3A = arith.constant 28 : i32
    %sub3A_3 = arith.subi %add3A, %sub3A : i32
    %max3A = arith.constant 0 : i32
    %max3A_4 = arith.maxsi %sub3A_3, %max3A : i32
    %add3A_5 = arith.addi %mul3A_2, %max3A_4 : i32
    %ge3A = arith.constant 28 : i32
    %ge3A_6 = arith.cmpi sge, %add3A, %ge3A : i32
    %convert_element_type3A = arith.extui %ge3A_6 : i1 to i32
    %add3A_7 = arith.constant 78 : i32
    %add3A_8 = arith.addi %add3A_7, %convert_element_type3A : i32
    %lt3A = arith.constant 15 : i32
    %lt3A_9 = arith.cmpi slt, %arg1, %lt3A : i32
    %convert_element_type3A_10 = arith.extui %lt3A_9 : i1 to i32
    %cond3A = arith.constant 0 : i32
    %cond3A_11 = arith.cmpi ne, %convert_element_type3A_10, %cond3A : i32
    scf.if %cond3A_11 {
      %mul3A_106 = arith.constant 632 : i32
      %mul3A_107 = arith.muli %arg1, %mul3A_106 : i32
      "tpu.region"() ({
        %run_scoped3A_108 = tpu.sem_alloc : memref<!tpu.dma_semaphore, #tpu.memory_space<semaphore_mem>>
        %dma_start3A = arith.constant 0 : i32
        %dma_start3A_109 = tpu.memref_slice %arg7[%mul3A_107, %dma_start3A] : memref<10000x16xf32, #tpu.memory_space<vmem_shared>> -> memref<632x16xf32, #tpu.memory_space<vmem_shared>>
        tpu.enqueue_dma source(%arg3 : memref<632x16xf32, #tpu.memory_space<hbm>>) target(%dma_start3A_109 : memref<632x16xf32, #tpu.memory_space<vmem_shared>>) target_semaphore(%run_scoped3A_108 : memref<!tpu.dma_semaphore, #tpu.memory_space<semaphore_mem>>)
        %dma_wait3A = arith.constant 0 : i32
        %dma_wait3A_110 = tpu.memref_slice %arg7[%mul3A_107, %dma_wait3A] : memref<10000x16xf32, #tpu.memory_space<vmem_shared>> -> memref<632x16xf32, #tpu.memory_space<vmem_shared>>
        tpu.wait_dma2 semaphore(%run_scoped3A_108 : memref<!tpu.dma_semaphore, #tpu.memory_space<semaphore_mem>>) src(%arg3 : memref<632x16xf32, #tpu.memory_space<hbm>>) dst(%dma_wait3A_110 : memref<632x16xf32, #tpu.memory_space<vmem_shared>>)
        tpu.yield
      }) : () -> ()
    } else {
    }
    %eq3A = arith.constant 15 : i32
    %eq3A_12 = arith.cmpi eq, %arg1, %eq3A : i32
    %convert_element_type3A_13 = arith.extui %eq3A_12 : i1 to i32
    %cond3A_14 = arith.constant 0 : i32
    %cond3A_15 = arith.cmpi ne, %convert_element_type3A_13, %cond3A_14 : i32
    scf.if %cond3A_15 {
      "tpu.region"() ({
        %run_scoped3A_106 = tpu.sem_alloc : memref<!tpu.dma_semaphore, #tpu.memory_space<semaphore_mem>>
        %dma_start3A = arith.constant 9480 : i32
        %dma_start3A_107 = arith.constant 0 : i32
        %dma_start3A_108 = tpu.memref_slice %arg7[%dma_start3A, %dma_start3A_107] : memref<10000x16xf32, #tpu.memory_space<vmem_shared>> -> memref<520x16xf32, #tpu.memory_space<vmem_shared>>
        %dma_start3A_109 = arith.constant 0 : i32
        %dma_start3A_110 = arith.constant 0 : i32
        %dma_start3A_111 = tpu.memref_slice %arg3[%dma_start3A_109, %dma_start3A_110] : memref<632x16xf32, #tpu.memory_space<hbm>> -> memref<520x16xf32, #tpu.memory_space<hbm>>
        tpu.enqueue_dma source(%dma_start3A_111 : memref<520x16xf32, #tpu.memory_space<hbm>>) target(%dma_start3A_108 : memref<520x16xf32, #tpu.memory_space<vmem_shared>>) target_semaphore(%run_scoped3A_106 : memref<!tpu.dma_semaphore, #tpu.memory_space<semaphore_mem>>)
        %dma_wait3A = arith.constant 9480 : i32
        %dma_wait3A_112 = arith.constant 0 : i32
        %dma_wait3A_113 = tpu.memref_slice %arg7[%dma_wait3A, %dma_wait3A_112] : memref<10000x16xf32, #tpu.memory_space<vmem_shared>> -> memref<520x16xf32, #tpu.memory_space<vmem_shared>>
        %dma_wait3A_114 = arith.constant 0 : i32
        %dma_wait3A_115 = arith.constant 0 : i32
        %dma_wait3A_116 = tpu.memref_slice %arg3[%dma_wait3A_114, %dma_wait3A_115] : memref<632x16xf32, #tpu.memory_space<hbm>> -> memref<520x16xf32, #tpu.memory_space<hbm>>
        tpu.wait_dma2 semaphore(%run_scoped3A_106 : memref<!tpu.dma_semaphore, #tpu.memory_space<semaphore_mem>>) src(%dma_wait3A_116 : memref<520x16xf32, #tpu.memory_space<hbm>>) dst(%dma_wait3A_113 : memref<520x16xf32, #tpu.memory_space<vmem_shared>>)
        tpu.yield
      }) : () -> ()
    } else {
    }
    %run_scoped3A = arith.constant 1 : i32
    "tpu.region"() ({
      %run_scoped3A_106 = tpu.sem_alloc : memref<!tpu.dma_semaphore, #tpu.memory_space<semaphore_mem>>
      %dma_start3A = arith.constant 0 : i32
      %dma_start3A_107 = tpu.memref_slice %arg2[%run_scoped3A, %add3A_5, %dma_start3A] : memref<2x2500x128xi32, #tpu.memory_space<hbm>> -> memref<1x79x128xi32, #tpu.memory_space<hbm>>
      %dma_start3A_108 = tpu.memref_squeeze %dma_start3A_107 : memref<1x79x128xi32, #tpu.memory_space<hbm>> -> memref<79x128xi32, #tpu.memory_space<hbm>>
      %dma_start3A_109 = arith.constant 0 : i32
      %dma_start3A_110 = tpu.memref_slice %arg2[%run_scoped3A, %add3A_5, %dma_start3A_109] : memref<2x2500x128xi32, #tpu.memory_space<hbm>> -> memref<1x79x128xi32, #tpu.memory_space<hbm>>
      %dma_start3A_111 = tpu.memref_squeeze %dma_start3A_110 : memref<1x79x128xi32, #tpu.memory_space<hbm>> -> memref<79x128xi32, #tpu.memory_space<hbm>>
      tpu.enqueue_dma source(%dma_start3A_111 : memref<79x128xi32, #tpu.memory_space<hbm>>) target(%arg5 : memref<79x128xi32, #tpu.memory_space<vmem>>) target_semaphore(%run_scoped3A_106 : memref<!tpu.dma_semaphore, #tpu.memory_space<semaphore_mem>>)
      %dma_wait3A = arith.constant 0 : i32
      %dma_wait3A_112 = tpu.memref_slice %arg2[%run_scoped3A, %add3A_5, %dma_wait3A] : memref<2x2500x128xi32, #tpu.memory_space<hbm>> -> memref<1x79x128xi32, #tpu.memory_space<hbm>>
      %dma_wait3A_113 = tpu.memref_squeeze %dma_wait3A_112 : memref<1x79x128xi32, #tpu.memory_space<hbm>> -> memref<79x128xi32, #tpu.memory_space<hbm>>
      %dma_wait3A_114 = arith.constant 0 : i32
      %dma_wait3A_115 = tpu.memref_slice %arg2[%run_scoped3A, %add3A_5, %dma_wait3A_114] : memref<2x2500x128xi32, #tpu.memory_space<hbm>> -> memref<1x79x128xi32, #tpu.memory_space<hbm>>
      %dma_wait3A_116 = tpu.memref_squeeze %dma_wait3A_115 : memref<1x79x128xi32, #tpu.memory_space<hbm>> -> memref<79x128xi32, #tpu.memory_space<hbm>>
      tpu.wait_dma2 semaphore(%run_scoped3A_106 : memref<!tpu.dma_semaphore, #tpu.memory_space<semaphore_mem>>) src(%dma_wait3A_116 : memref<79x128xi32, #tpu.memory_space<hbm>>) dst(%arg5 : memref<79x128xi32, #tpu.memory_space<vmem>>)
      tpu.yield
    }) : () -> ()
    %scan3A = arith.constant 0 : i32
    %scan3A_16 = arith.constant 0 : i32
    %scan3A_17 = arith.constant 128 : i32
    %scan3A_18 = arith.addi %scan3A_16, %scan3A_17 : i32
    %scan3A_19 = arith.constant 1 : i32
    scf.for %scan3A_106 = %scan3A_16 to %scan3A_18 step %scan3A_19  : i32 {
      %broadcast_in_dim3A = arith.constant 1.000000e+00 : f32
      %broadcast_in_dim3A_107 = vector.broadcast %broadcast_in_dim3A : f32 to vector<16xf32>
      %swap3A = arith.index_cast %scan3A_106 : i32 to index
      %swap3A_108 = arith.constant 0 : index
      %swap3A_109 = tpu.vector_load %arg6[%swap3A, %swap3A_108] {strides = array<i32>} : memref<128x16xf32, #tpu.memory_space<vmem>>, vector<1x16xf32>,
      %swap3A_110 = vector.shape_cast %swap3A_109 : vector<1x16xf32> to vector<16xf32>
      %swap3A_111 = vector.shape_cast %broadcast_in_dim3A_107 : vector<16xf32> to vector<1x16xf32>
      tpu.vector_store %arg6[%swap3A, %swap3A_108], %swap3A_111 {strides = array<i32>} : memref<128x16xf32, #tpu.memory_space<vmem>>, vector<1x16xf32>,
    }
    %scan3A_20 = arith.constant 128 : i32
    %barrier3A = arith.constant 0 : index
    tpu.barrier barrier_id(%barrier3A)
    %scan3A_21 = arith.constant 0 : i32
    %scan3A_22 = arith.constant 0 : i32
    %scan3A_23 = arith.constant 9 : i32
    %scan3A_24 = arith.addi %scan3A_22, %scan3A_23 : i32
    %scan3A_25 = arith.constant 1 : i32
    scf.for %scan3A_106 = %scan3A_22 to %scan3A_24 step %scan3A_25  : i32 {
      %mul3A_107 = arith.constant 8 : i32
      %mul3A_108 = arith.muli %scan3A_106, %mul3A_107 : i32
      %add3A_109 = arith.constant 0 : i32
      %add3A_110 = arith.addi %mul3A_108, %add3A_109 : i32
      %dma_start3A = arith.constant 0 : i32
      %dma_start3A_111 = tpu.memref_slice %arg5[%add3A_110, %dma_start3A] : memref<79x128xi32, #tpu.memory_space<vmem>> -> memref<1x128xi32, #tpu.memory_space<vmem>>
      %dma_start3A_112 = tpu.memref_squeeze %dma_start3A_111 : memref<1x128xi32, #tpu.memory_space<vmem>> -> memref<128xi32, #tpu.memory_space<vmem>>
      %dma_start3A_113 = arith.constant 0 : i32
      %dma_start3A_114 = arith.constant 0 : i32
      %dma_start3A_115 = tpu.memref_slice %arg7[%dma_start3A_113, %dma_start3A_114] : memref<10000x16xf32, #tpu.memory_space<vmem_shared>> -> memref<10000x16xf32, #tpu.memory_space<vmem_shared>>
      tpu.enqueue_indirect_dma source(%arg6 : memref<128x16xf32, #tpu.memory_space<vmem>>) target(%dma_start3A_115 : memref<10000x16xf32, #tpu.memory_space<vmem_shared>>) offsets(%dma_start3A_112 : memref<128xi32, #tpu.memory_space<vmem>>) semaphore(%arg8 : memref<!tpu.dma_semaphore, #tpu.memory_space<semaphore_mem>>) {add = true}
      %add3A_116 = arith.constant 1 : i32
      %add3A_117 = arith.addi %mul3A_108, %add3A_116 : i32
      %dma_start3A_118 = arith.constant 0 : i32
      %dma_start3A_119 = tpu.memref_slice %arg5[%add3A_117, %dma_start3A_118] : memref<79x128xi32, #tpu.memory_space<vmem>> -> memref<1x128xi32, #tpu.memory_space<vmem>>
      %dma_start3A_120 = tpu.memref_squeeze %dma_start3A_119 : memref<1x128xi32, #tpu.memory_space<vmem>> -> memref<128xi32, #tpu.memory_space<vmem>>
      %dma_start3A_121 = arith.constant 0 : i32
      %dma_start3A_122 = arith.constant 0 : i32
      %dma_start3A_123 = tpu.memref_slice %arg7[%dma_start3A_121, %dma_start3A_122] : memref<10000x16xf32, #tpu.memory_space<vmem_shared>> -> memref<10000x16xf32, #tpu.memory_space<vmem_shared>>
      tpu.enqueue_indirect_dma source(%arg6 : memref<128x16xf32, #tpu.memory_space<vmem>>) target(%dma_start3A_123 : memref<10000x16xf32, #tpu.memory_space<vmem_shared>>) offsets(%dma_start3A_120 : memref<128xi32, #tpu.memory_space<vmem>>) semaphore(%arg8 : memref<!tpu.dma_semaphore, #tpu.memory_space<semaphore_mem>>) {add = true}
      %add3A_124 = arith.constant 2 : i32
      %add3A_125 = arith.addi %mul3A_108, %add3A_124 : i32
      %dma_start3A_126 = arith.constant 0 : i32
      %dma_start3A_127 = tpu.memref_slice %arg5[%add3A_125, %dma_start3A_126] : memref<79x128xi32, #tpu.memory_space<vmem>> -> memref<1x128xi32, #tpu.memory_space<vmem>>
      %dma_start3A_128 = tpu.memref_squeeze %dma_start3A_127 : memref<1x128xi32, #tpu.memory_space<vmem>> -> memref<128xi32, #tpu.memory_space<vmem>>
      %dma_start3A_129 = arith.constant 0 : i32
      %dma_start3A_130 = arith.constant 0 : i32
      %dma_start3A_131 = tpu.memref_slice %arg7[%dma_start3A_129, %dma_start3A_130] : memref<10000x16xf32, #tpu.memory_space<vmem_shared>> -> memref<10000x16xf32, #tpu.memory_space<vmem_shared>>
      tpu.enqueue_indirect_dma source(%arg6 : memref<128x16xf32, #tpu.memory_space<vmem>>) target(%dma_start3A_131 : memref<10000x16xf32, #tpu.memory_space<vmem_shared>>) offsets(%dma_start3A_128 : memref<128xi32, #tpu.memory_space<vmem>>) semaphore(%arg8 : memref<!tpu.dma_semaphore, #tpu.memory_space<semaphore_mem>>) {add = true}
      %add3A_132 = arith.constant 3 : i32
      %add3A_133 = arith.addi %mul3A_108, %add3A_132 : i32
      %dma_start3A_134 = arith.constant 0 : i32
      %dma_start3A_135 = tpu.memref_slice %arg5[%add3A_133, %dma_start3A_134] : memref<79x128xi32, #tpu.memory_space<vmem>> -> memref<1x128xi32, #tpu.memory_space<vmem>>
      %dma_start3A_136 = tpu.memref_squeeze %dma_start3A_135 : memref<1x128xi32, #tpu.memory_space<vmem>> -> memref<128xi32, #tpu.memory_space<vmem>>
      %dma_start3A_137 = arith.constant 0 : i32
      %dma_start3A_138 = arith.constant 0 : i32
      %dma_start3A_139 = tpu.memref_slice %arg7[%dma_start3A_137, %dma_start3A_138] : memref<10000x16xf32, #tpu.memory_space<vmem_shared>> -> memref<10000x16xf32, #tpu.memory_space<vmem_shared>>
      tpu.enqueue_indirect_dma source(%arg6 : memref<128x16xf32, #tpu.memory_space<vmem>>) target(%dma_start3A_139 : memref<10000x16xf32, #tpu.memory_space<vmem_shared>>) offsets(%dma_start3A_136 : memref<128xi32, #tpu.memory_space<vmem>>) semaphore(%arg8 : memref<!tpu.dma_semaphore, #tpu.memory_space<semaphore_mem>>) {add = true}
      %add3A_140 = arith.constant 4 : i32
      %add3A_141 = arith.addi %mul3A_108, %add3A_140 : i32
      %dma_start3A_142 = arith.constant 0 : i32
      %dma_start3A_143 = tpu.memref_slice %arg5[%add3A_141, %dma_start3A_142] : memref<79x128xi32, #tpu.memory_space<vmem>> -> memref<1x128xi32, #tpu.memory_space<vmem>>
      %dma_start3A_144 = tpu.memref_squeeze %dma_start3A_143 : memref<1x128xi32, #tpu.memory_space<vmem>> -> memref<128xi32, #tpu.memory_space<vmem>>
      %dma_start3A_145 = arith.constant 0 : i32
      %dma_start3A_146 = arith.constant 0 : i32
      %dma_start3A_147 = tpu.memref_slice %arg7[%dma_start3A_145, %dma_start3A_146] : memref<10000x16xf32, #tpu.memory_space<vmem_shared>> -> memref<10000x16xf32, #tpu.memory_space<vmem_shared>>
      tpu.enqueue_indirect_dma source(%arg6 : memref<128x16xf32, #tpu.memory_space<vmem>>) target(%dma_start3A_147 : memref<10000x16xf32, #tpu.memory_space<vmem_shared>>) offsets(%dma_start3A_144 : memref<128xi32, #tpu.memory_space<vmem>>) semaphore(%arg8 : memref<!tpu.dma_semaphore, #tpu.memory_space<semaphore_mem>>) {add = true}
      %add3A_148 = arith.constant 5 : i32
      %add3A_149 = arith.addi %mul3A_108, %add3A_148 : i32
      %dma_start3A_150 = arith.constant 0 : i32
      %dma_start3A_151 = tpu.memref_slice %arg5[%add3A_149, %dma_start3A_150] : memref<79x128xi32, #tpu.memory_space<vmem>> -> memref<1x128xi32, #tpu.memory_space<vmem>>
      %dma_start3A_152 = tpu.memref_squeeze %dma_start3A_151 : memref<1x128xi32, #tpu.memory_space<vmem>> -> memref<128xi32, #tpu.memory_space<vmem>>
      %dma_start3A_153 = arith.constant 0 : i32
      %dma_start3A_154 = arith.constant 0 : i32
      %dma_start3A_155 = tpu.memref_slice %arg7[%dma_start3A_153, %dma_start3A_154] : memref<10000x16xf32, #tpu.memory_space<vmem_shared>> -> memref<10000x16xf32, #tpu.memory_space<vmem_shared>>
      tpu.enqueue_indirect_dma source(%arg6 : memref<128x16xf32, #tpu.memory_space<vmem>>) target(%dma_start3A_155 : memref<10000x16xf32, #tpu.memory_space<vmem_shared>>) offsets(%dma_start3A_152 : memref<128xi32, #tpu.memory_space<vmem>>) semaphore(%arg8 : memref<!tpu.dma_semaphore, #tpu.memory_space<semaphore_mem>>) {add = true}
      %add3A_156 = arith.constant 6 : i32
      %add3A_157 = arith.addi %mul3A_108, %add3A_156 : i32
      %dma_start3A_158 = arith.constant 0 : i32
      %dma_start3A_159 = tpu.memref_slice %arg5[%add3A_157, %dma_start3A_158] : memref<79x128xi32, #tpu.memory_space<vmem>> -> memref<1x128xi32, #tpu.memory_space<vmem>>
      %dma_start3A_160 = tpu.memref_squeeze %dma_start3A_159 : memref<1x128xi32, #tpu.memory_space<vmem>> -> memref<128xi32, #tpu.memory_space<vmem>>
      %dma_start3A_161 = arith.constant 0 : i32
      %dma_start3A_162 = arith.constant 0 : i32
      %dma_start3A_163 = tpu.memref_slice %arg7[%dma_start3A_161, %dma_start3A_162] : memref<10000x16xf32, #tpu.memory_space<vmem_shared>> -> memref<10000x16xf32, #tpu.memory_space<vmem_shared>>
      tpu.enqueue_indirect_dma source(%arg6 : memref<128x16xf32, #tpu.memory_space<vmem>>) target(%dma_start3A_163 : memref<10000x16xf32, #tpu.memory_space<vmem_shared>>) offsets(%dma_start3A_160 : memref<128xi32, #tpu.memory_space<vmem>>) semaphore(%arg8 : memref<!tpu.dma_semaphore, #tpu.memory_space<semaphore_mem>>) {add = true}
      %add3A_164 = arith.constant 7 : i32
      %add3A_165 = arith.addi %mul3A_108, %add3A_164 : i32
      %dma_start3A_166 = arith.constant 0 : i32
      %dma_start3A_167 = tpu.memref_slice %arg5[%add3A_165, %dma_start3A_166] : memref<79x128xi32, #tpu.memory_space<vmem>> -> memref<1x128xi32, #tpu.memory_space<vmem>>
      %dma_start3A_168 = tpu.memref_squeeze %dma_start3A_167 : memref<1x128xi32, #tpu.memory_space<vmem>> -> memref<128xi32, #tpu.memory_space<vmem>>
      %dma_start3A_169 = arith.constant 0 : i32
      %dma_start3A_170 = arith.constant 0 : i32
      %dma_start3A_171 = tpu.memref_slice %arg7[%dma_start3A_169, %dma_start3A_170] : memref<10000x16xf32, #tpu.memory_space<vmem_shared>> -> memref<10000x16xf32, #tpu.memory_space<vmem_shared>>
      tpu.enqueue_indirect_dma source(%arg6 : memref<128x16xf32, #tpu.memory_space<vmem>>) target(%dma_start3A_171 : memref<10000x16xf32, #tpu.memory_space<vmem_shared>>) offsets(%dma_start3A_168 : memref<128xi32, #tpu.memory_space<vmem>>) semaphore(%arg8 : memref<!tpu.dma_semaphore, #tpu.memory_space<semaphore_mem>>) {add = true}
      %add3A_172 = arith.constant 0 : i32
      %add3A_173 = arith.addi %mul3A_108, %add3A_172 : i32
      %dma_wait3A = arith.constant 0 : i32
      %dma_wait3A_174 = tpu.memref_slice %arg5[%add3A_173, %dma_wait3A] : memref<79x128xi32, #tpu.memory_space<vmem>> -> memref<1x128xi32, #tpu.memory_space<vmem>>
      %dma_wait3A_175 = tpu.memref_squeeze %dma_wait3A_174 : memref<1x128xi32, #tpu.memory_space<vmem>> -> memref<128xi32, #tpu.memory_space<vmem>>
      %dma_wait3A_176 = arith.constant 0 : i32
      %dma_wait3A_177 = arith.constant 0 : i32
      %dma_wait3A_178 = tpu.memref_slice %arg7[%dma_wait3A_176, %dma_wait3A_177] : memref<10000x16xf32, #tpu.memory_space<vmem_shared>> -> memref<10000x16xf32, #tpu.memory_space<vmem_shared>>
      tpu.wait_indirect_dma semaphore(%arg8 : memref<!tpu.dma_semaphore, #tpu.memory_space<semaphore_mem>>) src(%arg6 : memref<128x16xf32, #tpu.memory_space<vmem>>) dst(%dma_wait3A_178 : memref<10000x16xf32, #tpu.memory_space<vmem_shared>>)
      %add3A_179 = arith.constant 1 : i32
      %add3A_180 = arith.addi %mul3A_108, %add3A_179 : i32
      %dma_wait3A_181 = arith.constant 0 : i32
      %dma_wait3A_182 = tpu.memref_slice %arg5[%add3A_180, %dma_wait3A_181] : memref<79x128xi32, #tpu.memory_space<vmem>> -> memref<1x128xi32, #tpu.memory_space<vmem>>
      %dma_wait3A_183 = tpu.memref_squeeze %dma_wait3A_182 : memref<1x128xi32, #tpu.memory_space<vmem>> -> memref<128xi32, #tpu.memory_space<vmem>>
      %dma_wait3A_184 = arith.constant 0 : i32
      %dma_wait3A_185 = arith.constant 0 : i32
      %dma_wait3A_186 = tpu.memref_slice %arg7[%dma_wait3A_184, %dma_wait3A_185] : memref<10000x16xf32, #tpu.memory_space<vmem_shared>> -> memref<10000x16xf32, #tpu.memory_space<vmem_shared>>
      tpu.wait_indirect_dma semaphore(%arg8 : memref<!tpu.dma_semaphore, #tpu.memory_space<semaphore_mem>>) src(%arg6 : memref<128x16xf32, #tpu.memory_space<vmem>>) dst(%dma_wait3A_186 : memref<10000x16xf32, #tpu.memory_space<vmem_shared>>)
      %add3A_187 = arith.constant 2 : i32
      %add3A_188 = arith.addi %mul3A_108, %add3A_187 : i32
      %dma_wait3A_189 = arith.constant 0 : i32
      %dma_wait3A_190 = tpu.memref_slice %arg5[%add3A_188, %dma_wait3A_189] : memref<79x128xi32, #tpu.memory_space<vmem>> -> memref<1x128xi32, #tpu.memory_space<vmem>>
      %dma_wait3A_191 = tpu.memref_squeeze %dma_wait3A_190 : memref<1x128xi32, #tpu.memory_space<vmem>> -> memref<128xi32, #tpu.memory_space<vmem>>
      %dma_wait3A_192 = arith.constant 0 : i32
      %dma_wait3A_193 = arith.constant 0 : i32
      %dma_wait3A_194 = tpu.memref_slice %arg7[%dma_wait3A_192, %dma_wait3A_193] : memref<10000x16xf32, #tpu.memory_space<vmem_shared>> -> memref<10000x16xf32, #tpu.memory_space<vmem_shared>>
      tpu.wait_indirect_dma semaphore(%arg8 : memref<!tpu.dma_semaphore, #tpu.memory_space<semaphore_mem>>) src(%arg6 : memref<128x16xf32, #tpu.memory_space<vmem>>) dst(%dma_wait3A_194 : memref<10000x16xf32, #tpu.memory_space<vmem_shared>>)
      %add3A_195 = arith.constant 3 : i32
      %add3A_196 = arith.addi %mul3A_108, %add3A_195 : i32
      %dma_wait3A_197 = arith.constant 0 : i32
      %dma_wait3A_198 = tpu.memref_slice %arg5[%add3A_196, %dma_wait3A_197] : memref<79x128xi32, #tpu.memory_space<vmem>> -> memref<1x128xi32, #tpu.memory_space<vmem>>
      %dma_wait3A_199 = tpu.memref_squeeze %dma_wait3A_198 : memref<1x128xi32, #tpu.memory_space<vmem>> -> memref<128xi32, #tpu.memory_space<vmem>>
      %dma_wait3A_200 = arith.constant 0 : i32
      %dma_wait3A_201 = arith.constant 0 : i32
      %dma_wait3A_202 = tpu.memref_slice %arg7[%dma_wait3A_200, %dma_wait3A_201] : memref<10000x16xf32, #tpu.memory_space<vmem_shared>> -> memref<10000x16xf32, #tpu.memory_space<vmem_shared>>
      tpu.wait_indirect_dma semaphore(%arg8 : memref<!tpu.dma_semaphore, #tpu.memory_space<semaphore_mem>>) src(%arg6 : memref<128x16xf32, #tpu.memory_space<vmem>>) dst(%dma_wait3A_202 : memref<10000x16xf32, #tpu.memory_space<vmem_shared>>)
      %add3A_203 = arith.constant 4 : i32
      %add3A_204 = arith.addi %mul3A_108, %add3A_203 : i32
      %dma_wait3A_205 = arith.constant 0 : i32
      %dma_wait3A_206 = tpu.memref_slice %arg5[%add3A_204, %dma_wait3A_205] : memref<79x128xi32, #tpu.memory_space<vmem>> -> memref<1x128xi32, #tpu.memory_space<vmem>>
      %dma_wait3A_207 = tpu.memref_squeeze %dma_wait3A_206 : memref<1x128xi32, #tpu.memory_space<vmem>> -> memref<128xi32, #tpu.memory_space<vmem>>
      %dma_wait3A_208 = arith.constant 0 : i32
      %dma_wait3A_209 = arith.constant 0 : i32
      %dma_wait3A_210 = tpu.memref_slice %arg7[%dma_wait3A_208, %dma_wait3A_209] : memref<10000x16xf32, #tpu.memory_space<vmem_shared>> -> memref<10000x16xf32, #tpu.memory_space<vmem_shared>>
      tpu.wait_indirect_dma semaphore(%arg8 : memref<!tpu.dma_semaphore, #tpu.memory_space<semaphore_mem>>) src(%arg6 : memref<128x16xf32, #tpu.memory_space<vmem>>) dst(%dma_wait3A_210 : memref<10000x16xf32, #tpu.memory_space<vmem_shared>>)
      %add3A_211 = arith.constant 5 : i32
      %add3A_212 = arith.addi %mul3A_108, %add3A_211 : i32
      %dma_wait3A_213 = arith.constant 0 : i32
      %dma_wait3A_214 = tpu.memref_slice %arg5[%add3A_212, %dma_wait3A_213] : memref<79x128xi32, #tpu.memory_space<vmem>> -> memref<1x128xi32, #tpu.memory_space<vmem>>
      %dma_wait3A_215 = tpu.memref_squeeze %dma_wait3A_214 : memref<1x128xi32, #tpu.memory_space<vmem>> -> memref<128xi32, #tpu.memory_space<vmem>>
      %dma_wait3A_216 = arith.constant 0 : i32
      %dma_wait3A_217 = arith.constant 0 : i32
      %dma_wait3A_218 = tpu.memref_slice %arg7[%dma_wait3A_216, %dma_wait3A_217] : memref<10000x16xf32, #tpu.memory_space<vmem_shared>> -> memref<10000x16xf32, #tpu.memory_space<vmem_shared>>
      tpu.wait_indirect_dma semaphore(%arg8 : memref<!tpu.dma_semaphore, #tpu.memory_space<semaphore_mem>>) src(%arg6 : memref<128x16xf32, #tpu.memory_space<vmem>>) dst(%dma_wait3A_218 : memref<10000x16xf32, #tpu.memory_space<vmem_shared>>)
      %add3A_219 = arith.constant 6 : i32
      %add3A_220 = arith.addi %mul3A_108, %add3A_219 : i32
      %dma_wait3A_221 = arith.constant 0 : i32
      %dma_wait3A_222 = tpu.memref_slice %arg5[%add3A_220, %dma_wait3A_221] : memref<79x128xi32, #tpu.memory_space<vmem>> -> memref<1x128xi32, #tpu.memory_space<vmem>>
      %dma_wait3A_223 = tpu.memref_squeeze %dma_wait3A_222 : memref<1x128xi32, #tpu.memory_space<vmem>> -> memref<128xi32, #tpu.memory_space<vmem>>
      %dma_wait3A_224 = arith.constant 0 : i32
      %dma_wait3A_225 = arith.constant 0 : i32
      %dma_wait3A_226 = tpu.memref_slice %arg7[%dma_wait3A_224, %dma_wait3A_225] : memref<10000x16xf32, #tpu.memory_space<vmem_shared>> -> memref<10000x16xf32, #tpu.memory_space<vmem_shared>>
      tpu.wait_indirect_dma semaphore(%arg8 : memref<!tpu.dma_semaphore, #tpu.memory_space<semaphore_mem>>) src(%arg6 : memref<128x16xf32, #tpu.memory_space<vmem>>) dst(%dma_wait3A_226 : memref<10000x16xf32, #tpu.memory_space<vmem_shared>>)
      %add3A_227 = arith.constant 7 : i32
      %add3A_228 = arith.addi %mul3A_108, %add3A_227 : i32
      %dma_wait3A_229 = arith.constant 0 : i32
      %dma_wait3A_230 = tpu.memref_slice %arg5[%add3A_228, %dma_wait3A_229] : memref<79x128xi32, #tpu.memory_space<vmem>> -> memref<1x128xi32, #tpu.memory_space<vmem>>
      %dma_wait3A_231 = tpu.memref_squeeze %dma_wait3A_230 : memref<1x128xi32, #tpu.memory_space<vmem>> -> memref<128xi32, #tpu.memory_space<vmem>>
      %dma_wait3A_232 = arith.constant 0 : i32
      %dma_wait3A_233 = arith.constant 0 : i32
      %dma_wait3A_234 = tpu.memref_slice %arg7[%dma_wait3A_232, %dma_wait3A_233] : memref<10000x16xf32, #tpu.memory_space<vmem_shared>> -> memref<10000x16xf32, #tpu.memory_space<vmem_shared>>
      tpu.wait_indirect_dma semaphore(%arg8 : memref<!tpu.dma_semaphore, #tpu.memory_space<semaphore_mem>>) src(%arg6 : memref<128x16xf32, #tpu.memory_space<vmem>>) dst(%dma_wait3A_234 : memref<10000x16xf32, #tpu.memory_space<vmem_shared>>)
    }
    %scan3A_26 = arith.constant 9 : i32
    %gt3A = arith.constant 72 : i32
    %gt3A_27 = arith.cmpi sgt, %add3A_8, %gt3A : i32
    %convert_element_type3A_28 = arith.extui %gt3A_27 : i1 to i32
    %cond3A_29 = arith.constant 0 : i32
    %cond3A_30 = arith.cmpi ne, %convert_element_type3A_28, %cond3A_29 : i32
    scf.if %cond3A_30 {
      %dma_start3A = arith.constant 72 : i32
      %dma_start3A_106 = arith.constant 0 : i32
      %dma_start3A_107 = tpu.memref_slice %arg5[%dma_start3A, %dma_start3A_106] : memref<79x128xi32, #tpu.memory_space<vmem>> -> memref<1x128xi32, #tpu.memory_space<vmem>>
      %dma_start3A_108 = tpu.memref_squeeze %dma_start3A_107 : memref<1x128xi32, #tpu.memory_space<vmem>> -> memref<128xi32, #tpu.memory_space<vmem>>
      %dma_start3A_109 = arith.constant 0 : i32
      %dma_start3A_110 = arith.constant 0 : i32
      %dma_start3A_111 = tpu.memref_slice %arg7[%dma_start3A_109, %dma_start3A_110] : memref<10000x16xf32, #tpu.memory_space<vmem_shared>> -> memref<10000x16xf32, #tpu.memory_space<vmem_shared>>
      tpu.enqueue_indirect_dma source(%arg6 : memref<128x16xf32, #tpu.memory_space<vmem>>) target(%dma_start3A_111 : memref<10000x16xf32, #tpu.memory_space<vmem_shared>>) offsets(%dma_start3A_108 : memref<128xi32, #tpu.memory_space<vmem>>) semaphore(%arg8 : memref<!tpu.dma_semaphore, #tpu.memory_space<semaphore_mem>>) {add = true}
    } else {
    }
    %gt3A_31 = arith.constant 73 : i32
    %gt3A_32 = arith.cmpi sgt, %add3A_8, %gt3A_31 : i32
    %convert_element_type3A_33 = arith.extui %gt3A_32 : i1 to i32
    %cond3A_34 = arith.constant 0 : i32
    %cond3A_35 = arith.cmpi ne, %convert_element_type3A_33, %cond3A_34 : i32
    scf.if %cond3A_35 {
      %dma_start3A = arith.constant 73 : i32
      %dma_start3A_106 = arith.constant 0 : i32
      %dma_start3A_107 = tpu.memref_slice %arg5[%dma_start3A, %dma_start3A_106] : memref<79x128xi32, #tpu.memory_space<vmem>> -> memref<1x128xi32, #tpu.memory_space<vmem>>
      %dma_start3A_108 = tpu.memref_squeeze %dma_start3A_107 : memref<1x128xi32, #tpu.memory_space<vmem>> -> memref<128xi32, #tpu.memory_space<vmem>>
      %dma_start3A_109 = arith.constant 0 : i32
      %dma_start3A_110 = arith.constant 0 : i32
      %dma_start3A_111 = tpu.memref_slice %arg7[%dma_start3A_109, %dma_start3A_110] : memref<10000x16xf32, #tpu.memory_space<vmem_shared>> -> memref<10000x16xf32, #tpu.memory_space<vmem_shared>>
      tpu.enqueue_indirect_dma source(%arg6 : memref<128x16xf32, #tpu.memory_space<vmem>>) target(%dma_start3A_111 : memref<10000x16xf32, #tpu.memory_space<vmem_shared>>) offsets(%dma_start3A_108 : memref<128xi32, #tpu.memory_space<vmem>>) semaphore(%arg8 : memref<!tpu.dma_semaphore, #tpu.memory_space<semaphore_mem>>) {add = true}
    } else {
    }
    %gt3A_36 = arith.constant 74 : i32
    %gt3A_37 = arith.cmpi sgt, %add3A_8, %gt3A_36 : i32
    %convert_element_type3A_38 = arith.extui %gt3A_37 : i1 to i32
    %cond3A_39 = arith.constant 0 : i32
    %cond3A_40 = arith.cmpi ne, %convert_element_type3A_38, %cond3A_39 : i32
    scf.if %cond3A_40 {
      %dma_start3A = arith.constant 74 : i32
      %dma_start3A_106 = arith.constant 0 : i32
      %dma_start3A_107 = tpu.memref_slice %arg5[%dma_start3A, %dma_start3A_106] : memref<79x128xi32, #tpu.memory_space<vmem>> -> memref<1x128xi32, #tpu.memory_space<vmem>>
      %dma_start3A_108 = tpu.memref_squeeze %dma_start3A_107 : memref<1x128xi32, #tpu.memory_space<vmem>> -> memref<128xi32, #tpu.memory_space<vmem>>
      %dma_start3A_109 = arith.constant 0 : i32
      %dma_start3A_110 = arith.constant 0 : i32
      %dma_start3A_111 = tpu.memref_slice %arg7[%dma_start3A_109, %dma_start3A_110] : memref<10000x16xf32, #tpu.memory_space<vmem_shared>> -> memref<10000x16xf32, #tpu.memory_space<vmem_shared>>
      tpu.enqueue_indirect_dma source(%arg6 : memref<128x16xf32, #tpu.memory_space<vmem>>) target(%dma_start3A_111 : memref<10000x16xf32, #tpu.memory_space<vmem_shared>>) offsets(%dma_start3A_108 : memref<128xi32, #tpu.memory_space<vmem>>) semaphore(%arg8 : memref<!tpu.dma_semaphore, #tpu.memory_space<semaphore_mem>>) {add = true}
    } else {
    }
    %gt3A_41 = arith.constant 75 : i32
    %gt3A_42 = arith.cmpi sgt, %add3A_8, %gt3A_41 : i32
    %convert_element_type3A_43 = arith.extui %gt3A_42 : i1 to i32
    %cond3A_44 = arith.constant 0 : i32
    %cond3A_45 = arith.cmpi ne, %convert_element_type3A_43, %cond3A_44 : i32
    scf.if %cond3A_45 {
      %dma_start3A = arith.constant 75 : i32
      %dma_start3A_106 = arith.constant 0 : i32
      %dma_start3A_107 = tpu.memref_slice %arg5[%dma_start3A, %dma_start3A_106] : memref<79x128xi32, #tpu.memory_space<vmem>> -> memref<1x128xi32, #tpu.memory_space<vmem>>
      %dma_start3A_108 = tpu.memref_squeeze %dma_start3A_107 : memref<1x128xi32, #tpu.memory_space<vmem>> -> memref<128xi32, #tpu.memory_space<vmem>>
      %dma_start3A_109 = arith.constant 0 : i32
      %dma_start3A_110 = arith.constant 0 : i32
      %dma_start3A_111 = tpu.memref_slice %arg7[%dma_start3A_109, %dma_start3A_110] : memref<10000x16xf32, #tpu.memory_space<vmem_shared>> -> memref<10000x16xf32, #tpu.memory_space<vmem_shared>>
      tpu.enqueue_indirect_dma source(%arg6 : memref<128x16xf32, #tpu.memory_space<vmem>>) target(%dma_start3A_111 : memref<10000x16xf32, #tpu.memory_space<vmem_shared>>) offsets(%dma_start3A_108 : memref<128xi32, #tpu.memory_space<vmem>>) semaphore(%arg8 : memref<!tpu.dma_semaphore, #tpu.memory_space<semaphore_mem>>) {add = true}
    } else {
    }
    %gt3A_46 = arith.constant 76 : i32
    %gt3A_47 = arith.cmpi sgt, %add3A_8, %gt3A_46 : i32
    %convert_element_type3A_48 = arith.extui %gt3A_47 : i1 to i32
    %cond3A_49 = arith.constant 0 : i32
    %cond3A_50 = arith.cmpi ne, %convert_element_type3A_48, %cond3A_49 : i32
    scf.if %cond3A_50 {
      %dma_start3A = arith.constant 76 : i32
      %dma_start3A_106 = arith.constant 0 : i32
      %dma_start3A_107 = tpu.memref_slice %arg5[%dma_start3A, %dma_start3A_106] : memref<79x128xi32, #tpu.memory_space<vmem>> -> memref<1x128xi32, #tpu.memory_space<vmem>>
      %dma_start3A_108 = tpu.memref_squeeze %dma_start3A_107 : memref<1x128xi32, #tpu.memory_space<vmem>> -> memref<128xi32, #tpu.memory_space<vmem>>
      %dma_start3A_109 = arith.constant 0 : i32
      %dma_start3A_110 = arith.constant 0 : i32
      %dma_start3A_111 = tpu.memref_slice %arg7[%dma_start3A_109, %dma_start3A_110] : memref<10000x16xf32, #tpu.memory_space<vmem_shared>> -> memref<10000x16xf32, #tpu.memory_space<vmem_shared>>
      tpu.enqueue_indirect_dma source(%arg6 : memref<128x16xf32, #tpu.memory_space<vmem>>) target(%dma_start3A_111 : memref<10000x16xf32, #tpu.memory_space<vmem_shared>>) offsets(%dma_start3A_108 : memref<128xi32, #tpu.memory_space<vmem>>) semaphore(%arg8 : memref<!tpu.dma_semaphore, #tpu.memory_space<semaphore_mem>>) {add = true}
    } else {
    }
    %gt3A_51 = arith.constant 77 : i32
    %gt3A_52 = arith.cmpi sgt, %add3A_8, %gt3A_51 : i32
    %convert_element_type3A_53 = arith.extui %gt3A_52 : i1 to i32
    %cond3A_54 = arith.constant 0 : i32
    %cond3A_55 = arith.cmpi ne, %convert_element_type3A_53, %cond3A_54 : i32
    scf.if %cond3A_55 {
      %dma_start3A = arith.constant 77 : i32
      %dma_start3A_106 = arith.constant 0 : i32
      %dma_start3A_107 = tpu.memref_slice %arg5[%dma_start3A, %dma_start3A_106] : memref<79x128xi32, #tpu.memory_space<vmem>> -> memref<1x128xi32, #tpu.memory_space<vmem>>
      %dma_start3A_108 = tpu.memref_squeeze %dma_start3A_107 : memref<1x128xi32, #tpu.memory_space<vmem>> -> memref<128xi32, #tpu.memory_space<vmem>>
      %dma_start3A_109 = arith.constant 0 : i32
      %dma_start3A_110 = arith.constant 0 : i32
      %dma_start3A_111 = tpu.memref_slice %arg7[%dma_start3A_109, %dma_start3A_110] : memref<10000x16xf32, #tpu.memory_space<vmem_shared>> -> memref<10000x16xf32, #tpu.memory_space<vmem_shared>>
      tpu.enqueue_indirect_dma source(%arg6 : memref<128x16xf32, #tpu.memory_space<vmem>>) target(%dma_start3A_111 : memref<10000x16xf32, #tpu.memory_space<vmem_shared>>) offsets(%dma_start3A_108 : memref<128xi32, #tpu.memory_space<vmem>>) semaphore(%arg8 : memref<!tpu.dma_semaphore, #tpu.memory_space<semaphore_mem>>) {add = true}
    } else {
    }
    %gt3A_56 = arith.constant 78 : i32
    %gt3A_57 = arith.cmpi sgt, %add3A_8, %gt3A_56 : i32
    %convert_element_type3A_58 = arith.extui %gt3A_57 : i1 to i32
    %cond3A_59 = arith.constant 0 : i32
    %cond3A_60 = arith.cmpi ne, %convert_element_type3A_58, %cond3A_59 : i32
    scf.if %cond3A_60 {
      %dma_start3A = arith.constant 78 : i32
      %dma_start3A_106 = arith.constant 0 : i32
      %dma_start3A_107 = tpu.memref_slice %arg5[%dma_start3A, %dma_start3A_106] : memref<79x128xi32, #tpu.memory_space<vmem>> -> memref<1x128xi32, #tpu.memory_space<vmem>>
      %dma_start3A_108 = tpu.memref_squeeze %dma_start3A_107 : memref<1x128xi32, #tpu.memory_space<vmem>> -> memref<128xi32, #tpu.memory_space<vmem>>
      %dma_start3A_109 = arith.constant 0 : i32
      %dma_start3A_110 = arith.constant 0 : i32
      %dma_start3A_111 = tpu.memref_slice %arg7[%dma_start3A_109, %dma_start3A_110] : memref<10000x16xf32, #tpu.memory_space<vmem_shared>> -> memref<10000x16xf32, #tpu.memory_space<vmem_shared>>
      tpu.enqueue_indirect_dma source(%arg6 : memref<128x16xf32, #tpu.memory_space<vmem>>) target(%dma_start3A_111 : memref<10000x16xf32, #tpu.memory_space<vmem_shared>>) offsets(%dma_start3A_108 : memref<128xi32, #tpu.memory_space<vmem>>) semaphore(%arg8 : memref<!tpu.dma_semaphore, #tpu.memory_space<semaphore_mem>>) {add = true}
    } else {
    }
    %gt3A_61 = arith.constant 72 : i32
    %gt3A_62 = arith.cmpi sgt, %add3A_8, %gt3A_61 : i32
    %convert_element_type3A_63 = arith.extui %gt3A_62 : i1 to i32
    %cond3A_64 = arith.constant 0 : i32
    %cond3A_65 = arith.cmpi ne, %convert_element_type3A_63, %cond3A_64 : i32
    scf.if %cond3A_65 {
      %dma_wait3A = arith.constant 72 : i32
      %dma_wait3A_106 = arith.constant 0 : i32
      %dma_wait3A_107 = tpu.memref_slice %arg5[%dma_wait3A, %dma_wait3A_106] : memref<79x128xi32, #tpu.memory_space<vmem>> -> memref<1x128xi32, #tpu.memory_space<vmem>>
      %dma_wait3A_108 = tpu.memref_squeeze %dma_wait3A_107 : memref<1x128xi32, #tpu.memory_space<vmem>> -> memref<128xi32, #tpu.memory_space<vmem>>
      %dma_wait3A_109 = arith.constant 0 : i32
      %dma_wait3A_110 = arith.constant 0 : i32
      %dma_wait3A_111 = tpu.memref_slice %arg7[%dma_wait3A_109, %dma_wait3A_110] : memref<10000x16xf32, #tpu.memory_space<vmem_shared>> -> memref<10000x16xf32, #tpu.memory_space<vmem_shared>>
      tpu.wait_indirect_dma semaphore(%arg8 : memref<!tpu.dma_semaphore, #tpu.memory_space<semaphore_mem>>) src(%arg6 : memref<128x16xf32, #tpu.memory_space<vmem>>) dst(%dma_wait3A_111 : memref<10000x16xf32, #tpu.memory_space<vmem_shared>>)
    } else {
    }
    %gt3A_66 = arith.constant 73 : i32
    %gt3A_67 = arith.cmpi sgt, %add3A_8, %gt3A_66 : i32
    %convert_element_type3A_68 = arith.extui %gt3A_67 : i1 to i32
    %cond3A_69 = arith.constant 0 : i32
    %cond3A_70 = arith.cmpi ne, %convert_element_type3A_68, %cond3A_69 : i32
    scf.if %cond3A_70 {
      %dma_wait3A = arith.constant 73 : i32
      %dma_wait3A_106 = arith.constant 0 : i32
      %dma_wait3A_107 = tpu.memref_slice %arg5[%dma_wait3A, %dma_wait3A_106] : memref<79x128xi32, #tpu.memory_space<vmem>> -> memref<1x128xi32, #tpu.memory_space<vmem>>
      %dma_wait3A_108 = tpu.memref_squeeze %dma_wait3A_107 : memref<1x128xi32, #tpu.memory_space<vmem>> -> memref<128xi32, #tpu.memory_space<vmem>>
      %dma_wait3A_109 = arith.constant 0 : i32
      %dma_wait3A_110 = arith.constant 0 : i32
      %dma_wait3A_111 = tpu.memref_slice %arg7[%dma_wait3A_109, %dma_wait3A_110] : memref<10000x16xf32, #tpu.memory_space<vmem_shared>> -> memref<10000x16xf32, #tpu.memory_space<vmem_shared>>
      tpu.wait_indirect_dma semaphore(%arg8 : memref<!tpu.dma_semaphore, #tpu.memory_space<semaphore_mem>>) src(%arg6 : memref<128x16xf32, #tpu.memory_space<vmem>>) dst(%dma_wait3A_111 : memref<10000x16xf32, #tpu.memory_space<vmem_shared>>)
    } else {
    }
    %gt3A_71 = arith.constant 74 : i32
    %gt3A_72 = arith.cmpi sgt, %add3A_8, %gt3A_71 : i32
    %convert_element_type3A_73 = arith.extui %gt3A_72 : i1 to i32
    %cond3A_74 = arith.constant 0 : i32
    %cond3A_75 = arith.cmpi ne, %convert_element_type3A_73, %cond3A_74 : i32
    scf.if %cond3A_75 {
      %dma_wait3A = arith.constant 74 : i32
      %dma_wait3A_106 = arith.constant 0 : i32
      %dma_wait3A_107 = tpu.memref_slice %arg5[%dma_wait3A, %dma_wait3A_106] : memref<79x128xi32, #tpu.memory_space<vmem>> -> memref<1x128xi32, #tpu.memory_space<vmem>>
      %dma_wait3A_108 = tpu.memref_squeeze %dma_wait3A_107 : memref<1x128xi32, #tpu.memory_space<vmem>> -> memref<128xi32, #tpu.memory_space<vmem>>
      %dma_wait3A_109 = arith.constant 0 : i32
      %dma_wait3A_110 = arith.constant 0 : i32
      %dma_wait3A_111 = tpu.memref_slice %arg7[%dma_wait3A_109, %dma_wait3A_110] : memref<10000x16xf32, #tpu.memory_space<vmem_shared>> -> memref<10000x16xf32, #tpu.memory_space<vmem_shared>>
      tpu.wait_indirect_dma semaphore(%arg8 : memref<!tpu.dma_semaphore, #tpu.memory_space<semaphore_mem>>) src(%arg6 : memref<128x16xf32, #tpu.memory_space<vmem>>) dst(%dma_wait3A_111 : memref<10000x16xf32, #tpu.memory_space<vmem_shared>>)
    } else {
    }
    %gt3A_76 = arith.constant 75 : i32
    %gt3A_77 = arith.cmpi sgt, %add3A_8, %gt3A_76 : i32
    %convert_element_type3A_78 = arith.extui %gt3A_77 : i1 to i32
    %cond3A_79 = arith.constant 0 : i32
    %cond3A_80 = arith.cmpi ne, %convert_element_type3A_78, %cond3A_79 : i32
    scf.if %cond3A_80 {
      %dma_wait3A = arith.constant 75 : i32
      %dma_wait3A_106 = arith.constant 0 : i32
      %dma_wait3A_107 = tpu.memref_slice %arg5[%dma_wait3A, %dma_wait3A_106] : memref<79x128xi32, #tpu.memory_space<vmem>> -> memref<1x128xi32, #tpu.memory_space<vmem>>
      %dma_wait3A_108 = tpu.memref_squeeze %dma_wait3A_107 : memref<1x128xi32, #tpu.memory_space<vmem>> -> memref<128xi32, #tpu.memory_space<vmem>>
      %dma_wait3A_109 = arith.constant 0 : i32
      %dma_wait3A_110 = arith.constant 0 : i32
      %dma_wait3A_111 = tpu.memref_slice %arg7[%dma_wait3A_109, %dma_wait3A_110] : memref<10000x16xf32, #tpu.memory_space<vmem_shared>> -> memref<10000x16xf32, #tpu.memory_space<vmem_shared>>
      tpu.wait_indirect_dma semaphore(%arg8 : memref<!tpu.dma_semaphore, #tpu.memory_space<semaphore_mem>>) src(%arg6 : memref<128x16xf32, #tpu.memory_space<vmem>>) dst(%dma_wait3A_111 : memref<10000x16xf32, #tpu.memory_space<vmem_shared>>)
    } else {
    }
    %gt3A_81 = arith.constant 76 : i32
    %gt3A_82 = arith.cmpi sgt, %add3A_8, %gt3A_81 : i32
    %convert_element_type3A_83 = arith.extui %gt3A_82 : i1 to i32
    %cond3A_84 = arith.constant 0 : i32
    %cond3A_85 = arith.cmpi ne, %convert_element_type3A_83, %cond3A_84 : i32
    scf.if %cond3A_85 {
      %dma_wait3A = arith.constant 76 : i32
      %dma_wait3A_106 = arith.constant 0 : i32
      %dma_wait3A_107 = tpu.memref_slice %arg5[%dma_wait3A, %dma_wait3A_106] : memref<79x128xi32, #tpu.memory_space<vmem>> -> memref<1x128xi32, #tpu.memory_space<vmem>>
      %dma_wait3A_108 = tpu.memref_squeeze %dma_wait3A_107 : memref<1x128xi32, #tpu.memory_space<vmem>> -> memref<128xi32, #tpu.memory_space<vmem>>
      %dma_wait3A_109 = arith.constant 0 : i32
      %dma_wait3A_110 = arith.constant 0 : i32
      %dma_wait3A_111 = tpu.memref_slice %arg7[%dma_wait3A_109, %dma_wait3A_110] : memref<10000x16xf32, #tpu.memory_space<vmem_shared>> -> memref<10000x16xf32, #tpu.memory_space<vmem_shared>>
      tpu.wait_indirect_dma semaphore(%arg8 : memref<!tpu.dma_semaphore, #tpu.memory_space<semaphore_mem>>) src(%arg6 : memref<128x16xf32, #tpu.memory_space<vmem>>) dst(%dma_wait3A_111 : memref<10000x16xf32, #tpu.memory_space<vmem_shared>>)
    } else {
    }
    %gt3A_86 = arith.constant 77 : i32
    %gt3A_87 = arith.cmpi sgt, %add3A_8, %gt3A_86 : i32
    %convert_element_type3A_88 = arith.extui %gt3A_87 : i1 to i32
    %cond3A_89 = arith.constant 0 : i32
    %cond3A_90 = arith.cmpi ne, %convert_element_type3A_88, %cond3A_89 : i32
    scf.if %cond3A_90 {
      %dma_wait3A = arith.constant 77 : i32
      %dma_wait3A_106 = arith.constant 0 : i32
      %dma_wait3A_107 = tpu.memref_slice %arg5[%dma_wait3A, %dma_wait3A_106] : memref<79x128xi32, #tpu.memory_space<vmem>> -> memref<1x128xi32, #tpu.memory_space<vmem>>
      %dma_wait3A_108 = tpu.memref_squeeze %dma_wait3A_107 : memref<1x128xi32, #tpu.memory_space<vmem>> -> memref<128xi32, #tpu.memory_space<vmem>>
      %dma_wait3A_109 = arith.constant 0 : i32
      %dma_wait3A_110 = arith.constant 0 : i32
      %dma_wait3A_111 = tpu.memref_slice %arg7[%dma_wait3A_109, %dma_wait3A_110] : memref<10000x16xf32, #tpu.memory_space<vmem_shared>> -> memref<10000x16xf32, #tpu.memory_space<vmem_shared>>
      tpu.wait_indirect_dma semaphore(%arg8 : memref<!tpu.dma_semaphore, #tpu.memory_space<semaphore_mem>>) src(%arg6 : memref<128x16xf32, #tpu.memory_space<vmem>>) dst(%dma_wait3A_111 : memref<10000x16xf32, #tpu.memory_space<vmem_shared>>)
    } else {
    }
    %gt3A_91 = arith.constant 78 : i32
    %gt3A_92 = arith.cmpi sgt, %add3A_8, %gt3A_91 : i32
    %convert_element_type3A_93 = arith.extui %gt3A_92 : i1 to i32
    %cond3A_94 = arith.constant 0 : i32
    %cond3A_95 = arith.cmpi ne, %convert_element_type3A_93, %cond3A_94 : i32
    scf.if %cond3A_95 {
      %dma_wait3A = arith.constant 78 : i32
      %dma_wait3A_106 = arith.constant 0 : i32
      %dma_wait3A_107 = tpu.memref_slice %arg5[%dma_wait3A, %dma_wait3A_106] : memref<79x128xi32, #tpu.memory_space<vmem>> -> memref<1x128xi32, #tpu.memory_space<vmem>>
      %dma_wait3A_108 = tpu.memref_squeeze %dma_wait3A_107 : memref<1x128xi32, #tpu.memory_space<vmem>> -> memref<128xi32, #tpu.memory_space<vmem>>
      %dma_wait3A_109 = arith.constant 0 : i32
      %dma_wait3A_110 = arith.constant 0 : i32
      %dma_wait3A_111 = tpu.memref_slice %arg7[%dma_wait3A_109, %dma_wait3A_110] : memref<10000x16xf32, #tpu.memory_space<vmem_shared>> -> memref<10000x16xf32, #tpu.memory_space<vmem_shared>>
      tpu.wait_indirect_dma semaphore(%arg8 : memref<!tpu.dma_semaphore, #tpu.memory_space<semaphore_mem>>) src(%arg6 : memref<128x16xf32, #tpu.memory_space<vmem>>) dst(%dma_wait3A_111 : memref<10000x16xf32, #tpu.memory_space<vmem_shared>>)
    } else {
    }
    %barrier3A_96 = arith.constant 0 : index
    tpu.barrier barrier_id(%barrier3A_96)
    %mul3A_97 = arith.constant 624 : i32
    %mul3A_98 = arith.muli %arg1, %mul3A_97 : i32
    %mul3A_99 = arith.constant 624 : i32
    %mul3A_100 = arith.muli %arg1, %mul3A_99 : i32
    "tpu.region"() ({
      %run_scoped3A_106 = tpu.sem_alloc : memref<!tpu.dma_semaphore, #tpu.memory_space<semaphore_mem>>
      %dma_start3A = arith.constant 0 : i32
      %dma_start3A_107 = tpu.memref_slice %arg4[%arg0, %mul3A_100, %dma_start3A] : memref<2x10000x16xf32, #tpu.memory_space<hbm>> -> memref<1x624x16xf32, #tpu.memory_space<hbm>>
      %dma_start3A_108 = tpu.memref_squeeze %dma_start3A_107 : memref<1x624x16xf32, #tpu.memory_space<hbm>> -> memref<624x16xf32, #tpu.memory_space<hbm>>
      %dma_start3A_109 = arith.constant 0 : i32
      %dma_start3A_110 = tpu.memref_slice %arg7[%mul3A_98, %dma_start3A_109] : memref<10000x16xf32, #tpu.memory_space<vmem_shared>> -> memref<624x16xf32, #tpu.memory_space<vmem_shared>>
      tpu.enqueue_dma source(%dma_start3A_110 : memref<624x16xf32, #tpu.memory_space<vmem_shared>>) target(%dma_start3A_108 : memref<624x16xf32, #tpu.memory_space<hbm>>) target_semaphore(%run_scoped3A_106 : memref<!tpu.dma_semaphore, #tpu.memory_space<semaphore_mem>>)
      %dma_wait3A = arith.constant 0 : i32
      %dma_wait3A_111 = tpu.memref_slice %arg4[%arg0, %mul3A_100, %dma_wait3A] : memref<2x10000x16xf32, #tpu.memory_space<hbm>> -> memref<1x624x16xf32, #tpu.memory_space<hbm>>
      %dma_wait3A_112 = tpu.memref_squeeze %dma_wait3A_111 : memref<1x624x16xf32, #tpu.memory_space<hbm>> -> memref<624x16xf32, #tpu.memory_space<hbm>>
      %dma_wait3A_113 = arith.constant 0 : i32
      %dma_wait3A_114 = tpu.memref_slice %arg7[%mul3A_98, %dma_wait3A_113] : memref<10000x16xf32, #tpu.memory_space<vmem_shared>> -> memref<624x16xf32, #tpu.memory_space<vmem_shared>>
      tpu.wait_dma2 semaphore(%run_scoped3A_106 : memref<!tpu.dma_semaphore, #tpu.memory_space<semaphore_mem>>) src(%dma_wait3A_114 : memref<624x16xf32, #tpu.memory_space<vmem_shared>>) dst(%dma_wait3A_112 : memref<624x16xf32, #tpu.memory_space<hbm>>)
      tpu.yield
    }) : () -> ()
    %eq3A_101 = arith.constant 15 : i32
    %eq3A_102 = arith.cmpi eq, %arg1, %eq3A_101 : i32
    %convert_element_type3A_103 = arith.extui %eq3A_102 : i1 to i32
    %cond3A_104 = arith.constant 0 : i32
    %cond3A_105 = arith.cmpi ne, %convert_element_type3A_103, %cond3A_104 : i32
    scf.if %cond3A_105 {
      "tpu.region"() ({
        %run_scoped3A_106 = tpu.sem_alloc : memref<!tpu.dma_semaphore, #tpu.memory_space<semaphore_mem>>
        %dma_start3A = arith.constant 9984 : i32
        %dma_start3A_107 = arith.constant 0 : i32
        %dma_start3A_108 = tpu.memref_slice %arg4[%arg0, %dma_start3A, %dma_start3A_107] : memref<2x10000x16xf32, #tpu.memory_space<hbm>> -> memref<1x16x16xf32, #tpu.memory_space<hbm>>
        %dma_start3A_109 = tpu.memref_squeeze %dma_start3A_108 : memref<1x16x16xf32, #tpu.memory_space<hbm>> -> memref<16x16xf32, #tpu.memory_space<hbm>>
        %dma_start3A_110 = arith.constant 9984 : i32
        %dma_start3A_111 = arith.constant 0 : i32
        %dma_start3A_112 = tpu.memref_slice %arg7[%dma_start3A_110, %dma_start3A_111] : memref<10000x16xf32, #tpu.memory_space<vmem_shared>> -> memref<16x16xf32, #tpu.memory_space<vmem_shared>>
        tpu.enqueue_dma source(%dma_start3A_112 : memref<16x16xf32, #tpu.memory_space<vmem_shared>>) target(%dma_start3A_109 : memref<16x16xf32, #tpu.memory_space<hbm>>) target_semaphore(%run_scoped3A_106 : memref<!tpu.dma_semaphore, #tpu.memory_space<semaphore_mem>>)
        %dma_wait3A = arith.constant 9984 : i32
        %dma_wait3A_113 = arith.constant 0 : i32
        %dma_wait3A_114 = tpu.memref_slice %arg4[%arg0, %dma_wait3A, %dma_wait3A_113] : memref<2x10000x16xf32, #tpu.memory_space<hbm>> -> memref<1x16x16xf32, #tpu.memory_space<hbm>>
        %dma_wait3A_115 = tpu.memref_squeeze %dma_wait3A_114 : memref<1x16x16xf32, #tpu.memory_space<hbm>> -> memref<16x16xf32, #tpu.memory_space<hbm>>
        %dma_wait3A_116 = arith.constant 9984 : i32
        %dma_wait3A_117 = arith.constant 0 : i32
        %dma_wait3A_118 = tpu.memref_slice %arg7[%dma_wait3A_116, %dma_wait3A_117] : memref<10000x16xf32, #tpu.memory_space<vmem_shared>> -> memref<16x16xf32, #tpu.memory_space<vmem_shared>>
        tpu.wait_dma2 semaphore(%run_scoped3A_106 : memref<!tpu.dma_semaphore, #tpu.memory_space<semaphore_mem>>) src(%dma_wait3A_118 : memref<16x16xf32, #tpu.memory_space<vmem_shared>>) dst(%dma_wait3A_115 : memref<16x16xf32, #tpu.memory_space<hbm>>)
        tpu.yield
      }) : () -> ()
    } else {
    }
    return
  }
}

#map = affine_map<(d0, d1) -> (0, 0)>
#map1 = affine_map<(d0, d1) -> (0, 0, 0)>
module attributes {stable_mosaic.version = 14 : i64} {
  func.func @agg(%arg0: i32, %arg1: i32, %arg2: memref<10000x128xf32, #tpu.memory_space<hbm>>, %arg3: memref<2x2500x128xi32, #tpu.memory_space<hbm>>, %arg4: memref<632x128xf32, #tpu.memory_space<hbm>>, %arg5: memref<2x10000x128xf32, #tpu.memory_space<hbm>>, %arg6: memref<40x128xi32, #tpu.memory_space<vmem>>, %arg7: memref<40x128xi32, #tpu.memory_space<vmem>>, %arg8: memref<128x128xf32, #tpu.memory_space<vmem>>, %arg9: memref<128x128xf32, #tpu.memory_space<vmem>>, %arg10: memref<10000x128xf32, #tpu.memory_space<vmem_shared>>, %arg11: memref<!tpu.dma_semaphore, #tpu.memory_space<semaphore_mem>>, %arg12: memref<!tpu.dma_semaphore, #tpu.memory_space<semaphore_mem>>) attributes {dimension_semantics = [#tpu.dimension_semantics<core_parallel>, #tpu.dimension_semantics<subcore_parallel>], iteration_bounds = array<i64: 2, 16>, scalar_prefetch = 0 : i64, scratch_operands = 7 : i64, tpu.core_type = #tpu.core_type<sc_vector_subcore>, window_params = [{transform_indices = #map}, {transform_indices = #map1}, {transform_indices = #map}, {transform_indices = #map1}]} {
    %mul3A = arith.constant 16 : i32
    %mul3A_0 = arith.muli %arg0, %mul3A : i32
    %add3A = arith.addi %mul3A_0, %arg1 : i32
    %mul3A_1 = arith.constant 78 : i32
    %mul3A_2 = arith.muli %mul3A_1, %add3A : i32
    %sub3A = arith.constant 28 : i32
    %sub3A_3 = arith.subi %add3A, %sub3A : i32
    %max3A = arith.constant 0 : i32
    %max3A_4 = arith.maxsi %sub3A_3, %max3A : i32
    %add3A_5 = arith.addi %mul3A_2, %max3A_4 : i32
    %ge3A = arith.constant 28 : i32
    %ge3A_6 = arith.cmpi sge, %add3A, %ge3A : i32
    %convert_element_type3A = arith.extui %ge3A_6 : i1 to i32
    %add3A_7 = arith.constant 78 : i32
    %add3A_8 = arith.addi %add3A_7, %convert_element_type3A : i32
    %lt3A = arith.constant 15 : i32
    %lt3A_9 = arith.cmpi slt, %arg1, %lt3A : i32
    %convert_element_type3A_10 = arith.extui %lt3A_9 : i1 to i32
    %cond3A = arith.constant 0 : i32
    %cond3A_11 = arith.cmpi ne, %convert_element_type3A_10, %cond3A : i32
    scf.if %cond3A_11 {
      %mul3A_114 = arith.constant 632 : i32
      %mul3A_115 = arith.muli %arg1, %mul3A_114 : i32
      "tpu.region"() ({
        %run_scoped3A_116 = tpu.sem_alloc : memref<!tpu.dma_semaphore, #tpu.memory_space<semaphore_mem>>
        %dma_start3A_117 = arith.constant 0 : i32
        %dma_start3A_118 = tpu.memref_slice %arg10[%mul3A_115, %dma_start3A_117] : memref<10000x128xf32, #tpu.memory_space<vmem_shared>> -> memref<632x128xf32, #tpu.memory_space<vmem_shared>>
        tpu.enqueue_dma source(%arg4 : memref<632x128xf32, #tpu.memory_space<hbm>>) target(%dma_start3A_118 : memref<632x128xf32, #tpu.memory_space<vmem_shared>>) target_semaphore(%run_scoped3A_116 : memref<!tpu.dma_semaphore, #tpu.memory_space<semaphore_mem>>)
        %dma_wait3A = arith.constant 0 : i32
        %dma_wait3A_119 = tpu.memref_slice %arg10[%mul3A_115, %dma_wait3A] : memref<10000x128xf32, #tpu.memory_space<vmem_shared>> -> memref<632x128xf32, #tpu.memory_space<vmem_shared>>
        tpu.wait_dma2 semaphore(%run_scoped3A_116 : memref<!tpu.dma_semaphore, #tpu.memory_space<semaphore_mem>>) src(%arg4 : memref<632x128xf32, #tpu.memory_space<hbm>>) dst(%dma_wait3A_119 : memref<632x128xf32, #tpu.memory_space<vmem_shared>>)
        tpu.yield
      }) : () -> ()
    } else {
    }
    %eq3A = arith.constant 15 : i32
    %eq3A_12 = arith.cmpi eq, %arg1, %eq3A : i32
    %convert_element_type3A_13 = arith.extui %eq3A_12 : i1 to i32
    %cond3A_14 = arith.constant 0 : i32
    %cond3A_15 = arith.cmpi ne, %convert_element_type3A_13, %cond3A_14 : i32
    scf.if %cond3A_15 {
      "tpu.region"() ({
        %run_scoped3A_114 = tpu.sem_alloc : memref<!tpu.dma_semaphore, #tpu.memory_space<semaphore_mem>>
        %dma_start3A_115 = arith.constant 9480 : i32
        %dma_start3A_116 = arith.constant 0 : i32
        %dma_start3A_117 = tpu.memref_slice %arg10[%dma_start3A_115, %dma_start3A_116] : memref<10000x128xf32, #tpu.memory_space<vmem_shared>> -> memref<520x128xf32, #tpu.memory_space<vmem_shared>>
        %dma_start3A_118 = arith.constant 0 : i32
        %dma_start3A_119 = arith.constant 0 : i32
        %dma_start3A_120 = tpu.memref_slice %arg4[%dma_start3A_118, %dma_start3A_119] : memref<632x128xf32, #tpu.memory_space<hbm>> -> memref<520x128xf32, #tpu.memory_space<hbm>>
        tpu.enqueue_dma source(%dma_start3A_120 : memref<520x128xf32, #tpu.memory_space<hbm>>) target(%dma_start3A_117 : memref<520x128xf32, #tpu.memory_space<vmem_shared>>) target_semaphore(%run_scoped3A_114 : memref<!tpu.dma_semaphore, #tpu.memory_space<semaphore_mem>>)
        %dma_wait3A = arith.constant 9480 : i32
        %dma_wait3A_121 = arith.constant 0 : i32
        %dma_wait3A_122 = tpu.memref_slice %arg10[%dma_wait3A, %dma_wait3A_121] : memref<10000x128xf32, #tpu.memory_space<vmem_shared>> -> memref<520x128xf32, #tpu.memory_space<vmem_shared>>
        %dma_wait3A_123 = arith.constant 0 : i32
        %dma_wait3A_124 = arith.constant 0 : i32
        %dma_wait3A_125 = tpu.memref_slice %arg4[%dma_wait3A_123, %dma_wait3A_124] : memref<632x128xf32, #tpu.memory_space<hbm>> -> memref<520x128xf32, #tpu.memory_space<hbm>>
        tpu.wait_dma2 semaphore(%run_scoped3A_114 : memref<!tpu.dma_semaphore, #tpu.memory_space<semaphore_mem>>) src(%dma_wait3A_125 : memref<520x128xf32, #tpu.memory_space<hbm>>) dst(%dma_wait3A_122 : memref<520x128xf32, #tpu.memory_space<vmem_shared>>)
        tpu.yield
      }) : () -> ()
    } else {
    }
    %run_scoped3A = arith.constant 0 : i32
    "tpu.region"() ({
      %run_scoped3A_114 = tpu.sem_alloc : memref<!tpu.dma_semaphore, #tpu.memory_space<semaphore_mem>>
      %dma_start3A_115 = arith.constant 0 : i32
      %dma_start3A_116 = tpu.memref_slice %arg3[%run_scoped3A, %add3A_5, %dma_start3A_115] : memref<2x2500x128xi32, #tpu.memory_space<hbm>> -> memref<1x40x128xi32, #tpu.memory_space<hbm>>
      %dma_start3A_117 = tpu.memref_squeeze %dma_start3A_116 : memref<1x40x128xi32, #tpu.memory_space<hbm>> -> memref<40x128xi32, #tpu.memory_space<hbm>>
      %dma_start3A_118 = arith.constant 0 : i32
      %dma_start3A_119 = tpu.memref_slice %arg3[%run_scoped3A, %add3A_5, %dma_start3A_118] : memref<2x2500x128xi32, #tpu.memory_space<hbm>> -> memref<1x40x128xi32, #tpu.memory_space<hbm>>
      %dma_start3A_120 = tpu.memref_squeeze %dma_start3A_119 : memref<1x40x128xi32, #tpu.memory_space<hbm>> -> memref<40x128xi32, #tpu.memory_space<hbm>>
      tpu.enqueue_dma source(%dma_start3A_120 : memref<40x128xi32, #tpu.memory_space<hbm>>) target(%arg6 : memref<40x128xi32, #tpu.memory_space<vmem>>) target_semaphore(%run_scoped3A_114 : memref<!tpu.dma_semaphore, #tpu.memory_space<semaphore_mem>>)
      %dma_wait3A = arith.constant 0 : i32
      %dma_wait3A_121 = tpu.memref_slice %arg3[%run_scoped3A, %add3A_5, %dma_wait3A] : memref<2x2500x128xi32, #tpu.memory_space<hbm>> -> memref<1x40x128xi32, #tpu.memory_space<hbm>>
      %dma_wait3A_122 = tpu.memref_squeeze %dma_wait3A_121 : memref<1x40x128xi32, #tpu.memory_space<hbm>> -> memref<40x128xi32, #tpu.memory_space<hbm>>
      %dma_wait3A_123 = arith.constant 0 : i32
      %dma_wait3A_124 = tpu.memref_slice %arg3[%run_scoped3A, %add3A_5, %dma_wait3A_123] : memref<2x2500x128xi32, #tpu.memory_space<hbm>> -> memref<1x40x128xi32, #tpu.memory_space<hbm>>
      %dma_wait3A_125 = tpu.memref_squeeze %dma_wait3A_124 : memref<1x40x128xi32, #tpu.memory_space<hbm>> -> memref<40x128xi32, #tpu.memory_space<hbm>>
      tpu.wait_dma2 semaphore(%run_scoped3A_114 : memref<!tpu.dma_semaphore, #tpu.memory_space<semaphore_mem>>) src(%dma_wait3A_125 : memref<40x128xi32, #tpu.memory_space<hbm>>) dst(%arg6 : memref<40x128xi32, #tpu.memory_space<vmem>>)
      tpu.yield
    }) : () -> ()
    %run_scoped3A_16 = arith.constant 1 : i32
    "tpu.region"() ({
      %run_scoped3A_114 = tpu.sem_alloc : memref<!tpu.dma_semaphore, #tpu.memory_space<semaphore_mem>>
      %dma_start3A_115 = arith.constant 0 : i32
      %dma_start3A_116 = tpu.memref_slice %arg3[%run_scoped3A_16, %add3A_5, %dma_start3A_115] : memref<2x2500x128xi32, #tpu.memory_space<hbm>> -> memref<1x40x128xi32, #tpu.memory_space<hbm>>
      %dma_start3A_117 = tpu.memref_squeeze %dma_start3A_116 : memref<1x40x128xi32, #tpu.memory_space<hbm>> -> memref<40x128xi32, #tpu.memory_space<hbm>>
      %dma_start3A_118 = arith.constant 0 : i32
      %dma_start3A_119 = tpu.memref_slice %arg3[%run_scoped3A_16, %add3A_5, %dma_start3A_118] : memref<2x2500x128xi32, #tpu.memory_space<hbm>> -> memref<1x40x128xi32, #tpu.memory_space<hbm>>
      %dma_start3A_120 = tpu.memref_squeeze %dma_start3A_119 : memref<1x40x128xi32, #tpu.memory_space<hbm>> -> memref<40x128xi32, #tpu.memory_space<hbm>>
      tpu.enqueue_dma source(%dma_start3A_120 : memref<40x128xi32, #tpu.memory_space<hbm>>) target(%arg7 : memref<40x128xi32, #tpu.memory_space<vmem>>) target_semaphore(%run_scoped3A_114 : memref<!tpu.dma_semaphore, #tpu.memory_space<semaphore_mem>>)
      %dma_wait3A = arith.constant 0 : i32
      %dma_wait3A_121 = tpu.memref_slice %arg3[%run_scoped3A_16, %add3A_5, %dma_wait3A] : memref<2x2500x128xi32, #tpu.memory_space<hbm>> -> memref<1x40x128xi32, #tpu.memory_space<hbm>>
      %dma_wait3A_122 = tpu.memref_squeeze %dma_wait3A_121 : memref<1x40x128xi32, #tpu.memory_space<hbm>> -> memref<40x128xi32, #tpu.memory_space<hbm>>
      %dma_wait3A_123 = arith.constant 0 : i32
      %dma_wait3A_124 = tpu.memref_slice %arg3[%run_scoped3A_16, %add3A_5, %dma_wait3A_123] : memref<2x2500x128xi32, #tpu.memory_space<hbm>> -> memref<1x40x128xi32, #tpu.memory_space<hbm>>
      %dma_wait3A_125 = tpu.memref_squeeze %dma_wait3A_124 : memref<1x40x128xi32, #tpu.memory_space<hbm>> -> memref<40x128xi32, #tpu.memory_space<hbm>>
      tpu.wait_dma2 semaphore(%run_scoped3A_114 : memref<!tpu.dma_semaphore, #tpu.memory_space<semaphore_mem>>) src(%dma_wait3A_125 : memref<40x128xi32, #tpu.memory_space<hbm>>) dst(%arg7 : memref<40x128xi32, #tpu.memory_space<vmem>>)
      tpu.yield
    }) : () -> ()
    %barrier3A = arith.constant 0 : index
    tpu.barrier barrier_id(%barrier3A)
    %add3A_17 = arith.constant 0 : i32
    %add3A_18 = arith.constant 0 : i32
    %add3A_19 = arith.addi %add3A_17, %add3A_18 : i32
    %dma_start3A = arith.constant 0 : i32
    %dma_start3A_20 = tpu.memref_slice %arg6[%add3A_19, %dma_start3A] : memref<40x128xi32, #tpu.memory_space<vmem>> -> memref<1x128xi32, #tpu.memory_space<vmem>>
    %dma_start3A_21 = tpu.memref_squeeze %dma_start3A_20 : memref<1x128xi32, #tpu.memory_space<vmem>> -> memref<128xi32, #tpu.memory_space<vmem>>
    %dma_start3A_22 = arith.constant 0 : i32
    %dma_start3A_23 = arith.constant 0 : i32
    %dma_start3A_24 = tpu.memref_slice %arg2[%dma_start3A_22, %dma_start3A_23] : memref<10000x128xf32, #tpu.memory_space<hbm>> -> memref<10000x128xf32, #tpu.memory_space<hbm>>
    tpu.enqueue_indirect_dma source(%dma_start3A_24 : memref<10000x128xf32, #tpu.memory_space<hbm>>) target(%arg8 : memref<128x128xf32, #tpu.memory_space<vmem>>) offsets(%dma_start3A_21 : memref<128xi32, #tpu.memory_space<vmem>>) semaphore(%arg11 : memref<!tpu.dma_semaphore, #tpu.memory_space<semaphore_mem>>)
    %add3A_25 = arith.constant 0 : i32
    %add3A_26 = arith.constant 1 : i32
    %add3A_27 = arith.addi %add3A_25, %add3A_26 : i32
    %dma_start3A_28 = arith.constant 0 : i32
    %dma_start3A_29 = tpu.memref_slice %arg6[%add3A_27, %dma_start3A_28] : memref<40x128xi32, #tpu.memory_space<vmem>> -> memref<1x128xi32, #tpu.memory_space<vmem>>
    %dma_start3A_30 = tpu.memref_squeeze %dma_start3A_29 : memref<1x128xi32, #tpu.memory_space<vmem>> -> memref<128xi32, #tpu.memory_space<vmem>>
    %dma_start3A_31 = arith.constant 0 : i32
    %dma_start3A_32 = arith.constant 0 : i32
    %dma_start3A_33 = tpu.memref_slice %arg2[%dma_start3A_31, %dma_start3A_32] : memref<10000x128xf32, #tpu.memory_space<hbm>> -> memref<10000x128xf32, #tpu.memory_space<hbm>>
    tpu.enqueue_indirect_dma source(%dma_start3A_33 : memref<10000x128xf32, #tpu.memory_space<hbm>>) target(%arg9 : memref<128x128xf32, #tpu.memory_space<vmem>>) offsets(%dma_start3A_30 : memref<128xi32, #tpu.memory_space<vmem>>) semaphore(%arg12 : memref<!tpu.dma_semaphore, #tpu.memory_space<semaphore_mem>>)
    %scan3A = arith.constant 0 : i32
    %scan3A_34 = arith.constant 0 : i32
    %scan3A_35 = arith.constant 40 : i32
    %scan3A_36 = arith.constant 0 : i32
    %scan3A_37 = arith.constant 19 : i32
    %scan3A_38 = arith.addi %scan3A_36, %scan3A_37 : i32
    %scan3A_39 = arith.constant 1 : i32
    scf.for %scan3A_114 = %scan3A_36 to %scan3A_38 step %scan3A_39  : i32 {
      %mul3A_115 = arith.constant 2 : i32
      %mul3A_116 = arith.muli %scan3A_114, %mul3A_115 : i32
      %add3A_117 = arith.constant 0 : i32
      %add3A_118 = arith.addi %mul3A_116, %add3A_117 : i32
      %add3A_119 = arith.addi %scan3A_34, %add3A_118 : i32
      %dma_wait3A = arith.constant 0 : i32
      %dma_wait3A_120 = tpu.memref_slice %arg6[%add3A_119, %dma_wait3A] : memref<40x128xi32, #tpu.memory_space<vmem>> -> memref<1x128xi32, #tpu.memory_space<vmem>>
      %dma_wait3A_121 = tpu.memref_squeeze %dma_wait3A_120 : memref<1x128xi32, #tpu.memory_space<vmem>> -> memref<128xi32, #tpu.memory_space<vmem>>
      %dma_wait3A_122 = arith.constant 0 : i32
      %dma_wait3A_123 = arith.constant 0 : i32
      %dma_wait3A_124 = tpu.memref_slice %arg2[%dma_wait3A_122, %dma_wait3A_123] : memref<10000x128xf32, #tpu.memory_space<hbm>> -> memref<10000x128xf32, #tpu.memory_space<hbm>>
      tpu.wait_indirect_dma semaphore(%arg11 : memref<!tpu.dma_semaphore, #tpu.memory_space<semaphore_mem>>) src(%dma_wait3A_124 : memref<10000x128xf32, #tpu.memory_space<hbm>>) dst(%arg8 : memref<128x128xf32, #tpu.memory_space<vmem>>)
      %add3A_125 = arith.addi %scan3A_34, %add3A_118 : i32
      "tpu.region"() ({
        %run_scoped3A_150 = tpu.sem_alloc : memref<!tpu.dma_semaphore, #tpu.memory_space<semaphore_mem>>
        %dma_start3A_151 = arith.constant 0 : i32
        %dma_start3A_152 = tpu.memref_slice %arg7[%add3A_125, %dma_start3A_151] : memref<40x128xi32, #tpu.memory_space<vmem>> -> memref<1x128xi32, #tpu.memory_space<vmem>>
        %dma_start3A_153 = tpu.memref_squeeze %dma_start3A_152 : memref<1x128xi32, #tpu.memory_space<vmem>> -> memref<128xi32, #tpu.memory_space<vmem>>
        %dma_start3A_154 = arith.constant 0 : i32
        %dma_start3A_155 = arith.constant 0 : i32
        %dma_start3A_156 = tpu.memref_slice %arg10[%dma_start3A_154, %dma_start3A_155] : memref<10000x128xf32, #tpu.memory_space<vmem_shared>> -> memref<10000x128xf32, #tpu.memory_space<vmem_shared>>
        tpu.enqueue_indirect_dma source(%arg8 : memref<128x128xf32, #tpu.memory_space<vmem>>) target(%dma_start3A_156 : memref<10000x128xf32, #tpu.memory_space<vmem_shared>>) offsets(%dma_start3A_153 : memref<128xi32, #tpu.memory_space<vmem>>) semaphore(%run_scoped3A_150 : memref<!tpu.dma_semaphore, #tpu.memory_space<semaphore_mem>>) {add = true}
        %dma_wait3A_157 = arith.constant 0 : i32
        %dma_wait3A_158 = tpu.memref_slice %arg7[%add3A_125, %dma_wait3A_157] : memref<40x128xi32, #tpu.memory_space<vmem>> -> memref<1x128xi32, #tpu.memory_space<vmem>>
        %dma_wait3A_159 = tpu.memref_squeeze %dma_wait3A_158 : memref<1x128xi32, #tpu.memory_space<vmem>> -> memref<128xi32, #tpu.memory_space<vmem>>
        %dma_wait3A_160 = arith.constant 0 : i32
        %dma_wait3A_161 = arith.constant 0 : i32
        %dma_wait3A_162 = tpu.memref_slice %arg10[%dma_wait3A_160, %dma_wait3A_161] : memref<10000x128xf32, #tpu.memory_space<vmem_shared>> -> memref<10000x128xf32, #tpu.memory_space<vmem_shared>>
        tpu.wait_indirect_dma semaphore(%run_scoped3A_150 : memref<!tpu.dma_semaphore, #tpu.memory_space<semaphore_mem>>) src(%arg8 : memref<128x128xf32, #tpu.memory_space<vmem>>) dst(%dma_wait3A_162 : memref<10000x128xf32, #tpu.memory_space<vmem_shared>>)
        tpu.yield
      }) : () -> ()
      %add3A_126 = arith.constant 2 : i32
      %add3A_127 = arith.addi %add3A_118, %add3A_126 : i32
      %lt3A_128 = arith.cmpi slt, %add3A_127, %scan3A_35 : i32
      %convert_element_type3A_129 = arith.extui %lt3A_128 : i1 to i32
      %cond3A_130 = arith.constant 0 : i32
      %cond3A_131 = arith.cmpi ne, %convert_element_type3A_129, %cond3A_130 : i32
      scf.if %cond3A_131 {
        %add3A_150 = arith.addi %scan3A_34, %add3A_118 : i32
        %add3A_151 = arith.constant 2 : i32
        %add3A_152 = arith.addi %add3A_150, %add3A_151 : i32
        %dma_start3A_153 = arith.constant 0 : i32
        %dma_start3A_154 = tpu.memref_slice %arg6[%add3A_152, %dma_start3A_153] : memref<40x128xi32, #tpu.memory_space<vmem>> -> memref<1x128xi32, #tpu.memory_space<vmem>>
        %dma_start3A_155 = tpu.memref_squeeze %dma_start3A_154 : memref<1x128xi32, #tpu.memory_space<vmem>> -> memref<128xi32, #tpu.memory_space<vmem>>
        %dma_start3A_156 = arith.constant 0 : i32
        %dma_start3A_157 = arith.constant 0 : i32
        %dma_start3A_158 = tpu.memref_slice %arg2[%dma_start3A_156, %dma_start3A_157] : memref<10000x128xf32, #tpu.memory_space<hbm>> -> memref<10000x128xf32, #tpu.memory_space<hbm>>
        tpu.enqueue_indirect_dma source(%dma_start3A_158 : memref<10000x128xf32, #tpu.memory_space<hbm>>) target(%arg8 : memref<128x128xf32, #tpu.memory_space<vmem>>) offsets(%dma_start3A_155 : memref<128xi32, #tpu.memory_space<vmem>>) semaphore(%arg11 : memref<!tpu.dma_semaphore, #tpu.memory_space<semaphore_mem>>)
      } else {
      }
      %mul3A_132 = arith.constant 2 : i32
      %mul3A_133 = arith.muli %scan3A_114, %mul3A_132 : i32
      %add3A_134 = arith.constant 1 : i32
      %add3A_135 = arith.addi %mul3A_133, %add3A_134 : i32
      %add3A_136 = arith.addi %scan3A_34, %add3A_135 : i32
      %dma_wait3A_137 = arith.constant 0 : i32
      %dma_wait3A_138 = tpu.memref_slice %arg6[%add3A_136, %dma_wait3A_137] : memref<40x128xi32, #tpu.memory_space<vmem>> -> memref<1x128xi32, #tpu.memory_space<vmem>>
      %dma_wait3A_139 = tpu.memref_squeeze %dma_wait3A_138 : memref<1x128xi32, #tpu.memory_space<vmem>> -> memref<128xi32, #tpu.memory_space<vmem>>
      %dma_wait3A_140 = arith.constant 0 : i32
      %dma_wait3A_141 = arith.constant 0 : i32
      %dma_wait3A_142 = tpu.memref_slice %arg2[%dma_wait3A_140, %dma_wait3A_141] : memref<10000x128xf32, #tpu.memory_space<hbm>> -> memref<10000x128xf32, #tpu.memory_space<hbm>>
      tpu.wait_indirect_dma semaphore(%arg12 : memref<!tpu.dma_semaphore, #tpu.memory_space<semaphore_mem>>) src(%dma_wait3A_142 : memref<10000x128xf32, #tpu.memory_space<hbm>>) dst(%arg9 : memref<128x128xf32, #tpu.memory_space<vmem>>)
      %add3A_143 = arith.addi %scan3A_34, %add3A_135 : i32
      "tpu.region"() ({
        %run_scoped3A_150 = tpu.sem_alloc : memref<!tpu.dma_semaphore, #tpu.memory_space<semaphore_mem>>
        %dma_start3A_151 = arith.constant 0 : i32
        %dma_start3A_152 = tpu.memref_slice %arg7[%add3A_143, %dma_start3A_151] : memref<40x128xi32, #tpu.memory_space<vmem>> -> memref<1x128xi32, #tpu.memory_space<vmem>>
        %dma_start3A_153 = tpu.memref_squeeze %dma_start3A_152 : memref<1x128xi32, #tpu.memory_space<vmem>> -> memref<128xi32, #tpu.memory_space<vmem>>
        %dma_start3A_154 = arith.constant 0 : i32
        %dma_start3A_155 = arith.constant 0 : i32
        %dma_start3A_156 = tpu.memref_slice %arg10[%dma_start3A_154, %dma_start3A_155] : memref<10000x128xf32, #tpu.memory_space<vmem_shared>> -> memref<10000x128xf32, #tpu.memory_space<vmem_shared>>
        tpu.enqueue_indirect_dma source(%arg9 : memref<128x128xf32, #tpu.memory_space<vmem>>) target(%dma_start3A_156 : memref<10000x128xf32, #tpu.memory_space<vmem_shared>>) offsets(%dma_start3A_153 : memref<128xi32, #tpu.memory_space<vmem>>) semaphore(%run_scoped3A_150 : memref<!tpu.dma_semaphore, #tpu.memory_space<semaphore_mem>>) {add = true}
        %dma_wait3A_157 = arith.constant 0 : i32
        %dma_wait3A_158 = tpu.memref_slice %arg7[%add3A_143, %dma_wait3A_157] : memref<40x128xi32, #tpu.memory_space<vmem>> -> memref<1x128xi32, #tpu.memory_space<vmem>>
        %dma_wait3A_159 = tpu.memref_squeeze %dma_wait3A_158 : memref<1x128xi32, #tpu.memory_space<vmem>> -> memref<128xi32, #tpu.memory_space<vmem>>
        %dma_wait3A_160 = arith.constant 0 : i32
        %dma_wait3A_161 = arith.constant 0 : i32
        %dma_wait3A_162 = tpu.memref_slice %arg10[%dma_wait3A_160, %dma_wait3A_161] : memref<10000x128xf32, #tpu.memory_space<vmem_shared>> -> memref<10000x128xf32, #tpu.memory_space<vmem_shared>>
        tpu.wait_indirect_dma semaphore(%run_scoped3A_150 : memref<!tpu.dma_semaphore, #tpu.memory_space<semaphore_mem>>) src(%arg9 : memref<128x128xf32, #tpu.memory_space<vmem>>) dst(%dma_wait3A_162 : memref<10000x128xf32, #tpu.memory_space<vmem_shared>>)
        tpu.yield
      }) : () -> ()
      %add3A_144 = arith.constant 2 : i32
      %add3A_145 = arith.addi %add3A_135, %add3A_144 : i32
      %lt3A_146 = arith.cmpi slt, %add3A_145, %scan3A_35 : i32
      %convert_element_type3A_147 = arith.extui %lt3A_146 : i1 to i32
      %cond3A_148 = arith.constant 0 : i32
      %cond3A_149 = arith.cmpi ne, %convert_element_type3A_147, %cond3A_148 : i32
      scf.if %cond3A_149 {
        %add3A_150 = arith.addi %scan3A_34, %add3A_135 : i32
        %add3A_151 = arith.constant 2 : i32
        %add3A_152 = arith.addi %add3A_150, %add3A_151 : i32
        %dma_start3A_153 = arith.constant 0 : i32
        %dma_start3A_154 = tpu.memref_slice %arg6[%add3A_152, %dma_start3A_153] : memref<40x128xi32, #tpu.memory_space<vmem>> -> memref<1x128xi32, #tpu.memory_space<vmem>>
        %dma_start3A_155 = tpu.memref_squeeze %dma_start3A_154 : memref<1x128xi32, #tpu.memory_space<vmem>> -> memref<128xi32, #tpu.memory_space<vmem>>
        %dma_start3A_156 = arith.constant 0 : i32
        %dma_start3A_157 = arith.constant 0 : i32
        %dma_start3A_158 = tpu.memref_slice %arg2[%dma_start3A_156, %dma_start3A_157] : memref<10000x128xf32, #tpu.memory_space<hbm>> -> memref<10000x128xf32, #tpu.memory_space<hbm>>
        tpu.enqueue_indirect_dma source(%dma_start3A_158 : memref<10000x128xf32, #tpu.memory_space<hbm>>) target(%arg9 : memref<128x128xf32, #tpu.memory_space<vmem>>) offsets(%dma_start3A_155 : memref<128xi32, #tpu.memory_space<vmem>>) semaphore(%arg12 : memref<!tpu.dma_semaphore, #tpu.memory_space<semaphore_mem>>)
      } else {
      }
    }
    %scan3A_40 = arith.constant 19 : i32
    %gt3A = arith.constant 40 : i32
    %gt3A_41 = arith.constant 38 : i32
    %gt3A_42 = arith.cmpi sgt, %gt3A, %gt3A_41 : i32
    %convert_element_type3A_43 = arith.extui %gt3A_42 : i1 to i32
    %cond3A_44 = arith.constant 0 : i32
    %cond3A_45 = arith.constant 40 : i32
    %cond3A_46 = arith.constant 0 : i32
    %cond3A_47 = arith.cmpi ne, %convert_element_type3A_43, %cond3A_46 : i32
    scf.if %cond3A_47 {
      %add3A_114 = arith.constant 38 : i32
      %add3A_115 = arith.addi %cond3A_44, %add3A_114 : i32
      %dma_wait3A = arith.constant 0 : i32
      %dma_wait3A_116 = tpu.memref_slice %arg6[%add3A_115, %dma_wait3A] : memref<40x128xi32, #tpu.memory_space<vmem>> -> memref<1x128xi32, #tpu.memory_space<vmem>>
      %dma_wait3A_117 = tpu.memref_squeeze %dma_wait3A_116 : memref<1x128xi32, #tpu.memory_space<vmem>> -> memref<128xi32, #tpu.memory_space<vmem>>
      %dma_wait3A_118 = arith.constant 0 : i32
      %dma_wait3A_119 = arith.constant 0 : i32
      %dma_wait3A_120 = tpu.memref_slice %arg2[%dma_wait3A_118, %dma_wait3A_119] : memref<10000x128xf32, #tpu.memory_space<hbm>> -> memref<10000x128xf32, #tpu.memory_space<hbm>>
      tpu.wait_indirect_dma semaphore(%arg11 : memref<!tpu.dma_semaphore, #tpu.memory_space<semaphore_mem>>) src(%dma_wait3A_120 : memref<10000x128xf32, #tpu.memory_space<hbm>>) dst(%arg8 : memref<128x128xf32, #tpu.memory_space<vmem>>)
      %add3A_121 = arith.constant 38 : i32
      %add3A_122 = arith.addi %cond3A_44, %add3A_121 : i32
      "tpu.region"() ({
        %run_scoped3A_128 = tpu.sem_alloc : memref<!tpu.dma_semaphore, #tpu.memory_space<semaphore_mem>>
        %dma_start3A_129 = arith.constant 0 : i32
        %dma_start3A_130 = tpu.memref_slice %arg7[%add3A_122, %dma_start3A_129] : memref<40x128xi32, #tpu.memory_space<vmem>> -> memref<1x128xi32, #tpu.memory_space<vmem>>
        %dma_start3A_131 = tpu.memref_squeeze %dma_start3A_130 : memref<1x128xi32, #tpu.memory_space<vmem>> -> memref<128xi32, #tpu.memory_space<vmem>>
        %dma_start3A_132 = arith.constant 0 : i32
        %dma_start3A_133 = arith.constant 0 : i32
        %dma_start3A_134 = tpu.memref_slice %arg10[%dma_start3A_132, %dma_start3A_133] : memref<10000x128xf32, #tpu.memory_space<vmem_shared>> -> memref<10000x128xf32, #tpu.memory_space<vmem_shared>>
        tpu.enqueue_indirect_dma source(%arg8 : memref<128x128xf32, #tpu.memory_space<vmem>>) target(%dma_start3A_134 : memref<10000x128xf32, #tpu.memory_space<vmem_shared>>) offsets(%dma_start3A_131 : memref<128xi32, #tpu.memory_space<vmem>>) semaphore(%run_scoped3A_128 : memref<!tpu.dma_semaphore, #tpu.memory_space<semaphore_mem>>) {add = true}
        %dma_wait3A_135 = arith.constant 0 : i32
        %dma_wait3A_136 = tpu.memref_slice %arg7[%add3A_122, %dma_wait3A_135] : memref<40x128xi32, #tpu.memory_space<vmem>> -> memref<1x128xi32, #tpu.memory_space<vmem>>
        %dma_wait3A_137 = tpu.memref_squeeze %dma_wait3A_136 : memref<1x128xi32, #tpu.memory_space<vmem>> -> memref<128xi32, #tpu.memory_space<vmem>>
        %dma_wait3A_138 = arith.constant 0 : i32
        %dma_wait3A_139 = arith.constant 0 : i32
        %dma_wait3A_140 = tpu.memref_slice %arg10[%dma_wait3A_138, %dma_wait3A_139] : memref<10000x128xf32, #tpu.memory_space<vmem_shared>> -> memref<10000x128xf32, #tpu.memory_space<vmem_shared>>
        tpu.wait_indirect_dma semaphore(%run_scoped3A_128 : memref<!tpu.dma_semaphore, #tpu.memory_space<semaphore_mem>>) src(%arg8 : memref<128x128xf32, #tpu.memory_space<vmem>>) dst(%dma_wait3A_140 : memref<10000x128xf32, #tpu.memory_space<vmem_shared>>)
        tpu.yield
      }) : () -> ()
      %gt3A_123 = arith.constant 40 : i32
      %gt3A_124 = arith.cmpi sgt, %cond3A_45, %gt3A_123 : i32
      %convert_element_type3A_125 = arith.extui %gt3A_124 : i1 to i32
      %cond3A_126 = arith.constant 0 : i32
      %cond3A_127 = arith.cmpi ne, %convert_element_type3A_125, %cond3A_126 : i32
      scf.if %cond3A_127 {
        %add3A_128 = arith.constant 38 : i32
        %add3A_129 = arith.addi %cond3A_44, %add3A_128 : i32
        %add3A_130 = arith.constant 2 : i32
        %add3A_131 = arith.addi %add3A_129, %add3A_130 : i32
        %dma_start3A_132 = arith.constant 0 : i32
        %dma_start3A_133 = tpu.memref_slice %arg6[%add3A_131, %dma_start3A_132] : memref<40x128xi32, #tpu.memory_space<vmem>> -> memref<1x128xi32, #tpu.memory_space<vmem>>
        %dma_start3A_134 = tpu.memref_squeeze %dma_start3A_133 : memref<1x128xi32, #tpu.memory_space<vmem>> -> memref<128xi32, #tpu.memory_space<vmem>>
        %dma_start3A_135 = arith.constant 0 : i32
        %dma_start3A_136 = arith.constant 0 : i32
        %dma_start3A_137 = tpu.memref_slice %arg2[%dma_start3A_135, %dma_start3A_136] : memref<10000x128xf32, #tpu.memory_space<hbm>> -> memref<10000x128xf32, #tpu.memory_space<hbm>>
        tpu.enqueue_indirect_dma source(%dma_start3A_137 : memref<10000x128xf32, #tpu.memory_space<hbm>>) target(%arg8 : memref<128x128xf32, #tpu.memory_space<vmem>>) offsets(%dma_start3A_134 : memref<128xi32, #tpu.memory_space<vmem>>) semaphore(%arg11 : memref<!tpu.dma_semaphore, #tpu.memory_space<semaphore_mem>>)
      } else {
      }
    } else {
    }
    %gt3A_48 = arith.constant 40 : i32
    %gt3A_49 = arith.constant 39 : i32
    %gt3A_50 = arith.cmpi sgt, %gt3A_48, %gt3A_49 : i32
    %convert_element_type3A_51 = arith.extui %gt3A_50 : i1 to i32
    %cond3A_52 = arith.constant 0 : i32
    %cond3A_53 = arith.constant 40 : i32
    %cond3A_54 = arith.constant 0 : i32
    %cond3A_55 = arith.cmpi ne, %convert_element_type3A_51, %cond3A_54 : i32
    scf.if %cond3A_55 {
      %add3A_114 = arith.constant 39 : i32
      %add3A_115 = arith.addi %cond3A_52, %add3A_114 : i32
      %dma_wait3A = arith.constant 0 : i32
      %dma_wait3A_116 = tpu.memref_slice %arg6[%add3A_115, %dma_wait3A] : memref<40x128xi32, #tpu.memory_space<vmem>> -> memref<1x128xi32, #tpu.memory_space<vmem>>
      %dma_wait3A_117 = tpu.memref_squeeze %dma_wait3A_116 : memref<1x128xi32, #tpu.memory_space<vmem>> -> memref<128xi32, #tpu.memory_space<vmem>>
      %dma_wait3A_118 = arith.constant 0 : i32
      %dma_wait3A_119 = arith.constant 0 : i32
      %dma_wait3A_120 = tpu.memref_slice %arg2[%dma_wait3A_118, %dma_wait3A_119] : memref<10000x128xf32, #tpu.memory_space<hbm>> -> memref<10000x128xf32, #tpu.memory_space<hbm>>
      tpu.wait_indirect_dma semaphore(%arg12 : memref<!tpu.dma_semaphore, #tpu.memory_space<semaphore_mem>>) src(%dma_wait3A_120 : memref<10000x128xf32, #tpu.memory_space<hbm>>) dst(%arg9 : memref<128x128xf32, #tpu.memory_space<vmem>>)
      %add3A_121 = arith.constant 39 : i32
      %add3A_122 = arith.addi %cond3A_52, %add3A_121 : i32
      "tpu.region"() ({
        %run_scoped3A_128 = tpu.sem_alloc : memref<!tpu.dma_semaphore, #tpu.memory_space<semaphore_mem>>
        %dma_start3A_129 = arith.constant 0 : i32
        %dma_start3A_130 = tpu.memref_slice %arg7[%add3A_122, %dma_start3A_129] : memref<40x128xi32, #tpu.memory_space<vmem>> -> memref<1x128xi32, #tpu.memory_space<vmem>>
        %dma_start3A_131 = tpu.memref_squeeze %dma_start3A_130 : memref<1x128xi32, #tpu.memory_space<vmem>> -> memref<128xi32, #tpu.memory_space<vmem>>
        %dma_start3A_132 = arith.constant 0 : i32
        %dma_start3A_133 = arith.constant 0 : i32
        %dma_start3A_134 = tpu.memref_slice %arg10[%dma_start3A_132, %dma_start3A_133] : memref<10000x128xf32, #tpu.memory_space<vmem_shared>> -> memref<10000x128xf32, #tpu.memory_space<vmem_shared>>
        tpu.enqueue_indirect_dma source(%arg9 : memref<128x128xf32, #tpu.memory_space<vmem>>) target(%dma_start3A_134 : memref<10000x128xf32, #tpu.memory_space<vmem_shared>>) offsets(%dma_start3A_131 : memref<128xi32, #tpu.memory_space<vmem>>) semaphore(%run_scoped3A_128 : memref<!tpu.dma_semaphore, #tpu.memory_space<semaphore_mem>>) {add = true}
        %dma_wait3A_135 = arith.constant 0 : i32
        %dma_wait3A_136 = tpu.memref_slice %arg7[%add3A_122, %dma_wait3A_135] : memref<40x128xi32, #tpu.memory_space<vmem>> -> memref<1x128xi32, #tpu.memory_space<vmem>>
        %dma_wait3A_137 = tpu.memref_squeeze %dma_wait3A_136 : memref<1x128xi32, #tpu.memory_space<vmem>> -> memref<128xi32, #tpu.memory_space<vmem>>
        %dma_wait3A_138 = arith.constant 0 : i32
        %dma_wait3A_139 = arith.constant 0 : i32
        %dma_wait3A_140 = tpu.memref_slice %arg10[%dma_wait3A_138, %dma_wait3A_139] : memref<10000x128xf32, #tpu.memory_space<vmem_shared>> -> memref<10000x128xf32, #tpu.memory_space<vmem_shared>>
        tpu.wait_indirect_dma semaphore(%run_scoped3A_128 : memref<!tpu.dma_semaphore, #tpu.memory_space<semaphore_mem>>) src(%arg9 : memref<128x128xf32, #tpu.memory_space<vmem>>) dst(%dma_wait3A_140 : memref<10000x128xf32, #tpu.memory_space<vmem_shared>>)
        tpu.yield
      }) : () -> ()
      %gt3A_123 = arith.constant 41 : i32
      %gt3A_124 = arith.cmpi sgt, %cond3A_53, %gt3A_123 : i32
      %convert_element_type3A_125 = arith.extui %gt3A_124 : i1 to i32
      %cond3A_126 = arith.constant 0 : i32
      %cond3A_127 = arith.cmpi ne, %convert_element_type3A_125, %cond3A_126 : i32
      scf.if %cond3A_127 {
        %add3A_128 = arith.constant 39 : i32
        %add3A_129 = arith.addi %cond3A_52, %add3A_128 : i32
        %add3A_130 = arith.constant 2 : i32
        %add3A_131 = arith.addi %add3A_129, %add3A_130 : i32
        %dma_start3A_132 = arith.constant 0 : i32
        %dma_start3A_133 = tpu.memref_slice %arg6[%add3A_131, %dma_start3A_132] : memref<40x128xi32, #tpu.memory_space<vmem>> -> memref<1x128xi32, #tpu.memory_space<vmem>>
        %dma_start3A_134 = tpu.memref_squeeze %dma_start3A_133 : memref<1x128xi32, #tpu.memory_space<vmem>> -> memref<128xi32, #tpu.memory_space<vmem>>
        %dma_start3A_135 = arith.constant 0 : i32
        %dma_start3A_136 = arith.constant 0 : i32
        %dma_start3A_137 = tpu.memref_slice %arg2[%dma_start3A_135, %dma_start3A_136] : memref<10000x128xf32, #tpu.memory_space<hbm>> -> memref<10000x128xf32, #tpu.memory_space<hbm>>
        tpu.enqueue_indirect_dma source(%dma_start3A_137 : memref<10000x128xf32, #tpu.memory_space<hbm>>) target(%arg9 : memref<128x128xf32, #tpu.memory_space<vmem>>) offsets(%dma_start3A_134 : memref<128xi32, #tpu.memory_space<vmem>>) semaphore(%arg12 : memref<!tpu.dma_semaphore, #tpu.memory_space<semaphore_mem>>)
      } else {
      }
    } else {
    }
    %add3A_56 = arith.addi %add3A_5, %add3A_8 : i32
    %sub3A_57 = arith.constant 40 : i32
    %sub3A_58 = arith.subi %add3A_56, %sub3A_57 : i32
    %run_scoped3A_59 = arith.constant 0 : i32
    "tpu.region"() ({
      %run_scoped3A_114 = tpu.sem_alloc : memref<!tpu.dma_semaphore, #tpu.memory_space<semaphore_mem>>
      %dma_start3A_115 = arith.constant 0 : i32
      %dma_start3A_116 = tpu.memref_slice %arg3[%run_scoped3A_59, %sub3A_58, %dma_start3A_115] : memref<2x2500x128xi32, #tpu.memory_space<hbm>> -> memref<1x40x128xi32, #tpu.memory_space<hbm>>
      %dma_start3A_117 = tpu.memref_squeeze %dma_start3A_116 : memref<1x40x128xi32, #tpu.memory_space<hbm>> -> memref<40x128xi32, #tpu.memory_space<hbm>>
      %dma_start3A_118 = arith.constant 0 : i32
      %dma_start3A_119 = tpu.memref_slice %arg3[%run_scoped3A_59, %sub3A_58, %dma_start3A_118] : memref<2x2500x128xi32, #tpu.memory_space<hbm>> -> memref<1x40x128xi32, #tpu.memory_space<hbm>>
      %dma_start3A_120 = tpu.memref_squeeze %dma_start3A_119 : memref<1x40x128xi32, #tpu.memory_space<hbm>> -> memref<40x128xi32, #tpu.memory_space<hbm>>
      tpu.enqueue_dma source(%dma_start3A_120 : memref<40x128xi32, #tpu.memory_space<hbm>>) target(%arg6 : memref<40x128xi32, #tpu.memory_space<vmem>>) target_semaphore(%run_scoped3A_114 : memref<!tpu.dma_semaphore, #tpu.memory_space<semaphore_mem>>)
      %dma_wait3A = arith.constant 0 : i32
      %dma_wait3A_121 = tpu.memref_slice %arg3[%run_scoped3A_59, %sub3A_58, %dma_wait3A] : memref<2x2500x128xi32, #tpu.memory_space<hbm>> -> memref<1x40x128xi32, #tpu.memory_space<hbm>>
      %dma_wait3A_122 = tpu.memref_squeeze %dma_wait3A_121 : memref<1x40x128xi32, #tpu.memory_space<hbm>> -> memref<40x128xi32, #tpu.memory_space<hbm>>
      %dma_wait3A_123 = arith.constant 0 : i32
      %dma_wait3A_124 = tpu.memref_slice %arg3[%run_scoped3A_59, %sub3A_58, %dma_wait3A_123] : memref<2x2500x128xi32, #tpu.memory_space<hbm>> -> memref<1x40x128xi32, #tpu.memory_space<hbm>>
      %dma_wait3A_125 = tpu.memref_squeeze %dma_wait3A_124 : memref<1x40x128xi32, #tpu.memory_space<hbm>> -> memref<40x128xi32, #tpu.memory_space<hbm>>
      tpu.wait_dma2 semaphore(%run_scoped3A_114 : memref<!tpu.dma_semaphore, #tpu.memory_space<semaphore_mem>>) src(%dma_wait3A_125 : memref<40x128xi32, #tpu.memory_space<hbm>>) dst(%arg6 : memref<40x128xi32, #tpu.memory_space<vmem>>)
      tpu.yield
    }) : () -> ()
    %run_scoped3A_60 = arith.constant 1 : i32
    "tpu.region"() ({
      %run_scoped3A_114 = tpu.sem_alloc : memref<!tpu.dma_semaphore, #tpu.memory_space<semaphore_mem>>
      %dma_start3A_115 = arith.constant 0 : i32
      %dma_start3A_116 = tpu.memref_slice %arg3[%run_scoped3A_60, %sub3A_58, %dma_start3A_115] : memref<2x2500x128xi32, #tpu.memory_space<hbm>> -> memref<1x40x128xi32, #tpu.memory_space<hbm>>
      %dma_start3A_117 = tpu.memref_squeeze %dma_start3A_116 : memref<1x40x128xi32, #tpu.memory_space<hbm>> -> memref<40x128xi32, #tpu.memory_space<hbm>>
      %dma_start3A_118 = arith.constant 0 : i32
      %dma_start3A_119 = tpu.memref_slice %arg3[%run_scoped3A_60, %sub3A_58, %dma_start3A_118] : memref<2x2500x128xi32, #tpu.memory_space<hbm>> -> memref<1x40x128xi32, #tpu.memory_space<hbm>>
      %dma_start3A_120 = tpu.memref_squeeze %dma_start3A_119 : memref<1x40x128xi32, #tpu.memory_space<hbm>> -> memref<40x128xi32, #tpu.memory_space<hbm>>
      tpu.enqueue_dma source(%dma_start3A_120 : memref<40x128xi32, #tpu.memory_space<hbm>>) target(%arg7 : memref<40x128xi32, #tpu.memory_space<vmem>>) target_semaphore(%run_scoped3A_114 : memref<!tpu.dma_semaphore, #tpu.memory_space<semaphore_mem>>)
      %dma_wait3A = arith.constant 0 : i32
      %dma_wait3A_121 = tpu.memref_slice %arg3[%run_scoped3A_60, %sub3A_58, %dma_wait3A] : memref<2x2500x128xi32, #tpu.memory_space<hbm>> -> memref<1x40x128xi32, #tpu.memory_space<hbm>>
      %dma_wait3A_122 = tpu.memref_squeeze %dma_wait3A_121 : memref<1x40x128xi32, #tpu.memory_space<hbm>> -> memref<40x128xi32, #tpu.memory_space<hbm>>
      %dma_wait3A_123 = arith.constant 0 : i32
      %dma_wait3A_124 = tpu.memref_slice %arg3[%run_scoped3A_60, %sub3A_58, %dma_wait3A_123] : memref<2x2500x128xi32, #tpu.memory_space<hbm>> -> memref<1x40x128xi32, #tpu.memory_space<hbm>>
      %dma_wait3A_125 = tpu.memref_squeeze %dma_wait3A_124 : memref<1x40x128xi32, #tpu.memory_space<hbm>> -> memref<40x128xi32, #tpu.memory_space<hbm>>
      tpu.wait_dma2 semaphore(%run_scoped3A_114 : memref<!tpu.dma_semaphore, #tpu.memory_space<semaphore_mem>>) src(%dma_wait3A_125 : memref<40x128xi32, #tpu.memory_space<hbm>>) dst(%arg7 : memref<40x128xi32, #tpu.memory_space<vmem>>)
      tpu.yield
    }) : () -> ()
    %sub3A_61 = arith.constant 40 : i32
    %sub3A_62 = arith.subi %add3A_8, %sub3A_61 : i32
    %sub3A_63 = arith.constant 40 : i32
    %sub3A_64 = arith.subi %sub3A_63, %sub3A_62 : i32
    %sub3A_65 = arith.constant 40 : i32
    %sub3A_66 = arith.subi %add3A_8, %sub3A_65 : i32
    %add3A_67 = arith.constant 0 : i32
    %add3A_68 = arith.addi %sub3A_64, %add3A_67 : i32
    %dma_start3A_69 = arith.constant 0 : i32
    %dma_start3A_70 = tpu.memref_slice %arg6[%add3A_68, %dma_start3A_69] : memref<40x128xi32, #tpu.memory_space<vmem>> -> memref<1x128xi32, #tpu.memory_space<vmem>>
    %dma_start3A_71 = tpu.memref_squeeze %dma_start3A_70 : memref<1x128xi32, #tpu.memory_space<vmem>> -> memref<128xi32, #tpu.memory_space<vmem>>
    %dma_start3A_72 = arith.constant 0 : i32
    %dma_start3A_73 = arith.constant 0 : i32
    %dma_start3A_74 = tpu.memref_slice %arg2[%dma_start3A_72, %dma_start3A_73] : memref<10000x128xf32, #tpu.memory_space<hbm>> -> memref<10000x128xf32, #tpu.memory_space<hbm>>
    tpu.enqueue_indirect_dma source(%dma_start3A_74 : memref<10000x128xf32, #tpu.memory_space<hbm>>) target(%arg8 : memref<128x128xf32, #tpu.memory_space<vmem>>) offsets(%dma_start3A_71 : memref<128xi32, #tpu.memory_space<vmem>>) semaphore(%arg11 : memref<!tpu.dma_semaphore, #tpu.memory_space<semaphore_mem>>)
    %add3A_75 = arith.constant 1 : i32
    %add3A_76 = arith.addi %sub3A_64, %add3A_75 : i32
    %dma_start3A_77 = arith.constant 0 : i32
    %dma_start3A_78 = tpu.memref_slice %arg6[%add3A_76, %dma_start3A_77] : memref<40x128xi32, #tpu.memory_space<vmem>> -> memref<1x128xi32, #tpu.memory_space<vmem>>
    %dma_start3A_79 = tpu.memref_squeeze %dma_start3A_78 : memref<1x128xi32, #tpu.memory_space<vmem>> -> memref<128xi32, #tpu.memory_space<vmem>>
    %dma_start3A_80 = arith.constant 0 : i32
    %dma_start3A_81 = arith.constant 0 : i32
    %dma_start3A_82 = tpu.memref_slice %arg2[%dma_start3A_80, %dma_start3A_81] : memref<10000x128xf32, #tpu.memory_space<hbm>> -> memref<10000x128xf32, #tpu.memory_space<hbm>>
    tpu.enqueue_indirect_dma source(%dma_start3A_82 : memref<10000x128xf32, #tpu.memory_space<hbm>>) target(%arg9 : memref<128x128xf32, #tpu.memory_space<vmem>>) offsets(%dma_start3A_79 : memref<128xi32, #tpu.memory_space<vmem>>) semaphore(%arg12 : memref<!tpu.dma_semaphore, #tpu.memory_space<semaphore_mem>>)
    %scan3A_83 = arith.constant 0 : i32
    %scan3A_84 = arith.constant 0 : i32
    %scan3A_85 = arith.constant 18 : i32
    %scan3A_86 = arith.addi %scan3A_84, %scan3A_85 : i32
    %scan3A_87 = arith.constant 1 : i32
    scf.for %scan3A_114 = %scan3A_84 to %scan3A_86 step %scan3A_87  : i32 {
      %mul3A_115 = arith.constant 2 : i32
      %mul3A_116 = arith.muli %scan3A_114, %mul3A_115 : i32
      %add3A_117 = arith.constant 0 : i32
      %add3A_118 = arith.addi %mul3A_116, %add3A_117 : i32
      %add3A_119 = arith.addi %sub3A_64, %add3A_118 : i32
      %dma_wait3A = arith.constant 0 : i32
      %dma_wait3A_120 = tpu.memref_slice %arg6[%add3A_119, %dma_wait3A] : memref<40x128xi32, #tpu.memory_space<vmem>> -> memref<1x128xi32, #tpu.memory_space<vmem>>
      %dma_wait3A_121 = tpu.memref_squeeze %dma_wait3A_120 : memref<1x128xi32, #tpu.memory_space<vmem>> -> memref<128xi32, #tpu.memory_space<vmem>>
      %dma_wait3A_122 = arith.constant 0 : i32
      %dma_wait3A_123 = arith.constant 0 : i32
      %dma_wait3A_124 = tpu.memref_slice %arg2[%dma_wait3A_122, %dma_wait3A_123] : memref<10000x128xf32, #tpu.memory_space<hbm>> -> memref<10000x128xf32, #tpu.memory_space<hbm>>
      tpu.wait_indirect_dma semaphore(%arg11 : memref<!tpu.dma_semaphore, #tpu.memory_space<semaphore_mem>>) src(%dma_wait3A_124 : memref<10000x128xf32, #tpu.memory_space<hbm>>) dst(%arg8 : memref<128x128xf32, #tpu.memory_space<vmem>>)
      %add3A_125 = arith.addi %sub3A_64, %add3A_118 : i32
      "tpu.region"() ({
        %run_scoped3A_150 = tpu.sem_alloc : memref<!tpu.dma_semaphore, #tpu.memory_space<semaphore_mem>>
        %dma_start3A_151 = arith.constant 0 : i32
        %dma_start3A_152 = tpu.memref_slice %arg7[%add3A_125, %dma_start3A_151] : memref<40x128xi32, #tpu.memory_space<vmem>> -> memref<1x128xi32, #tpu.memory_space<vmem>>
        %dma_start3A_153 = tpu.memref_squeeze %dma_start3A_152 : memref<1x128xi32, #tpu.memory_space<vmem>> -> memref<128xi32, #tpu.memory_space<vmem>>
        %dma_start3A_154 = arith.constant 0 : i32
        %dma_start3A_155 = arith.constant 0 : i32
        %dma_start3A_156 = tpu.memref_slice %arg10[%dma_start3A_154, %dma_start3A_155] : memref<10000x128xf32, #tpu.memory_space<vmem_shared>> -> memref<10000x128xf32, #tpu.memory_space<vmem_shared>>
        tpu.enqueue_indirect_dma source(%arg8 : memref<128x128xf32, #tpu.memory_space<vmem>>) target(%dma_start3A_156 : memref<10000x128xf32, #tpu.memory_space<vmem_shared>>) offsets(%dma_start3A_153 : memref<128xi32, #tpu.memory_space<vmem>>) semaphore(%run_scoped3A_150 : memref<!tpu.dma_semaphore, #tpu.memory_space<semaphore_mem>>) {add = true}
        %dma_wait3A_157 = arith.constant 0 : i32
        %dma_wait3A_158 = tpu.memref_slice %arg7[%add3A_125, %dma_wait3A_157] : memref<40x128xi32, #tpu.memory_space<vmem>> -> memref<1x128xi32, #tpu.memory_space<vmem>>
        %dma_wait3A_159 = tpu.memref_squeeze %dma_wait3A_158 : memref<1x128xi32, #tpu.memory_space<vmem>> -> memref<128xi32, #tpu.memory_space<vmem>>
        %dma_wait3A_160 = arith.constant 0 : i32
        %dma_wait3A_161 = arith.constant 0 : i32
        %dma_wait3A_162 = tpu.memref_slice %arg10[%dma_wait3A_160, %dma_wait3A_161] : memref<10000x128xf32, #tpu.memory_space<vmem_shared>> -> memref<10000x128xf32, #tpu.memory_space<vmem_shared>>
        tpu.wait_indirect_dma semaphore(%run_scoped3A_150 : memref<!tpu.dma_semaphore, #tpu.memory_space<semaphore_mem>>) src(%arg8 : memref<128x128xf32, #tpu.memory_space<vmem>>) dst(%dma_wait3A_162 : memref<10000x128xf32, #tpu.memory_space<vmem_shared>>)
        tpu.yield
      }) : () -> ()
      %add3A_126 = arith.constant 2 : i32
      %add3A_127 = arith.addi %add3A_118, %add3A_126 : i32
      %lt3A_128 = arith.cmpi slt, %add3A_127, %sub3A_66 : i32
      %convert_element_type3A_129 = arith.extui %lt3A_128 : i1 to i32
      %cond3A_130 = arith.constant 0 : i32
      %cond3A_131 = arith.cmpi ne, %convert_element_type3A_129, %cond3A_130 : i32
      scf.if %cond3A_131 {
        %add3A_150 = arith.addi %sub3A_64, %add3A_118 : i32
        %add3A_151 = arith.constant 2 : i32
        %add3A_152 = arith.addi %add3A_150, %add3A_151 : i32
        %dma_start3A_153 = arith.constant 0 : i32
        %dma_start3A_154 = tpu.memref_slice %arg6[%add3A_152, %dma_start3A_153] : memref<40x128xi32, #tpu.memory_space<vmem>> -> memref<1x128xi32, #tpu.memory_space<vmem>>
        %dma_start3A_155 = tpu.memref_squeeze %dma_start3A_154 : memref<1x128xi32, #tpu.memory_space<vmem>> -> memref<128xi32, #tpu.memory_space<vmem>>
        %dma_start3A_156 = arith.constant 0 : i32
        %dma_start3A_157 = arith.constant 0 : i32
        %dma_start3A_158 = tpu.memref_slice %arg2[%dma_start3A_156, %dma_start3A_157] : memref<10000x128xf32, #tpu.memory_space<hbm>> -> memref<10000x128xf32, #tpu.memory_space<hbm>>
        tpu.enqueue_indirect_dma source(%dma_start3A_158 : memref<10000x128xf32, #tpu.memory_space<hbm>>) target(%arg8 : memref<128x128xf32, #tpu.memory_space<vmem>>) offsets(%dma_start3A_155 : memref<128xi32, #tpu.memory_space<vmem>>) semaphore(%arg11 : memref<!tpu.dma_semaphore, #tpu.memory_space<semaphore_mem>>)
      } else {
      }
      %mul3A_132 = arith.constant 2 : i32
      %mul3A_133 = arith.muli %scan3A_114, %mul3A_132 : i32
      %add3A_134 = arith.constant 1 : i32
      %add3A_135 = arith.addi %mul3A_133, %add3A_134 : i32
      %add3A_136 = arith.addi %sub3A_64, %add3A_135 : i32
      %dma_wait3A_137 = arith.constant 0 : i32
      %dma_wait3A_138 = tpu.memref_slice %arg6[%add3A_136, %dma_wait3A_137] : memref<40x128xi32, #tpu.memory_space<vmem>> -> memref<1x128xi32, #tpu.memory_space<vmem>>
      %dma_wait3A_139 = tpu.memref_squeeze %dma_wait3A_138 : memref<1x128xi32, #tpu.memory_space<vmem>> -> memref<128xi32, #tpu.memory_space<vmem>>
      %dma_wait3A_140 = arith.constant 0 : i32
      %dma_wait3A_141 = arith.constant 0 : i32
      %dma_wait3A_142 = tpu.memref_slice %arg2[%dma_wait3A_140, %dma_wait3A_141] : memref<10000x128xf32, #tpu.memory_space<hbm>> -> memref<10000x128xf32, #tpu.memory_space<hbm>>
      tpu.wait_indirect_dma semaphore(%arg12 : memref<!tpu.dma_semaphore, #tpu.memory_space<semaphore_mem>>) src(%dma_wait3A_142 : memref<10000x128xf32, #tpu.memory_space<hbm>>) dst(%arg9 : memref<128x128xf32, #tpu.memory_space<vmem>>)
      %add3A_143 = arith.addi %sub3A_64, %add3A_135 : i32
      "tpu.region"() ({
        %run_scoped3A_150 = tpu.sem_alloc : memref<!tpu.dma_semaphore, #tpu.memory_space<semaphore_mem>>
        %dma_start3A_151 = arith.constant 0 : i32
        %dma_start3A_152 = tpu.memref_slice %arg7[%add3A_143, %dma_start3A_151] : memref<40x128xi32, #tpu.memory_space<vmem>> -> memref<1x128xi32, #tpu.memory_space<vmem>>
        %dma_start3A_153 = tpu.memref_squeeze %dma_start3A_152 : memref<1x128xi32, #tpu.memory_space<vmem>> -> memref<128xi32, #tpu.memory_space<vmem>>
        %dma_start3A_154 = arith.constant 0 : i32
        %dma_start3A_155 = arith.constant 0 : i32
        %dma_start3A_156 = tpu.memref_slice %arg10[%dma_start3A_154, %dma_start3A_155] : memref<10000x128xf32, #tpu.memory_space<vmem_shared>> -> memref<10000x128xf32, #tpu.memory_space<vmem_shared>>
        tpu.enqueue_indirect_dma source(%arg9 : memref<128x128xf32, #tpu.memory_space<vmem>>) target(%dma_start3A_156 : memref<10000x128xf32, #tpu.memory_space<vmem_shared>>) offsets(%dma_start3A_153 : memref<128xi32, #tpu.memory_space<vmem>>) semaphore(%run_scoped3A_150 : memref<!tpu.dma_semaphore, #tpu.memory_space<semaphore_mem>>) {add = true}
        %dma_wait3A_157 = arith.constant 0 : i32
        %dma_wait3A_158 = tpu.memref_slice %arg7[%add3A_143, %dma_wait3A_157] : memref<40x128xi32, #tpu.memory_space<vmem>> -> memref<1x128xi32, #tpu.memory_space<vmem>>
        %dma_wait3A_159 = tpu.memref_squeeze %dma_wait3A_158 : memref<1x128xi32, #tpu.memory_space<vmem>> -> memref<128xi32, #tpu.memory_space<vmem>>
        %dma_wait3A_160 = arith.constant 0 : i32
        %dma_wait3A_161 = arith.constant 0 : i32
        %dma_wait3A_162 = tpu.memref_slice %arg10[%dma_wait3A_160, %dma_wait3A_161] : memref<10000x128xf32, #tpu.memory_space<vmem_shared>> -> memref<10000x128xf32, #tpu.memory_space<vmem_shared>>
        tpu.wait_indirect_dma semaphore(%run_scoped3A_150 : memref<!tpu.dma_semaphore, #tpu.memory_space<semaphore_mem>>) src(%arg9 : memref<128x128xf32, #tpu.memory_space<vmem>>) dst(%dma_wait3A_162 : memref<10000x128xf32, #tpu.memory_space<vmem_shared>>)
        tpu.yield
      }) : () -> ()
      %add3A_144 = arith.constant 2 : i32
      %add3A_145 = arith.addi %add3A_135, %add3A_144 : i32
      %lt3A_146 = arith.cmpi slt, %add3A_145, %sub3A_66 : i32
      %convert_element_type3A_147 = arith.extui %lt3A_146 : i1 to i32
      %cond3A_148 = arith.constant 0 : i32
      %cond3A_149 = arith.cmpi ne, %convert_element_type3A_147, %cond3A_148 : i32
      scf.if %cond3A_149 {
        %add3A_150 = arith.addi %sub3A_64, %add3A_135 : i32
        %add3A_151 = arith.constant 2 : i32
        %add3A_152 = arith.addi %add3A_150, %add3A_151 : i32
        %dma_start3A_153 = arith.constant 0 : i32
        %dma_start3A_154 = tpu.memref_slice %arg6[%add3A_152, %dma_start3A_153] : memref<40x128xi32, #tpu.memory_space<vmem>> -> memref<1x128xi32, #tpu.memory_space<vmem>>
        %dma_start3A_155 = tpu.memref_squeeze %dma_start3A_154 : memref<1x128xi32, #tpu.memory_space<vmem>> -> memref<128xi32, #tpu.memory_space<vmem>>
        %dma_start3A_156 = arith.constant 0 : i32
        %dma_start3A_157 = arith.constant 0 : i32
        %dma_start3A_158 = tpu.memref_slice %arg2[%dma_start3A_156, %dma_start3A_157] : memref<10000x128xf32, #tpu.memory_space<hbm>> -> memref<10000x128xf32, #tpu.memory_space<hbm>>
        tpu.enqueue_indirect_dma source(%dma_start3A_158 : memref<10000x128xf32, #tpu.memory_space<hbm>>) target(%arg9 : memref<128x128xf32, #tpu.memory_space<vmem>>) offsets(%dma_start3A_155 : memref<128xi32, #tpu.memory_space<vmem>>) semaphore(%arg12 : memref<!tpu.dma_semaphore, #tpu.memory_space<semaphore_mem>>)
      } else {
      }
    }
    %scan3A_88 = arith.constant 18 : i32
    %gt3A_89 = arith.constant 36 : i32
    %gt3A_90 = arith.cmpi sgt, %sub3A_66, %gt3A_89 : i32
    %convert_element_type3A_91 = arith.extui %gt3A_90 : i1 to i32
    %cond3A_92 = arith.constant 0 : i32
    %cond3A_93 = arith.cmpi ne, %convert_element_type3A_91, %cond3A_92 : i32
    scf.if %cond3A_93 {
      %add3A_114 = arith.constant 36 : i32
      %add3A_115 = arith.addi %sub3A_64, %add3A_114 : i32
      %dma_wait3A = arith.constant 0 : i32
      %dma_wait3A_116 = tpu.memref_slice %arg6[%add3A_115, %dma_wait3A] : memref<40x128xi32, #tpu.memory_space<vmem>> -> memref<1x128xi32, #tpu.memory_space<vmem>>
      %dma_wait3A_117 = tpu.memref_squeeze %dma_wait3A_116 : memref<1x128xi32, #tpu.memory_space<vmem>> -> memref<128xi32, #tpu.memory_space<vmem>>
      %dma_wait3A_118 = arith.constant 0 : i32
      %dma_wait3A_119 = arith.constant 0 : i32
      %dma_wait3A_120 = tpu.memref_slice %arg2[%dma_wait3A_118, %dma_wait3A_119] : memref<10000x128xf32, #tpu.memory_space<hbm>> -> memref<10000x128xf32, #tpu.memory_space<hbm>>
      tpu.wait_indirect_dma semaphore(%arg11 : memref<!tpu.dma_semaphore, #tpu.memory_space<semaphore_mem>>) src(%dma_wait3A_120 : memref<10000x128xf32, #tpu.memory_space<hbm>>) dst(%arg8 : memref<128x128xf32, #tpu.memory_space<vmem>>)
      %add3A_121 = arith.constant 36 : i32
      %add3A_122 = arith.addi %sub3A_64, %add3A_121 : i32
      "tpu.region"() ({
        %run_scoped3A_128 = tpu.sem_alloc : memref<!tpu.dma_semaphore, #tpu.memory_space<semaphore_mem>>
        %dma_start3A_129 = arith.constant 0 : i32
        %dma_start3A_130 = tpu.memref_slice %arg7[%add3A_122, %dma_start3A_129] : memref<40x128xi32, #tpu.memory_space<vmem>> -> memref<1x128xi32, #tpu.memory_space<vmem>>
        %dma_start3A_131 = tpu.memref_squeeze %dma_start3A_130 : memref<1x128xi32, #tpu.memory_space<vmem>> -> memref<128xi32, #tpu.memory_space<vmem>>
        %dma_start3A_132 = arith.constant 0 : i32
        %dma_start3A_133 = arith.constant 0 : i32
        %dma_start3A_134 = tpu.memref_slice %arg10[%dma_start3A_132, %dma_start3A_133] : memref<10000x128xf32, #tpu.memory_space<vmem_shared>> -> memref<10000x128xf32, #tpu.memory_space<vmem_shared>>
        tpu.enqueue_indirect_dma source(%arg8 : memref<128x128xf32, #tpu.memory_space<vmem>>) target(%dma_start3A_134 : memref<10000x128xf32, #tpu.memory_space<vmem_shared>>) offsets(%dma_start3A_131 : memref<128xi32, #tpu.memory_space<vmem>>) semaphore(%run_scoped3A_128 : memref<!tpu.dma_semaphore, #tpu.memory_space<semaphore_mem>>) {add = true}
        %dma_wait3A_135 = arith.constant 0 : i32
        %dma_wait3A_136 = tpu.memref_slice %arg7[%add3A_122, %dma_wait3A_135] : memref<40x128xi32, #tpu.memory_space<vmem>> -> memref<1x128xi32, #tpu.memory_space<vmem>>
        %dma_wait3A_137 = tpu.memref_squeeze %dma_wait3A_136 : memref<1x128xi32, #tpu.memory_space<vmem>> -> memref<128xi32, #tpu.memory_space<vmem>>
        %dma_wait3A_138 = arith.constant 0 : i32
        %dma_wait3A_139 = arith.constant 0 : i32
        %dma_wait3A_140 = tpu.memref_slice %arg10[%dma_wait3A_138, %dma_wait3A_139] : memref<10000x128xf32, #tpu.memory_space<vmem_shared>> -> memref<10000x128xf32, #tpu.memory_space<vmem_shared>>
        tpu.wait_indirect_dma semaphore(%run_scoped3A_128 : memref<!tpu.dma_semaphore, #tpu.memory_space<semaphore_mem>>) src(%arg8 : memref<128x128xf32, #tpu.memory_space<vmem>>) dst(%dma_wait3A_140 : memref<10000x128xf32, #tpu.memory_space<vmem_shared>>)
        tpu.yield
      }) : () -> ()
      %gt3A_123 = arith.constant 38 : i32
      %gt3A_124 = arith.cmpi sgt, %sub3A_66, %gt3A_123 : i32
      %convert_element_type3A_125 = arith.extui %gt3A_124 : i1 to i32
      %cond3A_126 = arith.constant 0 : i32
      %cond3A_127 = arith.cmpi ne, %convert_element_type3A_125, %cond3A_126 : i32
      scf.if %cond3A_127 {
        %add3A_128 = arith.constant 36 : i32
        %add3A_129 = arith.addi %sub3A_64, %add3A_128 : i32
        %add3A_130 = arith.constant 2 : i32
        %add3A_131 = arith.addi %add3A_129, %add3A_130 : i32
        %dma_start3A_132 = arith.constant 0 : i32
        %dma_start3A_133 = tpu.memref_slice %arg6[%add3A_131, %dma_start3A_132] : memref<40x128xi32, #tpu.memory_space<vmem>> -> memref<1x128xi32, #tpu.memory_space<vmem>>
        %dma_start3A_134 = tpu.memref_squeeze %dma_start3A_133 : memref<1x128xi32, #tpu.memory_space<vmem>> -> memref<128xi32, #tpu.memory_space<vmem>>
        %dma_start3A_135 = arith.constant 0 : i32
        %dma_start3A_136 = arith.constant 0 : i32
        %dma_start3A_137 = tpu.memref_slice %arg2[%dma_start3A_135, %dma_start3A_136] : memref<10000x128xf32, #tpu.memory_space<hbm>> -> memref<10000x128xf32, #tpu.memory_space<hbm>>
        tpu.enqueue_indirect_dma source(%dma_start3A_137 : memref<10000x128xf32, #tpu.memory_space<hbm>>) target(%arg8 : memref<128x128xf32, #tpu.memory_space<vmem>>) offsets(%dma_start3A_134 : memref<128xi32, #tpu.memory_space<vmem>>) semaphore(%arg11 : memref<!tpu.dma_semaphore, #tpu.memory_space<semaphore_mem>>)
      } else {
      }
    } else {
    }
    %gt3A_94 = arith.constant 37 : i32
    %gt3A_95 = arith.cmpi sgt, %sub3A_66, %gt3A_94 : i32
    %convert_element_type3A_96 = arith.extui %gt3A_95 : i1 to i32
    %cond3A_97 = arith.constant 0 : i32
    %cond3A_98 = arith.cmpi ne, %convert_element_type3A_96, %cond3A_97 : i32
    scf.if %cond3A_98 {
      %add3A_114 = arith.constant 37 : i32
      %add3A_115 = arith.addi %sub3A_64, %add3A_114 : i32
      %dma_wait3A = arith.constant 0 : i32
      %dma_wait3A_116 = tpu.memref_slice %arg6[%add3A_115, %dma_wait3A] : memref<40x128xi32, #tpu.memory_space<vmem>> -> memref<1x128xi32, #tpu.memory_space<vmem>>
      %dma_wait3A_117 = tpu.memref_squeeze %dma_wait3A_116 : memref<1x128xi32, #tpu.memory_space<vmem>> -> memref<128xi32, #tpu.memory_space<vmem>>
      %dma_wait3A_118 = arith.constant 0 : i32
      %dma_wait3A_119 = arith.constant 0 : i32
      %dma_wait3A_120 = tpu.memref_slice %arg2[%dma_wait3A_118, %dma_wait3A_119] : memref<10000x128xf32, #tpu.memory_space<hbm>> -> memref<10000x128xf32, #tpu.memory_space<hbm>>
      tpu.wait_indirect_dma semaphore(%arg12 : memref<!tpu.dma_semaphore, #tpu.memory_space<semaphore_mem>>) src(%dma_wait3A_120 : memref<10000x128xf32, #tpu.memory_space<hbm>>) dst(%arg9 : memref<128x128xf32, #tpu.memory_space<vmem>>)
      %add3A_121 = arith.constant 37 : i32
      %add3A_122 = arith.addi %sub3A_64, %add3A_121 : i32
      "tpu.region"() ({
        %run_scoped3A_128 = tpu.sem_alloc : memref<!tpu.dma_semaphore, #tpu.memory_space<semaphore_mem>>
        %dma_start3A_129 = arith.constant 0 : i32
        %dma_start3A_130 = tpu.memref_slice %arg7[%add3A_122, %dma_start3A_129] : memref<40x128xi32, #tpu.memory_space<vmem>> -> memref<1x128xi32, #tpu.memory_space<vmem>>
        %dma_start3A_131 = tpu.memref_squeeze %dma_start3A_130 : memref<1x128xi32, #tpu.memory_space<vmem>> -> memref<128xi32, #tpu.memory_space<vmem>>
        %dma_start3A_132 = arith.constant 0 : i32
        %dma_start3A_133 = arith.constant 0 : i32
        %dma_start3A_134 = tpu.memref_slice %arg10[%dma_start3A_132, %dma_start3A_133] : memref<10000x128xf32, #tpu.memory_space<vmem_shared>> -> memref<10000x128xf32, #tpu.memory_space<vmem_shared>>
        tpu.enqueue_indirect_dma source(%arg9 : memref<128x128xf32, #tpu.memory_space<vmem>>) target(%dma_start3A_134 : memref<10000x128xf32, #tpu.memory_space<vmem_shared>>) offsets(%dma_start3A_131 : memref<128xi32, #tpu.memory_space<vmem>>) semaphore(%run_scoped3A_128 : memref<!tpu.dma_semaphore, #tpu.memory_space<semaphore_mem>>) {add = true}
        %dma_wait3A_135 = arith.constant 0 : i32
        %dma_wait3A_136 = tpu.memref_slice %arg7[%add3A_122, %dma_wait3A_135] : memref<40x128xi32, #tpu.memory_space<vmem>> -> memref<1x128xi32, #tpu.memory_space<vmem>>
        %dma_wait3A_137 = tpu.memref_squeeze %dma_wait3A_136 : memref<1x128xi32, #tpu.memory_space<vmem>> -> memref<128xi32, #tpu.memory_space<vmem>>
        %dma_wait3A_138 = arith.constant 0 : i32
        %dma_wait3A_139 = arith.constant 0 : i32
        %dma_wait3A_140 = tpu.memref_slice %arg10[%dma_wait3A_138, %dma_wait3A_139] : memref<10000x128xf32, #tpu.memory_space<vmem_shared>> -> memref<10000x128xf32, #tpu.memory_space<vmem_shared>>
        tpu.wait_indirect_dma semaphore(%run_scoped3A_128 : memref<!tpu.dma_semaphore, #tpu.memory_space<semaphore_mem>>) src(%arg9 : memref<128x128xf32, #tpu.memory_space<vmem>>) dst(%dma_wait3A_140 : memref<10000x128xf32, #tpu.memory_space<vmem_shared>>)
        tpu.yield
      }) : () -> ()
      %gt3A_123 = arith.constant 39 : i32
      %gt3A_124 = arith.cmpi sgt, %sub3A_66, %gt3A_123 : i32
      %convert_element_type3A_125 = arith.extui %gt3A_124 : i1 to i32
      %cond3A_126 = arith.constant 0 : i32
      %cond3A_127 = arith.cmpi ne, %convert_element_type3A_125, %cond3A_126 : i32
      scf.if %cond3A_127 {
        %add3A_128 = arith.constant 37 : i32
        %add3A_129 = arith.addi %sub3A_64, %add3A_128 : i32
        %add3A_130 = arith.constant 2 : i32
        %add3A_131 = arith.addi %add3A_129, %add3A_130 : i32
        %dma_start3A_132 = arith.constant 0 : i32
        %dma_start3A_133 = tpu.memref_slice %arg6[%add3A_131, %dma_start3A_132] : memref<40x128xi32, #tpu.memory_space<vmem>> -> memref<1x128xi32, #tpu.memory_space<vmem>>
        %dma_start3A_134 = tpu.memref_squeeze %dma_start3A_133 : memref<1x128xi32, #tpu.memory_space<vmem>> -> memref<128xi32, #tpu.memory_space<vmem>>
        %dma_start3A_135 = arith.constant 0 : i32
        %dma_start3A_136 = arith.constant 0 : i32
        %dma_start3A_137 = tpu.memref_slice %arg2[%dma_start3A_135, %dma_start3A_136] : memref<10000x128xf32, #tpu.memory_space<hbm>> -> memref<10000x128xf32, #tpu.memory_space<hbm>>
        tpu.enqueue_indirect_dma source(%dma_start3A_137 : memref<10000x128xf32, #tpu.memory_space<hbm>>) target(%arg9 : memref<128x128xf32, #tpu.memory_space<vmem>>) offsets(%dma_start3A_134 : memref<128xi32, #tpu.memory_space<vmem>>) semaphore(%arg12 : memref<!tpu.dma_semaphore, #tpu.memory_space<semaphore_mem>>)
      } else {
      }
    } else {
    }
    %gt3A_99 = arith.constant 38 : i32
    %gt3A_100 = arith.cmpi sgt, %sub3A_66, %gt3A_99 : i32
    %convert_element_type3A_101 = arith.extui %gt3A_100 : i1 to i32
    %cond3A_102 = arith.constant 0 : i32
    %cond3A_103 = arith.cmpi ne, %convert_element_type3A_101, %cond3A_102 : i32
    scf.if %cond3A_103 {
      %add3A_114 = arith.constant 38 : i32
      %add3A_115 = arith.addi %sub3A_64, %add3A_114 : i32
      %dma_wait3A = arith.constant 0 : i32
      %dma_wait3A_116 = tpu.memref_slice %arg6[%add3A_115, %dma_wait3A] : memref<40x128xi32, #tpu.memory_space<vmem>> -> memref<1x128xi32, #tpu.memory_space<vmem>>
      %dma_wait3A_117 = tpu.memref_squeeze %dma_wait3A_116 : memref<1x128xi32, #tpu.memory_space<vmem>> -> memref<128xi32, #tpu.memory_space<vmem>>
      %dma_wait3A_118 = arith.constant 0 : i32
      %dma_wait3A_119 = arith.constant 0 : i32
      %dma_wait3A_120 = tpu.memref_slice %arg2[%dma_wait3A_118, %dma_wait3A_119] : memref<10000x128xf32, #tpu.memory_space<hbm>> -> memref<10000x128xf32, #tpu.memory_space<hbm>>
      tpu.wait_indirect_dma semaphore(%arg11 : memref<!tpu.dma_semaphore, #tpu.memory_space<semaphore_mem>>) src(%dma_wait3A_120 : memref<10000x128xf32, #tpu.memory_space<hbm>>) dst(%arg8 : memref<128x128xf32, #tpu.memory_space<vmem>>)
      %add3A_121 = arith.constant 38 : i32
      %add3A_122 = arith.addi %sub3A_64, %add3A_121 : i32
      "tpu.region"() ({
        %run_scoped3A_128 = tpu.sem_alloc : memref<!tpu.dma_semaphore, #tpu.memory_space<semaphore_mem>>
        %dma_start3A_129 = arith.constant 0 : i32
        %dma_start3A_130 = tpu.memref_slice %arg7[%add3A_122, %dma_start3A_129] : memref<40x128xi32, #tpu.memory_space<vmem>> -> memref<1x128xi32, #tpu.memory_space<vmem>>
        %dma_start3A_131 = tpu.memref_squeeze %dma_start3A_130 : memref<1x128xi32, #tpu.memory_space<vmem>> -> memref<128xi32, #tpu.memory_space<vmem>>
        %dma_start3A_132 = arith.constant 0 : i32
        %dma_start3A_133 = arith.constant 0 : i32
        %dma_start3A_134 = tpu.memref_slice %arg10[%dma_start3A_132, %dma_start3A_133] : memref<10000x128xf32, #tpu.memory_space<vmem_shared>> -> memref<10000x128xf32, #tpu.memory_space<vmem_shared>>
        tpu.enqueue_indirect_dma source(%arg8 : memref<128x128xf32, #tpu.memory_space<vmem>>) target(%dma_start3A_134 : memref<10000x128xf32, #tpu.memory_space<vmem_shared>>) offsets(%dma_start3A_131 : memref<128xi32, #tpu.memory_space<vmem>>) semaphore(%run_scoped3A_128 : memref<!tpu.dma_semaphore, #tpu.memory_space<semaphore_mem>>) {add = true}
        %dma_wait3A_135 = arith.constant 0 : i32
        %dma_wait3A_136 = tpu.memref_slice %arg7[%add3A_122, %dma_wait3A_135] : memref<40x128xi32, #tpu.memory_space<vmem>> -> memref<1x128xi32, #tpu.memory_space<vmem>>
        %dma_wait3A_137 = tpu.memref_squeeze %dma_wait3A_136 : memref<1x128xi32, #tpu.memory_space<vmem>> -> memref<128xi32, #tpu.memory_space<vmem>>
        %dma_wait3A_138 = arith.constant 0 : i32
        %dma_wait3A_139 = arith.constant 0 : i32
        %dma_wait3A_140 = tpu.memref_slice %arg10[%dma_wait3A_138, %dma_wait3A_139] : memref<10000x128xf32, #tpu.memory_space<vmem_shared>> -> memref<10000x128xf32, #tpu.memory_space<vmem_shared>>
        tpu.wait_indirect_dma semaphore(%run_scoped3A_128 : memref<!tpu.dma_semaphore, #tpu.memory_space<semaphore_mem>>) src(%arg8 : memref<128x128xf32, #tpu.memory_space<vmem>>) dst(%dma_wait3A_140 : memref<10000x128xf32, #tpu.memory_space<vmem_shared>>)
        tpu.yield
      }) : () -> ()
      %gt3A_123 = arith.constant 40 : i32
      %gt3A_124 = arith.cmpi sgt, %sub3A_66, %gt3A_123 : i32
      %convert_element_type3A_125 = arith.extui %gt3A_124 : i1 to i32
      %cond3A_126 = arith.constant 0 : i32
      %cond3A_127 = arith.cmpi ne, %convert_element_type3A_125, %cond3A_126 : i32
      scf.if %cond3A_127 {
        %add3A_128 = arith.constant 38 : i32
        %add3A_129 = arith.addi %sub3A_64, %add3A_128 : i32
        %add3A_130 = arith.constant 2 : i32
        %add3A_131 = arith.addi %add3A_129, %add3A_130 : i32
        %dma_start3A_132 = arith.constant 0 : i32
        %dma_start3A_133 = tpu.memref_slice %arg6[%add3A_131, %dma_start3A_132] : memref<40x128xi32, #tpu.memory_space<vmem>> -> memref<1x128xi32, #tpu.memory_space<vmem>>
        %dma_start3A_134 = tpu.memref_squeeze %dma_start3A_133 : memref<1x128xi32, #tpu.memory_space<vmem>> -> memref<128xi32, #tpu.memory_space<vmem>>
        %dma_start3A_135 = arith.constant 0 : i32
        %dma_start3A_136 = arith.constant 0 : i32
        %dma_start3A_137 = tpu.memref_slice %arg2[%dma_start3A_135, %dma_start3A_136] : memref<10000x128xf32, #tpu.memory_space<hbm>> -> memref<10000x128xf32, #tpu.memory_space<hbm>>
        tpu.enqueue_indirect_dma source(%dma_start3A_137 : memref<10000x128xf32, #tpu.memory_space<hbm>>) target(%arg8 : memref<128x128xf32, #tpu.memory_space<vmem>>) offsets(%dma_start3A_134 : memref<128xi32, #tpu.memory_space<vmem>>) semaphore(%arg11 : memref<!tpu.dma_semaphore, #tpu.memory_space<semaphore_mem>>)
      } else {
      }
    } else {
    }
    %barrier3A_104 = arith.constant 0 : index
    tpu.barrier barrier_id(%barrier3A_104)
    %mul3A_105 = arith.constant 624 : i32
    %mul3A_106 = arith.muli %arg1, %mul3A_105 : i32
    %mul3A_107 = arith.constant 624 : i32
    %mul3A_108 = arith.muli %arg1, %mul3A_107 : i32
    "tpu.region"() ({
      %run_scoped3A_114 = tpu.sem_alloc : memref<!tpu.dma_semaphore, #tpu.memory_space<semaphore_mem>>
      %dma_start3A_115 = arith.constant 0 : i32
      %dma_start3A_116 = tpu.memref_slice %arg5[%arg0, %mul3A_108, %dma_start3A_115] : memref<2x10000x128xf32, #tpu.memory_space<hbm>> -> memref<1x624x128xf32, #tpu.memory_space<hbm>>
      %dma_start3A_117 = tpu.memref_squeeze %dma_start3A_116 : memref<1x624x128xf32, #tpu.memory_space<hbm>> -> memref<624x128xf32, #tpu.memory_space<hbm>>
      %dma_start3A_118 = arith.constant 0 : i32
      %dma_start3A_119 = tpu.memref_slice %arg10[%mul3A_106, %dma_start3A_118] : memref<10000x128xf32, #tpu.memory_space<vmem_shared>> -> memref<624x128xf32, #tpu.memory_space<vmem_shared>>
      tpu.enqueue_dma source(%dma_start3A_119 : memref<624x128xf32, #tpu.memory_space<vmem_shared>>) target(%dma_start3A_117 : memref<624x128xf32, #tpu.memory_space<hbm>>) target_semaphore(%run_scoped3A_114 : memref<!tpu.dma_semaphore, #tpu.memory_space<semaphore_mem>>)
      %dma_wait3A = arith.constant 0 : i32
      %dma_wait3A_120 = tpu.memref_slice %arg5[%arg0, %mul3A_108, %dma_wait3A] : memref<2x10000x128xf32, #tpu.memory_space<hbm>> -> memref<1x624x128xf32, #tpu.memory_space<hbm>>
      %dma_wait3A_121 = tpu.memref_squeeze %dma_wait3A_120 : memref<1x624x128xf32, #tpu.memory_space<hbm>> -> memref<624x128xf32, #tpu.memory_space<hbm>>
      %dma_wait3A_122 = arith.constant 0 : i32
      %dma_wait3A_123 = tpu.memref_slice %arg10[%mul3A_106, %dma_wait3A_122] : memref<10000x128xf32, #tpu.memory_space<vmem_shared>> -> memref<624x128xf32, #tpu.memory_space<vmem_shared>>
      tpu.wait_dma2 semaphore(%run_scoped3A_114 : memref<!tpu.dma_semaphore, #tpu.memory_space<semaphore_mem>>) src(%dma_wait3A_123 : memref<624x128xf32, #tpu.memory_space<vmem_shared>>) dst(%dma_wait3A_121 : memref<624x128xf32, #tpu.memory_space<hbm>>)
      tpu.yield
    }) : () -> ()
    %eq3A_109 = arith.constant 15 : i32
    %eq3A_110 = arith.cmpi eq, %arg1, %eq3A_109 : i32
    %convert_element_type3A_111 = arith.extui %eq3A_110 : i1 to i32
    %cond3A_112 = arith.constant 0 : i32
    %cond3A_113 = arith.cmpi ne, %convert_element_type3A_111, %cond3A_112 : i32
    scf.if %cond3A_113 {
      "tpu.region"() ({
        %run_scoped3A_114 = tpu.sem_alloc : memref<!tpu.dma_semaphore, #tpu.memory_space<semaphore_mem>>
        %dma_start3A_115 = arith.constant 9984 : i32
        %dma_start3A_116 = arith.constant 0 : i32
        %dma_start3A_117 = tpu.memref_slice %arg5[%arg0, %dma_start3A_115, %dma_start3A_116] : memref<2x10000x128xf32, #tpu.memory_space<hbm>> -> memref<1x16x128xf32, #tpu.memory_space<hbm>>
        %dma_start3A_118 = tpu.memref_squeeze %dma_start3A_117 : memref<1x16x128xf32, #tpu.memory_space<hbm>> -> memref<16x128xf32, #tpu.memory_space<hbm>>
        %dma_start3A_119 = arith.constant 9984 : i32
        %dma_start3A_120 = arith.constant 0 : i32
        %dma_start3A_121 = tpu.memref_slice %arg10[%dma_start3A_119, %dma_start3A_120] : memref<10000x128xf32, #tpu.memory_space<vmem_shared>> -> memref<16x128xf32, #tpu.memory_space<vmem_shared>>
        tpu.enqueue_dma source(%dma_start3A_121 : memref<16x128xf32, #tpu.memory_space<vmem_shared>>) target(%dma_start3A_118 : memref<16x128xf32, #tpu.memory_space<hbm>>) target_semaphore(%run_scoped3A_114 : memref<!tpu.dma_semaphore, #tpu.memory_space<semaphore_mem>>)
        %dma_wait3A = arith.constant 9984 : i32
        %dma_wait3A_122 = arith.constant 0 : i32
        %dma_wait3A_123 = tpu.memref_slice %arg5[%arg0, %dma_wait3A, %dma_wait3A_122] : memref<2x10000x128xf32, #tpu.memory_space<hbm>> -> memref<1x16x128xf32, #tpu.memory_space<hbm>>
        %dma_wait3A_124 = tpu.memref_squeeze %dma_wait3A_123 : memref<1x16x128xf32, #tpu.memory_space<hbm>> -> memref<16x128xf32, #tpu.memory_space<hbm>>
        %dma_wait3A_125 = arith.constant 9984 : i32
        %dma_wait3A_126 = arith.constant 0 : i32
        %dma_wait3A_127 = tpu.memref_slice %arg10[%dma_wait3A_125, %dma_wait3A_126] : memref<10000x128xf32, #tpu.memory_space<vmem_shared>> -> memref<16x128xf32, #tpu.memory_space<vmem_shared>>
        tpu.wait_dma2 semaphore(%run_scoped3A_114 : memref<!tpu.dma_semaphore, #tpu.memory_space<semaphore_mem>>) src(%dma_wait3A_127 : memref<16x128xf32, #tpu.memory_space<vmem_shared>>) dst(%dma_wait3A_124 : memref<16x128xf32, #tpu.memory_space<hbm>>)
        tpu.yield
      }) : () -> ()
    } else {
    }
    return
  }
}

#map = affine_map<(d0, d1) -> (0, 0)>
#map1 = affine_map<(d0, d1) -> (0, 0, 0)>
module attributes {stable_mosaic.version = 14 : i64} {
  func.func @agg(%arg0: i32, %arg1: i32, %arg2: memref<10000x16xf32, #tpu.memory_space<hbm>>, %arg3: memref<2x2500x128xi32, #tpu.memory_space<hbm>>, %arg4: memref<632x16xf32, #tpu.memory_space<hbm>>, %arg5: memref<2x10000x16xf32, #tpu.memory_space<hbm>>, %arg6: memref<79x128xi32, #tpu.memory_space<vmem>>, %arg7: memref<79x128xi32, #tpu.memory_space<vmem>>, %arg8: memref<128x16xf32, #tpu.memory_space<vmem>>, %arg9: memref<128x16xf32, #tpu.memory_space<vmem>>, %arg10: memref<128x16xf32, #tpu.memory_space<vmem>>, %arg11: memref<128x16xf32, #tpu.memory_space<vmem>>, %arg12: memref<128x16xf32, #tpu.memory_space<vmem>>, %arg13: memref<128x16xf32, #tpu.memory_space<vmem>>, %arg14: memref<128x16xf32, #tpu.memory_space<vmem>>, %arg15: memref<128x16xf32, #tpu.memory_space<vmem>>, %arg16: memref<10000x16xf32, #tpu.memory_space<vmem_shared>>, %arg17: memref<!tpu.dma_semaphore, #tpu.memory_space<semaphore_mem>>, %arg18: memref<!tpu.dma_semaphore, #tpu.memory_space<semaphore_mem>>, %arg19: memref<!tpu.dma_semaphore, #tpu.memory_space<semaphore_mem>>, %arg20: memref<!tpu.dma_semaphore, #tpu.memory_space<semaphore_mem>>, %arg21: memref<!tpu.dma_semaphore, #tpu.memory_space<semaphore_mem>>, %arg22: memref<!tpu.dma_semaphore, #tpu.memory_space<semaphore_mem>>, %arg23: memref<!tpu.dma_semaphore, #tpu.memory_space<semaphore_mem>>, %arg24: memref<!tpu.dma_semaphore, #tpu.memory_space<semaphore_mem>>) attributes {dimension_semantics = [#tpu.dimension_semantics<core_parallel>, #tpu.dimension_semantics<subcore_parallel>], iteration_bounds = array<i64: 2, 16>, scalar_prefetch = 0 : i64, scratch_operands = 19 : i64, tpu.core_type = #tpu.core_type<sc_vector_subcore>, window_params = [{transform_indices = #map}, {transform_indices = #map1}, {transform_indices = #map}, {transform_indices = #map1}]} {
    %mul3A = arith.constant 16 : i32
    %mul3A_0 = arith.muli %arg0, %mul3A : i32
    %add3A = arith.addi %mul3A_0, %arg1 : i32
    %mul3A_1 = arith.constant 78 : i32
    %mul3A_2 = arith.muli %mul3A_1, %add3A : i32
    %sub3A = arith.constant 28 : i32
    %sub3A_3 = arith.subi %add3A, %sub3A : i32
    %max3A = arith.constant 0 : i32
    %max3A_4 = arith.maxsi %sub3A_3, %max3A : i32
    %add3A_5 = arith.addi %mul3A_2, %max3A_4 : i32
    %ge3A = arith.constant 28 : i32
    %ge3A_6 = arith.cmpi sge, %add3A, %ge3A : i32
    %convert_element_type3A = arith.extui %ge3A_6 : i1 to i32
    %add3A_7 = arith.constant 78 : i32
    %add3A_8 = arith.addi %add3A_7, %convert_element_type3A : i32
    %lt3A = arith.constant 15 : i32
    %lt3A_9 = arith.cmpi slt, %arg1, %lt3A : i32
    %convert_element_type3A_10 = arith.extui %lt3A_9 : i1 to i32
    %cond3A = arith.constant 0 : i32
    %cond3A_11 = arith.cmpi ne, %convert_element_type3A_10, %cond3A : i32
    scf.if %cond3A_11 {
      %mul3A_193 = arith.constant 632 : i32
      %mul3A_194 = arith.muli %arg1, %mul3A_193 : i32
      "tpu.region"() ({
        %run_scoped3A_195 = tpu.sem_alloc : memref<!tpu.dma_semaphore, #tpu.memory_space<semaphore_mem>>
        %dma_start3A_196 = arith.constant 0 : i32
        %dma_start3A_197 = tpu.memref_slice %arg16[%mul3A_194, %dma_start3A_196] : memref<10000x16xf32, #tpu.memory_space<vmem_shared>> -> memref<632x16xf32, #tpu.memory_space<vmem_shared>>
        tpu.enqueue_dma source(%arg4 : memref<632x16xf32, #tpu.memory_space<hbm>>) target(%dma_start3A_197 : memref<632x16xf32, #tpu.memory_space<vmem_shared>>) target_semaphore(%run_scoped3A_195 : memref<!tpu.dma_semaphore, #tpu.memory_space<semaphore_mem>>)
        %dma_wait3A = arith.constant 0 : i32
        %dma_wait3A_198 = tpu.memref_slice %arg16[%mul3A_194, %dma_wait3A] : memref<10000x16xf32, #tpu.memory_space<vmem_shared>> -> memref<632x16xf32, #tpu.memory_space<vmem_shared>>
        tpu.wait_dma2 semaphore(%run_scoped3A_195 : memref<!tpu.dma_semaphore, #tpu.memory_space<semaphore_mem>>) src(%arg4 : memref<632x16xf32, #tpu.memory_space<hbm>>) dst(%dma_wait3A_198 : memref<632x16xf32, #tpu.memory_space<vmem_shared>>)
        tpu.yield
      }) : () -> ()
    } else {
    }
    %eq3A = arith.constant 15 : i32
    %eq3A_12 = arith.cmpi eq, %arg1, %eq3A : i32
    %convert_element_type3A_13 = arith.extui %eq3A_12 : i1 to i32
    %cond3A_14 = arith.constant 0 : i32
    %cond3A_15 = arith.cmpi ne, %convert_element_type3A_13, %cond3A_14 : i32
    scf.if %cond3A_15 {
      "tpu.region"() ({
        %run_scoped3A_193 = tpu.sem_alloc : memref<!tpu.dma_semaphore, #tpu.memory_space<semaphore_mem>>
        %dma_start3A_194 = arith.constant 9480 : i32
        %dma_start3A_195 = arith.constant 0 : i32
        %dma_start3A_196 = tpu.memref_slice %arg16[%dma_start3A_194, %dma_start3A_195] : memref<10000x16xf32, #tpu.memory_space<vmem_shared>> -> memref<520x16xf32, #tpu.memory_space<vmem_shared>>
        %dma_start3A_197 = arith.constant 0 : i32
        %dma_start3A_198 = arith.constant 0 : i32
        %dma_start3A_199 = tpu.memref_slice %arg4[%dma_start3A_197, %dma_start3A_198] : memref<632x16xf32, #tpu.memory_space<hbm>> -> memref<520x16xf32, #tpu.memory_space<hbm>>
        tpu.enqueue_dma source(%dma_start3A_199 : memref<520x16xf32, #tpu.memory_space<hbm>>) target(%dma_start3A_196 : memref<520x16xf32, #tpu.memory_space<vmem_shared>>) target_semaphore(%run_scoped3A_193 : memref<!tpu.dma_semaphore, #tpu.memory_space<semaphore_mem>>)
        %dma_wait3A = arith.constant 9480 : i32
        %dma_wait3A_200 = arith.constant 0 : i32
        %dma_wait3A_201 = tpu.memref_slice %arg16[%dma_wait3A, %dma_wait3A_200] : memref<10000x16xf32, #tpu.memory_space<vmem_shared>> -> memref<520x16xf32, #tpu.memory_space<vmem_shared>>
        %dma_wait3A_202 = arith.constant 0 : i32
        %dma_wait3A_203 = arith.constant 0 : i32
        %dma_wait3A_204 = tpu.memref_slice %arg4[%dma_wait3A_202, %dma_wait3A_203] : memref<632x16xf32, #tpu.memory_space<hbm>> -> memref<520x16xf32, #tpu.memory_space<hbm>>
        tpu.wait_dma2 semaphore(%run_scoped3A_193 : memref<!tpu.dma_semaphore, #tpu.memory_space<semaphore_mem>>) src(%dma_wait3A_204 : memref<520x16xf32, #tpu.memory_space<hbm>>) dst(%dma_wait3A_201 : memref<520x16xf32, #tpu.memory_space<vmem_shared>>)
        tpu.yield
      }) : () -> ()
    } else {
    }
    %run_scoped3A = arith.constant 0 : i32
    "tpu.region"() ({
      %run_scoped3A_193 = tpu.sem_alloc : memref<!tpu.dma_semaphore, #tpu.memory_space<semaphore_mem>>
      %dma_start3A_194 = arith.constant 0 : i32
      %dma_start3A_195 = tpu.memref_slice %arg3[%run_scoped3A, %add3A_5, %dma_start3A_194] : memref<2x2500x128xi32, #tpu.memory_space<hbm>> -> memref<1x79x128xi32, #tpu.memory_space<hbm>>
      %dma_start3A_196 = tpu.memref_squeeze %dma_start3A_195 : memref<1x79x128xi32, #tpu.memory_space<hbm>> -> memref<79x128xi32, #tpu.memory_space<hbm>>
      %dma_start3A_197 = arith.constant 0 : i32
      %dma_start3A_198 = tpu.memref_slice %arg3[%run_scoped3A, %add3A_5, %dma_start3A_197] : memref<2x2500x128xi32, #tpu.memory_space<hbm>> -> memref<1x79x128xi32, #tpu.memory_space<hbm>>
      %dma_start3A_199 = tpu.memref_squeeze %dma_start3A_198 : memref<1x79x128xi32, #tpu.memory_space<hbm>> -> memref<79x128xi32, #tpu.memory_space<hbm>>
      tpu.enqueue_dma source(%dma_start3A_199 : memref<79x128xi32, #tpu.memory_space<hbm>>) target(%arg6 : memref<79x128xi32, #tpu.memory_space<vmem>>) target_semaphore(%run_scoped3A_193 : memref<!tpu.dma_semaphore, #tpu.memory_space<semaphore_mem>>)
      %dma_wait3A = arith.constant 0 : i32
      %dma_wait3A_200 = tpu.memref_slice %arg3[%run_scoped3A, %add3A_5, %dma_wait3A] : memref<2x2500x128xi32, #tpu.memory_space<hbm>> -> memref<1x79x128xi32, #tpu.memory_space<hbm>>
      %dma_wait3A_201 = tpu.memref_squeeze %dma_wait3A_200 : memref<1x79x128xi32, #tpu.memory_space<hbm>> -> memref<79x128xi32, #tpu.memory_space<hbm>>
      %dma_wait3A_202 = arith.constant 0 : i32
      %dma_wait3A_203 = tpu.memref_slice %arg3[%run_scoped3A, %add3A_5, %dma_wait3A_202] : memref<2x2500x128xi32, #tpu.memory_space<hbm>> -> memref<1x79x128xi32, #tpu.memory_space<hbm>>
      %dma_wait3A_204 = tpu.memref_squeeze %dma_wait3A_203 : memref<1x79x128xi32, #tpu.memory_space<hbm>> -> memref<79x128xi32, #tpu.memory_space<hbm>>
      tpu.wait_dma2 semaphore(%run_scoped3A_193 : memref<!tpu.dma_semaphore, #tpu.memory_space<semaphore_mem>>) src(%dma_wait3A_204 : memref<79x128xi32, #tpu.memory_space<hbm>>) dst(%arg6 : memref<79x128xi32, #tpu.memory_space<vmem>>)
      tpu.yield
    }) : () -> ()
    %run_scoped3A_16 = arith.constant 1 : i32
    "tpu.region"() ({
      %run_scoped3A_193 = tpu.sem_alloc : memref<!tpu.dma_semaphore, #tpu.memory_space<semaphore_mem>>
      %dma_start3A_194 = arith.constant 0 : i32
      %dma_start3A_195 = tpu.memref_slice %arg3[%run_scoped3A_16, %add3A_5, %dma_start3A_194] : memref<2x2500x128xi32, #tpu.memory_space<hbm>> -> memref<1x79x128xi32, #tpu.memory_space<hbm>>
      %dma_start3A_196 = tpu.memref_squeeze %dma_start3A_195 : memref<1x79x128xi32, #tpu.memory_space<hbm>> -> memref<79x128xi32, #tpu.memory_space<hbm>>
      %dma_start3A_197 = arith.constant 0 : i32
      %dma_start3A_198 = tpu.memref_slice %arg3[%run_scoped3A_16, %add3A_5, %dma_start3A_197] : memref<2x2500x128xi32, #tpu.memory_space<hbm>> -> memref<1x79x128xi32, #tpu.memory_space<hbm>>
      %dma_start3A_199 = tpu.memref_squeeze %dma_start3A_198 : memref<1x79x128xi32, #tpu.memory_space<hbm>> -> memref<79x128xi32, #tpu.memory_space<hbm>>
      tpu.enqueue_dma source(%dma_start3A_199 : memref<79x128xi32, #tpu.memory_space<hbm>>) target(%arg7 : memref<79x128xi32, #tpu.memory_space<vmem>>) target_semaphore(%run_scoped3A_193 : memref<!tpu.dma_semaphore, #tpu.memory_space<semaphore_mem>>)
      %dma_wait3A = arith.constant 0 : i32
      %dma_wait3A_200 = tpu.memref_slice %arg3[%run_scoped3A_16, %add3A_5, %dma_wait3A] : memref<2x2500x128xi32, #tpu.memory_space<hbm>> -> memref<1x79x128xi32, #tpu.memory_space<hbm>>
      %dma_wait3A_201 = tpu.memref_squeeze %dma_wait3A_200 : memref<1x79x128xi32, #tpu.memory_space<hbm>> -> memref<79x128xi32, #tpu.memory_space<hbm>>
      %dma_wait3A_202 = arith.constant 0 : i32
      %dma_wait3A_203 = tpu.memref_slice %arg3[%run_scoped3A_16, %add3A_5, %dma_wait3A_202] : memref<2x2500x128xi32, #tpu.memory_space<hbm>> -> memref<1x79x128xi32, #tpu.memory_space<hbm>>
      %dma_wait3A_204 = tpu.memref_squeeze %dma_wait3A_203 : memref<1x79x128xi32, #tpu.memory_space<hbm>> -> memref<79x128xi32, #tpu.memory_space<hbm>>
      tpu.wait_dma2 semaphore(%run_scoped3A_193 : memref<!tpu.dma_semaphore, #tpu.memory_space<semaphore_mem>>) src(%dma_wait3A_204 : memref<79x128xi32, #tpu.memory_space<hbm>>) dst(%arg7 : memref<79x128xi32, #tpu.memory_space<vmem>>)
      tpu.yield
    }) : () -> ()
    %barrier3A = arith.constant 0 : index
    tpu.barrier barrier_id(%barrier3A)
    %add3A_17 = arith.constant 0 : i32
    %add3A_18 = arith.constant 0 : i32
    %add3A_19 = arith.addi %add3A_17, %add3A_18 : i32
    %dma_start3A = arith.constant 0 : i32
    %dma_start3A_20 = tpu.memref_slice %arg6[%add3A_19, %dma_start3A] : memref<79x128xi32, #tpu.memory_space<vmem>> -> memref<1x128xi32, #tpu.memory_space<vmem>>
    %dma_start3A_21 = tpu.memref_squeeze %dma_start3A_20 : memref<1x128xi32, #tpu.memory_space<vmem>> -> memref<128xi32, #tpu.memory_space<vmem>>
    %dma_start3A_22 = arith.constant 0 : i32
    %dma_start3A_23 = arith.constant 0 : i32
    %dma_start3A_24 = tpu.memref_slice %arg2[%dma_start3A_22, %dma_start3A_23] : memref<10000x16xf32, #tpu.memory_space<hbm>> -> memref<10000x16xf32, #tpu.memory_space<hbm>>
    tpu.enqueue_indirect_dma source(%dma_start3A_24 : memref<10000x16xf32, #tpu.memory_space<hbm>>) target(%arg8 : memref<128x16xf32, #tpu.memory_space<vmem>>) offsets(%dma_start3A_21 : memref<128xi32, #tpu.memory_space<vmem>>) semaphore(%arg17 : memref<!tpu.dma_semaphore, #tpu.memory_space<semaphore_mem>>)
    %add3A_25 = arith.constant 0 : i32
    %add3A_26 = arith.constant 1 : i32
    %add3A_27 = arith.addi %add3A_25, %add3A_26 : i32
    %dma_start3A_28 = arith.constant 0 : i32
    %dma_start3A_29 = tpu.memref_slice %arg6[%add3A_27, %dma_start3A_28] : memref<79x128xi32, #tpu.memory_space<vmem>> -> memref<1x128xi32, #tpu.memory_space<vmem>>
    %dma_start3A_30 = tpu.memref_squeeze %dma_start3A_29 : memref<1x128xi32, #tpu.memory_space<vmem>> -> memref<128xi32, #tpu.memory_space<vmem>>
    %dma_start3A_31 = arith.constant 0 : i32
    %dma_start3A_32 = arith.constant 0 : i32
    %dma_start3A_33 = tpu.memref_slice %arg2[%dma_start3A_31, %dma_start3A_32] : memref<10000x16xf32, #tpu.memory_space<hbm>> -> memref<10000x16xf32, #tpu.memory_space<hbm>>
    tpu.enqueue_indirect_dma source(%dma_start3A_33 : memref<10000x16xf32, #tpu.memory_space<hbm>>) target(%arg9 : memref<128x16xf32, #tpu.memory_space<vmem>>) offsets(%dma_start3A_30 : memref<128xi32, #tpu.memory_space<vmem>>) semaphore(%arg18 : memref<!tpu.dma_semaphore, #tpu.memory_space<semaphore_mem>>)
    %add3A_34 = arith.constant 0 : i32
    %add3A_35 = arith.constant 2 : i32
    %add3A_36 = arith.addi %add3A_34, %add3A_35 : i32
    %dma_start3A_37 = arith.constant 0 : i32
    %dma_start3A_38 = tpu.memref_slice %arg6[%add3A_36, %dma_start3A_37] : memref<79x128xi32, #tpu.memory_space<vmem>> -> memref<1x128xi32, #tpu.memory_space<vmem>>
    %dma_start3A_39 = tpu.memref_squeeze %dma_start3A_38 : memref<1x128xi32, #tpu.memory_space<vmem>> -> memref<128xi32, #tpu.memory_space<vmem>>
    %dma_start3A_40 = arith.constant 0 : i32
    %dma_start3A_41 = arith.constant 0 : i32
    %dma_start3A_42 = tpu.memref_slice %arg2[%dma_start3A_40, %dma_start3A_41] : memref<10000x16xf32, #tpu.memory_space<hbm>> -> memref<10000x16xf32, #tpu.memory_space<hbm>>
    tpu.enqueue_indirect_dma source(%dma_start3A_42 : memref<10000x16xf32, #tpu.memory_space<hbm>>) target(%arg10 : memref<128x16xf32, #tpu.memory_space<vmem>>) offsets(%dma_start3A_39 : memref<128xi32, #tpu.memory_space<vmem>>) semaphore(%arg19 : memref<!tpu.dma_semaphore, #tpu.memory_space<semaphore_mem>>)
    %add3A_43 = arith.constant 0 : i32
    %add3A_44 = arith.constant 3 : i32
    %add3A_45 = arith.addi %add3A_43, %add3A_44 : i32
    %dma_start3A_46 = arith.constant 0 : i32
    %dma_start3A_47 = tpu.memref_slice %arg6[%add3A_45, %dma_start3A_46] : memref<79x128xi32, #tpu.memory_space<vmem>> -> memref<1x128xi32, #tpu.memory_space<vmem>>
    %dma_start3A_48 = tpu.memref_squeeze %dma_start3A_47 : memref<1x128xi32, #tpu.memory_space<vmem>> -> memref<128xi32, #tpu.memory_space<vmem>>
    %dma_start3A_49 = arith.constant 0 : i32
    %dma_start3A_50 = arith.constant 0 : i32
    %dma_start3A_51 = tpu.memref_slice %arg2[%dma_start3A_49, %dma_start3A_50] : memref<10000x16xf32, #tpu.memory_space<hbm>> -> memref<10000x16xf32, #tpu.memory_space<hbm>>
    tpu.enqueue_indirect_dma source(%dma_start3A_51 : memref<10000x16xf32, #tpu.memory_space<hbm>>) target(%arg11 : memref<128x16xf32, #tpu.memory_space<vmem>>) offsets(%dma_start3A_48 : memref<128xi32, #tpu.memory_space<vmem>>) semaphore(%arg20 : memref<!tpu.dma_semaphore, #tpu.memory_space<semaphore_mem>>)
    %add3A_52 = arith.constant 0 : i32
    %add3A_53 = arith.constant 4 : i32
    %add3A_54 = arith.addi %add3A_52, %add3A_53 : i32
    %dma_start3A_55 = arith.constant 0 : i32
    %dma_start3A_56 = tpu.memref_slice %arg6[%add3A_54, %dma_start3A_55] : memref<79x128xi32, #tpu.memory_space<vmem>> -> memref<1x128xi32, #tpu.memory_space<vmem>>
    %dma_start3A_57 = tpu.memref_squeeze %dma_start3A_56 : memref<1x128xi32, #tpu.memory_space<vmem>> -> memref<128xi32, #tpu.memory_space<vmem>>
    %dma_start3A_58 = arith.constant 0 : i32
    %dma_start3A_59 = arith.constant 0 : i32
    %dma_start3A_60 = tpu.memref_slice %arg2[%dma_start3A_58, %dma_start3A_59] : memref<10000x16xf32, #tpu.memory_space<hbm>> -> memref<10000x16xf32, #tpu.memory_space<hbm>>
    tpu.enqueue_indirect_dma source(%dma_start3A_60 : memref<10000x16xf32, #tpu.memory_space<hbm>>) target(%arg12 : memref<128x16xf32, #tpu.memory_space<vmem>>) offsets(%dma_start3A_57 : memref<128xi32, #tpu.memory_space<vmem>>) semaphore(%arg21 : memref<!tpu.dma_semaphore, #tpu.memory_space<semaphore_mem>>)
    %add3A_61 = arith.constant 0 : i32
    %add3A_62 = arith.constant 5 : i32
    %add3A_63 = arith.addi %add3A_61, %add3A_62 : i32
    %dma_start3A_64 = arith.constant 0 : i32
    %dma_start3A_65 = tpu.memref_slice %arg6[%add3A_63, %dma_start3A_64] : memref<79x128xi32, #tpu.memory_space<vmem>> -> memref<1x128xi32, #tpu.memory_space<vmem>>
    %dma_start3A_66 = tpu.memref_squeeze %dma_start3A_65 : memref<1x128xi32, #tpu.memory_space<vmem>> -> memref<128xi32, #tpu.memory_space<vmem>>
    %dma_start3A_67 = arith.constant 0 : i32
    %dma_start3A_68 = arith.constant 0 : i32
    %dma_start3A_69 = tpu.memref_slice %arg2[%dma_start3A_67, %dma_start3A_68] : memref<10000x16xf32, #tpu.memory_space<hbm>> -> memref<10000x16xf32, #tpu.memory_space<hbm>>
    tpu.enqueue_indirect_dma source(%dma_start3A_69 : memref<10000x16xf32, #tpu.memory_space<hbm>>) target(%arg13 : memref<128x16xf32, #tpu.memory_space<vmem>>) offsets(%dma_start3A_66 : memref<128xi32, #tpu.memory_space<vmem>>) semaphore(%arg22 : memref<!tpu.dma_semaphore, #tpu.memory_space<semaphore_mem>>)
    %add3A_70 = arith.constant 0 : i32
    %add3A_71 = arith.constant 6 : i32
    %add3A_72 = arith.addi %add3A_70, %add3A_71 : i32
    %dma_start3A_73 = arith.constant 0 : i32
    %dma_start3A_74 = tpu.memref_slice %arg6[%add3A_72, %dma_start3A_73] : memref<79x128xi32, #tpu.memory_space<vmem>> -> memref<1x128xi32, #tpu.memory_space<vmem>>
    %dma_start3A_75 = tpu.memref_squeeze %dma_start3A_74 : memref<1x128xi32, #tpu.memory_space<vmem>> -> memref<128xi32, #tpu.memory_space<vmem>>
    %dma_start3A_76 = arith.constant 0 : i32
    %dma_start3A_77 = arith.constant 0 : i32
    %dma_start3A_78 = tpu.memref_slice %arg2[%dma_start3A_76, %dma_start3A_77] : memref<10000x16xf32, #tpu.memory_space<hbm>> -> memref<10000x16xf32, #tpu.memory_space<hbm>>
    tpu.enqueue_indirect_dma source(%dma_start3A_78 : memref<10000x16xf32, #tpu.memory_space<hbm>>) target(%arg14 : memref<128x16xf32, #tpu.memory_space<vmem>>) offsets(%dma_start3A_75 : memref<128xi32, #tpu.memory_space<vmem>>) semaphore(%arg23 : memref<!tpu.dma_semaphore, #tpu.memory_space<semaphore_mem>>)
    %add3A_79 = arith.constant 0 : i32
    %add3A_80 = arith.constant 7 : i32
    %add3A_81 = arith.addi %add3A_79, %add3A_80 : i32
    %dma_start3A_82 = arith.constant 0 : i32
    %dma_start3A_83 = tpu.memref_slice %arg6[%add3A_81, %dma_start3A_82] : memref<79x128xi32, #tpu.memory_space<vmem>> -> memref<1x128xi32, #tpu.memory_space<vmem>>
    %dma_start3A_84 = tpu.memref_squeeze %dma_start3A_83 : memref<1x128xi32, #tpu.memory_space<vmem>> -> memref<128xi32, #tpu.memory_space<vmem>>
    %dma_start3A_85 = arith.constant 0 : i32
    %dma_start3A_86 = arith.constant 0 : i32
    %dma_start3A_87 = tpu.memref_slice %arg2[%dma_start3A_85, %dma_start3A_86] : memref<10000x16xf32, #tpu.memory_space<hbm>> -> memref<10000x16xf32, #tpu.memory_space<hbm>>
    tpu.enqueue_indirect_dma source(%dma_start3A_87 : memref<10000x16xf32, #tpu.memory_space<hbm>>) target(%arg15 : memref<128x16xf32, #tpu.memory_space<vmem>>) offsets(%dma_start3A_84 : memref<128xi32, #tpu.memory_space<vmem>>) semaphore(%arg24 : memref<!tpu.dma_semaphore, #tpu.memory_space<semaphore_mem>>)
    %scan3A = arith.constant 0 : i32
    %scan3A_88 = arith.constant 0 : i32
    %scan3A_89 = arith.constant 0 : i32
    %scan3A_90 = arith.constant 8 : i32
    %scan3A_91 = arith.addi %scan3A_89, %scan3A_90 : i32
    %scan3A_92 = arith.constant 1 : i32
    scf.for %scan3A_193 = %scan3A_89 to %scan3A_91 step %scan3A_92  : i32 {
      %mul3A_194 = arith.constant 8 : i32
      %mul3A_195 = arith.muli %scan3A_193, %mul3A_194 : i32
      %add3A_196 = arith.constant 0 : i32
      %add3A_197 = arith.addi %mul3A_195, %add3A_196 : i32
      %add3A_198 = arith.addi %scan3A_88, %add3A_197 : i32
      %dma_wait3A = arith.constant 0 : i32
      %dma_wait3A_199 = tpu.memref_slice %arg6[%add3A_198, %dma_wait3A] : memref<79x128xi32, #tpu.memory_space<vmem>> -> memref<1x128xi32, #tpu.memory_space<vmem>>
      %dma_wait3A_200 = tpu.memref_squeeze %dma_wait3A_199 : memref<1x128xi32, #tpu.memory_space<vmem>> -> memref<128xi32, #tpu.memory_space<vmem>>
      %dma_wait3A_201 = arith.constant 0 : i32
      %dma_wait3A_202 = arith.constant 0 : i32
      %dma_wait3A_203 = tpu.memref_slice %arg2[%dma_wait3A_201, %dma_wait3A_202] : memref<10000x16xf32, #tpu.memory_space<hbm>> -> memref<10000x16xf32, #tpu.memory_space<hbm>>
      tpu.wait_indirect_dma semaphore(%arg17 : memref<!tpu.dma_semaphore, #tpu.memory_space<semaphore_mem>>) src(%dma_wait3A_203 : memref<10000x16xf32, #tpu.memory_space<hbm>>) dst(%arg8 : memref<128x16xf32, #tpu.memory_space<vmem>>)
      %add3A_204 = arith.addi %scan3A_88, %add3A_197 : i32
      "tpu.region"() ({
        %run_scoped3A_337 = tpu.sem_alloc : memref<!tpu.dma_semaphore, #tpu.memory_space<semaphore_mem>>
        %dma_start3A_338 = arith.constant 0 : i32
        %dma_start3A_339 = tpu.memref_slice %arg7[%add3A_204, %dma_start3A_338] : memref<79x128xi32, #tpu.memory_space<vmem>> -> memref<1x128xi32, #tpu.memory_space<vmem>>
        %dma_start3A_340 = tpu.memref_squeeze %dma_start3A_339 : memref<1x128xi32, #tpu.memory_space<vmem>> -> memref<128xi32, #tpu.memory_space<vmem>>
        %dma_start3A_341 = arith.constant 0 : i32
        %dma_start3A_342 = arith.constant 0 : i32
        %dma_start3A_343 = tpu.memref_slice %arg16[%dma_start3A_341, %dma_start3A_342] : memref<10000x16xf32, #tpu.memory_space<vmem_shared>> -> memref<10000x16xf32, #tpu.memory_space<vmem_shared>>
        tpu.enqueue_indirect_dma source(%arg8 : memref<128x16xf32, #tpu.memory_space<vmem>>) target(%dma_start3A_343 : memref<10000x16xf32, #tpu.memory_space<vmem_shared>>) offsets(%dma_start3A_340 : memref<128xi32, #tpu.memory_space<vmem>>) semaphore(%run_scoped3A_337 : memref<!tpu.dma_semaphore, #tpu.memory_space<semaphore_mem>>) {add = true}
        %dma_wait3A_344 = arith.constant 0 : i32
        %dma_wait3A_345 = tpu.memref_slice %arg7[%add3A_204, %dma_wait3A_344] : memref<79x128xi32, #tpu.memory_space<vmem>> -> memref<1x128xi32, #tpu.memory_space<vmem>>
        %dma_wait3A_346 = tpu.memref_squeeze %dma_wait3A_345 : memref<1x128xi32, #tpu.memory_space<vmem>> -> memref<128xi32, #tpu.memory_space<vmem>>
        %dma_wait3A_347 = arith.constant 0 : i32
        %dma_wait3A_348 = arith.constant 0 : i32
        %dma_wait3A_349 = tpu.memref_slice %arg16[%dma_wait3A_347, %dma_wait3A_348] : memref<10000x16xf32, #tpu.memory_space<vmem_shared>> -> memref<10000x16xf32, #tpu.memory_space<vmem_shared>>
        tpu.wait_indirect_dma semaphore(%run_scoped3A_337 : memref<!tpu.dma_semaphore, #tpu.memory_space<semaphore_mem>>) src(%arg8 : memref<128x16xf32, #tpu.memory_space<vmem>>) dst(%dma_wait3A_349 : memref<10000x16xf32, #tpu.memory_space<vmem_shared>>)
        tpu.yield
      }) : () -> ()
      %add3A_205 = arith.constant 8 : i32
      %add3A_206 = arith.addi %add3A_197, %add3A_205 : i32
      %lt3A_207 = arith.cmpi slt, %add3A_206, %add3A_8 : i32
      %convert_element_type3A_208 = arith.extui %lt3A_207 : i1 to i32
      %cond3A_209 = arith.constant 0 : i32
      %cond3A_210 = arith.cmpi ne, %convert_element_type3A_208, %cond3A_209 : i32
      scf.if %cond3A_210 {
        %add3A_337 = arith.addi %scan3A_88, %add3A_197 : i32
        %add3A_338 = arith.constant 8 : i32
        %add3A_339 = arith.addi %add3A_337, %add3A_338 : i32
        %dma_start3A_340 = arith.constant 0 : i32
        %dma_start3A_341 = tpu.memref_slice %arg6[%add3A_339, %dma_start3A_340] : memref<79x128xi32, #tpu.memory_space<vmem>> -> memref<1x128xi32, #tpu.memory_space<vmem>>
        %dma_start3A_342 = tpu.memref_squeeze %dma_start3A_341 : memref<1x128xi32, #tpu.memory_space<vmem>> -> memref<128xi32, #tpu.memory_space<vmem>>
        %dma_start3A_343 = arith.constant 0 : i32
        %dma_start3A_344 = arith.constant 0 : i32
        %dma_start3A_345 = tpu.memref_slice %arg2[%dma_start3A_343, %dma_start3A_344] : memref<10000x16xf32, #tpu.memory_space<hbm>> -> memref<10000x16xf32, #tpu.memory_space<hbm>>
        tpu.enqueue_indirect_dma source(%dma_start3A_345 : memref<10000x16xf32, #tpu.memory_space<hbm>>) target(%arg8 : memref<128x16xf32, #tpu.memory_space<vmem>>) offsets(%dma_start3A_342 : memref<128xi32, #tpu.memory_space<vmem>>) semaphore(%arg17 : memref<!tpu.dma_semaphore, #tpu.memory_space<semaphore_mem>>)
      } else {
      }
      %mul3A_211 = arith.constant 8 : i32
      %mul3A_212 = arith.muli %scan3A_193, %mul3A_211 : i32
      %add3A_213 = arith.constant 1 : i32
      %add3A_214 = arith.addi %mul3A_212, %add3A_213 : i32
      %add3A_215 = arith.addi %scan3A_88, %add3A_214 : i32
      %dma_wait3A_216 = arith.constant 0 : i32
      %dma_wait3A_217 = tpu.memref_slice %arg6[%add3A_215, %dma_wait3A_216] : memref<79x128xi32, #tpu.memory_space<vmem>> -> memref<1x128xi32, #tpu.memory_space<vmem>>
      %dma_wait3A_218 = tpu.memref_squeeze %dma_wait3A_217 : memref<1x128xi32, #tpu.memory_space<vmem>> -> memref<128xi32, #tpu.memory_space<vmem>>
      %dma_wait3A_219 = arith.constant 0 : i32
      %dma_wait3A_220 = arith.constant 0 : i32
      %dma_wait3A_221 = tpu.memref_slice %arg2[%dma_wait3A_219, %dma_wait3A_220] : memref<10000x16xf32, #tpu.memory_space<hbm>> -> memref<10000x16xf32, #tpu.memory_space<hbm>>
      tpu.wait_indirect_dma semaphore(%arg18 : memref<!tpu.dma_semaphore, #tpu.memory_space<semaphore_mem>>) src(%dma_wait3A_221 : memref<10000x16xf32, #tpu.memory_space<hbm>>) dst(%arg9 : memref<128x16xf32, #tpu.memory_space<vmem>>)
      %add3A_222 = arith.addi %scan3A_88, %add3A_214 : i32
      "tpu.region"() ({
        %run_scoped3A_337 = tpu.sem_alloc : memref<!tpu.dma_semaphore, #tpu.memory_space<semaphore_mem>>
        %dma_start3A_338 = arith.constant 0 : i32
        %dma_start3A_339 = tpu.memref_slice %arg7[%add3A_222, %dma_start3A_338] : memref<79x128xi32, #tpu.memory_space<vmem>> -> memref<1x128xi32, #tpu.memory_space<vmem>>
        %dma_start3A_340 = tpu.memref_squeeze %dma_start3A_339 : memref<1x128xi32, #tpu.memory_space<vmem>> -> memref<128xi32, #tpu.memory_space<vmem>>
        %dma_start3A_341 = arith.constant 0 : i32
        %dma_start3A_342 = arith.constant 0 : i32
        %dma_start3A_343 = tpu.memref_slice %arg16[%dma_start3A_341, %dma_start3A_342] : memref<10000x16xf32, #tpu.memory_space<vmem_shared>> -> memref<10000x16xf32, #tpu.memory_space<vmem_shared>>
        tpu.enqueue_indirect_dma source(%arg9 : memref<128x16xf32, #tpu.memory_space<vmem>>) target(%dma_start3A_343 : memref<10000x16xf32, #tpu.memory_space<vmem_shared>>) offsets(%dma_start3A_340 : memref<128xi32, #tpu.memory_space<vmem>>) semaphore(%run_scoped3A_337 : memref<!tpu.dma_semaphore, #tpu.memory_space<semaphore_mem>>) {add = true}
        %dma_wait3A_344 = arith.constant 0 : i32
        %dma_wait3A_345 = tpu.memref_slice %arg7[%add3A_222, %dma_wait3A_344] : memref<79x128xi32, #tpu.memory_space<vmem>> -> memref<1x128xi32, #tpu.memory_space<vmem>>
        %dma_wait3A_346 = tpu.memref_squeeze %dma_wait3A_345 : memref<1x128xi32, #tpu.memory_space<vmem>> -> memref<128xi32, #tpu.memory_space<vmem>>
        %dma_wait3A_347 = arith.constant 0 : i32
        %dma_wait3A_348 = arith.constant 0 : i32
        %dma_wait3A_349 = tpu.memref_slice %arg16[%dma_wait3A_347, %dma_wait3A_348] : memref<10000x16xf32, #tpu.memory_space<vmem_shared>> -> memref<10000x16xf32, #tpu.memory_space<vmem_shared>>
        tpu.wait_indirect_dma semaphore(%run_scoped3A_337 : memref<!tpu.dma_semaphore, #tpu.memory_space<semaphore_mem>>) src(%arg9 : memref<128x16xf32, #tpu.memory_space<vmem>>) dst(%dma_wait3A_349 : memref<10000x16xf32, #tpu.memory_space<vmem_shared>>)
        tpu.yield
      }) : () -> ()
      %add3A_223 = arith.constant 8 : i32
      %add3A_224 = arith.addi %add3A_214, %add3A_223 : i32
      %lt3A_225 = arith.cmpi slt, %add3A_224, %add3A_8 : i32
      %convert_element_type3A_226 = arith.extui %lt3A_225 : i1 to i32
      %cond3A_227 = arith.constant 0 : i32
      %cond3A_228 = arith.cmpi ne, %convert_element_type3A_226, %cond3A_227 : i32
      scf.if %cond3A_228 {
        %add3A_337 = arith.addi %scan3A_88, %add3A_214 : i32
        %add3A_338 = arith.constant 8 : i32
        %add3A_339 = arith.addi %add3A_337, %add3A_338 : i32
        %dma_start3A_340 = arith.constant 0 : i32
        %dma_start3A_341 = tpu.memref_slice %arg6[%add3A_339, %dma_start3A_340] : memref<79x128xi32, #tpu.memory_space<vmem>> -> memref<1x128xi32, #tpu.memory_space<vmem>>
        %dma_start3A_342 = tpu.memref_squeeze %dma_start3A_341 : memref<1x128xi32, #tpu.memory_space<vmem>> -> memref<128xi32, #tpu.memory_space<vmem>>
        %dma_start3A_343 = arith.constant 0 : i32
        %dma_start3A_344 = arith.constant 0 : i32
        %dma_start3A_345 = tpu.memref_slice %arg2[%dma_start3A_343, %dma_start3A_344] : memref<10000x16xf32, #tpu.memory_space<hbm>> -> memref<10000x16xf32, #tpu.memory_space<hbm>>
        tpu.enqueue_indirect_dma source(%dma_start3A_345 : memref<10000x16xf32, #tpu.memory_space<hbm>>) target(%arg9 : memref<128x16xf32, #tpu.memory_space<vmem>>) offsets(%dma_start3A_342 : memref<128xi32, #tpu.memory_space<vmem>>) semaphore(%arg18 : memref<!tpu.dma_semaphore, #tpu.memory_space<semaphore_mem>>)
      } else {
      }
      %mul3A_229 = arith.constant 8 : i32
      %mul3A_230 = arith.muli %scan3A_193, %mul3A_229 : i32
      %add3A_231 = arith.constant 2 : i32
      %add3A_232 = arith.addi %mul3A_230, %add3A_231 : i32
      %add3A_233 = arith.addi %scan3A_88, %add3A_232 : i32
      %dma_wait3A_234 = arith.constant 0 : i32
      %dma_wait3A_235 = tpu.memref_slice %arg6[%add3A_233, %dma_wait3A_234] : memref<79x128xi32, #tpu.memory_space<vmem>> -> memref<1x128xi32, #tpu.memory_space<vmem>>
      %dma_wait3A_236 = tpu.memref_squeeze %dma_wait3A_235 : memref<1x128xi32, #tpu.memory_space<vmem>> -> memref<128xi32, #tpu.memory_space<vmem>>
      %dma_wait3A_237 = arith.constant 0 : i32
      %dma_wait3A_238 = arith.constant 0 : i32
      %dma_wait3A_239 = tpu.memref_slice %arg2[%dma_wait3A_237, %dma_wait3A_238] : memref<10000x16xf32, #tpu.memory_space<hbm>> -> memref<10000x16xf32, #tpu.memory_space<hbm>>
      tpu.wait_indirect_dma semaphore(%arg19 : memref<!tpu.dma_semaphore, #tpu.memory_space<semaphore_mem>>) src(%dma_wait3A_239 : memref<10000x16xf32, #tpu.memory_space<hbm>>) dst(%arg10 : memref<128x16xf32, #tpu.memory_space<vmem>>)
      %add3A_240 = arith.addi %scan3A_88, %add3A_232 : i32
      "tpu.region"() ({
        %run_scoped3A_337 = tpu.sem_alloc : memref<!tpu.dma_semaphore, #tpu.memory_space<semaphore_mem>>
        %dma_start3A_338 = arith.constant 0 : i32
        %dma_start3A_339 = tpu.memref_slice %arg7[%add3A_240, %dma_start3A_338] : memref<79x128xi32, #tpu.memory_space<vmem>> -> memref<1x128xi32, #tpu.memory_space<vmem>>
        %dma_start3A_340 = tpu.memref_squeeze %dma_start3A_339 : memref<1x128xi32, #tpu.memory_space<vmem>> -> memref<128xi32, #tpu.memory_space<vmem>>
        %dma_start3A_341 = arith.constant 0 : i32
        %dma_start3A_342 = arith.constant 0 : i32
        %dma_start3A_343 = tpu.memref_slice %arg16[%dma_start3A_341, %dma_start3A_342] : memref<10000x16xf32, #tpu.memory_space<vmem_shared>> -> memref<10000x16xf32, #tpu.memory_space<vmem_shared>>
        tpu.enqueue_indirect_dma source(%arg10 : memref<128x16xf32, #tpu.memory_space<vmem>>) target(%dma_start3A_343 : memref<10000x16xf32, #tpu.memory_space<vmem_shared>>) offsets(%dma_start3A_340 : memref<128xi32, #tpu.memory_space<vmem>>) semaphore(%run_scoped3A_337 : memref<!tpu.dma_semaphore, #tpu.memory_space<semaphore_mem>>) {add = true}
        %dma_wait3A_344 = arith.constant 0 : i32
        %dma_wait3A_345 = tpu.memref_slice %arg7[%add3A_240, %dma_wait3A_344] : memref<79x128xi32, #tpu.memory_space<vmem>> -> memref<1x128xi32, #tpu.memory_space<vmem>>
        %dma_wait3A_346 = tpu.memref_squeeze %dma_wait3A_345 : memref<1x128xi32, #tpu.memory_space<vmem>> -> memref<128xi32, #tpu.memory_space<vmem>>
        %dma_wait3A_347 = arith.constant 0 : i32
        %dma_wait3A_348 = arith.constant 0 : i32
        %dma_wait3A_349 = tpu.memref_slice %arg16[%dma_wait3A_347, %dma_wait3A_348] : memref<10000x16xf32, #tpu.memory_space<vmem_shared>> -> memref<10000x16xf32, #tpu.memory_space<vmem_shared>>
        tpu.wait_indirect_dma semaphore(%run_scoped3A_337 : memref<!tpu.dma_semaphore, #tpu.memory_space<semaphore_mem>>) src(%arg10 : memref<128x16xf32, #tpu.memory_space<vmem>>) dst(%dma_wait3A_349 : memref<10000x16xf32, #tpu.memory_space<vmem_shared>>)
        tpu.yield
      }) : () -> ()
      %add3A_241 = arith.constant 8 : i32
      %add3A_242 = arith.addi %add3A_232, %add3A_241 : i32
      %lt3A_243 = arith.cmpi slt, %add3A_242, %add3A_8 : i32
      %convert_element_type3A_244 = arith.extui %lt3A_243 : i1 to i32
      %cond3A_245 = arith.constant 0 : i32
      %cond3A_246 = arith.cmpi ne, %convert_element_type3A_244, %cond3A_245 : i32
      scf.if %cond3A_246 {
        %add3A_337 = arith.addi %scan3A_88, %add3A_232 : i32
        %add3A_338 = arith.constant 8 : i32
        %add3A_339 = arith.addi %add3A_337, %add3A_338 : i32
        %dma_start3A_340 = arith.constant 0 : i32
        %dma_start3A_341 = tpu.memref_slice %arg6[%add3A_339, %dma_start3A_340] : memref<79x128xi32, #tpu.memory_space<vmem>> -> memref<1x128xi32, #tpu.memory_space<vmem>>
        %dma_start3A_342 = tpu.memref_squeeze %dma_start3A_341 : memref<1x128xi32, #tpu.memory_space<vmem>> -> memref<128xi32, #tpu.memory_space<vmem>>
        %dma_start3A_343 = arith.constant 0 : i32
        %dma_start3A_344 = arith.constant 0 : i32
        %dma_start3A_345 = tpu.memref_slice %arg2[%dma_start3A_343, %dma_start3A_344] : memref<10000x16xf32, #tpu.memory_space<hbm>> -> memref<10000x16xf32, #tpu.memory_space<hbm>>
        tpu.enqueue_indirect_dma source(%dma_start3A_345 : memref<10000x16xf32, #tpu.memory_space<hbm>>) target(%arg10 : memref<128x16xf32, #tpu.memory_space<vmem>>) offsets(%dma_start3A_342 : memref<128xi32, #tpu.memory_space<vmem>>) semaphore(%arg19 : memref<!tpu.dma_semaphore, #tpu.memory_space<semaphore_mem>>)
      } else {
      }
      %mul3A_247 = arith.constant 8 : i32
      %mul3A_248 = arith.muli %scan3A_193, %mul3A_247 : i32
      %add3A_249 = arith.constant 3 : i32
      %add3A_250 = arith.addi %mul3A_248, %add3A_249 : i32
      %add3A_251 = arith.addi %scan3A_88, %add3A_250 : i32
      %dma_wait3A_252 = arith.constant 0 : i32
      %dma_wait3A_253 = tpu.memref_slice %arg6[%add3A_251, %dma_wait3A_252] : memref<79x128xi32, #tpu.memory_space<vmem>> -> memref<1x128xi32, #tpu.memory_space<vmem>>
      %dma_wait3A_254 = tpu.memref_squeeze %dma_wait3A_253 : memref<1x128xi32, #tpu.memory_space<vmem>> -> memref<128xi32, #tpu.memory_space<vmem>>
      %dma_wait3A_255 = arith.constant 0 : i32
      %dma_wait3A_256 = arith.constant 0 : i32
      %dma_wait3A_257 = tpu.memref_slice %arg2[%dma_wait3A_255, %dma_wait3A_256] : memref<10000x16xf32, #tpu.memory_space<hbm>> -> memref<10000x16xf32, #tpu.memory_space<hbm>>
      tpu.wait_indirect_dma semaphore(%arg20 : memref<!tpu.dma_semaphore, #tpu.memory_space<semaphore_mem>>) src(%dma_wait3A_257 : memref<10000x16xf32, #tpu.memory_space<hbm>>) dst(%arg11 : memref<128x16xf32, #tpu.memory_space<vmem>>)
      %add3A_258 = arith.addi %scan3A_88, %add3A_250 : i32
      "tpu.region"() ({
        %run_scoped3A_337 = tpu.sem_alloc : memref<!tpu.dma_semaphore, #tpu.memory_space<semaphore_mem>>
        %dma_start3A_338 = arith.constant 0 : i32
        %dma_start3A_339 = tpu.memref_slice %arg7[%add3A_258, %dma_start3A_338] : memref<79x128xi32, #tpu.memory_space<vmem>> -> memref<1x128xi32, #tpu.memory_space<vmem>>
        %dma_start3A_340 = tpu.memref_squeeze %dma_start3A_339 : memref<1x128xi32, #tpu.memory_space<vmem>> -> memref<128xi32, #tpu.memory_space<vmem>>
        %dma_start3A_341 = arith.constant 0 : i32
        %dma_start3A_342 = arith.constant 0 : i32
        %dma_start3A_343 = tpu.memref_slice %arg16[%dma_start3A_341, %dma_start3A_342] : memref<10000x16xf32, #tpu.memory_space<vmem_shared>> -> memref<10000x16xf32, #tpu.memory_space<vmem_shared>>
        tpu.enqueue_indirect_dma source(%arg11 : memref<128x16xf32, #tpu.memory_space<vmem>>) target(%dma_start3A_343 : memref<10000x16xf32, #tpu.memory_space<vmem_shared>>) offsets(%dma_start3A_340 : memref<128xi32, #tpu.memory_space<vmem>>) semaphore(%run_scoped3A_337 : memref<!tpu.dma_semaphore, #tpu.memory_space<semaphore_mem>>) {add = true}
        %dma_wait3A_344 = arith.constant 0 : i32
        %dma_wait3A_345 = tpu.memref_slice %arg7[%add3A_258, %dma_wait3A_344] : memref<79x128xi32, #tpu.memory_space<vmem>> -> memref<1x128xi32, #tpu.memory_space<vmem>>
        %dma_wait3A_346 = tpu.memref_squeeze %dma_wait3A_345 : memref<1x128xi32, #tpu.memory_space<vmem>> -> memref<128xi32, #tpu.memory_space<vmem>>
        %dma_wait3A_347 = arith.constant 0 : i32
        %dma_wait3A_348 = arith.constant 0 : i32
        %dma_wait3A_349 = tpu.memref_slice %arg16[%dma_wait3A_347, %dma_wait3A_348] : memref<10000x16xf32, #tpu.memory_space<vmem_shared>> -> memref<10000x16xf32, #tpu.memory_space<vmem_shared>>
        tpu.wait_indirect_dma semaphore(%run_scoped3A_337 : memref<!tpu.dma_semaphore, #tpu.memory_space<semaphore_mem>>) src(%arg11 : memref<128x16xf32, #tpu.memory_space<vmem>>) dst(%dma_wait3A_349 : memref<10000x16xf32, #tpu.memory_space<vmem_shared>>)
        tpu.yield
      }) : () -> ()
      %add3A_259 = arith.constant 8 : i32
      %add3A_260 = arith.addi %add3A_250, %add3A_259 : i32
      %lt3A_261 = arith.cmpi slt, %add3A_260, %add3A_8 : i32
      %convert_element_type3A_262 = arith.extui %lt3A_261 : i1 to i32
      %cond3A_263 = arith.constant 0 : i32
      %cond3A_264 = arith.cmpi ne, %convert_element_type3A_262, %cond3A_263 : i32
      scf.if %cond3A_264 {
        %add3A_337 = arith.addi %scan3A_88, %add3A_250 : i32
        %add3A_338 = arith.constant 8 : i32
        %add3A_339 = arith.addi %add3A_337, %add3A_338 : i32
        %dma_start3A_340 = arith.constant 0 : i32
        %dma_start3A_341 = tpu.memref_slice %arg6[%add3A_339, %dma_start3A_340] : memref<79x128xi32, #tpu.memory_space<vmem>> -> memref<1x128xi32, #tpu.memory_space<vmem>>
        %dma_start3A_342 = tpu.memref_squeeze %dma_start3A_341 : memref<1x128xi32, #tpu.memory_space<vmem>> -> memref<128xi32, #tpu.memory_space<vmem>>
        %dma_start3A_343 = arith.constant 0 : i32
        %dma_start3A_344 = arith.constant 0 : i32
        %dma_start3A_345 = tpu.memref_slice %arg2[%dma_start3A_343, %dma_start3A_344] : memref<10000x16xf32, #tpu.memory_space<hbm>> -> memref<10000x16xf32, #tpu.memory_space<hbm>>
        tpu.enqueue_indirect_dma source(%dma_start3A_345 : memref<10000x16xf32, #tpu.memory_space<hbm>>) target(%arg11 : memref<128x16xf32, #tpu.memory_space<vmem>>) offsets(%dma_start3A_342 : memref<128xi32, #tpu.memory_space<vmem>>) semaphore(%arg20 : memref<!tpu.dma_semaphore, #tpu.memory_space<semaphore_mem>>)
      } else {
      }
      %mul3A_265 = arith.constant 8 : i32
      %mul3A_266 = arith.muli %scan3A_193, %mul3A_265 : i32
      %add3A_267 = arith.constant 4 : i32
      %add3A_268 = arith.addi %mul3A_266, %add3A_267 : i32
      %add3A_269 = arith.addi %scan3A_88, %add3A_268 : i32
      %dma_wait3A_270 = arith.constant 0 : i32
      %dma_wait3A_271 = tpu.memref_slice %arg6[%add3A_269, %dma_wait3A_270] : memref<79x128xi32, #tpu.memory_space<vmem>> -> memref<1x128xi32, #tpu.memory_space<vmem>>
      %dma_wait3A_272 = tpu.memref_squeeze %dma_wait3A_271 : memref<1x128xi32, #tpu.memory_space<vmem>> -> memref<128xi32, #tpu.memory_space<vmem>>
      %dma_wait3A_273 = arith.constant 0 : i32
      %dma_wait3A_274 = arith.constant 0 : i32
      %dma_wait3A_275 = tpu.memref_slice %arg2[%dma_wait3A_273, %dma_wait3A_274] : memref<10000x16xf32, #tpu.memory_space<hbm>> -> memref<10000x16xf32, #tpu.memory_space<hbm>>
      tpu.wait_indirect_dma semaphore(%arg21 : memref<!tpu.dma_semaphore, #tpu.memory_space<semaphore_mem>>) src(%dma_wait3A_275 : memref<10000x16xf32, #tpu.memory_space<hbm>>) dst(%arg12 : memref<128x16xf32, #tpu.memory_space<vmem>>)
      %add3A_276 = arith.addi %scan3A_88, %add3A_268 : i32
      "tpu.region"() ({
        %run_scoped3A_337 = tpu.sem_alloc : memref<!tpu.dma_semaphore, #tpu.memory_space<semaphore_mem>>
        %dma_start3A_338 = arith.constant 0 : i32
        %dma_start3A_339 = tpu.memref_slice %arg7[%add3A_276, %dma_start3A_338] : memref<79x128xi32, #tpu.memory_space<vmem>> -> memref<1x128xi32, #tpu.memory_space<vmem>>
        %dma_start3A_340 = tpu.memref_squeeze %dma_start3A_339 : memref<1x128xi32, #tpu.memory_space<vmem>> -> memref<128xi32, #tpu.memory_space<vmem>>
        %dma_start3A_341 = arith.constant 0 : i32
        %dma_start3A_342 = arith.constant 0 : i32
        %dma_start3A_343 = tpu.memref_slice %arg16[%dma_start3A_341, %dma_start3A_342] : memref<10000x16xf32, #tpu.memory_space<vmem_shared>> -> memref<10000x16xf32, #tpu.memory_space<vmem_shared>>
        tpu.enqueue_indirect_dma source(%arg12 : memref<128x16xf32, #tpu.memory_space<vmem>>) target(%dma_start3A_343 : memref<10000x16xf32, #tpu.memory_space<vmem_shared>>) offsets(%dma_start3A_340 : memref<128xi32, #tpu.memory_space<vmem>>) semaphore(%run_scoped3A_337 : memref<!tpu.dma_semaphore, #tpu.memory_space<semaphore_mem>>) {add = true}
        %dma_wait3A_344 = arith.constant 0 : i32
        %dma_wait3A_345 = tpu.memref_slice %arg7[%add3A_276, %dma_wait3A_344] : memref<79x128xi32, #tpu.memory_space<vmem>> -> memref<1x128xi32, #tpu.memory_space<vmem>>
        %dma_wait3A_346 = tpu.memref_squeeze %dma_wait3A_345 : memref<1x128xi32, #tpu.memory_space<vmem>> -> memref<128xi32, #tpu.memory_space<vmem>>
        %dma_wait3A_347 = arith.constant 0 : i32
        %dma_wait3A_348 = arith.constant 0 : i32
        %dma_wait3A_349 = tpu.memref_slice %arg16[%dma_wait3A_347, %dma_wait3A_348] : memref<10000x16xf32, #tpu.memory_space<vmem_shared>> -> memref<10000x16xf32, #tpu.memory_space<vmem_shared>>
        tpu.wait_indirect_dma semaphore(%run_scoped3A_337 : memref<!tpu.dma_semaphore, #tpu.memory_space<semaphore_mem>>) src(%arg12 : memref<128x16xf32, #tpu.memory_space<vmem>>) dst(%dma_wait3A_349 : memref<10000x16xf32, #tpu.memory_space<vmem_shared>>)
        tpu.yield
      }) : () -> ()
      %add3A_277 = arith.constant 8 : i32
      %add3A_278 = arith.addi %add3A_268, %add3A_277 : i32
      %lt3A_279 = arith.cmpi slt, %add3A_278, %add3A_8 : i32
      %convert_element_type3A_280 = arith.extui %lt3A_279 : i1 to i32
      %cond3A_281 = arith.constant 0 : i32
      %cond3A_282 = arith.cmpi ne, %convert_element_type3A_280, %cond3A_281 : i32
      scf.if %cond3A_282 {
        %add3A_337 = arith.addi %scan3A_88, %add3A_268 : i32
        %add3A_338 = arith.constant 8 : i32
        %add3A_339 = arith.addi %add3A_337, %add3A_338 : i32
        %dma_start3A_340 = arith.constant 0 : i32
        %dma_start3A_341 = tpu.memref_slice %arg6[%add3A_339, %dma_start3A_340] : memref<79x128xi32, #tpu.memory_space<vmem>> -> memref<1x128xi32, #tpu.memory_space<vmem>>
        %dma_start3A_342 = tpu.memref_squeeze %dma_start3A_341 : memref<1x128xi32, #tpu.memory_space<vmem>> -> memref<128xi32, #tpu.memory_space<vmem>>
        %dma_start3A_343 = arith.constant 0 : i32
        %dma_start3A_344 = arith.constant 0 : i32
        %dma_start3A_345 = tpu.memref_slice %arg2[%dma_start3A_343, %dma_start3A_344] : memref<10000x16xf32, #tpu.memory_space<hbm>> -> memref<10000x16xf32, #tpu.memory_space<hbm>>
        tpu.enqueue_indirect_dma source(%dma_start3A_345 : memref<10000x16xf32, #tpu.memory_space<hbm>>) target(%arg12 : memref<128x16xf32, #tpu.memory_space<vmem>>) offsets(%dma_start3A_342 : memref<128xi32, #tpu.memory_space<vmem>>) semaphore(%arg21 : memref<!tpu.dma_semaphore, #tpu.memory_space<semaphore_mem>>)
      } else {
      }
      %mul3A_283 = arith.constant 8 : i32
      %mul3A_284 = arith.muli %scan3A_193, %mul3A_283 : i32
      %add3A_285 = arith.constant 5 : i32
      %add3A_286 = arith.addi %mul3A_284, %add3A_285 : i32
      %add3A_287 = arith.addi %scan3A_88, %add3A_286 : i32
      %dma_wait3A_288 = arith.constant 0 : i32
      %dma_wait3A_289 = tpu.memref_slice %arg6[%add3A_287, %dma_wait3A_288] : memref<79x128xi32, #tpu.memory_space<vmem>> -> memref<1x128xi32, #tpu.memory_space<vmem>>
      %dma_wait3A_290 = tpu.memref_squeeze %dma_wait3A_289 : memref<1x128xi32, #tpu.memory_space<vmem>> -> memref<128xi32, #tpu.memory_space<vmem>>
      %dma_wait3A_291 = arith.constant 0 : i32
      %dma_wait3A_292 = arith.constant 0 : i32
      %dma_wait3A_293 = tpu.memref_slice %arg2[%dma_wait3A_291, %dma_wait3A_292] : memref<10000x16xf32, #tpu.memory_space<hbm>> -> memref<10000x16xf32, #tpu.memory_space<hbm>>
      tpu.wait_indirect_dma semaphore(%arg22 : memref<!tpu.dma_semaphore, #tpu.memory_space<semaphore_mem>>) src(%dma_wait3A_293 : memref<10000x16xf32, #tpu.memory_space<hbm>>) dst(%arg13 : memref<128x16xf32, #tpu.memory_space<vmem>>)
      %add3A_294 = arith.addi %scan3A_88, %add3A_286 : i32
      "tpu.region"() ({
        %run_scoped3A_337 = tpu.sem_alloc : memref<!tpu.dma_semaphore, #tpu.memory_space<semaphore_mem>>
        %dma_start3A_338 = arith.constant 0 : i32
        %dma_start3A_339 = tpu.memref_slice %arg7[%add3A_294, %dma_start3A_338] : memref<79x128xi32, #tpu.memory_space<vmem>> -> memref<1x128xi32, #tpu.memory_space<vmem>>
        %dma_start3A_340 = tpu.memref_squeeze %dma_start3A_339 : memref<1x128xi32, #tpu.memory_space<vmem>> -> memref<128xi32, #tpu.memory_space<vmem>>
        %dma_start3A_341 = arith.constant 0 : i32
        %dma_start3A_342 = arith.constant 0 : i32
        %dma_start3A_343 = tpu.memref_slice %arg16[%dma_start3A_341, %dma_start3A_342] : memref<10000x16xf32, #tpu.memory_space<vmem_shared>> -> memref<10000x16xf32, #tpu.memory_space<vmem_shared>>
        tpu.enqueue_indirect_dma source(%arg13 : memref<128x16xf32, #tpu.memory_space<vmem>>) target(%dma_start3A_343 : memref<10000x16xf32, #tpu.memory_space<vmem_shared>>) offsets(%dma_start3A_340 : memref<128xi32, #tpu.memory_space<vmem>>) semaphore(%run_scoped3A_337 : memref<!tpu.dma_semaphore, #tpu.memory_space<semaphore_mem>>) {add = true}
        %dma_wait3A_344 = arith.constant 0 : i32
        %dma_wait3A_345 = tpu.memref_slice %arg7[%add3A_294, %dma_wait3A_344] : memref<79x128xi32, #tpu.memory_space<vmem>> -> memref<1x128xi32, #tpu.memory_space<vmem>>
        %dma_wait3A_346 = tpu.memref_squeeze %dma_wait3A_345 : memref<1x128xi32, #tpu.memory_space<vmem>> -> memref<128xi32, #tpu.memory_space<vmem>>
        %dma_wait3A_347 = arith.constant 0 : i32
        %dma_wait3A_348 = arith.constant 0 : i32
        %dma_wait3A_349 = tpu.memref_slice %arg16[%dma_wait3A_347, %dma_wait3A_348] : memref<10000x16xf32, #tpu.memory_space<vmem_shared>> -> memref<10000x16xf32, #tpu.memory_space<vmem_shared>>
        tpu.wait_indirect_dma semaphore(%run_scoped3A_337 : memref<!tpu.dma_semaphore, #tpu.memory_space<semaphore_mem>>) src(%arg13 : memref<128x16xf32, #tpu.memory_space<vmem>>) dst(%dma_wait3A_349 : memref<10000x16xf32, #tpu.memory_space<vmem_shared>>)
        tpu.yield
      }) : () -> ()
      %add3A_295 = arith.constant 8 : i32
      %add3A_296 = arith.addi %add3A_286, %add3A_295 : i32
      %lt3A_297 = arith.cmpi slt, %add3A_296, %add3A_8 : i32
      %convert_element_type3A_298 = arith.extui %lt3A_297 : i1 to i32
      %cond3A_299 = arith.constant 0 : i32
      %cond3A_300 = arith.cmpi ne, %convert_element_type3A_298, %cond3A_299 : i32
      scf.if %cond3A_300 {
        %add3A_337 = arith.addi %scan3A_88, %add3A_286 : i32
        %add3A_338 = arith.constant 8 : i32
        %add3A_339 = arith.addi %add3A_337, %add3A_338 : i32
        %dma_start3A_340 = arith.constant 0 : i32
        %dma_start3A_341 = tpu.memref_slice %arg6[%add3A_339, %dma_start3A_340] : memref<79x128xi32, #tpu.memory_space<vmem>> -> memref<1x128xi32, #tpu.memory_space<vmem>>
        %dma_start3A_342 = tpu.memref_squeeze %dma_start3A_341 : memref<1x128xi32, #tpu.memory_space<vmem>> -> memref<128xi32, #tpu.memory_space<vmem>>
        %dma_start3A_343 = arith.constant 0 : i32
        %dma_start3A_344 = arith.constant 0 : i32
        %dma_start3A_345 = tpu.memref_slice %arg2[%dma_start3A_343, %dma_start3A_344] : memref<10000x16xf32, #tpu.memory_space<hbm>> -> memref<10000x16xf32, #tpu.memory_space<hbm>>
        tpu.enqueue_indirect_dma source(%dma_start3A_345 : memref<10000x16xf32, #tpu.memory_space<hbm>>) target(%arg13 : memref<128x16xf32, #tpu.memory_space<vmem>>) offsets(%dma_start3A_342 : memref<128xi32, #tpu.memory_space<vmem>>) semaphore(%arg22 : memref<!tpu.dma_semaphore, #tpu.memory_space<semaphore_mem>>)
      } else {
      }
      %mul3A_301 = arith.constant 8 : i32
      %mul3A_302 = arith.muli %scan3A_193, %mul3A_301 : i32
      %add3A_303 = arith.constant 6 : i32
      %add3A_304 = arith.addi %mul3A_302, %add3A_303 : i32
      %add3A_305 = arith.addi %scan3A_88, %add3A_304 : i32
      %dma_wait3A_306 = arith.constant 0 : i32
      %dma_wait3A_307 = tpu.memref_slice %arg6[%add3A_305, %dma_wait3A_306] : memref<79x128xi32, #tpu.memory_space<vmem>> -> memref<1x128xi32, #tpu.memory_space<vmem>>
      %dma_wait3A_308 = tpu.memref_squeeze %dma_wait3A_307 : memref<1x128xi32, #tpu.memory_space<vmem>> -> memref<128xi32, #tpu.memory_space<vmem>>
      %dma_wait3A_309 = arith.constant 0 : i32
      %dma_wait3A_310 = arith.constant 0 : i32
      %dma_wait3A_311 = tpu.memref_slice %arg2[%dma_wait3A_309, %dma_wait3A_310] : memref<10000x16xf32, #tpu.memory_space<hbm>> -> memref<10000x16xf32, #tpu.memory_space<hbm>>
      tpu.wait_indirect_dma semaphore(%arg23 : memref<!tpu.dma_semaphore, #tpu.memory_space<semaphore_mem>>) src(%dma_wait3A_311 : memref<10000x16xf32, #tpu.memory_space<hbm>>) dst(%arg14 : memref<128x16xf32, #tpu.memory_space<vmem>>)
      %add3A_312 = arith.addi %scan3A_88, %add3A_304 : i32
      "tpu.region"() ({
        %run_scoped3A_337 = tpu.sem_alloc : memref<!tpu.dma_semaphore, #tpu.memory_space<semaphore_mem>>
        %dma_start3A_338 = arith.constant 0 : i32
        %dma_start3A_339 = tpu.memref_slice %arg7[%add3A_312, %dma_start3A_338] : memref<79x128xi32, #tpu.memory_space<vmem>> -> memref<1x128xi32, #tpu.memory_space<vmem>>
        %dma_start3A_340 = tpu.memref_squeeze %dma_start3A_339 : memref<1x128xi32, #tpu.memory_space<vmem>> -> memref<128xi32, #tpu.memory_space<vmem>>
        %dma_start3A_341 = arith.constant 0 : i32
        %dma_start3A_342 = arith.constant 0 : i32
        %dma_start3A_343 = tpu.memref_slice %arg16[%dma_start3A_341, %dma_start3A_342] : memref<10000x16xf32, #tpu.memory_space<vmem_shared>> -> memref<10000x16xf32, #tpu.memory_space<vmem_shared>>
        tpu.enqueue_indirect_dma source(%arg14 : memref<128x16xf32, #tpu.memory_space<vmem>>) target(%dma_start3A_343 : memref<10000x16xf32, #tpu.memory_space<vmem_shared>>) offsets(%dma_start3A_340 : memref<128xi32, #tpu.memory_space<vmem>>) semaphore(%run_scoped3A_337 : memref<!tpu.dma_semaphore, #tpu.memory_space<semaphore_mem>>) {add = true}
        %dma_wait3A_344 = arith.constant 0 : i32
        %dma_wait3A_345 = tpu.memref_slice %arg7[%add3A_312, %dma_wait3A_344] : memref<79x128xi32, #tpu.memory_space<vmem>> -> memref<1x128xi32, #tpu.memory_space<vmem>>
        %dma_wait3A_346 = tpu.memref_squeeze %dma_wait3A_345 : memref<1x128xi32, #tpu.memory_space<vmem>> -> memref<128xi32, #tpu.memory_space<vmem>>
        %dma_wait3A_347 = arith.constant 0 : i32
        %dma_wait3A_348 = arith.constant 0 : i32
        %dma_wait3A_349 = tpu.memref_slice %arg16[%dma_wait3A_347, %dma_wait3A_348] : memref<10000x16xf32, #tpu.memory_space<vmem_shared>> -> memref<10000x16xf32, #tpu.memory_space<vmem_shared>>
        tpu.wait_indirect_dma semaphore(%run_scoped3A_337 : memref<!tpu.dma_semaphore, #tpu.memory_space<semaphore_mem>>) src(%arg14 : memref<128x16xf32, #tpu.memory_space<vmem>>) dst(%dma_wait3A_349 : memref<10000x16xf32, #tpu.memory_space<vmem_shared>>)
        tpu.yield
      }) : () -> ()
      %add3A_313 = arith.constant 8 : i32
      %add3A_314 = arith.addi %add3A_304, %add3A_313 : i32
      %lt3A_315 = arith.cmpi slt, %add3A_314, %add3A_8 : i32
      %convert_element_type3A_316 = arith.extui %lt3A_315 : i1 to i32
      %cond3A_317 = arith.constant 0 : i32
      %cond3A_318 = arith.cmpi ne, %convert_element_type3A_316, %cond3A_317 : i32
      scf.if %cond3A_318 {
        %add3A_337 = arith.addi %scan3A_88, %add3A_304 : i32
        %add3A_338 = arith.constant 8 : i32
        %add3A_339 = arith.addi %add3A_337, %add3A_338 : i32
        %dma_start3A_340 = arith.constant 0 : i32
        %dma_start3A_341 = tpu.memref_slice %arg6[%add3A_339, %dma_start3A_340] : memref<79x128xi32, #tpu.memory_space<vmem>> -> memref<1x128xi32, #tpu.memory_space<vmem>>
        %dma_start3A_342 = tpu.memref_squeeze %dma_start3A_341 : memref<1x128xi32, #tpu.memory_space<vmem>> -> memref<128xi32, #tpu.memory_space<vmem>>
        %dma_start3A_343 = arith.constant 0 : i32
        %dma_start3A_344 = arith.constant 0 : i32
        %dma_start3A_345 = tpu.memref_slice %arg2[%dma_start3A_343, %dma_start3A_344] : memref<10000x16xf32, #tpu.memory_space<hbm>> -> memref<10000x16xf32, #tpu.memory_space<hbm>>
        tpu.enqueue_indirect_dma source(%dma_start3A_345 : memref<10000x16xf32, #tpu.memory_space<hbm>>) target(%arg14 : memref<128x16xf32, #tpu.memory_space<vmem>>) offsets(%dma_start3A_342 : memref<128xi32, #tpu.memory_space<vmem>>) semaphore(%arg23 : memref<!tpu.dma_semaphore, #tpu.memory_space<semaphore_mem>>)
      } else {
      }
      %mul3A_319 = arith.constant 8 : i32
      %mul3A_320 = arith.muli %scan3A_193, %mul3A_319 : i32
      %add3A_321 = arith.constant 7 : i32
      %add3A_322 = arith.addi %mul3A_320, %add3A_321 : i32
      %add3A_323 = arith.addi %scan3A_88, %add3A_322 : i32
      %dma_wait3A_324 = arith.constant 0 : i32
      %dma_wait3A_325 = tpu.memref_slice %arg6[%add3A_323, %dma_wait3A_324] : memref<79x128xi32, #tpu.memory_space<vmem>> -> memref<1x128xi32, #tpu.memory_space<vmem>>
      %dma_wait3A_326 = tpu.memref_squeeze %dma_wait3A_325 : memref<1x128xi32, #tpu.memory_space<vmem>> -> memref<128xi32, #tpu.memory_space<vmem>>
      %dma_wait3A_327 = arith.constant 0 : i32
      %dma_wait3A_328 = arith.constant 0 : i32
      %dma_wait3A_329 = tpu.memref_slice %arg2[%dma_wait3A_327, %dma_wait3A_328] : memref<10000x16xf32, #tpu.memory_space<hbm>> -> memref<10000x16xf32, #tpu.memory_space<hbm>>
      tpu.wait_indirect_dma semaphore(%arg24 : memref<!tpu.dma_semaphore, #tpu.memory_space<semaphore_mem>>) src(%dma_wait3A_329 : memref<10000x16xf32, #tpu.memory_space<hbm>>) dst(%arg15 : memref<128x16xf32, #tpu.memory_space<vmem>>)
      %add3A_330 = arith.addi %scan3A_88, %add3A_322 : i32
      "tpu.region"() ({
        %run_scoped3A_337 = tpu.sem_alloc : memref<!tpu.dma_semaphore, #tpu.memory_space<semaphore_mem>>
        %dma_start3A_338 = arith.constant 0 : i32
        %dma_start3A_339 = tpu.memref_slice %arg7[%add3A_330, %dma_start3A_338] : memref<79x128xi32, #tpu.memory_space<vmem>> -> memref<1x128xi32, #tpu.memory_space<vmem>>
        %dma_start3A_340 = tpu.memref_squeeze %dma_start3A_339 : memref<1x128xi32, #tpu.memory_space<vmem>> -> memref<128xi32, #tpu.memory_space<vmem>>
        %dma_start3A_341 = arith.constant 0 : i32
        %dma_start3A_342 = arith.constant 0 : i32
        %dma_start3A_343 = tpu.memref_slice %arg16[%dma_start3A_341, %dma_start3A_342] : memref<10000x16xf32, #tpu.memory_space<vmem_shared>> -> memref<10000x16xf32, #tpu.memory_space<vmem_shared>>
        tpu.enqueue_indirect_dma source(%arg15 : memref<128x16xf32, #tpu.memory_space<vmem>>) target(%dma_start3A_343 : memref<10000x16xf32, #tpu.memory_space<vmem_shared>>) offsets(%dma_start3A_340 : memref<128xi32, #tpu.memory_space<vmem>>) semaphore(%run_scoped3A_337 : memref<!tpu.dma_semaphore, #tpu.memory_space<semaphore_mem>>) {add = true}
        %dma_wait3A_344 = arith.constant 0 : i32
        %dma_wait3A_345 = tpu.memref_slice %arg7[%add3A_330, %dma_wait3A_344] : memref<79x128xi32, #tpu.memory_space<vmem>> -> memref<1x128xi32, #tpu.memory_space<vmem>>
        %dma_wait3A_346 = tpu.memref_squeeze %dma_wait3A_345 : memref<1x128xi32, #tpu.memory_space<vmem>> -> memref<128xi32, #tpu.memory_space<vmem>>
        %dma_wait3A_347 = arith.constant 0 : i32
        %dma_wait3A_348 = arith.constant 0 : i32
        %dma_wait3A_349 = tpu.memref_slice %arg16[%dma_wait3A_347, %dma_wait3A_348] : memref<10000x16xf32, #tpu.memory_space<vmem_shared>> -> memref<10000x16xf32, #tpu.memory_space<vmem_shared>>
        tpu.wait_indirect_dma semaphore(%run_scoped3A_337 : memref<!tpu.dma_semaphore, #tpu.memory_space<semaphore_mem>>) src(%arg15 : memref<128x16xf32, #tpu.memory_space<vmem>>) dst(%dma_wait3A_349 : memref<10000x16xf32, #tpu.memory_space<vmem_shared>>)
        tpu.yield
      }) : () -> ()
      %add3A_331 = arith.constant 8 : i32
      %add3A_332 = arith.addi %add3A_322, %add3A_331 : i32
      %lt3A_333 = arith.cmpi slt, %add3A_332, %add3A_8 : i32
      %convert_element_type3A_334 = arith.extui %lt3A_333 : i1 to i32
      %cond3A_335 = arith.constant 0 : i32
      %cond3A_336 = arith.cmpi ne, %convert_element_type3A_334, %cond3A_335 : i32
      scf.if %cond3A_336 {
        %add3A_337 = arith.addi %scan3A_88, %add3A_322 : i32
        %add3A_338 = arith.constant 8 : i32
        %add3A_339 = arith.addi %add3A_337, %add3A_338 : i32
        %dma_start3A_340 = arith.constant 0 : i32
        %dma_start3A_341 = tpu.memref_slice %arg6[%add3A_339, %dma_start3A_340] : memref<79x128xi32, #tpu.memory_space<vmem>> -> memref<1x128xi32, #tpu.memory_space<vmem>>
        %dma_start3A_342 = tpu.memref_squeeze %dma_start3A_341 : memref<1x128xi32, #tpu.memory_space<vmem>> -> memref<128xi32, #tpu.memory_space<vmem>>
        %dma_start3A_343 = arith.constant 0 : i32
        %dma_start3A_344 = arith.constant 0 : i32
        %dma_start3A_345 = tpu.memref_slice %arg2[%dma_start3A_343, %dma_start3A_344] : memref<10000x16xf32, #tpu.memory_space<hbm>> -> memref<10000x16xf32, #tpu.memory_space<hbm>>
        tpu.enqueue_indirect_dma source(%dma_start3A_345 : memref<10000x16xf32, #tpu.memory_space<hbm>>) target(%arg15 : memref<128x16xf32, #tpu.memory_space<vmem>>) offsets(%dma_start3A_342 : memref<128xi32, #tpu.memory_space<vmem>>) semaphore(%arg24 : memref<!tpu.dma_semaphore, #tpu.memory_space<semaphore_mem>>)
      } else {
      }
    }
    %scan3A_93 = arith.constant 8 : i32
    %gt3A = arith.constant 64 : i32
    %gt3A_94 = arith.cmpi sgt, %add3A_8, %gt3A : i32
    %convert_element_type3A_95 = arith.extui %gt3A_94 : i1 to i32
    %cond3A_96 = arith.constant 0 : i32
    %cond3A_97 = arith.constant 0 : i32
    %cond3A_98 = arith.cmpi ne, %convert_element_type3A_95, %cond3A_97 : i32
    scf.if %cond3A_98 {
      %add3A_193 = arith.constant 64 : i32
      %add3A_194 = arith.addi %cond3A_96, %add3A_193 : i32
      %dma_wait3A = arith.constant 0 : i32
      %dma_wait3A_195 = tpu.memref_slice %arg6[%add3A_194, %dma_wait3A] : memref<79x128xi32, #tpu.memory_space<vmem>> -> memref<1x128xi32, #tpu.memory_space<vmem>>
      %dma_wait3A_196 = tpu.memref_squeeze %dma_wait3A_195 : memref<1x128xi32, #tpu.memory_space<vmem>> -> memref<128xi32, #tpu.memory_space<vmem>>
      %dma_wait3A_197 = arith.constant 0 : i32
      %dma_wait3A_198 = arith.constant 0 : i32
      %dma_wait3A_199 = tpu.memref_slice %arg2[%dma_wait3A_197, %dma_wait3A_198] : memref<10000x16xf32, #tpu.memory_space<hbm>> -> memref<10000x16xf32, #tpu.memory_space<hbm>>
      tpu.wait_indirect_dma semaphore(%arg17 : memref<!tpu.dma_semaphore, #tpu.memory_space<semaphore_mem>>) src(%dma_wait3A_199 : memref<10000x16xf32, #tpu.memory_space<hbm>>) dst(%arg8 : memref<128x16xf32, #tpu.memory_space<vmem>>)
      %add3A_200 = arith.constant 64 : i32
      %add3A_201 = arith.addi %cond3A_96, %add3A_200 : i32
      "tpu.region"() ({
        %run_scoped3A_207 = tpu.sem_alloc : memref<!tpu.dma_semaphore, #tpu.memory_space<semaphore_mem>>
        %dma_start3A_208 = arith.constant 0 : i32
        %dma_start3A_209 = tpu.memref_slice %arg7[%add3A_201, %dma_start3A_208] : memref<79x128xi32, #tpu.memory_space<vmem>> -> memref<1x128xi32, #tpu.memory_space<vmem>>
        %dma_start3A_210 = tpu.memref_squeeze %dma_start3A_209 : memref<1x128xi32, #tpu.memory_space<vmem>> -> memref<128xi32, #tpu.memory_space<vmem>>
        %dma_start3A_211 = arith.constant 0 : i32
        %dma_start3A_212 = arith.constant 0 : i32
        %dma_start3A_213 = tpu.memref_slice %arg16[%dma_start3A_211, %dma_start3A_212] : memref<10000x16xf32, #tpu.memory_space<vmem_shared>> -> memref<10000x16xf32, #tpu.memory_space<vmem_shared>>
        tpu.enqueue_indirect_dma source(%arg8 : memref<128x16xf32, #tpu.memory_space<vmem>>) target(%dma_start3A_213 : memref<10000x16xf32, #tpu.memory_space<vmem_shared>>) offsets(%dma_start3A_210 : memref<128xi32, #tpu.memory_space<vmem>>) semaphore(%run_scoped3A_207 : memref<!tpu.dma_semaphore, #tpu.memory_space<semaphore_mem>>) {add = true}
        %dma_wait3A_214 = arith.constant 0 : i32
        %dma_wait3A_215 = tpu.memref_slice %arg7[%add3A_201, %dma_wait3A_214] : memref<79x128xi32, #tpu.memory_space<vmem>> -> memref<1x128xi32, #tpu.memory_space<vmem>>
        %dma_wait3A_216 = tpu.memref_squeeze %dma_wait3A_215 : memref<1x128xi32, #tpu.memory_space<vmem>> -> memref<128xi32, #tpu.memory_space<vmem>>
        %dma_wait3A_217 = arith.constant 0 : i32
        %dma_wait3A_218 = arith.constant 0 : i32
        %dma_wait3A_219 = tpu.memref_slice %arg16[%dma_wait3A_217, %dma_wait3A_218] : memref<10000x16xf32, #tpu.memory_space<vmem_shared>> -> memref<10000x16xf32, #tpu.memory_space<vmem_shared>>
        tpu.wait_indirect_dma semaphore(%run_scoped3A_207 : memref<!tpu.dma_semaphore, #tpu.memory_space<semaphore_mem>>) src(%arg8 : memref<128x16xf32, #tpu.memory_space<vmem>>) dst(%dma_wait3A_219 : memref<10000x16xf32, #tpu.memory_space<vmem_shared>>)
        tpu.yield
      }) : () -> ()
      %gt3A_202 = arith.constant 72 : i32
      %gt3A_203 = arith.cmpi sgt, %add3A_8, %gt3A_202 : i32
      %convert_element_type3A_204 = arith.extui %gt3A_203 : i1 to i32
      %cond3A_205 = arith.constant 0 : i32
      %cond3A_206 = arith.cmpi ne, %convert_element_type3A_204, %cond3A_205 : i32
      scf.if %cond3A_206 {
        %add3A_207 = arith.constant 64 : i32
        %add3A_208 = arith.addi %cond3A_96, %add3A_207 : i32
        %add3A_209 = arith.constant 8 : i32
        %add3A_210 = arith.addi %add3A_208, %add3A_209 : i32
        %dma_start3A_211 = arith.constant 0 : i32
        %dma_start3A_212 = tpu.memref_slice %arg6[%add3A_210, %dma_start3A_211] : memref<79x128xi32, #tpu.memory_space<vmem>> -> memref<1x128xi32, #tpu.memory_space<vmem>>
        %dma_start3A_213 = tpu.memref_squeeze %dma_start3A_212 : memref<1x128xi32, #tpu.memory_space<vmem>> -> memref<128xi32, #tpu.memory_space<vmem>>
        %dma_start3A_214 = arith.constant 0 : i32
        %dma_start3A_215 = arith.constant 0 : i32
        %dma_start3A_216 = tpu.memref_slice %arg2[%dma_start3A_214, %dma_start3A_215] : memref<10000x16xf32, #tpu.memory_space<hbm>> -> memref<10000x16xf32, #tpu.memory_space<hbm>>
        tpu.enqueue_indirect_dma source(%dma_start3A_216 : memref<10000x16xf32, #tpu.memory_space<hbm>>) target(%arg8 : memref<128x16xf32, #tpu.memory_space<vmem>>) offsets(%dma_start3A_213 : memref<128xi32, #tpu.memory_space<vmem>>) semaphore(%arg17 : memref<!tpu.dma_semaphore, #tpu.memory_space<semaphore_mem>>)
      } else {
      }
    } else {
    }
    %gt3A_99 = arith.constant 65 : i32
    %gt3A_100 = arith.cmpi sgt, %add3A_8, %gt3A_99 : i32
    %convert_element_type3A_101 = arith.extui %gt3A_100 : i1 to i32
    %cond3A_102 = arith.constant 0 : i32
    %cond3A_103 = arith.constant 0 : i32
    %cond3A_104 = arith.cmpi ne, %convert_element_type3A_101, %cond3A_103 : i32
    scf.if %cond3A_104 {
      %add3A_193 = arith.constant 65 : i32
      %add3A_194 = arith.addi %cond3A_102, %add3A_193 : i32
      %dma_wait3A = arith.constant 0 : i32
      %dma_wait3A_195 = tpu.memref_slice %arg6[%add3A_194, %dma_wait3A] : memref<79x128xi32, #tpu.memory_space<vmem>> -> memref<1x128xi32, #tpu.memory_space<vmem>>
      %dma_wait3A_196 = tpu.memref_squeeze %dma_wait3A_195 : memref<1x128xi32, #tpu.memory_space<vmem>> -> memref<128xi32, #tpu.memory_space<vmem>>
      %dma_wait3A_197 = arith.constant 0 : i32
      %dma_wait3A_198 = arith.constant 0 : i32
      %dma_wait3A_199 = tpu.memref_slice %arg2[%dma_wait3A_197, %dma_wait3A_198] : memref<10000x16xf32, #tpu.memory_space<hbm>> -> memref<10000x16xf32, #tpu.memory_space<hbm>>
      tpu.wait_indirect_dma semaphore(%arg18 : memref<!tpu.dma_semaphore, #tpu.memory_space<semaphore_mem>>) src(%dma_wait3A_199 : memref<10000x16xf32, #tpu.memory_space<hbm>>) dst(%arg9 : memref<128x16xf32, #tpu.memory_space<vmem>>)
      %add3A_200 = arith.constant 65 : i32
      %add3A_201 = arith.addi %cond3A_102, %add3A_200 : i32
      "tpu.region"() ({
        %run_scoped3A_207 = tpu.sem_alloc : memref<!tpu.dma_semaphore, #tpu.memory_space<semaphore_mem>>
        %dma_start3A_208 = arith.constant 0 : i32
        %dma_start3A_209 = tpu.memref_slice %arg7[%add3A_201, %dma_start3A_208] : memref<79x128xi32, #tpu.memory_space<vmem>> -> memref<1x128xi32, #tpu.memory_space<vmem>>
        %dma_start3A_210 = tpu.memref_squeeze %dma_start3A_209 : memref<1x128xi32, #tpu.memory_space<vmem>> -> memref<128xi32, #tpu.memory_space<vmem>>
        %dma_start3A_211 = arith.constant 0 : i32
        %dma_start3A_212 = arith.constant 0 : i32
        %dma_start3A_213 = tpu.memref_slice %arg16[%dma_start3A_211, %dma_start3A_212] : memref<10000x16xf32, #tpu.memory_space<vmem_shared>> -> memref<10000x16xf32, #tpu.memory_space<vmem_shared>>
        tpu.enqueue_indirect_dma source(%arg9 : memref<128x16xf32, #tpu.memory_space<vmem>>) target(%dma_start3A_213 : memref<10000x16xf32, #tpu.memory_space<vmem_shared>>) offsets(%dma_start3A_210 : memref<128xi32, #tpu.memory_space<vmem>>) semaphore(%run_scoped3A_207 : memref<!tpu.dma_semaphore, #tpu.memory_space<semaphore_mem>>) {add = true}
        %dma_wait3A_214 = arith.constant 0 : i32
        %dma_wait3A_215 = tpu.memref_slice %arg7[%add3A_201, %dma_wait3A_214] : memref<79x128xi32, #tpu.memory_space<vmem>> -> memref<1x128xi32, #tpu.memory_space<vmem>>
        %dma_wait3A_216 = tpu.memref_squeeze %dma_wait3A_215 : memref<1x128xi32, #tpu.memory_space<vmem>> -> memref<128xi32, #tpu.memory_space<vmem>>
        %dma_wait3A_217 = arith.constant 0 : i32
        %dma_wait3A_218 = arith.constant 0 : i32
        %dma_wait3A_219 = tpu.memref_slice %arg16[%dma_wait3A_217, %dma_wait3A_218] : memref<10000x16xf32, #tpu.memory_space<vmem_shared>> -> memref<10000x16xf32, #tpu.memory_space<vmem_shared>>
        tpu.wait_indirect_dma semaphore(%run_scoped3A_207 : memref<!tpu.dma_semaphore, #tpu.memory_space<semaphore_mem>>) src(%arg9 : memref<128x16xf32, #tpu.memory_space<vmem>>) dst(%dma_wait3A_219 : memref<10000x16xf32, #tpu.memory_space<vmem_shared>>)
        tpu.yield
      }) : () -> ()
      %gt3A_202 = arith.constant 73 : i32
      %gt3A_203 = arith.cmpi sgt, %add3A_8, %gt3A_202 : i32
      %convert_element_type3A_204 = arith.extui %gt3A_203 : i1 to i32
      %cond3A_205 = arith.constant 0 : i32
      %cond3A_206 = arith.cmpi ne, %convert_element_type3A_204, %cond3A_205 : i32
      scf.if %cond3A_206 {
        %add3A_207 = arith.constant 65 : i32
        %add3A_208 = arith.addi %cond3A_102, %add3A_207 : i32
        %add3A_209 = arith.constant 8 : i32
        %add3A_210 = arith.addi %add3A_208, %add3A_209 : i32
        %dma_start3A_211 = arith.constant 0 : i32
        %dma_start3A_212 = tpu.memref_slice %arg6[%add3A_210, %dma_start3A_211] : memref<79x128xi32, #tpu.memory_space<vmem>> -> memref<1x128xi32, #tpu.memory_space<vmem>>
        %dma_start3A_213 = tpu.memref_squeeze %dma_start3A_212 : memref<1x128xi32, #tpu.memory_space<vmem>> -> memref<128xi32, #tpu.memory_space<vmem>>
        %dma_start3A_214 = arith.constant 0 : i32
        %dma_start3A_215 = arith.constant 0 : i32
        %dma_start3A_216 = tpu.memref_slice %arg2[%dma_start3A_214, %dma_start3A_215] : memref<10000x16xf32, #tpu.memory_space<hbm>> -> memref<10000x16xf32, #tpu.memory_space<hbm>>
        tpu.enqueue_indirect_dma source(%dma_start3A_216 : memref<10000x16xf32, #tpu.memory_space<hbm>>) target(%arg9 : memref<128x16xf32, #tpu.memory_space<vmem>>) offsets(%dma_start3A_213 : memref<128xi32, #tpu.memory_space<vmem>>) semaphore(%arg18 : memref<!tpu.dma_semaphore, #tpu.memory_space<semaphore_mem>>)
      } else {
      }
    } else {
    }
    %gt3A_105 = arith.constant 66 : i32
    %gt3A_106 = arith.cmpi sgt, %add3A_8, %gt3A_105 : i32
    %convert_element_type3A_107 = arith.extui %gt3A_106 : i1 to i32
    %cond3A_108 = arith.constant 0 : i32
    %cond3A_109 = arith.constant 0 : i32
    %cond3A_110 = arith.cmpi ne, %convert_element_type3A_107, %cond3A_109 : i32
    scf.if %cond3A_110 {
      %add3A_193 = arith.constant 66 : i32
      %add3A_194 = arith.addi %cond3A_108, %add3A_193 : i32
      %dma_wait3A = arith.constant 0 : i32
      %dma_wait3A_195 = tpu.memref_slice %arg6[%add3A_194, %dma_wait3A] : memref<79x128xi32, #tpu.memory_space<vmem>> -> memref<1x128xi32, #tpu.memory_space<vmem>>
      %dma_wait3A_196 = tpu.memref_squeeze %dma_wait3A_195 : memref<1x128xi32, #tpu.memory_space<vmem>> -> memref<128xi32, #tpu.memory_space<vmem>>
      %dma_wait3A_197 = arith.constant 0 : i32
      %dma_wait3A_198 = arith.constant 0 : i32
      %dma_wait3A_199 = tpu.memref_slice %arg2[%dma_wait3A_197, %dma_wait3A_198] : memref<10000x16xf32, #tpu.memory_space<hbm>> -> memref<10000x16xf32, #tpu.memory_space<hbm>>
      tpu.wait_indirect_dma semaphore(%arg19 : memref<!tpu.dma_semaphore, #tpu.memory_space<semaphore_mem>>) src(%dma_wait3A_199 : memref<10000x16xf32, #tpu.memory_space<hbm>>) dst(%arg10 : memref<128x16xf32, #tpu.memory_space<vmem>>)
      %add3A_200 = arith.constant 66 : i32
      %add3A_201 = arith.addi %cond3A_108, %add3A_200 : i32
      "tpu.region"() ({
        %run_scoped3A_207 = tpu.sem_alloc : memref<!tpu.dma_semaphore, #tpu.memory_space<semaphore_mem>>
        %dma_start3A_208 = arith.constant 0 : i32
        %dma_start3A_209 = tpu.memref_slice %arg7[%add3A_201, %dma_start3A_208] : memref<79x128xi32, #tpu.memory_space<vmem>> -> memref<1x128xi32, #tpu.memory_space<vmem>>
        %dma_start3A_210 = tpu.memref_squeeze %dma_start3A_209 : memref<1x128xi32, #tpu.memory_space<vmem>> -> memref<128xi32, #tpu.memory_space<vmem>>
        %dma_start3A_211 = arith.constant 0 : i32
        %dma_start3A_212 = arith.constant 0 : i32
        %dma_start3A_213 = tpu.memref_slice %arg16[%dma_start3A_211, %dma_start3A_212] : memref<10000x16xf32, #tpu.memory_space<vmem_shared>> -> memref<10000x16xf32, #tpu.memory_space<vmem_shared>>
        tpu.enqueue_indirect_dma source(%arg10 : memref<128x16xf32, #tpu.memory_space<vmem>>) target(%dma_start3A_213 : memref<10000x16xf32, #tpu.memory_space<vmem_shared>>) offsets(%dma_start3A_210 : memref<128xi32, #tpu.memory_space<vmem>>) semaphore(%run_scoped3A_207 : memref<!tpu.dma_semaphore, #tpu.memory_space<semaphore_mem>>) {add = true}
        %dma_wait3A_214 = arith.constant 0 : i32
        %dma_wait3A_215 = tpu.memref_slice %arg7[%add3A_201, %dma_wait3A_214] : memref<79x128xi32, #tpu.memory_space<vmem>> -> memref<1x128xi32, #tpu.memory_space<vmem>>
        %dma_wait3A_216 = tpu.memref_squeeze %dma_wait3A_215 : memref<1x128xi32, #tpu.memory_space<vmem>> -> memref<128xi32, #tpu.memory_space<vmem>>
        %dma_wait3A_217 = arith.constant 0 : i32
        %dma_wait3A_218 = arith.constant 0 : i32
        %dma_wait3A_219 = tpu.memref_slice %arg16[%dma_wait3A_217, %dma_wait3A_218] : memref<10000x16xf32, #tpu.memory_space<vmem_shared>> -> memref<10000x16xf32, #tpu.memory_space<vmem_shared>>
        tpu.wait_indirect_dma semaphore(%run_scoped3A_207 : memref<!tpu.dma_semaphore, #tpu.memory_space<semaphore_mem>>) src(%arg10 : memref<128x16xf32, #tpu.memory_space<vmem>>) dst(%dma_wait3A_219 : memref<10000x16xf32, #tpu.memory_space<vmem_shared>>)
        tpu.yield
      }) : () -> ()
      %gt3A_202 = arith.constant 74 : i32
      %gt3A_203 = arith.cmpi sgt, %add3A_8, %gt3A_202 : i32
      %convert_element_type3A_204 = arith.extui %gt3A_203 : i1 to i32
      %cond3A_205 = arith.constant 0 : i32
      %cond3A_206 = arith.cmpi ne, %convert_element_type3A_204, %cond3A_205 : i32
      scf.if %cond3A_206 {
        %add3A_207 = arith.constant 66 : i32
        %add3A_208 = arith.addi %cond3A_108, %add3A_207 : i32
        %add3A_209 = arith.constant 8 : i32
        %add3A_210 = arith.addi %add3A_208, %add3A_209 : i32
        %dma_start3A_211 = arith.constant 0 : i32
        %dma_start3A_212 = tpu.memref_slice %arg6[%add3A_210, %dma_start3A_211] : memref<79x128xi32, #tpu.memory_space<vmem>> -> memref<1x128xi32, #tpu.memory_space<vmem>>
        %dma_start3A_213 = tpu.memref_squeeze %dma_start3A_212 : memref<1x128xi32, #tpu.memory_space<vmem>> -> memref<128xi32, #tpu.memory_space<vmem>>
        %dma_start3A_214 = arith.constant 0 : i32
        %dma_start3A_215 = arith.constant 0 : i32
        %dma_start3A_216 = tpu.memref_slice %arg2[%dma_start3A_214, %dma_start3A_215] : memref<10000x16xf32, #tpu.memory_space<hbm>> -> memref<10000x16xf32, #tpu.memory_space<hbm>>
        tpu.enqueue_indirect_dma source(%dma_start3A_216 : memref<10000x16xf32, #tpu.memory_space<hbm>>) target(%arg10 : memref<128x16xf32, #tpu.memory_space<vmem>>) offsets(%dma_start3A_213 : memref<128xi32, #tpu.memory_space<vmem>>) semaphore(%arg19 : memref<!tpu.dma_semaphore, #tpu.memory_space<semaphore_mem>>)
      } else {
      }
    } else {
    }
    %gt3A_111 = arith.constant 67 : i32
    %gt3A_112 = arith.cmpi sgt, %add3A_8, %gt3A_111 : i32
    %convert_element_type3A_113 = arith.extui %gt3A_112 : i1 to i32
    %cond3A_114 = arith.constant 0 : i32
    %cond3A_115 = arith.constant 0 : i32
    %cond3A_116 = arith.cmpi ne, %convert_element_type3A_113, %cond3A_115 : i32
    scf.if %cond3A_116 {
      %add3A_193 = arith.constant 67 : i32
      %add3A_194 = arith.addi %cond3A_114, %add3A_193 : i32
      %dma_wait3A = arith.constant 0 : i32
      %dma_wait3A_195 = tpu.memref_slice %arg6[%add3A_194, %dma_wait3A] : memref<79x128xi32, #tpu.memory_space<vmem>> -> memref<1x128xi32, #tpu.memory_space<vmem>>
      %dma_wait3A_196 = tpu.memref_squeeze %dma_wait3A_195 : memref<1x128xi32, #tpu.memory_space<vmem>> -> memref<128xi32, #tpu.memory_space<vmem>>
      %dma_wait3A_197 = arith.constant 0 : i32
      %dma_wait3A_198 = arith.constant 0 : i32
      %dma_wait3A_199 = tpu.memref_slice %arg2[%dma_wait3A_197, %dma_wait3A_198] : memref<10000x16xf32, #tpu.memory_space<hbm>> -> memref<10000x16xf32, #tpu.memory_space<hbm>>
      tpu.wait_indirect_dma semaphore(%arg20 : memref<!tpu.dma_semaphore, #tpu.memory_space<semaphore_mem>>) src(%dma_wait3A_199 : memref<10000x16xf32, #tpu.memory_space<hbm>>) dst(%arg11 : memref<128x16xf32, #tpu.memory_space<vmem>>)
      %add3A_200 = arith.constant 67 : i32
      %add3A_201 = arith.addi %cond3A_114, %add3A_200 : i32
      "tpu.region"() ({
        %run_scoped3A_207 = tpu.sem_alloc : memref<!tpu.dma_semaphore, #tpu.memory_space<semaphore_mem>>
        %dma_start3A_208 = arith.constant 0 : i32
        %dma_start3A_209 = tpu.memref_slice %arg7[%add3A_201, %dma_start3A_208] : memref<79x128xi32, #tpu.memory_space<vmem>> -> memref<1x128xi32, #tpu.memory_space<vmem>>
        %dma_start3A_210 = tpu.memref_squeeze %dma_start3A_209 : memref<1x128xi32, #tpu.memory_space<vmem>> -> memref<128xi32, #tpu.memory_space<vmem>>
        %dma_start3A_211 = arith.constant 0 : i32
        %dma_start3A_212 = arith.constant 0 : i32
        %dma_start3A_213 = tpu.memref_slice %arg16[%dma_start3A_211, %dma_start3A_212] : memref<10000x16xf32, #tpu.memory_space<vmem_shared>> -> memref<10000x16xf32, #tpu.memory_space<vmem_shared>>
        tpu.enqueue_indirect_dma source(%arg11 : memref<128x16xf32, #tpu.memory_space<vmem>>) target(%dma_start3A_213 : memref<10000x16xf32, #tpu.memory_space<vmem_shared>>) offsets(%dma_start3A_210 : memref<128xi32, #tpu.memory_space<vmem>>) semaphore(%run_scoped3A_207 : memref<!tpu.dma_semaphore, #tpu.memory_space<semaphore_mem>>) {add = true}
        %dma_wait3A_214 = arith.constant 0 : i32
        %dma_wait3A_215 = tpu.memref_slice %arg7[%add3A_201, %dma_wait3A_214] : memref<79x128xi32, #tpu.memory_space<vmem>> -> memref<1x128xi32, #tpu.memory_space<vmem>>
        %dma_wait3A_216 = tpu.memref_squeeze %dma_wait3A_215 : memref<1x128xi32, #tpu.memory_space<vmem>> -> memref<128xi32, #tpu.memory_space<vmem>>
        %dma_wait3A_217 = arith.constant 0 : i32
        %dma_wait3A_218 = arith.constant 0 : i32
        %dma_wait3A_219 = tpu.memref_slice %arg16[%dma_wait3A_217, %dma_wait3A_218] : memref<10000x16xf32, #tpu.memory_space<vmem_shared>> -> memref<10000x16xf32, #tpu.memory_space<vmem_shared>>
        tpu.wait_indirect_dma semaphore(%run_scoped3A_207 : memref<!tpu.dma_semaphore, #tpu.memory_space<semaphore_mem>>) src(%arg11 : memref<128x16xf32, #tpu.memory_space<vmem>>) dst(%dma_wait3A_219 : memref<10000x16xf32, #tpu.memory_space<vmem_shared>>)
        tpu.yield
      }) : () -> ()
      %gt3A_202 = arith.constant 75 : i32
      %gt3A_203 = arith.cmpi sgt, %add3A_8, %gt3A_202 : i32
      %convert_element_type3A_204 = arith.extui %gt3A_203 : i1 to i32
      %cond3A_205 = arith.constant 0 : i32
      %cond3A_206 = arith.cmpi ne, %convert_element_type3A_204, %cond3A_205 : i32
      scf.if %cond3A_206 {
        %add3A_207 = arith.constant 67 : i32
        %add3A_208 = arith.addi %cond3A_114, %add3A_207 : i32
        %add3A_209 = arith.constant 8 : i32
        %add3A_210 = arith.addi %add3A_208, %add3A_209 : i32
        %dma_start3A_211 = arith.constant 0 : i32
        %dma_start3A_212 = tpu.memref_slice %arg6[%add3A_210, %dma_start3A_211] : memref<79x128xi32, #tpu.memory_space<vmem>> -> memref<1x128xi32, #tpu.memory_space<vmem>>
        %dma_start3A_213 = tpu.memref_squeeze %dma_start3A_212 : memref<1x128xi32, #tpu.memory_space<vmem>> -> memref<128xi32, #tpu.memory_space<vmem>>
        %dma_start3A_214 = arith.constant 0 : i32
        %dma_start3A_215 = arith.constant 0 : i32
        %dma_start3A_216 = tpu.memref_slice %arg2[%dma_start3A_214, %dma_start3A_215] : memref<10000x16xf32, #tpu.memory_space<hbm>> -> memref<10000x16xf32, #tpu.memory_space<hbm>>
        tpu.enqueue_indirect_dma source(%dma_start3A_216 : memref<10000x16xf32, #tpu.memory_space<hbm>>) target(%arg11 : memref<128x16xf32, #tpu.memory_space<vmem>>) offsets(%dma_start3A_213 : memref<128xi32, #tpu.memory_space<vmem>>) semaphore(%arg20 : memref<!tpu.dma_semaphore, #tpu.memory_space<semaphore_mem>>)
      } else {
      }
    } else {
    }
    %gt3A_117 = arith.constant 68 : i32
    %gt3A_118 = arith.cmpi sgt, %add3A_8, %gt3A_117 : i32
    %convert_element_type3A_119 = arith.extui %gt3A_118 : i1 to i32
    %cond3A_120 = arith.constant 0 : i32
    %cond3A_121 = arith.constant 0 : i32
    %cond3A_122 = arith.cmpi ne, %convert_element_type3A_119, %cond3A_121 : i32
    scf.if %cond3A_122 {
      %add3A_193 = arith.constant 68 : i32
      %add3A_194 = arith.addi %cond3A_120, %add3A_193 : i32
      %dma_wait3A = arith.constant 0 : i32
      %dma_wait3A_195 = tpu.memref_slice %arg6[%add3A_194, %dma_wait3A] : memref<79x128xi32, #tpu.memory_space<vmem>> -> memref<1x128xi32, #tpu.memory_space<vmem>>
      %dma_wait3A_196 = tpu.memref_squeeze %dma_wait3A_195 : memref<1x128xi32, #tpu.memory_space<vmem>> -> memref<128xi32, #tpu.memory_space<vmem>>
      %dma_wait3A_197 = arith.constant 0 : i32
      %dma_wait3A_198 = arith.constant 0 : i32
      %dma_wait3A_199 = tpu.memref_slice %arg2[%dma_wait3A_197, %dma_wait3A_198] : memref<10000x16xf32, #tpu.memory_space<hbm>> -> memref<10000x16xf32, #tpu.memory_space<hbm>>
      tpu.wait_indirect_dma semaphore(%arg21 : memref<!tpu.dma_semaphore, #tpu.memory_space<semaphore_mem>>) src(%dma_wait3A_199 : memref<10000x16xf32, #tpu.memory_space<hbm>>) dst(%arg12 : memref<128x16xf32, #tpu.memory_space<vmem>>)
      %add3A_200 = arith.constant 68 : i32
      %add3A_201 = arith.addi %cond3A_120, %add3A_200 : i32
      "tpu.region"() ({
        %run_scoped3A_207 = tpu.sem_alloc : memref<!tpu.dma_semaphore, #tpu.memory_space<semaphore_mem>>
        %dma_start3A_208 = arith.constant 0 : i32
        %dma_start3A_209 = tpu.memref_slice %arg7[%add3A_201, %dma_start3A_208] : memref<79x128xi32, #tpu.memory_space<vmem>> -> memref<1x128xi32, #tpu.memory_space<vmem>>
        %dma_start3A_210 = tpu.memref_squeeze %dma_start3A_209 : memref<1x128xi32, #tpu.memory_space<vmem>> -> memref<128xi32, #tpu.memory_space<vmem>>
        %dma_start3A_211 = arith.constant 0 : i32
        %dma_start3A_212 = arith.constant 0 : i32
        %dma_start3A_213 = tpu.memref_slice %arg16[%dma_start3A_211, %dma_start3A_212] : memref<10000x16xf32, #tpu.memory_space<vmem_shared>> -> memref<10000x16xf32, #tpu.memory_space<vmem_shared>>
        tpu.enqueue_indirect_dma source(%arg12 : memref<128x16xf32, #tpu.memory_space<vmem>>) target(%dma_start3A_213 : memref<10000x16xf32, #tpu.memory_space<vmem_shared>>) offsets(%dma_start3A_210 : memref<128xi32, #tpu.memory_space<vmem>>) semaphore(%run_scoped3A_207 : memref<!tpu.dma_semaphore, #tpu.memory_space<semaphore_mem>>) {add = true}
        %dma_wait3A_214 = arith.constant 0 : i32
        %dma_wait3A_215 = tpu.memref_slice %arg7[%add3A_201, %dma_wait3A_214] : memref<79x128xi32, #tpu.memory_space<vmem>> -> memref<1x128xi32, #tpu.memory_space<vmem>>
        %dma_wait3A_216 = tpu.memref_squeeze %dma_wait3A_215 : memref<1x128xi32, #tpu.memory_space<vmem>> -> memref<128xi32, #tpu.memory_space<vmem>>
        %dma_wait3A_217 = arith.constant 0 : i32
        %dma_wait3A_218 = arith.constant 0 : i32
        %dma_wait3A_219 = tpu.memref_slice %arg16[%dma_wait3A_217, %dma_wait3A_218] : memref<10000x16xf32, #tpu.memory_space<vmem_shared>> -> memref<10000x16xf32, #tpu.memory_space<vmem_shared>>
        tpu.wait_indirect_dma semaphore(%run_scoped3A_207 : memref<!tpu.dma_semaphore, #tpu.memory_space<semaphore_mem>>) src(%arg12 : memref<128x16xf32, #tpu.memory_space<vmem>>) dst(%dma_wait3A_219 : memref<10000x16xf32, #tpu.memory_space<vmem_shared>>)
        tpu.yield
      }) : () -> ()
      %gt3A_202 = arith.constant 76 : i32
      %gt3A_203 = arith.cmpi sgt, %add3A_8, %gt3A_202 : i32
      %convert_element_type3A_204 = arith.extui %gt3A_203 : i1 to i32
      %cond3A_205 = arith.constant 0 : i32
      %cond3A_206 = arith.cmpi ne, %convert_element_type3A_204, %cond3A_205 : i32
      scf.if %cond3A_206 {
        %add3A_207 = arith.constant 68 : i32
        %add3A_208 = arith.addi %cond3A_120, %add3A_207 : i32
        %add3A_209 = arith.constant 8 : i32
        %add3A_210 = arith.addi %add3A_208, %add3A_209 : i32
        %dma_start3A_211 = arith.constant 0 : i32
        %dma_start3A_212 = tpu.memref_slice %arg6[%add3A_210, %dma_start3A_211] : memref<79x128xi32, #tpu.memory_space<vmem>> -> memref<1x128xi32, #tpu.memory_space<vmem>>
        %dma_start3A_213 = tpu.memref_squeeze %dma_start3A_212 : memref<1x128xi32, #tpu.memory_space<vmem>> -> memref<128xi32, #tpu.memory_space<vmem>>
        %dma_start3A_214 = arith.constant 0 : i32
        %dma_start3A_215 = arith.constant 0 : i32
        %dma_start3A_216 = tpu.memref_slice %arg2[%dma_start3A_214, %dma_start3A_215] : memref<10000x16xf32, #tpu.memory_space<hbm>> -> memref<10000x16xf32, #tpu.memory_space<hbm>>
        tpu.enqueue_indirect_dma source(%dma_start3A_216 : memref<10000x16xf32, #tpu.memory_space<hbm>>) target(%arg12 : memref<128x16xf32, #tpu.memory_space<vmem>>) offsets(%dma_start3A_213 : memref<128xi32, #tpu.memory_space<vmem>>) semaphore(%arg21 : memref<!tpu.dma_semaphore, #tpu.memory_space<semaphore_mem>>)
      } else {
      }
    } else {
    }
    %gt3A_123 = arith.constant 69 : i32
    %gt3A_124 = arith.cmpi sgt, %add3A_8, %gt3A_123 : i32
    %convert_element_type3A_125 = arith.extui %gt3A_124 : i1 to i32
    %cond3A_126 = arith.constant 0 : i32
    %cond3A_127 = arith.constant 0 : i32
    %cond3A_128 = arith.cmpi ne, %convert_element_type3A_125, %cond3A_127 : i32
    scf.if %cond3A_128 {
      %add3A_193 = arith.constant 69 : i32
      %add3A_194 = arith.addi %cond3A_126, %add3A_193 : i32
      %dma_wait3A = arith.constant 0 : i32
      %dma_wait3A_195 = tpu.memref_slice %arg6[%add3A_194, %dma_wait3A] : memref<79x128xi32, #tpu.memory_space<vmem>> -> memref<1x128xi32, #tpu.memory_space<vmem>>
      %dma_wait3A_196 = tpu.memref_squeeze %dma_wait3A_195 : memref<1x128xi32, #tpu.memory_space<vmem>> -> memref<128xi32, #tpu.memory_space<vmem>>
      %dma_wait3A_197 = arith.constant 0 : i32
      %dma_wait3A_198 = arith.constant 0 : i32
      %dma_wait3A_199 = tpu.memref_slice %arg2[%dma_wait3A_197, %dma_wait3A_198] : memref<10000x16xf32, #tpu.memory_space<hbm>> -> memref<10000x16xf32, #tpu.memory_space<hbm>>
      tpu.wait_indirect_dma semaphore(%arg22 : memref<!tpu.dma_semaphore, #tpu.memory_space<semaphore_mem>>) src(%dma_wait3A_199 : memref<10000x16xf32, #tpu.memory_space<hbm>>) dst(%arg13 : memref<128x16xf32, #tpu.memory_space<vmem>>)
      %add3A_200 = arith.constant 69 : i32
      %add3A_201 = arith.addi %cond3A_126, %add3A_200 : i32
      "tpu.region"() ({
        %run_scoped3A_207 = tpu.sem_alloc : memref<!tpu.dma_semaphore, #tpu.memory_space<semaphore_mem>>
        %dma_start3A_208 = arith.constant 0 : i32
        %dma_start3A_209 = tpu.memref_slice %arg7[%add3A_201, %dma_start3A_208] : memref<79x128xi32, #tpu.memory_space<vmem>> -> memref<1x128xi32, #tpu.memory_space<vmem>>
        %dma_start3A_210 = tpu.memref_squeeze %dma_start3A_209 : memref<1x128xi32, #tpu.memory_space<vmem>> -> memref<128xi32, #tpu.memory_space<vmem>>
        %dma_start3A_211 = arith.constant 0 : i32
        %dma_start3A_212 = arith.constant 0 : i32
        %dma_start3A_213 = tpu.memref_slice %arg16[%dma_start3A_211, %dma_start3A_212] : memref<10000x16xf32, #tpu.memory_space<vmem_shared>> -> memref<10000x16xf32, #tpu.memory_space<vmem_shared>>
        tpu.enqueue_indirect_dma source(%arg13 : memref<128x16xf32, #tpu.memory_space<vmem>>) target(%dma_start3A_213 : memref<10000x16xf32, #tpu.memory_space<vmem_shared>>) offsets(%dma_start3A_210 : memref<128xi32, #tpu.memory_space<vmem>>) semaphore(%run_scoped3A_207 : memref<!tpu.dma_semaphore, #tpu.memory_space<semaphore_mem>>) {add = true}
        %dma_wait3A_214 = arith.constant 0 : i32
        %dma_wait3A_215 = tpu.memref_slice %arg7[%add3A_201, %dma_wait3A_214] : memref<79x128xi32, #tpu.memory_space<vmem>> -> memref<1x128xi32, #tpu.memory_space<vmem>>
        %dma_wait3A_216 = tpu.memref_squeeze %dma_wait3A_215 : memref<1x128xi32, #tpu.memory_space<vmem>> -> memref<128xi32, #tpu.memory_space<vmem>>
        %dma_wait3A_217 = arith.constant 0 : i32
        %dma_wait3A_218 = arith.constant 0 : i32
        %dma_wait3A_219 = tpu.memref_slice %arg16[%dma_wait3A_217, %dma_wait3A_218] : memref<10000x16xf32, #tpu.memory_space<vmem_shared>> -> memref<10000x16xf32, #tpu.memory_space<vmem_shared>>
        tpu.wait_indirect_dma semaphore(%run_scoped3A_207 : memref<!tpu.dma_semaphore, #tpu.memory_space<semaphore_mem>>) src(%arg13 : memref<128x16xf32, #tpu.memory_space<vmem>>) dst(%dma_wait3A_219 : memref<10000x16xf32, #tpu.memory_space<vmem_shared>>)
        tpu.yield
      }) : () -> ()
      %gt3A_202 = arith.constant 77 : i32
      %gt3A_203 = arith.cmpi sgt, %add3A_8, %gt3A_202 : i32
      %convert_element_type3A_204 = arith.extui %gt3A_203 : i1 to i32
      %cond3A_205 = arith.constant 0 : i32
      %cond3A_206 = arith.cmpi ne, %convert_element_type3A_204, %cond3A_205 : i32
      scf.if %cond3A_206 {
        %add3A_207 = arith.constant 69 : i32
        %add3A_208 = arith.addi %cond3A_126, %add3A_207 : i32
        %add3A_209 = arith.constant 8 : i32
        %add3A_210 = arith.addi %add3A_208, %add3A_209 : i32
        %dma_start3A_211 = arith.constant 0 : i32
        %dma_start3A_212 = tpu.memref_slice %arg6[%add3A_210, %dma_start3A_211] : memref<79x128xi32, #tpu.memory_space<vmem>> -> memref<1x128xi32, #tpu.memory_space<vmem>>
        %dma_start3A_213 = tpu.memref_squeeze %dma_start3A_212 : memref<1x128xi32, #tpu.memory_space<vmem>> -> memref<128xi32, #tpu.memory_space<vmem>>
        %dma_start3A_214 = arith.constant 0 : i32
        %dma_start3A_215 = arith.constant 0 : i32
        %dma_start3A_216 = tpu.memref_slice %arg2[%dma_start3A_214, %dma_start3A_215] : memref<10000x16xf32, #tpu.memory_space<hbm>> -> memref<10000x16xf32, #tpu.memory_space<hbm>>
        tpu.enqueue_indirect_dma source(%dma_start3A_216 : memref<10000x16xf32, #tpu.memory_space<hbm>>) target(%arg13 : memref<128x16xf32, #tpu.memory_space<vmem>>) offsets(%dma_start3A_213 : memref<128xi32, #tpu.memory_space<vmem>>) semaphore(%arg22 : memref<!tpu.dma_semaphore, #tpu.memory_space<semaphore_mem>>)
      } else {
      }
    } else {
    }
    %gt3A_129 = arith.constant 70 : i32
    %gt3A_130 = arith.cmpi sgt, %add3A_8, %gt3A_129 : i32
    %convert_element_type3A_131 = arith.extui %gt3A_130 : i1 to i32
    %cond3A_132 = arith.constant 0 : i32
    %cond3A_133 = arith.constant 0 : i32
    %cond3A_134 = arith.cmpi ne, %convert_element_type3A_131, %cond3A_133 : i32
    scf.if %cond3A_134 {
      %add3A_193 = arith.constant 70 : i32
      %add3A_194 = arith.addi %cond3A_132, %add3A_193 : i32
      %dma_wait3A = arith.constant 0 : i32
      %dma_wait3A_195 = tpu.memref_slice %arg6[%add3A_194, %dma_wait3A] : memref<79x128xi32, #tpu.memory_space<vmem>> -> memref<1x128xi32, #tpu.memory_space<vmem>>
      %dma_wait3A_196 = tpu.memref_squeeze %dma_wait3A_195 : memref<1x128xi32, #tpu.memory_space<vmem>> -> memref<128xi32, #tpu.memory_space<vmem>>
      %dma_wait3A_197 = arith.constant 0 : i32
      %dma_wait3A_198 = arith.constant 0 : i32
      %dma_wait3A_199 = tpu.memref_slice %arg2[%dma_wait3A_197, %dma_wait3A_198] : memref<10000x16xf32, #tpu.memory_space<hbm>> -> memref<10000x16xf32, #tpu.memory_space<hbm>>
      tpu.wait_indirect_dma semaphore(%arg23 : memref<!tpu.dma_semaphore, #tpu.memory_space<semaphore_mem>>) src(%dma_wait3A_199 : memref<10000x16xf32, #tpu.memory_space<hbm>>) dst(%arg14 : memref<128x16xf32, #tpu.memory_space<vmem>>)
      %add3A_200 = arith.constant 70 : i32
      %add3A_201 = arith.addi %cond3A_132, %add3A_200 : i32
      "tpu.region"() ({
        %run_scoped3A_207 = tpu.sem_alloc : memref<!tpu.dma_semaphore, #tpu.memory_space<semaphore_mem>>
        %dma_start3A_208 = arith.constant 0 : i32
        %dma_start3A_209 = tpu.memref_slice %arg7[%add3A_201, %dma_start3A_208] : memref<79x128xi32, #tpu.memory_space<vmem>> -> memref<1x128xi32, #tpu.memory_space<vmem>>
        %dma_start3A_210 = tpu.memref_squeeze %dma_start3A_209 : memref<1x128xi32, #tpu.memory_space<vmem>> -> memref<128xi32, #tpu.memory_space<vmem>>
        %dma_start3A_211 = arith.constant 0 : i32
        %dma_start3A_212 = arith.constant 0 : i32
        %dma_start3A_213 = tpu.memref_slice %arg16[%dma_start3A_211, %dma_start3A_212] : memref<10000x16xf32, #tpu.memory_space<vmem_shared>> -> memref<10000x16xf32, #tpu.memory_space<vmem_shared>>
        tpu.enqueue_indirect_dma source(%arg14 : memref<128x16xf32, #tpu.memory_space<vmem>>) target(%dma_start3A_213 : memref<10000x16xf32, #tpu.memory_space<vmem_shared>>) offsets(%dma_start3A_210 : memref<128xi32, #tpu.memory_space<vmem>>) semaphore(%run_scoped3A_207 : memref<!tpu.dma_semaphore, #tpu.memory_space<semaphore_mem>>) {add = true}
        %dma_wait3A_214 = arith.constant 0 : i32
        %dma_wait3A_215 = tpu.memref_slice %arg7[%add3A_201, %dma_wait3A_214] : memref<79x128xi32, #tpu.memory_space<vmem>> -> memref<1x128xi32, #tpu.memory_space<vmem>>
        %dma_wait3A_216 = tpu.memref_squeeze %dma_wait3A_215 : memref<1x128xi32, #tpu.memory_space<vmem>> -> memref<128xi32, #tpu.memory_space<vmem>>
        %dma_wait3A_217 = arith.constant 0 : i32
        %dma_wait3A_218 = arith.constant 0 : i32
        %dma_wait3A_219 = tpu.memref_slice %arg16[%dma_wait3A_217, %dma_wait3A_218] : memref<10000x16xf32, #tpu.memory_space<vmem_shared>> -> memref<10000x16xf32, #tpu.memory_space<vmem_shared>>
        tpu.wait_indirect_dma semaphore(%run_scoped3A_207 : memref<!tpu.dma_semaphore, #tpu.memory_space<semaphore_mem>>) src(%arg14 : memref<128x16xf32, #tpu.memory_space<vmem>>) dst(%dma_wait3A_219 : memref<10000x16xf32, #tpu.memory_space<vmem_shared>>)
        tpu.yield
      }) : () -> ()
      %gt3A_202 = arith.constant 78 : i32
      %gt3A_203 = arith.cmpi sgt, %add3A_8, %gt3A_202 : i32
      %convert_element_type3A_204 = arith.extui %gt3A_203 : i1 to i32
      %cond3A_205 = arith.constant 0 : i32
      %cond3A_206 = arith.cmpi ne, %convert_element_type3A_204, %cond3A_205 : i32
      scf.if %cond3A_206 {
        %add3A_207 = arith.constant 70 : i32
        %add3A_208 = arith.addi %cond3A_132, %add3A_207 : i32
        %add3A_209 = arith.constant 8 : i32
        %add3A_210 = arith.addi %add3A_208, %add3A_209 : i32
        %dma_start3A_211 = arith.constant 0 : i32
        %dma_start3A_212 = tpu.memref_slice %arg6[%add3A_210, %dma_start3A_211] : memref<79x128xi32, #tpu.memory_space<vmem>> -> memref<1x128xi32, #tpu.memory_space<vmem>>
        %dma_start3A_213 = tpu.memref_squeeze %dma_start3A_212 : memref<1x128xi32, #tpu.memory_space<vmem>> -> memref<128xi32, #tpu.memory_space<vmem>>
        %dma_start3A_214 = arith.constant 0 : i32
        %dma_start3A_215 = arith.constant 0 : i32
        %dma_start3A_216 = tpu.memref_slice %arg2[%dma_start3A_214, %dma_start3A_215] : memref<10000x16xf32, #tpu.memory_space<hbm>> -> memref<10000x16xf32, #tpu.memory_space<hbm>>
        tpu.enqueue_indirect_dma source(%dma_start3A_216 : memref<10000x16xf32, #tpu.memory_space<hbm>>) target(%arg14 : memref<128x16xf32, #tpu.memory_space<vmem>>) offsets(%dma_start3A_213 : memref<128xi32, #tpu.memory_space<vmem>>) semaphore(%arg23 : memref<!tpu.dma_semaphore, #tpu.memory_space<semaphore_mem>>)
      } else {
      }
    } else {
    }
    %gt3A_135 = arith.constant 71 : i32
    %gt3A_136 = arith.cmpi sgt, %add3A_8, %gt3A_135 : i32
    %convert_element_type3A_137 = arith.extui %gt3A_136 : i1 to i32
    %cond3A_138 = arith.constant 0 : i32
    %cond3A_139 = arith.constant 0 : i32
    %cond3A_140 = arith.cmpi ne, %convert_element_type3A_137, %cond3A_139 : i32
    scf.if %cond3A_140 {
      %add3A_193 = arith.constant 71 : i32
      %add3A_194 = arith.addi %cond3A_138, %add3A_193 : i32
      %dma_wait3A = arith.constant 0 : i32
      %dma_wait3A_195 = tpu.memref_slice %arg6[%add3A_194, %dma_wait3A] : memref<79x128xi32, #tpu.memory_space<vmem>> -> memref<1x128xi32, #tpu.memory_space<vmem>>
      %dma_wait3A_196 = tpu.memref_squeeze %dma_wait3A_195 : memref<1x128xi32, #tpu.memory_space<vmem>> -> memref<128xi32, #tpu.memory_space<vmem>>
      %dma_wait3A_197 = arith.constant 0 : i32
      %dma_wait3A_198 = arith.constant 0 : i32
      %dma_wait3A_199 = tpu.memref_slice %arg2[%dma_wait3A_197, %dma_wait3A_198] : memref<10000x16xf32, #tpu.memory_space<hbm>> -> memref<10000x16xf32, #tpu.memory_space<hbm>>
      tpu.wait_indirect_dma semaphore(%arg24 : memref<!tpu.dma_semaphore, #tpu.memory_space<semaphore_mem>>) src(%dma_wait3A_199 : memref<10000x16xf32, #tpu.memory_space<hbm>>) dst(%arg15 : memref<128x16xf32, #tpu.memory_space<vmem>>)
      %add3A_200 = arith.constant 71 : i32
      %add3A_201 = arith.addi %cond3A_138, %add3A_200 : i32
      "tpu.region"() ({
        %run_scoped3A_207 = tpu.sem_alloc : memref<!tpu.dma_semaphore, #tpu.memory_space<semaphore_mem>>
        %dma_start3A_208 = arith.constant 0 : i32
        %dma_start3A_209 = tpu.memref_slice %arg7[%add3A_201, %dma_start3A_208] : memref<79x128xi32, #tpu.memory_space<vmem>> -> memref<1x128xi32, #tpu.memory_space<vmem>>
        %dma_start3A_210 = tpu.memref_squeeze %dma_start3A_209 : memref<1x128xi32, #tpu.memory_space<vmem>> -> memref<128xi32, #tpu.memory_space<vmem>>
        %dma_start3A_211 = arith.constant 0 : i32
        %dma_start3A_212 = arith.constant 0 : i32
        %dma_start3A_213 = tpu.memref_slice %arg16[%dma_start3A_211, %dma_start3A_212] : memref<10000x16xf32, #tpu.memory_space<vmem_shared>> -> memref<10000x16xf32, #tpu.memory_space<vmem_shared>>
        tpu.enqueue_indirect_dma source(%arg15 : memref<128x16xf32, #tpu.memory_space<vmem>>) target(%dma_start3A_213 : memref<10000x16xf32, #tpu.memory_space<vmem_shared>>) offsets(%dma_start3A_210 : memref<128xi32, #tpu.memory_space<vmem>>) semaphore(%run_scoped3A_207 : memref<!tpu.dma_semaphore, #tpu.memory_space<semaphore_mem>>) {add = true}
        %dma_wait3A_214 = arith.constant 0 : i32
        %dma_wait3A_215 = tpu.memref_slice %arg7[%add3A_201, %dma_wait3A_214] : memref<79x128xi32, #tpu.memory_space<vmem>> -> memref<1x128xi32, #tpu.memory_space<vmem>>
        %dma_wait3A_216 = tpu.memref_squeeze %dma_wait3A_215 : memref<1x128xi32, #tpu.memory_space<vmem>> -> memref<128xi32, #tpu.memory_space<vmem>>
        %dma_wait3A_217 = arith.constant 0 : i32
        %dma_wait3A_218 = arith.constant 0 : i32
        %dma_wait3A_219 = tpu.memref_slice %arg16[%dma_wait3A_217, %dma_wait3A_218] : memref<10000x16xf32, #tpu.memory_space<vmem_shared>> -> memref<10000x16xf32, #tpu.memory_space<vmem_shared>>
        tpu.wait_indirect_dma semaphore(%run_scoped3A_207 : memref<!tpu.dma_semaphore, #tpu.memory_space<semaphore_mem>>) src(%arg15 : memref<128x16xf32, #tpu.memory_space<vmem>>) dst(%dma_wait3A_219 : memref<10000x16xf32, #tpu.memory_space<vmem_shared>>)
        tpu.yield
      }) : () -> ()
      %gt3A_202 = arith.constant 79 : i32
      %gt3A_203 = arith.cmpi sgt, %add3A_8, %gt3A_202 : i32
      %convert_element_type3A_204 = arith.extui %gt3A_203 : i1 to i32
      %cond3A_205 = arith.constant 0 : i32
      %cond3A_206 = arith.cmpi ne, %convert_element_type3A_204, %cond3A_205 : i32
      scf.if %cond3A_206 {
        %add3A_207 = arith.constant 71 : i32
        %add3A_208 = arith.addi %cond3A_138, %add3A_207 : i32
        %add3A_209 = arith.constant 8 : i32
        %add3A_210 = arith.addi %add3A_208, %add3A_209 : i32
        %dma_start3A_211 = arith.constant 0 : i32
        %dma_start3A_212 = tpu.memref_slice %arg6[%add3A_210, %dma_start3A_211] : memref<79x128xi32, #tpu.memory_space<vmem>> -> memref<1x128xi32, #tpu.memory_space<vmem>>
        %dma_start3A_213 = tpu.memref_squeeze %dma_start3A_212 : memref<1x128xi32, #tpu.memory_space<vmem>> -> memref<128xi32, #tpu.memory_space<vmem>>
        %dma_start3A_214 = arith.constant 0 : i32
        %dma_start3A_215 = arith.constant 0 : i32
        %dma_start3A_216 = tpu.memref_slice %arg2[%dma_start3A_214, %dma_start3A_215] : memref<10000x16xf32, #tpu.memory_space<hbm>> -> memref<10000x16xf32, #tpu.memory_space<hbm>>
        tpu.enqueue_indirect_dma source(%dma_start3A_216 : memref<10000x16xf32, #tpu.memory_space<hbm>>) target(%arg15 : memref<128x16xf32, #tpu.memory_space<vmem>>) offsets(%dma_start3A_213 : memref<128xi32, #tpu.memory_space<vmem>>) semaphore(%arg24 : memref<!tpu.dma_semaphore, #tpu.memory_space<semaphore_mem>>)
      } else {
      }
    } else {
    }
    %gt3A_141 = arith.constant 72 : i32
    %gt3A_142 = arith.cmpi sgt, %add3A_8, %gt3A_141 : i32
    %convert_element_type3A_143 = arith.extui %gt3A_142 : i1 to i32
    %cond3A_144 = arith.constant 0 : i32
    %cond3A_145 = arith.constant 0 : i32
    %cond3A_146 = arith.cmpi ne, %convert_element_type3A_143, %cond3A_145 : i32
    scf.if %cond3A_146 {
      %add3A_193 = arith.constant 72 : i32
      %add3A_194 = arith.addi %cond3A_144, %add3A_193 : i32
      %dma_wait3A = arith.constant 0 : i32
      %dma_wait3A_195 = tpu.memref_slice %arg6[%add3A_194, %dma_wait3A] : memref<79x128xi32, #tpu.memory_space<vmem>> -> memref<1x128xi32, #tpu.memory_space<vmem>>
      %dma_wait3A_196 = tpu.memref_squeeze %dma_wait3A_195 : memref<1x128xi32, #tpu.memory_space<vmem>> -> memref<128xi32, #tpu.memory_space<vmem>>
      %dma_wait3A_197 = arith.constant 0 : i32
      %dma_wait3A_198 = arith.constant 0 : i32
      %dma_wait3A_199 = tpu.memref_slice %arg2[%dma_wait3A_197, %dma_wait3A_198] : memref<10000x16xf32, #tpu.memory_space<hbm>> -> memref<10000x16xf32, #tpu.memory_space<hbm>>
      tpu.wait_indirect_dma semaphore(%arg17 : memref<!tpu.dma_semaphore, #tpu.memory_space<semaphore_mem>>) src(%dma_wait3A_199 : memref<10000x16xf32, #tpu.memory_space<hbm>>) dst(%arg8 : memref<128x16xf32, #tpu.memory_space<vmem>>)
      %add3A_200 = arith.constant 72 : i32
      %add3A_201 = arith.addi %cond3A_144, %add3A_200 : i32
      "tpu.region"() ({
        %run_scoped3A_207 = tpu.sem_alloc : memref<!tpu.dma_semaphore, #tpu.memory_space<semaphore_mem>>
        %dma_start3A_208 = arith.constant 0 : i32
        %dma_start3A_209 = tpu.memref_slice %arg7[%add3A_201, %dma_start3A_208] : memref<79x128xi32, #tpu.memory_space<vmem>> -> memref<1x128xi32, #tpu.memory_space<vmem>>
        %dma_start3A_210 = tpu.memref_squeeze %dma_start3A_209 : memref<1x128xi32, #tpu.memory_space<vmem>> -> memref<128xi32, #tpu.memory_space<vmem>>
        %dma_start3A_211 = arith.constant 0 : i32
        %dma_start3A_212 = arith.constant 0 : i32
        %dma_start3A_213 = tpu.memref_slice %arg16[%dma_start3A_211, %dma_start3A_212] : memref<10000x16xf32, #tpu.memory_space<vmem_shared>> -> memref<10000x16xf32, #tpu.memory_space<vmem_shared>>
        tpu.enqueue_indirect_dma source(%arg8 : memref<128x16xf32, #tpu.memory_space<vmem>>) target(%dma_start3A_213 : memref<10000x16xf32, #tpu.memory_space<vmem_shared>>) offsets(%dma_start3A_210 : memref<128xi32, #tpu.memory_space<vmem>>) semaphore(%run_scoped3A_207 : memref<!tpu.dma_semaphore, #tpu.memory_space<semaphore_mem>>) {add = true}
        %dma_wait3A_214 = arith.constant 0 : i32
        %dma_wait3A_215 = tpu.memref_slice %arg7[%add3A_201, %dma_wait3A_214] : memref<79x128xi32, #tpu.memory_space<vmem>> -> memref<1x128xi32, #tpu.memory_space<vmem>>
        %dma_wait3A_216 = tpu.memref_squeeze %dma_wait3A_215 : memref<1x128xi32, #tpu.memory_space<vmem>> -> memref<128xi32, #tpu.memory_space<vmem>>
        %dma_wait3A_217 = arith.constant 0 : i32
        %dma_wait3A_218 = arith.constant 0 : i32
        %dma_wait3A_219 = tpu.memref_slice %arg16[%dma_wait3A_217, %dma_wait3A_218] : memref<10000x16xf32, #tpu.memory_space<vmem_shared>> -> memref<10000x16xf32, #tpu.memory_space<vmem_shared>>
        tpu.wait_indirect_dma semaphore(%run_scoped3A_207 : memref<!tpu.dma_semaphore, #tpu.memory_space<semaphore_mem>>) src(%arg8 : memref<128x16xf32, #tpu.memory_space<vmem>>) dst(%dma_wait3A_219 : memref<10000x16xf32, #tpu.memory_space<vmem_shared>>)
        tpu.yield
      }) : () -> ()
      %gt3A_202 = arith.constant 80 : i32
      %gt3A_203 = arith.cmpi sgt, %add3A_8, %gt3A_202 : i32
      %convert_element_type3A_204 = arith.extui %gt3A_203 : i1 to i32
      %cond3A_205 = arith.constant 0 : i32
      %cond3A_206 = arith.cmpi ne, %convert_element_type3A_204, %cond3A_205 : i32
      scf.if %cond3A_206 {
        %add3A_207 = arith.constant 72 : i32
        %add3A_208 = arith.addi %cond3A_144, %add3A_207 : i32
        %add3A_209 = arith.constant 8 : i32
        %add3A_210 = arith.addi %add3A_208, %add3A_209 : i32
        %dma_start3A_211 = arith.constant 0 : i32
        %dma_start3A_212 = tpu.memref_slice %arg6[%add3A_210, %dma_start3A_211] : memref<79x128xi32, #tpu.memory_space<vmem>> -> memref<1x128xi32, #tpu.memory_space<vmem>>
        %dma_start3A_213 = tpu.memref_squeeze %dma_start3A_212 : memref<1x128xi32, #tpu.memory_space<vmem>> -> memref<128xi32, #tpu.memory_space<vmem>>
        %dma_start3A_214 = arith.constant 0 : i32
        %dma_start3A_215 = arith.constant 0 : i32
        %dma_start3A_216 = tpu.memref_slice %arg2[%dma_start3A_214, %dma_start3A_215] : memref<10000x16xf32, #tpu.memory_space<hbm>> -> memref<10000x16xf32, #tpu.memory_space<hbm>>
        tpu.enqueue_indirect_dma source(%dma_start3A_216 : memref<10000x16xf32, #tpu.memory_space<hbm>>) target(%arg8 : memref<128x16xf32, #tpu.memory_space<vmem>>) offsets(%dma_start3A_213 : memref<128xi32, #tpu.memory_space<vmem>>) semaphore(%arg17 : memref<!tpu.dma_semaphore, #tpu.memory_space<semaphore_mem>>)
      } else {
      }
    } else {
    }
    %gt3A_147 = arith.constant 73 : i32
    %gt3A_148 = arith.cmpi sgt, %add3A_8, %gt3A_147 : i32
    %convert_element_type3A_149 = arith.extui %gt3A_148 : i1 to i32
    %cond3A_150 = arith.constant 0 : i32
    %cond3A_151 = arith.constant 0 : i32
    %cond3A_152 = arith.cmpi ne, %convert_element_type3A_149, %cond3A_151 : i32
    scf.if %cond3A_152 {
      %add3A_193 = arith.constant 73 : i32
      %add3A_194 = arith.addi %cond3A_150, %add3A_193 : i32
      %dma_wait3A = arith.constant 0 : i32
      %dma_wait3A_195 = tpu.memref_slice %arg6[%add3A_194, %dma_wait3A] : memref<79x128xi32, #tpu.memory_space<vmem>> -> memref<1x128xi32, #tpu.memory_space<vmem>>
      %dma_wait3A_196 = tpu.memref_squeeze %dma_wait3A_195 : memref<1x128xi32, #tpu.memory_space<vmem>> -> memref<128xi32, #tpu.memory_space<vmem>>
      %dma_wait3A_197 = arith.constant 0 : i32
      %dma_wait3A_198 = arith.constant 0 : i32
      %dma_wait3A_199 = tpu.memref_slice %arg2[%dma_wait3A_197, %dma_wait3A_198] : memref<10000x16xf32, #tpu.memory_space<hbm>> -> memref<10000x16xf32, #tpu.memory_space<hbm>>
      tpu.wait_indirect_dma semaphore(%arg18 : memref<!tpu.dma_semaphore, #tpu.memory_space<semaphore_mem>>) src(%dma_wait3A_199 : memref<10000x16xf32, #tpu.memory_space<hbm>>) dst(%arg9 : memref<128x16xf32, #tpu.memory_space<vmem>>)
      %add3A_200 = arith.constant 73 : i32
      %add3A_201 = arith.addi %cond3A_150, %add3A_200 : i32
      "tpu.region"() ({
        %run_scoped3A_207 = tpu.sem_alloc : memref<!tpu.dma_semaphore, #tpu.memory_space<semaphore_mem>>
        %dma_start3A_208 = arith.constant 0 : i32
        %dma_start3A_209 = tpu.memref_slice %arg7[%add3A_201, %dma_start3A_208] : memref<79x128xi32, #tpu.memory_space<vmem>> -> memref<1x128xi32, #tpu.memory_space<vmem>>
        %dma_start3A_210 = tpu.memref_squeeze %dma_start3A_209 : memref<1x128xi32, #tpu.memory_space<vmem>> -> memref<128xi32, #tpu.memory_space<vmem>>
        %dma_start3A_211 = arith.constant 0 : i32
        %dma_start3A_212 = arith.constant 0 : i32
        %dma_start3A_213 = tpu.memref_slice %arg16[%dma_start3A_211, %dma_start3A_212] : memref<10000x16xf32, #tpu.memory_space<vmem_shared>> -> memref<10000x16xf32, #tpu.memory_space<vmem_shared>>
        tpu.enqueue_indirect_dma source(%arg9 : memref<128x16xf32, #tpu.memory_space<vmem>>) target(%dma_start3A_213 : memref<10000x16xf32, #tpu.memory_space<vmem_shared>>) offsets(%dma_start3A_210 : memref<128xi32, #tpu.memory_space<vmem>>) semaphore(%run_scoped3A_207 : memref<!tpu.dma_semaphore, #tpu.memory_space<semaphore_mem>>) {add = true}
        %dma_wait3A_214 = arith.constant 0 : i32
        %dma_wait3A_215 = tpu.memref_slice %arg7[%add3A_201, %dma_wait3A_214] : memref<79x128xi32, #tpu.memory_space<vmem>> -> memref<1x128xi32, #tpu.memory_space<vmem>>
        %dma_wait3A_216 = tpu.memref_squeeze %dma_wait3A_215 : memref<1x128xi32, #tpu.memory_space<vmem>> -> memref<128xi32, #tpu.memory_space<vmem>>
        %dma_wait3A_217 = arith.constant 0 : i32
        %dma_wait3A_218 = arith.constant 0 : i32
        %dma_wait3A_219 = tpu.memref_slice %arg16[%dma_wait3A_217, %dma_wait3A_218] : memref<10000x16xf32, #tpu.memory_space<vmem_shared>> -> memref<10000x16xf32, #tpu.memory_space<vmem_shared>>
        tpu.wait_indirect_dma semaphore(%run_scoped3A_207 : memref<!tpu.dma_semaphore, #tpu.memory_space<semaphore_mem>>) src(%arg9 : memref<128x16xf32, #tpu.memory_space<vmem>>) dst(%dma_wait3A_219 : memref<10000x16xf32, #tpu.memory_space<vmem_shared>>)
        tpu.yield
      }) : () -> ()
      %gt3A_202 = arith.constant 81 : i32
      %gt3A_203 = arith.cmpi sgt, %add3A_8, %gt3A_202 : i32
      %convert_element_type3A_204 = arith.extui %gt3A_203 : i1 to i32
      %cond3A_205 = arith.constant 0 : i32
      %cond3A_206 = arith.cmpi ne, %convert_element_type3A_204, %cond3A_205 : i32
      scf.if %cond3A_206 {
        %add3A_207 = arith.constant 73 : i32
        %add3A_208 = arith.addi %cond3A_150, %add3A_207 : i32
        %add3A_209 = arith.constant 8 : i32
        %add3A_210 = arith.addi %add3A_208, %add3A_209 : i32
        %dma_start3A_211 = arith.constant 0 : i32
        %dma_start3A_212 = tpu.memref_slice %arg6[%add3A_210, %dma_start3A_211] : memref<79x128xi32, #tpu.memory_space<vmem>> -> memref<1x128xi32, #tpu.memory_space<vmem>>
        %dma_start3A_213 = tpu.memref_squeeze %dma_start3A_212 : memref<1x128xi32, #tpu.memory_space<vmem>> -> memref<128xi32, #tpu.memory_space<vmem>>
        %dma_start3A_214 = arith.constant 0 : i32
        %dma_start3A_215 = arith.constant 0 : i32
        %dma_start3A_216 = tpu.memref_slice %arg2[%dma_start3A_214, %dma_start3A_215] : memref<10000x16xf32, #tpu.memory_space<hbm>> -> memref<10000x16xf32, #tpu.memory_space<hbm>>
        tpu.enqueue_indirect_dma source(%dma_start3A_216 : memref<10000x16xf32, #tpu.memory_space<hbm>>) target(%arg9 : memref<128x16xf32, #tpu.memory_space<vmem>>) offsets(%dma_start3A_213 : memref<128xi32, #tpu.memory_space<vmem>>) semaphore(%arg18 : memref<!tpu.dma_semaphore, #tpu.memory_space<semaphore_mem>>)
      } else {
      }
    } else {
    }
    %gt3A_153 = arith.constant 74 : i32
    %gt3A_154 = arith.cmpi sgt, %add3A_8, %gt3A_153 : i32
    %convert_element_type3A_155 = arith.extui %gt3A_154 : i1 to i32
    %cond3A_156 = arith.constant 0 : i32
    %cond3A_157 = arith.constant 0 : i32
    %cond3A_158 = arith.cmpi ne, %convert_element_type3A_155, %cond3A_157 : i32
    scf.if %cond3A_158 {
      %add3A_193 = arith.constant 74 : i32
      %add3A_194 = arith.addi %cond3A_156, %add3A_193 : i32
      %dma_wait3A = arith.constant 0 : i32
      %dma_wait3A_195 = tpu.memref_slice %arg6[%add3A_194, %dma_wait3A] : memref<79x128xi32, #tpu.memory_space<vmem>> -> memref<1x128xi32, #tpu.memory_space<vmem>>
      %dma_wait3A_196 = tpu.memref_squeeze %dma_wait3A_195 : memref<1x128xi32, #tpu.memory_space<vmem>> -> memref<128xi32, #tpu.memory_space<vmem>>
      %dma_wait3A_197 = arith.constant 0 : i32
      %dma_wait3A_198 = arith.constant 0 : i32
      %dma_wait3A_199 = tpu.memref_slice %arg2[%dma_wait3A_197, %dma_wait3A_198] : memref<10000x16xf32, #tpu.memory_space<hbm>> -> memref<10000x16xf32, #tpu.memory_space<hbm>>
      tpu.wait_indirect_dma semaphore(%arg19 : memref<!tpu.dma_semaphore, #tpu.memory_space<semaphore_mem>>) src(%dma_wait3A_199 : memref<10000x16xf32, #tpu.memory_space<hbm>>) dst(%arg10 : memref<128x16xf32, #tpu.memory_space<vmem>>)
      %add3A_200 = arith.constant 74 : i32
      %add3A_201 = arith.addi %cond3A_156, %add3A_200 : i32
      "tpu.region"() ({
        %run_scoped3A_207 = tpu.sem_alloc : memref<!tpu.dma_semaphore, #tpu.memory_space<semaphore_mem>>
        %dma_start3A_208 = arith.constant 0 : i32
        %dma_start3A_209 = tpu.memref_slice %arg7[%add3A_201, %dma_start3A_208] : memref<79x128xi32, #tpu.memory_space<vmem>> -> memref<1x128xi32, #tpu.memory_space<vmem>>
        %dma_start3A_210 = tpu.memref_squeeze %dma_start3A_209 : memref<1x128xi32, #tpu.memory_space<vmem>> -> memref<128xi32, #tpu.memory_space<vmem>>
        %dma_start3A_211 = arith.constant 0 : i32
        %dma_start3A_212 = arith.constant 0 : i32
        %dma_start3A_213 = tpu.memref_slice %arg16[%dma_start3A_211, %dma_start3A_212] : memref<10000x16xf32, #tpu.memory_space<vmem_shared>> -> memref<10000x16xf32, #tpu.memory_space<vmem_shared>>
        tpu.enqueue_indirect_dma source(%arg10 : memref<128x16xf32, #tpu.memory_space<vmem>>) target(%dma_start3A_213 : memref<10000x16xf32, #tpu.memory_space<vmem_shared>>) offsets(%dma_start3A_210 : memref<128xi32, #tpu.memory_space<vmem>>) semaphore(%run_scoped3A_207 : memref<!tpu.dma_semaphore, #tpu.memory_space<semaphore_mem>>) {add = true}
        %dma_wait3A_214 = arith.constant 0 : i32
        %dma_wait3A_215 = tpu.memref_slice %arg7[%add3A_201, %dma_wait3A_214] : memref<79x128xi32, #tpu.memory_space<vmem>> -> memref<1x128xi32, #tpu.memory_space<vmem>>
        %dma_wait3A_216 = tpu.memref_squeeze %dma_wait3A_215 : memref<1x128xi32, #tpu.memory_space<vmem>> -> memref<128xi32, #tpu.memory_space<vmem>>
        %dma_wait3A_217 = arith.constant 0 : i32
        %dma_wait3A_218 = arith.constant 0 : i32
        %dma_wait3A_219 = tpu.memref_slice %arg16[%dma_wait3A_217, %dma_wait3A_218] : memref<10000x16xf32, #tpu.memory_space<vmem_shared>> -> memref<10000x16xf32, #tpu.memory_space<vmem_shared>>
        tpu.wait_indirect_dma semaphore(%run_scoped3A_207 : memref<!tpu.dma_semaphore, #tpu.memory_space<semaphore_mem>>) src(%arg10 : memref<128x16xf32, #tpu.memory_space<vmem>>) dst(%dma_wait3A_219 : memref<10000x16xf32, #tpu.memory_space<vmem_shared>>)
        tpu.yield
      }) : () -> ()
      %gt3A_202 = arith.constant 82 : i32
      %gt3A_203 = arith.cmpi sgt, %add3A_8, %gt3A_202 : i32
      %convert_element_type3A_204 = arith.extui %gt3A_203 : i1 to i32
      %cond3A_205 = arith.constant 0 : i32
      %cond3A_206 = arith.cmpi ne, %convert_element_type3A_204, %cond3A_205 : i32
      scf.if %cond3A_206 {
        %add3A_207 = arith.constant 74 : i32
        %add3A_208 = arith.addi %cond3A_156, %add3A_207 : i32
        %add3A_209 = arith.constant 8 : i32
        %add3A_210 = arith.addi %add3A_208, %add3A_209 : i32
        %dma_start3A_211 = arith.constant 0 : i32
        %dma_start3A_212 = tpu.memref_slice %arg6[%add3A_210, %dma_start3A_211] : memref<79x128xi32, #tpu.memory_space<vmem>> -> memref<1x128xi32, #tpu.memory_space<vmem>>
        %dma_start3A_213 = tpu.memref_squeeze %dma_start3A_212 : memref<1x128xi32, #tpu.memory_space<vmem>> -> memref<128xi32, #tpu.memory_space<vmem>>
        %dma_start3A_214 = arith.constant 0 : i32
        %dma_start3A_215 = arith.constant 0 : i32
        %dma_start3A_216 = tpu.memref_slice %arg2[%dma_start3A_214, %dma_start3A_215] : memref<10000x16xf32, #tpu.memory_space<hbm>> -> memref<10000x16xf32, #tpu.memory_space<hbm>>
        tpu.enqueue_indirect_dma source(%dma_start3A_216 : memref<10000x16xf32, #tpu.memory_space<hbm>>) target(%arg10 : memref<128x16xf32, #tpu.memory_space<vmem>>) offsets(%dma_start3A_213 : memref<128xi32, #tpu.memory_space<vmem>>) semaphore(%arg19 : memref<!tpu.dma_semaphore, #tpu.memory_space<semaphore_mem>>)
      } else {
      }
    } else {
    }
    %gt3A_159 = arith.constant 75 : i32
    %gt3A_160 = arith.cmpi sgt, %add3A_8, %gt3A_159 : i32
    %convert_element_type3A_161 = arith.extui %gt3A_160 : i1 to i32
    %cond3A_162 = arith.constant 0 : i32
    %cond3A_163 = arith.constant 0 : i32
    %cond3A_164 = arith.cmpi ne, %convert_element_type3A_161, %cond3A_163 : i32
    scf.if %cond3A_164 {
      %add3A_193 = arith.constant 75 : i32
      %add3A_194 = arith.addi %cond3A_162, %add3A_193 : i32
      %dma_wait3A = arith.constant 0 : i32
      %dma_wait3A_195 = tpu.memref_slice %arg6[%add3A_194, %dma_wait3A] : memref<79x128xi32, #tpu.memory_space<vmem>> -> memref<1x128xi32, #tpu.memory_space<vmem>>
      %dma_wait3A_196 = tpu.memref_squeeze %dma_wait3A_195 : memref<1x128xi32, #tpu.memory_space<vmem>> -> memref<128xi32, #tpu.memory_space<vmem>>
      %dma_wait3A_197 = arith.constant 0 : i32
      %dma_wait3A_198 = arith.constant 0 : i32
      %dma_wait3A_199 = tpu.memref_slice %arg2[%dma_wait3A_197, %dma_wait3A_198] : memref<10000x16xf32, #tpu.memory_space<hbm>> -> memref<10000x16xf32, #tpu.memory_space<hbm>>
      tpu.wait_indirect_dma semaphore(%arg20 : memref<!tpu.dma_semaphore, #tpu.memory_space<semaphore_mem>>) src(%dma_wait3A_199 : memref<10000x16xf32, #tpu.memory_space<hbm>>) dst(%arg11 : memref<128x16xf32, #tpu.memory_space<vmem>>)
      %add3A_200 = arith.constant 75 : i32
      %add3A_201 = arith.addi %cond3A_162, %add3A_200 : i32
      "tpu.region"() ({
        %run_scoped3A_207 = tpu.sem_alloc : memref<!tpu.dma_semaphore, #tpu.memory_space<semaphore_mem>>
        %dma_start3A_208 = arith.constant 0 : i32
        %dma_start3A_209 = tpu.memref_slice %arg7[%add3A_201, %dma_start3A_208] : memref<79x128xi32, #tpu.memory_space<vmem>> -> memref<1x128xi32, #tpu.memory_space<vmem>>
        %dma_start3A_210 = tpu.memref_squeeze %dma_start3A_209 : memref<1x128xi32, #tpu.memory_space<vmem>> -> memref<128xi32, #tpu.memory_space<vmem>>
        %dma_start3A_211 = arith.constant 0 : i32
        %dma_start3A_212 = arith.constant 0 : i32
        %dma_start3A_213 = tpu.memref_slice %arg16[%dma_start3A_211, %dma_start3A_212] : memref<10000x16xf32, #tpu.memory_space<vmem_shared>> -> memref<10000x16xf32, #tpu.memory_space<vmem_shared>>
        tpu.enqueue_indirect_dma source(%arg11 : memref<128x16xf32, #tpu.memory_space<vmem>>) target(%dma_start3A_213 : memref<10000x16xf32, #tpu.memory_space<vmem_shared>>) offsets(%dma_start3A_210 : memref<128xi32, #tpu.memory_space<vmem>>) semaphore(%run_scoped3A_207 : memref<!tpu.dma_semaphore, #tpu.memory_space<semaphore_mem>>) {add = true}
        %dma_wait3A_214 = arith.constant 0 : i32
        %dma_wait3A_215 = tpu.memref_slice %arg7[%add3A_201, %dma_wait3A_214] : memref<79x128xi32, #tpu.memory_space<vmem>> -> memref<1x128xi32, #tpu.memory_space<vmem>>
        %dma_wait3A_216 = tpu.memref_squeeze %dma_wait3A_215 : memref<1x128xi32, #tpu.memory_space<vmem>> -> memref<128xi32, #tpu.memory_space<vmem>>
        %dma_wait3A_217 = arith.constant 0 : i32
        %dma_wait3A_218 = arith.constant 0 : i32
        %dma_wait3A_219 = tpu.memref_slice %arg16[%dma_wait3A_217, %dma_wait3A_218] : memref<10000x16xf32, #tpu.memory_space<vmem_shared>> -> memref<10000x16xf32, #tpu.memory_space<vmem_shared>>
        tpu.wait_indirect_dma semaphore(%run_scoped3A_207 : memref<!tpu.dma_semaphore, #tpu.memory_space<semaphore_mem>>) src(%arg11 : memref<128x16xf32, #tpu.memory_space<vmem>>) dst(%dma_wait3A_219 : memref<10000x16xf32, #tpu.memory_space<vmem_shared>>)
        tpu.yield
      }) : () -> ()
      %gt3A_202 = arith.constant 83 : i32
      %gt3A_203 = arith.cmpi sgt, %add3A_8, %gt3A_202 : i32
      %convert_element_type3A_204 = arith.extui %gt3A_203 : i1 to i32
      %cond3A_205 = arith.constant 0 : i32
      %cond3A_206 = arith.cmpi ne, %convert_element_type3A_204, %cond3A_205 : i32
      scf.if %cond3A_206 {
        %add3A_207 = arith.constant 75 : i32
        %add3A_208 = arith.addi %cond3A_162, %add3A_207 : i32
        %add3A_209 = arith.constant 8 : i32
        %add3A_210 = arith.addi %add3A_208, %add3A_209 : i32
        %dma_start3A_211 = arith.constant 0 : i32
        %dma_start3A_212 = tpu.memref_slice %arg6[%add3A_210, %dma_start3A_211] : memref<79x128xi32, #tpu.memory_space<vmem>> -> memref<1x128xi32, #tpu.memory_space<vmem>>
        %dma_start3A_213 = tpu.memref_squeeze %dma_start3A_212 : memref<1x128xi32, #tpu.memory_space<vmem>> -> memref<128xi32, #tpu.memory_space<vmem>>
        %dma_start3A_214 = arith.constant 0 : i32
        %dma_start3A_215 = arith.constant 0 : i32
        %dma_start3A_216 = tpu.memref_slice %arg2[%dma_start3A_214, %dma_start3A_215] : memref<10000x16xf32, #tpu.memory_space<hbm>> -> memref<10000x16xf32, #tpu.memory_space<hbm>>
        tpu.enqueue_indirect_dma source(%dma_start3A_216 : memref<10000x16xf32, #tpu.memory_space<hbm>>) target(%arg11 : memref<128x16xf32, #tpu.memory_space<vmem>>) offsets(%dma_start3A_213 : memref<128xi32, #tpu.memory_space<vmem>>) semaphore(%arg20 : memref<!tpu.dma_semaphore, #tpu.memory_space<semaphore_mem>>)
      } else {
      }
    } else {
    }
    %gt3A_165 = arith.constant 76 : i32
    %gt3A_166 = arith.cmpi sgt, %add3A_8, %gt3A_165 : i32
    %convert_element_type3A_167 = arith.extui %gt3A_166 : i1 to i32
    %cond3A_168 = arith.constant 0 : i32
    %cond3A_169 = arith.constant 0 : i32
    %cond3A_170 = arith.cmpi ne, %convert_element_type3A_167, %cond3A_169 : i32
    scf.if %cond3A_170 {
      %add3A_193 = arith.constant 76 : i32
      %add3A_194 = arith.addi %cond3A_168, %add3A_193 : i32
      %dma_wait3A = arith.constant 0 : i32
      %dma_wait3A_195 = tpu.memref_slice %arg6[%add3A_194, %dma_wait3A] : memref<79x128xi32, #tpu.memory_space<vmem>> -> memref<1x128xi32, #tpu.memory_space<vmem>>
      %dma_wait3A_196 = tpu.memref_squeeze %dma_wait3A_195 : memref<1x128xi32, #tpu.memory_space<vmem>> -> memref<128xi32, #tpu.memory_space<vmem>>
      %dma_wait3A_197 = arith.constant 0 : i32
      %dma_wait3A_198 = arith.constant 0 : i32
      %dma_wait3A_199 = tpu.memref_slice %arg2[%dma_wait3A_197, %dma_wait3A_198] : memref<10000x16xf32, #tpu.memory_space<hbm>> -> memref<10000x16xf32, #tpu.memory_space<hbm>>
      tpu.wait_indirect_dma semaphore(%arg21 : memref<!tpu.dma_semaphore, #tpu.memory_space<semaphore_mem>>) src(%dma_wait3A_199 : memref<10000x16xf32, #tpu.memory_space<hbm>>) dst(%arg12 : memref<128x16xf32, #tpu.memory_space<vmem>>)
      %add3A_200 = arith.constant 76 : i32
      %add3A_201 = arith.addi %cond3A_168, %add3A_200 : i32
      "tpu.region"() ({
        %run_scoped3A_207 = tpu.sem_alloc : memref<!tpu.dma_semaphore, #tpu.memory_space<semaphore_mem>>
        %dma_start3A_208 = arith.constant 0 : i32
        %dma_start3A_209 = tpu.memref_slice %arg7[%add3A_201, %dma_start3A_208] : memref<79x128xi32, #tpu.memory_space<vmem>> -> memref<1x128xi32, #tpu.memory_space<vmem>>
        %dma_start3A_210 = tpu.memref_squeeze %dma_start3A_209 : memref<1x128xi32, #tpu.memory_space<vmem>> -> memref<128xi32, #tpu.memory_space<vmem>>
        %dma_start3A_211 = arith.constant 0 : i32
        %dma_start3A_212 = arith.constant 0 : i32
        %dma_start3A_213 = tpu.memref_slice %arg16[%dma_start3A_211, %dma_start3A_212] : memref<10000x16xf32, #tpu.memory_space<vmem_shared>> -> memref<10000x16xf32, #tpu.memory_space<vmem_shared>>
        tpu.enqueue_indirect_dma source(%arg12 : memref<128x16xf32, #tpu.memory_space<vmem>>) target(%dma_start3A_213 : memref<10000x16xf32, #tpu.memory_space<vmem_shared>>) offsets(%dma_start3A_210 : memref<128xi32, #tpu.memory_space<vmem>>) semaphore(%run_scoped3A_207 : memref<!tpu.dma_semaphore, #tpu.memory_space<semaphore_mem>>) {add = true}
        %dma_wait3A_214 = arith.constant 0 : i32
        %dma_wait3A_215 = tpu.memref_slice %arg7[%add3A_201, %dma_wait3A_214] : memref<79x128xi32, #tpu.memory_space<vmem>> -> memref<1x128xi32, #tpu.memory_space<vmem>>
        %dma_wait3A_216 = tpu.memref_squeeze %dma_wait3A_215 : memref<1x128xi32, #tpu.memory_space<vmem>> -> memref<128xi32, #tpu.memory_space<vmem>>
        %dma_wait3A_217 = arith.constant 0 : i32
        %dma_wait3A_218 = arith.constant 0 : i32
        %dma_wait3A_219 = tpu.memref_slice %arg16[%dma_wait3A_217, %dma_wait3A_218] : memref<10000x16xf32, #tpu.memory_space<vmem_shared>> -> memref<10000x16xf32, #tpu.memory_space<vmem_shared>>
        tpu.wait_indirect_dma semaphore(%run_scoped3A_207 : memref<!tpu.dma_semaphore, #tpu.memory_space<semaphore_mem>>) src(%arg12 : memref<128x16xf32, #tpu.memory_space<vmem>>) dst(%dma_wait3A_219 : memref<10000x16xf32, #tpu.memory_space<vmem_shared>>)
        tpu.yield
      }) : () -> ()
      %gt3A_202 = arith.constant 84 : i32
      %gt3A_203 = arith.cmpi sgt, %add3A_8, %gt3A_202 : i32
      %convert_element_type3A_204 = arith.extui %gt3A_203 : i1 to i32
      %cond3A_205 = arith.constant 0 : i32
      %cond3A_206 = arith.cmpi ne, %convert_element_type3A_204, %cond3A_205 : i32
      scf.if %cond3A_206 {
        %add3A_207 = arith.constant 76 : i32
        %add3A_208 = arith.addi %cond3A_168, %add3A_207 : i32
        %add3A_209 = arith.constant 8 : i32
        %add3A_210 = arith.addi %add3A_208, %add3A_209 : i32
        %dma_start3A_211 = arith.constant 0 : i32
        %dma_start3A_212 = tpu.memref_slice %arg6[%add3A_210, %dma_start3A_211] : memref<79x128xi32, #tpu.memory_space<vmem>> -> memref<1x128xi32, #tpu.memory_space<vmem>>
        %dma_start3A_213 = tpu.memref_squeeze %dma_start3A_212 : memref<1x128xi32, #tpu.memory_space<vmem>> -> memref<128xi32, #tpu.memory_space<vmem>>
        %dma_start3A_214 = arith.constant 0 : i32
        %dma_start3A_215 = arith.constant 0 : i32
        %dma_start3A_216 = tpu.memref_slice %arg2[%dma_start3A_214, %dma_start3A_215] : memref<10000x16xf32, #tpu.memory_space<hbm>> -> memref<10000x16xf32, #tpu.memory_space<hbm>>
        tpu.enqueue_indirect_dma source(%dma_start3A_216 : memref<10000x16xf32, #tpu.memory_space<hbm>>) target(%arg12 : memref<128x16xf32, #tpu.memory_space<vmem>>) offsets(%dma_start3A_213 : memref<128xi32, #tpu.memory_space<vmem>>) semaphore(%arg21 : memref<!tpu.dma_semaphore, #tpu.memory_space<semaphore_mem>>)
      } else {
      }
    } else {
    }
    %gt3A_171 = arith.constant 77 : i32
    %gt3A_172 = arith.cmpi sgt, %add3A_8, %gt3A_171 : i32
    %convert_element_type3A_173 = arith.extui %gt3A_172 : i1 to i32
    %cond3A_174 = arith.constant 0 : i32
    %cond3A_175 = arith.constant 0 : i32
    %cond3A_176 = arith.cmpi ne, %convert_element_type3A_173, %cond3A_175 : i32
    scf.if %cond3A_176 {
      %add3A_193 = arith.constant 77 : i32
      %add3A_194 = arith.addi %cond3A_174, %add3A_193 : i32
      %dma_wait3A = arith.constant 0 : i32
      %dma_wait3A_195 = tpu.memref_slice %arg6[%add3A_194, %dma_wait3A] : memref<79x128xi32, #tpu.memory_space<vmem>> -> memref<1x128xi32, #tpu.memory_space<vmem>>
      %dma_wait3A_196 = tpu.memref_squeeze %dma_wait3A_195 : memref<1x128xi32, #tpu.memory_space<vmem>> -> memref<128xi32, #tpu.memory_space<vmem>>
      %dma_wait3A_197 = arith.constant 0 : i32
      %dma_wait3A_198 = arith.constant 0 : i32
      %dma_wait3A_199 = tpu.memref_slice %arg2[%dma_wait3A_197, %dma_wait3A_198] : memref<10000x16xf32, #tpu.memory_space<hbm>> -> memref<10000x16xf32, #tpu.memory_space<hbm>>
      tpu.wait_indirect_dma semaphore(%arg22 : memref<!tpu.dma_semaphore, #tpu.memory_space<semaphore_mem>>) src(%dma_wait3A_199 : memref<10000x16xf32, #tpu.memory_space<hbm>>) dst(%arg13 : memref<128x16xf32, #tpu.memory_space<vmem>>)
      %add3A_200 = arith.constant 77 : i32
      %add3A_201 = arith.addi %cond3A_174, %add3A_200 : i32
      "tpu.region"() ({
        %run_scoped3A_207 = tpu.sem_alloc : memref<!tpu.dma_semaphore, #tpu.memory_space<semaphore_mem>>
        %dma_start3A_208 = arith.constant 0 : i32
        %dma_start3A_209 = tpu.memref_slice %arg7[%add3A_201, %dma_start3A_208] : memref<79x128xi32, #tpu.memory_space<vmem>> -> memref<1x128xi32, #tpu.memory_space<vmem>>
        %dma_start3A_210 = tpu.memref_squeeze %dma_start3A_209 : memref<1x128xi32, #tpu.memory_space<vmem>> -> memref<128xi32, #tpu.memory_space<vmem>>
        %dma_start3A_211 = arith.constant 0 : i32
        %dma_start3A_212 = arith.constant 0 : i32
        %dma_start3A_213 = tpu.memref_slice %arg16[%dma_start3A_211, %dma_start3A_212] : memref<10000x16xf32, #tpu.memory_space<vmem_shared>> -> memref<10000x16xf32, #tpu.memory_space<vmem_shared>>
        tpu.enqueue_indirect_dma source(%arg13 : memref<128x16xf32, #tpu.memory_space<vmem>>) target(%dma_start3A_213 : memref<10000x16xf32, #tpu.memory_space<vmem_shared>>) offsets(%dma_start3A_210 : memref<128xi32, #tpu.memory_space<vmem>>) semaphore(%run_scoped3A_207 : memref<!tpu.dma_semaphore, #tpu.memory_space<semaphore_mem>>) {add = true}
        %dma_wait3A_214 = arith.constant 0 : i32
        %dma_wait3A_215 = tpu.memref_slice %arg7[%add3A_201, %dma_wait3A_214] : memref<79x128xi32, #tpu.memory_space<vmem>> -> memref<1x128xi32, #tpu.memory_space<vmem>>
        %dma_wait3A_216 = tpu.memref_squeeze %dma_wait3A_215 : memref<1x128xi32, #tpu.memory_space<vmem>> -> memref<128xi32, #tpu.memory_space<vmem>>
        %dma_wait3A_217 = arith.constant 0 : i32
        %dma_wait3A_218 = arith.constant 0 : i32
        %dma_wait3A_219 = tpu.memref_slice %arg16[%dma_wait3A_217, %dma_wait3A_218] : memref<10000x16xf32, #tpu.memory_space<vmem_shared>> -> memref<10000x16xf32, #tpu.memory_space<vmem_shared>>
        tpu.wait_indirect_dma semaphore(%run_scoped3A_207 : memref<!tpu.dma_semaphore, #tpu.memory_space<semaphore_mem>>) src(%arg13 : memref<128x16xf32, #tpu.memory_space<vmem>>) dst(%dma_wait3A_219 : memref<10000x16xf32, #tpu.memory_space<vmem_shared>>)
        tpu.yield
      }) : () -> ()
      %gt3A_202 = arith.constant 85 : i32
      %gt3A_203 = arith.cmpi sgt, %add3A_8, %gt3A_202 : i32
      %convert_element_type3A_204 = arith.extui %gt3A_203 : i1 to i32
      %cond3A_205 = arith.constant 0 : i32
      %cond3A_206 = arith.cmpi ne, %convert_element_type3A_204, %cond3A_205 : i32
      scf.if %cond3A_206 {
        %add3A_207 = arith.constant 77 : i32
        %add3A_208 = arith.addi %cond3A_174, %add3A_207 : i32
        %add3A_209 = arith.constant 8 : i32
        %add3A_210 = arith.addi %add3A_208, %add3A_209 : i32
        %dma_start3A_211 = arith.constant 0 : i32
        %dma_start3A_212 = tpu.memref_slice %arg6[%add3A_210, %dma_start3A_211] : memref<79x128xi32, #tpu.memory_space<vmem>> -> memref<1x128xi32, #tpu.memory_space<vmem>>
        %dma_start3A_213 = tpu.memref_squeeze %dma_start3A_212 : memref<1x128xi32, #tpu.memory_space<vmem>> -> memref<128xi32, #tpu.memory_space<vmem>>
        %dma_start3A_214 = arith.constant 0 : i32
        %dma_start3A_215 = arith.constant 0 : i32
        %dma_start3A_216 = tpu.memref_slice %arg2[%dma_start3A_214, %dma_start3A_215] : memref<10000x16xf32, #tpu.memory_space<hbm>> -> memref<10000x16xf32, #tpu.memory_space<hbm>>
        tpu.enqueue_indirect_dma source(%dma_start3A_216 : memref<10000x16xf32, #tpu.memory_space<hbm>>) target(%arg13 : memref<128x16xf32, #tpu.memory_space<vmem>>) offsets(%dma_start3A_213 : memref<128xi32, #tpu.memory_space<vmem>>) semaphore(%arg22 : memref<!tpu.dma_semaphore, #tpu.memory_space<semaphore_mem>>)
      } else {
      }
    } else {
    }
    %gt3A_177 = arith.constant 78 : i32
    %gt3A_178 = arith.cmpi sgt, %add3A_8, %gt3A_177 : i32
    %convert_element_type3A_179 = arith.extui %gt3A_178 : i1 to i32
    %cond3A_180 = arith.constant 0 : i32
    %cond3A_181 = arith.constant 0 : i32
    %cond3A_182 = arith.cmpi ne, %convert_element_type3A_179, %cond3A_181 : i32
    scf.if %cond3A_182 {
      %add3A_193 = arith.constant 78 : i32
      %add3A_194 = arith.addi %cond3A_180, %add3A_193 : i32
      %dma_wait3A = arith.constant 0 : i32
      %dma_wait3A_195 = tpu.memref_slice %arg6[%add3A_194, %dma_wait3A] : memref<79x128xi32, #tpu.memory_space<vmem>> -> memref<1x128xi32, #tpu.memory_space<vmem>>
      %dma_wait3A_196 = tpu.memref_squeeze %dma_wait3A_195 : memref<1x128xi32, #tpu.memory_space<vmem>> -> memref<128xi32, #tpu.memory_space<vmem>>
      %dma_wait3A_197 = arith.constant 0 : i32
      %dma_wait3A_198 = arith.constant 0 : i32
      %dma_wait3A_199 = tpu.memref_slice %arg2[%dma_wait3A_197, %dma_wait3A_198] : memref<10000x16xf32, #tpu.memory_space<hbm>> -> memref<10000x16xf32, #tpu.memory_space<hbm>>
      tpu.wait_indirect_dma semaphore(%arg23 : memref<!tpu.dma_semaphore, #tpu.memory_space<semaphore_mem>>) src(%dma_wait3A_199 : memref<10000x16xf32, #tpu.memory_space<hbm>>) dst(%arg14 : memref<128x16xf32, #tpu.memory_space<vmem>>)
      %add3A_200 = arith.constant 78 : i32
      %add3A_201 = arith.addi %cond3A_180, %add3A_200 : i32
      "tpu.region"() ({
        %run_scoped3A_207 = tpu.sem_alloc : memref<!tpu.dma_semaphore, #tpu.memory_space<semaphore_mem>>
        %dma_start3A_208 = arith.constant 0 : i32
        %dma_start3A_209 = tpu.memref_slice %arg7[%add3A_201, %dma_start3A_208] : memref<79x128xi32, #tpu.memory_space<vmem>> -> memref<1x128xi32, #tpu.memory_space<vmem>>
        %dma_start3A_210 = tpu.memref_squeeze %dma_start3A_209 : memref<1x128xi32, #tpu.memory_space<vmem>> -> memref<128xi32, #tpu.memory_space<vmem>>
        %dma_start3A_211 = arith.constant 0 : i32
        %dma_start3A_212 = arith.constant 0 : i32
        %dma_start3A_213 = tpu.memref_slice %arg16[%dma_start3A_211, %dma_start3A_212] : memref<10000x16xf32, #tpu.memory_space<vmem_shared>> -> memref<10000x16xf32, #tpu.memory_space<vmem_shared>>
        tpu.enqueue_indirect_dma source(%arg14 : memref<128x16xf32, #tpu.memory_space<vmem>>) target(%dma_start3A_213 : memref<10000x16xf32, #tpu.memory_space<vmem_shared>>) offsets(%dma_start3A_210 : memref<128xi32, #tpu.memory_space<vmem>>) semaphore(%run_scoped3A_207 : memref<!tpu.dma_semaphore, #tpu.memory_space<semaphore_mem>>) {add = true}
        %dma_wait3A_214 = arith.constant 0 : i32
        %dma_wait3A_215 = tpu.memref_slice %arg7[%add3A_201, %dma_wait3A_214] : memref<79x128xi32, #tpu.memory_space<vmem>> -> memref<1x128xi32, #tpu.memory_space<vmem>>
        %dma_wait3A_216 = tpu.memref_squeeze %dma_wait3A_215 : memref<1x128xi32, #tpu.memory_space<vmem>> -> memref<128xi32, #tpu.memory_space<vmem>>
        %dma_wait3A_217 = arith.constant 0 : i32
        %dma_wait3A_218 = arith.constant 0 : i32
        %dma_wait3A_219 = tpu.memref_slice %arg16[%dma_wait3A_217, %dma_wait3A_218] : memref<10000x16xf32, #tpu.memory_space<vmem_shared>> -> memref<10000x16xf32, #tpu.memory_space<vmem_shared>>
        tpu.wait_indirect_dma semaphore(%run_scoped3A_207 : memref<!tpu.dma_semaphore, #tpu.memory_space<semaphore_mem>>) src(%arg14 : memref<128x16xf32, #tpu.memory_space<vmem>>) dst(%dma_wait3A_219 : memref<10000x16xf32, #tpu.memory_space<vmem_shared>>)
        tpu.yield
      }) : () -> ()
      %gt3A_202 = arith.constant 86 : i32
      %gt3A_203 = arith.cmpi sgt, %add3A_8, %gt3A_202 : i32
      %convert_element_type3A_204 = arith.extui %gt3A_203 : i1 to i32
      %cond3A_205 = arith.constant 0 : i32
      %cond3A_206 = arith.cmpi ne, %convert_element_type3A_204, %cond3A_205 : i32
      scf.if %cond3A_206 {
        %add3A_207 = arith.constant 78 : i32
        %add3A_208 = arith.addi %cond3A_180, %add3A_207 : i32
        %add3A_209 = arith.constant 8 : i32
        %add3A_210 = arith.addi %add3A_208, %add3A_209 : i32
        %dma_start3A_211 = arith.constant 0 : i32
        %dma_start3A_212 = tpu.memref_slice %arg6[%add3A_210, %dma_start3A_211] : memref<79x128xi32, #tpu.memory_space<vmem>> -> memref<1x128xi32, #tpu.memory_space<vmem>>
        %dma_start3A_213 = tpu.memref_squeeze %dma_start3A_212 : memref<1x128xi32, #tpu.memory_space<vmem>> -> memref<128xi32, #tpu.memory_space<vmem>>
        %dma_start3A_214 = arith.constant 0 : i32
        %dma_start3A_215 = arith.constant 0 : i32
        %dma_start3A_216 = tpu.memref_slice %arg2[%dma_start3A_214, %dma_start3A_215] : memref<10000x16xf32, #tpu.memory_space<hbm>> -> memref<10000x16xf32, #tpu.memory_space<hbm>>
        tpu.enqueue_indirect_dma source(%dma_start3A_216 : memref<10000x16xf32, #tpu.memory_space<hbm>>) target(%arg14 : memref<128x16xf32, #tpu.memory_space<vmem>>) offsets(%dma_start3A_213 : memref<128xi32, #tpu.memory_space<vmem>>) semaphore(%arg23 : memref<!tpu.dma_semaphore, #tpu.memory_space<semaphore_mem>>)
      } else {
      }
    } else {
    }
    %barrier3A_183 = arith.constant 0 : index
    tpu.barrier barrier_id(%barrier3A_183)
    %mul3A_184 = arith.constant 624 : i32
    %mul3A_185 = arith.muli %arg1, %mul3A_184 : i32
    %mul3A_186 = arith.constant 624 : i32
    %mul3A_187 = arith.muli %arg1, %mul3A_186 : i32
    "tpu.region"() ({
      %run_scoped3A_193 = tpu.sem_alloc : memref<!tpu.dma_semaphore, #tpu.memory_space<semaphore_mem>>
      %dma_start3A_194 = arith.constant 0 : i32
      %dma_start3A_195 = tpu.memref_slice %arg5[%arg0, %mul3A_187, %dma_start3A_194] : memref<2x10000x16xf32, #tpu.memory_space<hbm>> -> memref<1x624x16xf32, #tpu.memory_space<hbm>>
      %dma_start3A_196 = tpu.memref_squeeze %dma_start3A_195 : memref<1x624x16xf32, #tpu.memory_space<hbm>> -> memref<624x16xf32, #tpu.memory_space<hbm>>
      %dma_start3A_197 = arith.constant 0 : i32
      %dma_start3A_198 = tpu.memref_slice %arg16[%mul3A_185, %dma_start3A_197] : memref<10000x16xf32, #tpu.memory_space<vmem_shared>> -> memref<624x16xf32, #tpu.memory_space<vmem_shared>>
      tpu.enqueue_dma source(%dma_start3A_198 : memref<624x16xf32, #tpu.memory_space<vmem_shared>>) target(%dma_start3A_196 : memref<624x16xf32, #tpu.memory_space<hbm>>) target_semaphore(%run_scoped3A_193 : memref<!tpu.dma_semaphore, #tpu.memory_space<semaphore_mem>>)
      %dma_wait3A = arith.constant 0 : i32
      %dma_wait3A_199 = tpu.memref_slice %arg5[%arg0, %mul3A_187, %dma_wait3A] : memref<2x10000x16xf32, #tpu.memory_space<hbm>> -> memref<1x624x16xf32, #tpu.memory_space<hbm>>
      %dma_wait3A_200 = tpu.memref_squeeze %dma_wait3A_199 : memref<1x624x16xf32, #tpu.memory_space<hbm>> -> memref<624x16xf32, #tpu.memory_space<hbm>>
      %dma_wait3A_201 = arith.constant 0 : i32
      %dma_wait3A_202 = tpu.memref_slice %arg16[%mul3A_185, %dma_wait3A_201] : memref<10000x16xf32, #tpu.memory_space<vmem_shared>> -> memref<624x16xf32, #tpu.memory_space<vmem_shared>>
      tpu.wait_dma2 semaphore(%run_scoped3A_193 : memref<!tpu.dma_semaphore, #tpu.memory_space<semaphore_mem>>) src(%dma_wait3A_202 : memref<624x16xf32, #tpu.memory_space<vmem_shared>>) dst(%dma_wait3A_200 : memref<624x16xf32, #tpu.memory_space<hbm>>)
      tpu.yield
    }) : () -> ()
    %eq3A_188 = arith.constant 15 : i32
    %eq3A_189 = arith.cmpi eq, %arg1, %eq3A_188 : i32
    %convert_element_type3A_190 = arith.extui %eq3A_189 : i1 to i32
    %cond3A_191 = arith.constant 0 : i32
    %cond3A_192 = arith.cmpi ne, %convert_element_type3A_190, %cond3A_191 : i32
    scf.if %cond3A_192 {
      "tpu.region"() ({
        %run_scoped3A_193 = tpu.sem_alloc : memref<!tpu.dma_semaphore, #tpu.memory_space<semaphore_mem>>
        %dma_start3A_194 = arith.constant 9984 : i32
        %dma_start3A_195 = arith.constant 0 : i32
        %dma_start3A_196 = tpu.memref_slice %arg5[%arg0, %dma_start3A_194, %dma_start3A_195] : memref<2x10000x16xf32, #tpu.memory_space<hbm>> -> memref<1x16x16xf32, #tpu.memory_space<hbm>>
        %dma_start3A_197 = tpu.memref_squeeze %dma_start3A_196 : memref<1x16x16xf32, #tpu.memory_space<hbm>> -> memref<16x16xf32, #tpu.memory_space<hbm>>
        %dma_start3A_198 = arith.constant 9984 : i32
        %dma_start3A_199 = arith.constant 0 : i32
        %dma_start3A_200 = tpu.memref_slice %arg16[%dma_start3A_198, %dma_start3A_199] : memref<10000x16xf32, #tpu.memory_space<vmem_shared>> -> memref<16x16xf32, #tpu.memory_space<vmem_shared>>
        tpu.enqueue_dma source(%dma_start3A_200 : memref<16x16xf32, #tpu.memory_space<vmem_shared>>) target(%dma_start3A_197 : memref<16x16xf32, #tpu.memory_space<hbm>>) target_semaphore(%run_scoped3A_193 : memref<!tpu.dma_semaphore, #tpu.memory_space<semaphore_mem>>)
        %dma_wait3A = arith.constant 9984 : i32
        %dma_wait3A_201 = arith.constant 0 : i32
        %dma_wait3A_202 = tpu.memref_slice %arg5[%arg0, %dma_wait3A, %dma_wait3A_201] : memref<2x10000x16xf32, #tpu.memory_space<hbm>> -> memref<1x16x16xf32, #tpu.memory_space<hbm>>
        %dma_wait3A_203 = tpu.memref_squeeze %dma_wait3A_202 : memref<1x16x16xf32, #tpu.memory_space<hbm>> -> memref<16x16xf32, #tpu.memory_space<hbm>>
        %dma_wait3A_204 = arith.constant 9984 : i32
        %dma_wait3A_205 = arith.constant 0 : i32
        %dma_wait3A_206 = tpu.memref_slice %arg16[%dma_wait3A_204, %dma_wait3A_205] : memref<10000x16xf32, #tpu.memory_space<vmem_shared>> -> memref<16x16xf32, #tpu.memory_space<vmem_shared>>
        tpu.wait_dma2 semaphore(%run_scoped3A_193 : memref<!tpu.dma_semaphore, #tpu.memory_space<semaphore_mem>>) src(%dma_wait3A_206 : memref<16x16xf32, #tpu.memory_space<vmem_shared>>) dst(%dma_wait3A_203 : memref<16x16xf32, #tpu.memory_space<hbm>>)
        tpu.yield
      }) : () -> ()
    } else {
    }
    return
  }
}

module attributes {stable_mosaic.version = 14 : i64} {
  func.func @_tc1_body(%arg0: i32, %arg1: memref<2x5000x128xf32, #tpu.memory_space<vmem>>, %arg2: memref<5000x8xf32, #tpu.memory_space<vmem>>, %arg3: memref<5000x128xf32, #tpu.memory_space<vmem>>, %arg4: memref<128x256xf32, #tpu.memory_space<vmem>>, %arg5: memref<1x256xf32, #tpu.memory_space<vmem>>, %arg6: memref<128x256xf32, #tpu.memory_space<vmem>>, %arg7: memref<256x128xf32, #tpu.memory_space<vmem>>, %arg8: memref<256x128xf32, #tpu.memory_space<vmem>>, %arg9: memref<1x128xf32, #tpu.memory_space<vmem>>, %arg10: memref<5000x128xf32, #tpu.memory_space<vmem>>, %arg11: memref<5000x128xf32, #tpu.memory_space<vmem>>) attributes {dimension_semantics = [#tpu.dimension_semantics<arbitrary>], iteration_bounds = array<i64: 2>, scalar_prefetch = 0 : i64, scratch_operands = 0 : i64, tpu.core_type = #tpu.core_type<tc>, window_params = [{transform_indices = @transform_0, window_bounds = array<i64: 2, 5000, 128>}, {transform_indices = @transform_1, window_bounds = array<i64: 5000, 8>}, {transform_indices = @transform_2, window_bounds = array<i64: 5000, 128>}, {pipeline_mode = #tpu.pipeline_mode<synchronous>, transform_indices = @transform_3, window_bounds = array<i64: 128, 256>}, {pipeline_mode = #tpu.pipeline_mode<synchronous>, transform_indices = @transform_4, window_bounds = array<i64: 1, 256>}, {pipeline_mode = #tpu.pipeline_mode<synchronous>, transform_indices = @transform_5, window_bounds = array<i64: 128, 256>}, {pipeline_mode = #tpu.pipeline_mode<synchronous>, transform_indices = @transform_6, window_bounds = array<i64: 256, 128>}, {pipeline_mode = #tpu.pipeline_mode<synchronous>, transform_indices = @transform_7, window_bounds = array<i64: 256, 128>}, {pipeline_mode = #tpu.pipeline_mode<synchronous>, transform_indices = @transform_8, window_bounds = array<i64: 1, 128>}, {transform_indices = @transform_9, window_bounds = array<i64: 5000, 128>}, {transform_indices = @transform_10, window_bounds = array<i64: 5000, 128>}]} {
    %get3A = arith.constant 0 : index
    %get3A_0 = arith.constant 0 : index
    %get3A_1 = vector.load %arg2[%get3A, %get3A_0] : memref<5000x8xf32, #tpu.memory_space<vmem>>, vector<5000x8xf32>
    %get3A_2 = arith.constant 0 : index
    %get3A_3 = arith.constant 0 : index
    %get3A_4 = arith.constant 0 : index
    %get3A_5 = vector.load %arg1[%get3A_2, %get3A_3, %get3A_4] : memref<2x5000x128xf32, #tpu.memory_space<vmem>>, vector<1x5000x128xf32>
    %get3A_6 = vector.shape_cast %get3A_5 : vector<1x5000x128xf32> to vector<5000x128xf32>
    %get3A_7 = arith.constant 1 : index
    %get3A_8 = arith.constant 0 : index
    %get3A_9 = arith.constant 0 : index
    %get3A_10 = vector.load %arg1[%get3A_7, %get3A_8, %get3A_9] : memref<2x5000x128xf32, #tpu.memory_space<vmem>>, vector<1x5000x128xf32>
    %get3A_11 = vector.shape_cast %get3A_10 : vector<1x5000x128xf32> to vector<5000x128xf32>
    %add3A = arith.addf %get3A_6, %get3A_11 : vector<5000x128xf32>
    %slice3A = vector.extract_strided_slice %get3A_1 {offsets = [0, 0], sizes = [5000, 1], strides = [1, 1]} : vector<5000x8xf32> to vector<5000x1xf32>
    %mul3A = vector.broadcast %slice3A : vector<5000x1xf32> to vector<5000x128xf32>
    %mul3A_12 = arith.mulf %add3A, %mul3A : vector<5000x128xf32>
    %get3A_13 = arith.constant 0 : index
    %get3A_14 = arith.constant 0 : index
    %get3A_15 = vector.load %arg4[%get3A_13, %get3A_14] : memref<128x256xf32, #tpu.memory_space<vmem>>, vector<128x256xf32>
    %dot_general3A = arith.constant dense<0.000000e+00> : vector<5000x256xf32>
    %dot_general3A_16 = tpu.matmul %mul3A_12, %get3A_15, %dot_general3A {dimension_numbers = #tpu.dot_dimension_numbers<[1], [0], [0], [1], [0, 0, 1, 1], [], []>, transpose_lhs_hint = false} : vector<5000x128xf32>, vector<128x256xf32>, vector<5000x256xf32> -> vector<5000x256xf32>
    %get3A_17 = arith.constant 0 : index
    %get3A_18 = arith.constant 0 : index
    %get3A_19 = vector.load %arg5[%get3A_17, %get3A_18] : memref<1x256xf32, #tpu.memory_space<vmem>>, vector<1x256xf32>
    %add3A_20 = vector.broadcast %get3A_19 : vector<1x256xf32> to vector<5000x256xf32>
    %add3A_21 = arith.addf %dot_general3A_16, %add3A_20 : vector<5000x256xf32>
    %get3A_22 = arith.constant 0 : index
    %get3A_23 = arith.constant 0 : index
    %get3A_24 = vector.load %arg3[%get3A_22, %get3A_23] : memref<5000x128xf32, #tpu.memory_space<vmem>>, vector<5000x128xf32>
    %get3A_25 = arith.constant 0 : index
    %get3A_26 = arith.constant 0 : index
    %get3A_27 = vector.load %arg6[%get3A_25, %get3A_26] : memref<128x256xf32, #tpu.memory_space<vmem>>, vector<128x256xf32>
    %dot_general3A_28 = arith.constant dense<0.000000e+00> : vector<5000x256xf32>
    %dot_general3A_29 = tpu.matmul %get3A_24, %get3A_27, %dot_general3A_28 {dimension_numbers = #tpu.dot_dimension_numbers<[1], [0], [0], [1], [0, 0, 1, 1], [], []>, transpose_lhs_hint = false} : vector<5000x128xf32>, vector<128x256xf32>, vector<5000x256xf32> -> vector<5000x256xf32>
    %add3A_30 = arith.addf %add3A_21, %dot_general3A_29 : vector<5000x256xf32>
    %max3A = arith.constant 0.000000e+00 : f32
    %max3A_31 = vector.broadcast %max3A : f32 to vector<5000x256xf32>
    %max3A_32 = arith.maximumf %add3A_30, %max3A_31 : vector<5000x256xf32>
    %get3A_33 = arith.constant 0 : index
    %get3A_34 = arith.constant 0 : index
    %get3A_35 = vector.load %arg7[%get3A_33, %get3A_34] : memref<256x128xf32, #tpu.memory_space<vmem>>, vector<256x128xf32>
    %dot_general3A_36 = arith.constant dense<0.000000e+00> : vector<5000x128xf32>
    %dot_general3A_37 = tpu.matmul %max3A_32, %get3A_35, %dot_general3A_36 {dimension_numbers = #tpu.dot_dimension_numbers<[1], [0], [0], [1], [0, 0, 1, 1], [], []>, transpose_lhs_hint = false} : vector<5000x256xf32>, vector<256x128xf32>, vector<5000x128xf32> -> vector<5000x128xf32>
    %swap3A = arith.constant 0 : index
    %swap3A_38 = arith.constant 0 : index
    %swap3A_39 = vector.load %arg10[%swap3A, %swap3A_38] : memref<5000x128xf32, #tpu.memory_space<vmem>>, vector<5000x128xf32>
    tpu.vector_store %arg10[%swap3A, %swap3A_38], %dot_general3A_37 {strides = array<i32>} : memref<5000x128xf32, #tpu.memory_space<vmem>>, vector<5000x128xf32>,
    %get3A_40 = arith.constant 0 : index
    %get3A_41 = arith.constant 0 : index
    %get3A_42 = vector.load %arg8[%get3A_40, %get3A_41] : memref<256x128xf32, #tpu.memory_space<vmem>>, vector<256x128xf32>
    %dot_general3A_43 = arith.constant dense<0.000000e+00> : vector<5000x128xf32>
    %dot_general3A_44 = tpu.matmul %max3A_32, %get3A_42, %dot_general3A_43 {dimension_numbers = #tpu.dot_dimension_numbers<[1], [0], [0], [1], [0, 0, 1, 1], [], []>, transpose_lhs_hint = false} : vector<5000x256xf32>, vector<256x128xf32>, vector<5000x128xf32> -> vector<5000x128xf32>
    %get3A_45 = arith.constant 0 : index
    %get3A_46 = arith.constant 0 : index
    %get3A_47 = vector.load %arg9[%get3A_45, %get3A_46] : memref<1x128xf32, #tpu.memory_space<vmem>>, vector<1x128xf32>
    %add3A_48 = vector.broadcast %get3A_47 : vector<1x128xf32> to vector<5000x128xf32>
    %add3A_49 = arith.addf %dot_general3A_44, %add3A_48 : vector<5000x128xf32>
    %swap3A_50 = arith.constant 0 : index
    %swap3A_51 = arith.constant 0 : index
    %swap3A_52 = vector.load %arg11[%swap3A_50, %swap3A_51] : memref<5000x128xf32, #tpu.memory_space<vmem>>, vector<5000x128xf32>
    tpu.vector_store %arg11[%swap3A_50, %swap3A_51], %add3A_49 {strides = array<i32>} : memref<5000x128xf32, #tpu.memory_space<vmem>>, vector<5000x128xf32>,
    return
  }
  func.func @transform_0(%arg0: i32) -> (i32, i32, i32) {
    %c0_i32 = arith.constant 0 : i32
    %c0_i32_0 = arith.constant 0 : i32
    %c0_i32_1 = arith.constant 0 : i32
    return %c0_i32, %arg0, %c0_i32_0 : i32, i32, i32
  }
  func.func @transform_1(%arg0: i32) -> (i32, i32) {
    %c0_i32 = arith.constant 0 : i32
    %c0_i32_0 = arith.constant 0 : i32
    return %arg0, %c0_i32 : i32, i32
  }
  func.func @transform_2(%arg0: i32) -> (i32, i32) {
    %c0_i32 = arith.constant 0 : i32
    %c0_i32_0 = arith.constant 0 : i32
    return %arg0, %c0_i32 : i32, i32
  }
  func.func @transform_3(%arg0: i32) -> (i32, i32) {
    %c0_i32 = arith.constant 0 : i32
    %c0_i32_0 = arith.constant 0 : i32
    %c0_i32_1 = arith.constant 0 : i32
    return %c0_i32, %c0_i32_0 : i32, i32
  }
  func.func @transform_4(%arg0: i32) -> (i32, i32) {
    %c0_i32 = arith.constant 0 : i32
    %c0_i32_0 = arith.constant 0 : i32
    %c0_i32_1 = arith.constant 0 : i32
    return %c0_i32, %c0_i32_0 : i32, i32
  }
  func.func @transform_5(%arg0: i32) -> (i32, i32) {
    %c0_i32 = arith.constant 0 : i32
    %c0_i32_0 = arith.constant 0 : i32
    %c0_i32_1 = arith.constant 0 : i32
    return %c0_i32, %c0_i32_0 : i32, i32
  }
  func.func @transform_6(%arg0: i32) -> (i32, i32) {
    %c0_i32 = arith.constant 0 : i32
    %c0_i32_0 = arith.constant 0 : i32
    %c0_i32_1 = arith.constant 0 : i32
    return %c0_i32, %c0_i32_0 : i32, i32
  }
  func.func @transform_7(%arg0: i32) -> (i32, i32) {
    %c0_i32 = arith.constant 0 : i32
    %c0_i32_0 = arith.constant 0 : i32
    %c0_i32_1 = arith.constant 0 : i32
    return %c0_i32, %c0_i32_0 : i32, i32
  }
  func.func @transform_8(%arg0: i32) -> (i32, i32) {
    %c0_i32 = arith.constant 0 : i32
    %c0_i32_0 = arith.constant 0 : i32
    %c0_i32_1 = arith.constant 0 : i32
    return %c0_i32, %c0_i32_0 : i32, i32
  }
  func.func @transform_9(%arg0: i32) -> (i32, i32) {
    %c0_i32 = arith.constant 0 : i32
    %c0_i32_0 = arith.constant 0 : i32
    return %arg0, %c0_i32 : i32, i32
  }
  func.func @transform_10(%arg0: i32) -> (i32, i32) {
    %c0_i32 = arith.constant 0 : i32
    %c0_i32_0 = arith.constant 0 : i32
    return %arg0, %c0_i32 : i32, i32
  }
}

module attributes {stable_mosaic.version = 14 : i64} {
  func.func @_tc2_body(%arg0: i32, %arg1: memref<2x5000x128xf32, #tpu.memory_space<vmem>>, %arg2: memref<5000x128xf32, #tpu.memory_space<vmem>>, %arg3: memref<5000x8xf32, #tpu.memory_space<vmem>>, %arg4: memref<128x2xf32, #tpu.memory_space<vmem>>, %arg5: memref<128x2xf32, #tpu.memory_space<vmem>>, %arg6: memref<128x2xf32, #tpu.memory_space<vmem>>, %arg7: memref<128x2xf32, #tpu.memory_space<vmem>>, %arg8: memref<1x2xf32, #tpu.memory_space<vmem>>, %arg9: memref<1x2xf32, #tpu.memory_space<vmem>>, %arg10: memref<5000x16xf32, #tpu.memory_space<vmem>>, %arg11: memref<5000x16xf32, #tpu.memory_space<vmem>>) attributes {dimension_semantics = [#tpu.dimension_semantics<arbitrary>], iteration_bounds = array<i64: 2>, scalar_prefetch = 0 : i64, scratch_operands = 0 : i64, tpu.core_type = #tpu.core_type<tc>, window_params = [{transform_indices = @transform_0, window_bounds = array<i64: 2, 5000, 128>}, {transform_indices = @transform_1, window_bounds = array<i64: 5000, 128>}, {transform_indices = @transform_2, window_bounds = array<i64: 5000, 8>}, {pipeline_mode = #tpu.pipeline_mode<synchronous>, transform_indices = @transform_3, window_bounds = array<i64: 128, 2>}, {pipeline_mode = #tpu.pipeline_mode<synchronous>, transform_indices = @transform_4, window_bounds = array<i64: 128, 2>}, {pipeline_mode = #tpu.pipeline_mode<synchronous>, transform_indices = @transform_5, window_bounds = array<i64: 128, 2>}, {pipeline_mode = #tpu.pipeline_mode<synchronous>, transform_indices = @transform_6, window_bounds = array<i64: 128, 2>}, {pipeline_mode = #tpu.pipeline_mode<synchronous>, transform_indices = @transform_7, window_bounds = array<i64: 1, 2>}, {pipeline_mode = #tpu.pipeline_mode<synchronous>, transform_indices = @transform_8, window_bounds = array<i64: 1, 2>}, {transform_indices = @transform_9, window_bounds = array<i64: 5000, 16>}, {transform_indices = @transform_10, window_bounds = array<i64: 5000, 16>}]} {
    %get3A = arith.constant 0 : index
    %get3A_0 = arith.constant 0 : index
    %get3A_1 = arith.constant 0 : index
    %get3A_2 = vector.load %arg1[%get3A, %get3A_0, %get3A_1] : memref<2x5000x128xf32, #tpu.memory_space<vmem>>, vector<1x5000x128xf32>
    %get3A_3 = vector.shape_cast %get3A_2 : vector<1x5000x128xf32> to vector<5000x128xf32>
    %get3A_4 = arith.constant 1 : index
    %get3A_5 = arith.constant 0 : index
    %get3A_6 = arith.constant 0 : index
    %get3A_7 = vector.load %arg1[%get3A_4, %get3A_5, %get3A_6] : memref<2x5000x128xf32, #tpu.memory_space<vmem>>, vector<1x5000x128xf32>
    %get3A_8 = vector.shape_cast %get3A_7 : vector<1x5000x128xf32> to vector<5000x128xf32>
    %add3A = arith.addf %get3A_3, %get3A_8 : vector<5000x128xf32>
    %get3A_9 = arith.constant 0 : index
    %get3A_10 = arith.constant 0 : index
    %get3A_11 = vector.load %arg3[%get3A_9, %get3A_10] : memref<5000x8xf32, #tpu.memory_space<vmem>>, vector<5000x1xf32>
    %mul3A = vector.broadcast %get3A_11 : vector<5000x1xf32> to vector<5000x128xf32>
    %mul3A_12 = arith.mulf %add3A, %mul3A : vector<5000x128xf32>
    %get3A_13 = arith.constant 0 : index
    %get3A_14 = arith.constant 0 : index
    %get3A_15 = vector.load %arg2[%get3A_13, %get3A_14] : memref<5000x128xf32, #tpu.memory_space<vmem>>, vector<5000x128xf32>
    %add3A_16 = arith.addf %mul3A_12, %get3A_15 : vector<5000x128xf32>
    %max3A = arith.constant 0.000000e+00 : f32
    %max3A_17 = vector.broadcast %max3A : f32 to vector<5000x128xf32>
    %max3A_18 = arith.maximumf %add3A_16, %max3A_17 : vector<5000x128xf32>
    %get3A_19 = arith.constant 0 : index
    %get3A_20 = arith.constant 0 : index
    %get3A_21 = vector.load %arg4[%get3A_19, %get3A_20] : memref<128x2xf32, #tpu.memory_space<vmem>>, vector<128x2xf32>
    %get3A_22 = arith.constant 0 : index
    %get3A_23 = arith.constant 0 : index
    %get3A_24 = vector.load %arg5[%get3A_22, %get3A_23] : memref<128x2xf32, #tpu.memory_space<vmem>>, vector<128x2xf32>
    %broadcast_in_dim3A = arith.constant 0.000000e+00 : f32
    %broadcast_in_dim3A_25 = vector.broadcast %broadcast_in_dim3A : f32 to vector<128x12xf32>
    %concatenate3A = tpu.concatenate %get3A_21, %get3A_24, %broadcast_in_dim3A_25 in 1 : vector<128x2xf32>, vector<128x2xf32>, vector<128x12xf32> -> vector<128x16xf32>
    %get3A_26 = arith.constant 0 : index
    %get3A_27 = arith.constant 0 : index
    %get3A_28 = vector.load %arg6[%get3A_26, %get3A_27] : memref<128x2xf32, #tpu.memory_space<vmem>>, vector<128x2xf32>
    %get3A_29 = arith.constant 0 : index
    %get3A_30 = arith.constant 0 : index
    %get3A_31 = vector.load %arg7[%get3A_29, %get3A_30] : memref<128x2xf32, #tpu.memory_space<vmem>>, vector<128x2xf32>
    %broadcast_in_dim3A_32 = arith.constant 0.000000e+00 : f32
    %broadcast_in_dim3A_33 = vector.broadcast %broadcast_in_dim3A_32 : f32 to vector<128x12xf32>
    %concatenate3A_34 = tpu.concatenate %get3A_28, %get3A_31, %broadcast_in_dim3A_33 in 1 : vector<128x2xf32>, vector<128x2xf32>, vector<128x12xf32> -> vector<128x16xf32>
    %get3A_35 = arith.constant 0 : index
    %get3A_36 = arith.constant 0 : index
    %get3A_37 = vector.load %arg8[%get3A_35, %get3A_36] : memref<1x2xf32, #tpu.memory_space<vmem>>, vector<1x2xf32>
    %get3A_38 = arith.constant 0 : index
    %get3A_39 = arith.constant 0 : index
    %get3A_40 = vector.load %arg9[%get3A_38, %get3A_39] : memref<1x2xf32, #tpu.memory_space<vmem>>, vector<1x2xf32>
    %broadcast_in_dim3A_41 = arith.constant 0.000000e+00 : f32
    %broadcast_in_dim3A_42 = vector.broadcast %broadcast_in_dim3A_41 : f32 to vector<1x12xf32>
    %concatenate3A_43 = tpu.concatenate %get3A_37, %get3A_40, %broadcast_in_dim3A_42 in 1 : vector<1x2xf32>, vector<1x2xf32>, vector<1x12xf32> -> vector<1x16xf32>
    %dot_general3A = arith.constant dense<0.000000e+00> : vector<5000x16xf32>
    %dot_general3A_44 = tpu.matmul %max3A_18, %concatenate3A, %dot_general3A {dimension_numbers = #tpu.dot_dimension_numbers<[1], [0], [0], [1], [0, 0, 1, 1], [], []>, transpose_lhs_hint = false} : vector<5000x128xf32>, vector<128x16xf32>, vector<5000x16xf32> -> vector<5000x16xf32>
    %swap3A = arith.constant 0 : index
    %swap3A_45 = arith.constant 0 : index
    %swap3A_46 = vector.load %arg10[%swap3A, %swap3A_45] : memref<5000x16xf32, #tpu.memory_space<vmem>>, vector<5000x16xf32>
    tpu.vector_store %arg10[%swap3A, %swap3A_45], %dot_general3A_44 {strides = array<i32>} : memref<5000x16xf32, #tpu.memory_space<vmem>>, vector<5000x16xf32>,
    %dot_general3A_47 = arith.constant dense<0.000000e+00> : vector<5000x16xf32>
    %dot_general3A_48 = tpu.matmul %max3A_18, %concatenate3A_34, %dot_general3A_47 {dimension_numbers = #tpu.dot_dimension_numbers<[1], [0], [0], [1], [0, 0, 1, 1], [], []>, transpose_lhs_hint = false} : vector<5000x128xf32>, vector<128x16xf32>, vector<5000x16xf32> -> vector<5000x16xf32>
    %add3A_49 = vector.broadcast %concatenate3A_43 : vector<1x16xf32> to vector<5000x16xf32>
    %add3A_50 = arith.addf %dot_general3A_48, %add3A_49 : vector<5000x16xf32>
    %swap3A_51 = arith.constant 0 : index
    %swap3A_52 = arith.constant 0 : index
    %swap3A_53 = vector.load %arg11[%swap3A_51, %swap3A_52] : memref<5000x16xf32, #tpu.memory_space<vmem>>, vector<5000x16xf32>
    tpu.vector_store %arg11[%swap3A_51, %swap3A_52], %add3A_50 {strides = array<i32>} : memref<5000x16xf32, #tpu.memory_space<vmem>>, vector<5000x16xf32>,
    return
  }
  func.func @transform_0(%arg0: i32) -> (i32, i32, i32) {
    %c0_i32 = arith.constant 0 : i32
    %c0_i32_0 = arith.constant 0 : i32
    %c0_i32_1 = arith.constant 0 : i32
    return %c0_i32, %arg0, %c0_i32_0 : i32, i32, i32
  }
  func.func @transform_1(%arg0: i32) -> (i32, i32) {
    %c0_i32 = arith.constant 0 : i32
    %c0_i32_0 = arith.constant 0 : i32
    return %arg0, %c0_i32 : i32, i32
  }
  func.func @transform_2(%arg0: i32) -> (i32, i32) {
    %c0_i32 = arith.constant 0 : i32
    %c0_i32_0 = arith.constant 0 : i32
    return %arg0, %c0_i32 : i32, i32
  }
  func.func @transform_3(%arg0: i32) -> (i32, i32) {
    %c0_i32 = arith.constant 0 : i32
    %c0_i32_0 = arith.constant 0 : i32
    %c0_i32_1 = arith.constant 0 : i32
    return %c0_i32, %c0_i32_0 : i32, i32
  }
  func.func @transform_4(%arg0: i32) -> (i32, i32) {
    %c0_i32 = arith.constant 0 : i32
    %c0_i32_0 = arith.constant 0 : i32
    %c0_i32_1 = arith.constant 0 : i32
    return %c0_i32, %c0_i32_0 : i32, i32
  }
  func.func @transform_5(%arg0: i32) -> (i32, i32) {
    %c0_i32 = arith.constant 0 : i32
    %c0_i32_0 = arith.constant 0 : i32
    %c0_i32_1 = arith.constant 0 : i32
    return %c0_i32, %c0_i32_0 : i32, i32
  }
  func.func @transform_6(%arg0: i32) -> (i32, i32) {
    %c0_i32 = arith.constant 0 : i32
    %c0_i32_0 = arith.constant 0 : i32
    %c0_i32_1 = arith.constant 0 : i32
    return %c0_i32, %c0_i32_0 : i32, i32
  }
  func.func @transform_7(%arg0: i32) -> (i32, i32) {
    %c0_i32 = arith.constant 0 : i32
    %c0_i32_0 = arith.constant 0 : i32
    %c0_i32_1 = arith.constant 0 : i32
    return %c0_i32, %c0_i32_0 : i32, i32
  }
  func.func @transform_8(%arg0: i32) -> (i32, i32) {
    %c0_i32 = arith.constant 0 : i32
    %c0_i32_0 = arith.constant 0 : i32
    %c0_i32_1 = arith.constant 0 : i32
    return %c0_i32, %c0_i32_0 : i32, i32
  }
  func.func @transform_9(%arg0: i32) -> (i32, i32) {
    %c0_i32 = arith.constant 0 : i32
    %c0_i32_0 = arith.constant 0 : i32
    return %arg0, %c0_i32 : i32, i32
  }
  func.func @transform_10(%arg0: i32) -> (i32, i32) {
    %c0_i32 = arith.constant 0 : i32
    %c0_i32_0 = arith.constant 0 : i32
    return %arg0, %c0_i32 : i32, i32
  }
}

</mosaic_0001>

<sc_bundles>
// kernel: kernel.11.cloned.1.call-start
scs
__scs_entry_jumppad:
0x0: {  	(pc) =	sbr.rel $0x88, $3  }
0x1: {  	(tag) =	ssettag $0x0;
	lr =	simm.s32 $0x1  }
0x2: {  	[smem:$0x3F93] =	sst lr;
	_ =	strace $0xD0000000  }
0x3: {  	_ = 	snop  }
0x4: {  	_ = 	snop  }
0x5: {  	_ = 	snop  }
0x6: {  	_ = 	snop  }
0x7: {  	_ = 	snop  }
__scs_overlays_trampoline_lowered:
0x8: {  	[smem:$0x3FA2] =	sst s0  }
0x9: {  	[smem:$0x3FA3] =	sst s1  }
0xa: {  	[smem:$0x3FA4] =	sst s2  }
0xb: {  	[smem:$0x3FA5] =	sst s3  }
0xc: {  	[smem:$0x3FA6] =	sst s4  }
0xd: {  	[smem:$0x3FA7] =	sst s5  }
0xe: {  	[smem:$0x3FA8] =	sst s6  }
0xf: {  	[smem:$0x3FA9] =	sst s7  }
0x10: {  	[smem:$0x3FAA] =	sst s8  }
0x11: {  	[smem:$0x3FAB] =	sst s9;
	s0 =	simm.s32 @!p0 $0x0  }
0x12: {  	s1 =	sld [smem:$0x3F91];
	s0 =	simm.s32 @p0 $0x1  }
0x13: {  	[smem:$0x3FAC] =	sst s0;
	s0 =	simm.s32 @!p1 $0x0  }
0x14: {  	s2 =	sld [smem:$0x3F90];
	s0 =	simm.s32 @p1 $0x1  }
0x15: {  	[smem:$0x3FAD] =	sst s0;
	s0 =	simm.s32 @!p2 $0x0  }
0x16: {  	s3 =	sld [smem:$0x3FDB];
	s0 =	simm.s32 @p2 $0x1  }
0x17: {  	s4 =	simm.s32 $0x1BF5;
	[smem:$0x3FAF] =	sst s0  }
0x18: {  	s0 =	sld [smem:$0x3F92];
	_ =	swait.ge [sflag:s4], $0x0  }
0x19: {  	s7 =	sld [smem:$0x3F93]  }
0x1a: {  	s8 =	sadd.s32 $0xFFFFE003, lr  }
0x1b: {  	s9 =	sadd.s32 $0xFFFFFEF7, lr;
	s5 =	simm.s32 $0xFFFFFFFF;
	p2 =	slt.u32 s8, $0xFFFFF086  }
0x1c: {  	p1 =	slt.u32 s9, $0xF7A;
	s5 =	simm.s32 @!p2 $0x0  }
0x1d: {  	s5 =	simm.s32 @p1 $0x1;
	p0 =	seq.s32 s7, s2  }
0x1e: {  	s7 =	smul.u32 @!p0 $0xF7A, s2;
	p2 =	seq.s32 @!p0 s5, $0x0  }
0x1f: {  	s9 =	smul.u32 $0xF7A, s1;
	s8 =	simm.s32 @!p0 $0x1BF5;
	p2 =	por !p2, p0  }
0x20: {  	[sflag:s8] =	ssyncset.s32 @!p0 $0xFFFFF086;
	s6 =	sadd.s32 @!p0 s3, s7;
	s7 =	simm.s32 @!p0 $0x108  }
0x21: {  	s3 =	sadd.s32 s3, s9;
	s6 =	sadd.s32 @!p0 $0x88, s6;
	s7 =	simm.s32 @p2 $0x1082  }
0x22: {  	[simem:s7], [sflag:s8] =	dma.local @!p0 [hbm:s6], $0xF7A  }
0x23: {  	s9 =	sor.u32 $0xD0000000, s2;
	s6 =	simm.s32 $0x108;
	_ =	swait.ge @!p0 [sflag:s8], $0x0  }
0x24: {  	s3 =	sadd.s32 $0x88, s3;
	s6 =	simm.s32 @!p1 $0x1082;
	[sflag:s4] =	ssyncset.s32 $0xFFFFF086  }
0x25: {  	[simem:s6], [sflag:s4] =	dma.local [hbm:s3], $0xF7A  }
0x26: {  	[smem:$0x3F93] =	sst s1;
	(tag) =	ssettag s2;
	_ =	strace s9  }
0x27: {  	s1 =	sld [smem:$0x3FA3]  }
0x28: {  	s2 =	sld [smem:$0x3FA4]  }
0x29: {  	s4 =	sld [smem:$0x3FA6]  }
0x2a: {  	p0 =	seq.s32 s5, $0x0;
	s5 =	sld [smem:$0x3FA7]  }
0x2b: {  	s6 =	sld [smem:$0x3FA8]  }
0x2c: {  	s7 =	sld [smem:$0x3FA9]  }
0x2d: {  	s3 =	simm.s32 $0x108;
	s8 =	sld [smem:$0x3FAA]  }
0x2e: {  	s3 =	simm.s32 @!p0 $0x1082;
	s9 =	sld [smem:$0x3FAB]  }
0x2f: {  	lr =	sadd.s32 s0, s3;
	s0 =	sld [smem:$0x3FA2]  }
0x30: {  	s3 =	sld [smem:$0x3FA5]  }
0x31: {  	[smem:$0x3FAE] =	sst s10  }
0x32: {  	s10 =	sld [smem:$0x3FAC];
	_ =	sdelay $0x3  }
0x33: {  	p0 =	seq.s32 s10, $0x1;
	s10 =	sld [smem:$0x3FAE];
	_ =	sdelay $0x3  }
0x34: {  	[smem:$0x3FAE] =	sst s10  }
0x35: {  	s10 =	sld [smem:$0x3FAD];
	_ =	sdelay $0x3  }
0x36: {  	p1 =	seq.s32 s10, $0x1;
	s10 =	sld [smem:$0x3FAE];
	_ =	sdelay $0x3  }
0x37: {  	[smem:$0x3FAE] =	sst s10  }
0x38: {  	s10 =	sld [smem:$0x3FAF]  }
0x39: {  	_ = 	snop;
	(pc) =	sbr.ind lr, $3  }
0x3a: {  	_ = 	snop  }
0x3b: {  	_ = 	snop  }
0x3c: {  	p2 =	seq.s32 s10, $0x1;
	s10 =	sld [smem:$0x3FAE]  }
0x3d: {  	_ =	shalt  }
0x3e: {  	_ =	shalt  }
0x3f: {  	_ =	shalt  }
0x40: {  	_ =	shalt  }
0x41: {  	_ =	shalt  }
0x42: {  	_ =	shalt  }
0x43: {  	_ =	shalt  }
0x44: {  	_ =	shalt  }
0x45: {  	_ =	shalt  }
0x46: {  	_ =	shalt  }
0x47: {  	_ =	shalt  }
0x48: {  	_ =	shalt  }
0x49: {  	_ =	shalt  }
0x4a: {  	_ =	shalt  }
0x4b: {  	_ =	shalt  }
0x4c: {  	_ =	shalt  }
0x4d: {  	_ =	shalt  }
0x4e: {  	_ =	shalt  }
0x4f: {  	_ =	shalt  }
0x50: {  	_ =	shalt  }
0x51: {  	_ =	shalt  }
0x52: {  	_ =	shalt  }
0x53: {  	_ =	shalt  }
0x54: {  	_ =	shalt  }
0x55: {  	_ =	shalt  }
0x56: {  	_ =	shalt  }
0x57: {  	_ =	shalt  }
0x58: {  	_ =	shalt  }
0x59: {  	_ =	shalt  }
0x5a: {  	_ =	shalt  }
0x5b: {  	_ =	shalt  }
0x5c: {  	_ =	shalt  }
0x5d: {  	_ =	shalt  }
0x5e: {  	_ =	shalt  }
0x5f: {  	_ =	shalt  }
0x60: {  	_ =	shalt  }
0x61: {  	_ =	shalt  }
0x62: {  	_ =	shalt  }
0x63: {  	_ =	shalt  }
0x64: {  	_ =	shalt  }
0x65: {  	_ =	shalt  }
0x66: {  	_ =	shalt  }
0x67: {  	_ =	shalt  }
0x68: {  	_ =	shalt  }
0x69: {  	_ =	shalt  }
0x6a: {  	_ =	shalt  }
0x6b: {  	_ =	shalt  }
0x6c: {  	_ =	shalt  }
0x6d: {  	_ =	shalt  }
0x6e: {  	_ =	shalt  }
0x6f: {  	_ =	shalt  }
0x70: {  	_ =	shalt  }
0x71: {  	_ =	shalt  }
0x72: {  	_ =	shalt  }
0x73: {  	_ =	shalt  }
0x74: {  	_ =	shalt  }
0x75: {  	_ =	shalt  }
0x76: {  	_ =	shalt  }
0x77: {  	_ =	shalt  }
0x78: {  	_ =	shalt  }
0x79: {  	_ =	shalt  }
0x7a: {  	_ =	shalt  }
0x7b: {  	_ =	shalt  }
0x7c: {  	_ =	shalt  }
0x7d: {  	_ =	shalt  }
0x7e: {  	_ =	shalt  }
0x7f: {  	_ =	shalt  }
0x80: {  	_ =	shalt  }
0x81: {  	_ =	shalt  }
0x82: {  	_ =	shalt  }
0x83: {  	_ =	shalt  }
0x84: {  	_ =	shalt  }
0x85: {  	_ =	shalt  }
0x86: {  	_ =	shalt  }
0x87: {  	_ =	shalt  }
.Lfunc_end0:
.L_simem_size_0:
called_computation.1_lowered:
.L_overlay_start_0:
0x88: {  	s2 =	sld [smem:$0x3FD9]  }
0x89: {  	s3 =	sld [smem:$0x3FFE];
	_ =	sdelay $0x1  }
0x8a: {  	s1 =	srdreg.scid  }
0x8b: {  	s0 =	sand.u32 $0x1, s1  }
0x8c: {  	s17 =	sshll.u32 s0, $0xA;
	s2 =	sadd.s32 s3, s2  }
0x8d: {  	s2 =	sadd.s32 s2, s17  }
0x8e: {  	[smem:$0x3FBA] =	sst s2  }
0x8f: {  	_ = 	snop  }
0x90: {  	s18 =	sld [smem:$0x3FC9];
	(tm) =	ssettm $0x1  }
0x91: {  	s19 =	sld [smem:$0x3FFB];
	_ =	sdelay $0x3  }
0x92: {  	_ =	strace s19  }
0x93: {  	s2 =	sld [smem:$0x3FFC];
	_ =	sdelay $0x3  }
0x94: {  	_ =	strace s2  }
0x95: {  	s2 =	sld [smem:$0x3FFD];
	_ =	sdelay $0x3  }
0x96: {  	_ =	strace s2  }
0x97: {  	_ =	strace $0x8FFFFFFF  }
0x98: {  	s20 =	sld [smem:$0x3FDB];
	_ =	sdelay $0x1  }
0x99: {  	s4 =	simm.s32 $_scs_section_size  }
0x9a: {  	s5 =	simm.s32 $_size__tile_overlayer_lowered;
	s6 =	simm.s32 $_tile_overlayer_lowered  }
0x9b: {  	s7 =	simm.s32 $0x1BFF;
	s21 =	sshll.u32 s6, $0x1;
	s4 =	sadd.s32 s4, s20  }
0x9c: {  	s22 =	simm.s32 $0x0;
	s5 =	sshll.u32 s5, $0x1;
	s6 =	sadd.s32 s21, s4  }
0x9d: {  	[timem:s22], [sflag:s7] =	dma.local [hbm:s6], s5  }
0x9e: {  	_ =	swait.ge [sflag:s7], s5  }
0x9f: {  	s5 =	ssub.s32 $0x0, s5;
	[sflag:s7] =	ssyncset.done $0x0  }
0xa0: {  	[sflag:s7] =	ssyncadd.s32 s5;
	_ =	sdelay $0x1  }
0xa1: {  	s23 =	simm.s32 $0x1B8B  }
0xa2: {  	_ =	swait.ge [sflag:s23], $0x1  }
0xa3: {  	[sflag:s23] =	ssyncset.done $0x0  }
0xa4: {  	[sflag:s23] =	ssyncadd.s32 $0xFFFFFFFF  }
0xa5: {  	s5 =	sld [smem:$0x0]  }
0xa6: {  	s6 =	sand.u32 $0xFFFFFFFE, s1  }
0xa7: {  	p0 =	sne.s32 s1, s6  }
0xa8: {  	s6 =	sshll.u32 @p0 s6, $0xE  }
0xa9: {  	s6 =	sadd.s32 @p0 $0x11B8D, s6;
	s7 =	sshll.u32 @p0 s5, $0x11  }
0xaa: {  	s6 =	sor.u32 @p0 s7, s6  }
0xab: {  	[sflag:s6] =	ssyncadd.remote.s32 @p0 $0x1;
	_ =	sdelay $0x1  }
0xac: {  	s6 =	simm.s32 @p0 $0x1B8D  }
0xad: {  	_ =	swait.eq @p0 [sflag:s6], $0x1  }
0xae: {  	[sflag:s6] =	ssyncadd.s32 @p0 $0xFFFFFFFF  }
0xaf: {  	s7 =	sshll.u32 @!p0 s1, $0xE  }
0xb0: {  	s7 =	sor.u32 @!p0 $0x4000, s7;
	s6 =	simm.s32 @!p0 $0x1B8D  }
0xb1: {  	s5 =	sshll.u32 @!p0 s5, $0x11;
	s7 =	sadd.s32 @!p0 $0x11B8D, s7;
	_ =	swait.eq @!p0 [sflag:s6], $0x1  }
0xb2: {  	s5 =	sor.u32 @!p0 s5, s7;
	[sflag:s6] =	ssyncadd.s32 @!p0 $0xFFFFFFFF  }
0xb3: {  	s25 =	simm.s32 $0x1B8E;
	s24 =	sld [smem:$0x3FFE];
	[sflag:s5] =	ssyncadd.remote.s32 @!p0 $0x1  }
0xb4: {  	s26 =	simm.s32 $execute0_lowered;
	[smem:$0x3FD2] =	sst s25  }
0xb5: {  	s6 =	sshll.u32 s26, $0x1;
	_ =	strace $0x80000049;
	[dreg:$0x1] =	wrdreg $0xFFFFFFFF  }
0xb6: {  	s28 =	simm.s32 $_size_execute0_lowered;
	s4 =	sadd.s32 s4, s6;
	[dreg:$0x0] =	wrdreg $0x0  }
0xb7: {  	s6 =	sshll.u32 s28, $0x1;
	[dreg:$0x2] =	wrdreg s4  }
0xb8: {  	[dreg:$0x3] =	wrdreg s6  }
0xb9: {  	[dreg:$0x4] =	wrdreg $0xC0  }
0xba: {  	_ =	task [dreg:s22], $0x5FFFF  }
0xbb: {  	[dreg:$0x1] =	wrdreg $0xFFFFFFFF  }
0xbc: {  	[dreg:$0x0] =	wrdreg $0x60  }
0xbd: {  	[dreg:$0x2] =	wrdreg s18  }
0xbe: {  	[dreg:$0x3] =	wrdreg s24  }
0xbf: {  	[dreg:$0x4] =	wrdreg $0xA8000  }
0xc0: {  	[dreg:$0x5] =	wrdreg $0xA  }
0xc1: {  	_ =	task.clear_ibuf [dreg:s22], $0x6FFFF;
	_ =	strace $0x90000049  }
0xc2: {  	s29 =	simm.s32 $0xA;
	_ =	strace $0x8000004B  }
0xc3: {  	_ =	swait.ge [sflag:s29], $0x1  }
0xc4: {  	[sflag:s29] =	ssyncadd.s32 $0xFFFFFFFF  }
0xc5: {  	_ =	strace $0x9000004B  }
0xc6: {  	_ =	sfence  }
0xc7: {  	s30 =	sld [smem:$0x0];
	_ =	sdelay $0x2  }
0xc8: {  	s31 =	sshll.u32 s1, $0xD;
	s1 =	sshrl.u32 s1, $0x2  }
0xc9: {  	s4 =	sand.u32 $0x4000, s31;
	s1 =	sadd.s32 s1, s30  }
0xca: {  	s0 =	sor.u32 s4, s0;
	s1 =	sshll.u32 s1, $0x11  }
0xcb: {  	s0 =	sor.u32 s1, s0  }
0xcc: {  	s0 =	sadd.s32 $0x8F2B, s0  }
0xcd: {  	[sflag:s0] =	ssyncadd.remote.s32 $0x1  }
0xce: {  	_ =	sfence.sel $0xFFFF  }
0xcf: {  	[dreg:$0x0] =	wrdreg $0xFFFFFFFF;
	(pc) =	sbr.abs _section_cstart, $3  }
0xd0: {  	[dreg:$0x1] =	wrdreg $0xFFFFFFFF  }
0xd1: {  	_ =	task.clear_ibuf [dreg:s22], $0x2FFFF;
	_ =	strace $0x9FFFFFFF  }
0xd2: {  	(tm) =	ssettm $0x7FFFFFFF  }
0xd3: {  	_ =	shalt  }
tec
execute0_lowered:
.L_overlay_start_1:
0x0: {  	(tag) =	ssettag $0x1  }
0x1: {  	s1 =	rddreg [dreg:$0x0]  }
0x2: {  	s0 =	rddreg [dreg:$0x1]  }
0x3: {  	s2 =	rddreg [dreg:$0x2];
	s3 =	simm.s32 $0x0;
	s4 =	srdreg.scid  }
0x4: {  	s12 =	simm.s32 $0x100;
	s13 =	simm.s32 $0x2680;
	s21 =	simm.s32 $0x1400  }
0x5: {  	s22 =	simm.s32 $0x2800;
	s28 =	simm.s32 $0x2;
	s30 =	simm.s32 $0x2780  }
0x6: {  	s31 =	simm.s32 $0x0;
	[smem:$0x7FF] =	sst s3;
	s8 =	sand.u32 $0x1, s4  }
0x7: {  	s9 =	sadd.s32 $0x3400, s0;
	s4 =	stileid.u32;
	s5 =	sadd.s32 $0x20C00, s0  }
0x8: {  	s0 =	sadd.s32 $0x23400, s0;
	s18 =	sadd.s32 $0x128400, s2;
	s26 =	smul.u32 $0x4F000, s4  }
0x9: {  	_ =	strace $0x8000004A;
	s6 =	sshll.u32 s8, $0x4;
	s14 =	smul.u32 $0x138800, s8  }
0xa: {  	s7 =	ssub.s32 $0x2, s8;
	s15 =	smul.u32 $0x13800, s4;
	s23 =	sor.u32 s4, s6  }
0xb: {  	p2 =	sne.s32 s4, $0xF;
	s24 =	sshrl.u32 s7, $0x1;
	s10 =	smul.u32 $0x4E, s23  }
0xc: {  	s16 =	ssub.s32 s7, s24;
	s25 =	smax.u32 s23, $0x1C;
	p0 =	sgt.u32 s23, $0x1B  }
0xd: {  	s7 =	sshrl.u32 s26, $0x2;
	s17 =	sadd.s32 s15, s14;
	s20 =	sshrl.u32 s14, $0x3  }
0xe: {  	s24 =	sadd.s32 s15, s2;
	p1 =	slt.u32 s23, $0x1C;
	s23 =	simm.s32 $0x6800  }
0xf: {  	s26 =	simm.s32 $0x1;
	s19 =	sadd.s32 s7, s2;
	s12 =	simm.s32 @!p0 $0x180  }
0x10: {  	s17 =	sshrl.u32 s17, $0x3;
	s13 =	simm.s32 @!p0 $0x2700;
	s16 =	smax.u32 s16, $0x1  }
0x11: {  	s24 =	sshrl.u32 s24, $0x3;
	s6 =	sadd.s32 s10, s25;
	s10 =	simm.s32 $0x4F  }
0x12: {  	s14 =	sadd.s32 s0, s17;
	s0 =	sadd.s32 s0, s20;
	s20 =	simm.s32 $0x3  }
0x13: {  	s6 =	sadd.s32 $0xFFFFFFE4, s6;
	s10 =	simm.s32 @!p0 $0x4E;
	s15 =	sadd.s32 $0x27000, s0  }
0x14: {  	s0 =	sadd.s32 $0x138000, s2;
	s29 =	sshll.u32 s6, $0x4;
	s10 =	sadd.s32 s10, s6  }
0x15: {  	s25 =	sshrl.u32 @!p2 s0, $0x3;
	s6 =	sadd.s32 s9, s29;
	s10 =	sshll.u32 s10, $0x7  }
0x16: {  	s7 =	sadd.s32 $0x9C40, s6;
	s11 =	sadd.s32 $0xFFFFEC00, s10;
	s10 =	sshrl.u32 s10, $0x3  }
0x17: {  	[dreg:$0x4] =	wrdreg s7;
	s11 =	sshrl.u32 s11, $0x3;
	s10 =	sadd.s32 s9, s10  }
0x18: {  	s8 =	sadd.s32 s9, s11;
	s9 =	sadd.s32 $0x99C0, s10;
	s11 =	simm.s32 $0x80  }
0x19: {  	s10 =	simm.s32 $0x80;
	s11 =	simm.s32 @!p0 $0x100;
	p0 =	seq.s32 s4, $0xF  }
0x1a: {  	s17 =	sor.u32 $0x1400, s11;
	s18 =	sshrl.u32 @p0 s18, $0x3;
	s19 =	sshrl.u32 @!p0 s19, $0x3  }
.LBB2_1:
0x1b: {  	s0 =	simm.s32 @p0 $0x1FC3  }
0x1c: {  	[spmem:s18], [sflag:s0] =	dma.local @p0 [hbm:s5], $0x2080  }
0x1d: {  	s0 =	simm.s32 @p0 $0x3  }
0x1e: {  	_ =	swait.ge @p0 [sflag:s0], $0x2080  }
0x1f: {  	s29 =	sshll.u32 @!p0 s4, $0x6;
	[sflag:s0] =	ssyncset.done @p0 $0x0  }
0x20: {  	[sflag:s0] =	ssyncadd.s32 @p0 $0xFFFFDF80;
	s0 =	sor.u32 @!p0 $0x1C03, s29  }
0x21: {  	[spmem:s19], [sflag:s0] =	dma.local @!p0 [hbm:s5], $0x2780  }
0x22: {  	s0 =	simm.s32 @!p0 $0x3  }
0x23: {  	_ =	swait.ge @!p0 [sflag:s0], $0x2780  }
0x24: {  	[sflag:s0] =	ssyncset.done @!p0 $0x0  }
0x25: {  	[sflag:s0] =	ssyncadd.s32 @!p0 $0xFFFFD880  }
0x26: {  	[tilespmem:s3], [sflag:$0x3] =	stream.linear.gather [hbm4b:s6+s3], $0x1400, $0x38;
	[tilespmem:$0x1E080] =	vst v63  }
0x27: {  	_ =	swait.ge [sflag:s20], $0x1400  }
0x28: {  	[sflag:s20] =	ssyncset.done $0x0  }
0x29: {  	s4 =	rddreg [dreg:$0x4];
	[sflag:s20] =	ssyncadd.s32 $0xFFFFEC00  }
0x2a: {  	[tilespmem:s21], [sflag:$0x3] =	stream.linear.gather [hbm4b:s4+s3], $0x1400, $0x38;
	[tilespmem:$0x1E080] =	vst v63  }
0x2b: {  	_ =	swait.ge [sflag:s20], $0x1400  }
0x2c: {  	[sflag:s20] =	ssyncset.done $0x0  }
0x2d: {  	[sflag:s20] =	ssyncadd.s32 $0xFFFFEC00  }
0x2e: {  	[bflag:$0x0] =	sbarrier.arrive $0xFFFF  }
0x2f: {  	[tilespmem:s22], [sflag:$0x1] =	stream.indirect.gather [hbm4b:s1+s10], $0x80, s3, s10, $0xb8;
	[tilespmem:$0x1E080] =	vst v63  }
0x30: {  	_ = 	snop  }
0x31: {  	[tilespmem:s23], [sflag:$0x2] =	stream.indirect.gather [hbm4b:s1+s10], $0x80, s10, s10, $0xb8;
	[tilespmem:$0x1E080] =	vst v63  }
0x32: {  	_ =	swait.ge [sflag:s26], $0x4000  }
0x33: {  	[sflag:s26] =	ssyncset.done $0x0  }
0x34: {  	s7 =	simm.s32 $0x1400;
	[sflag:s26] =	ssyncadd.s32 $0xFFFFC000  }
0x35: {  	[spmem:s2] =	stream.indirect.scatter.add.f32 [tilespmem:s22], [sflag:$0x3], $0x80, s7, s10, $0xb8;
	[tilespmem:$0x1E080] =	vst v63  }
0x36: {  	_ =	swait.ge [sflag:s20], $0x4000  }
0x37: {  	[sflag:s20] =	ssyncset.done $0x0  }
0x38: {  	s4 =	simm.s32 $0x100;
	[sflag:s20] =	ssyncadd.s32 $0xFFFFC000  }
0x39: {  	[tilespmem:s22], [sflag:$0x1] =	stream.indirect.gather [hbm4b:s1+s10], $0x80, s4, s10, $0xb8;
	[tilespmem:$0x1E080] =	vst v63  }
0x3a: {  	_ =	swait.ge [sflag:s28], $0x4000  }
0x3b: {  	[sflag:s28] =	ssyncset.done $0x0  }
0x3c: {  	s7 =	simm.s32 $0x1480;
	[sflag:s28] =	ssyncadd.s32 $0xFFFFC000  }
0x3d: {  	[spmem:s2] =	stream.indirect.scatter.add.f32 [tilespmem:s23], [sflag:$0x3], $0x80, s7, s10, $0xb8;
	[tilespmem:$0x1E080] =	vst v63  }
0x3e: {  	_ =	swait.ge [sflag:s20], $0x4000  }
0x3f: {  	[sflag:s20] =	ssyncset.done $0x0  }
0x40: {  	s29 =	simm.s32 $0x180;
	s0 =	simm.s32 $0x400;
	[sflag:s20] =	ssyncadd.s32 $0xFFFFC000  }
.LBB2_2:
0x41: {  	[tilespmem:s23], [sflag:$0x2] =	stream.indirect.gather [hbm4b:s1+s10], $0x80, s29, s10, $0xb8;
	[tilespmem:$0x1E080] =	vst v63  }
0x42: {  	s29 =	smov.u32 s0  }
0x43: {  	p3 =	sne.s32 s0, $0x4800;
	s0 =	sadd.s32 $0x400, s0;
	_ =	swait.ge [sflag:s26], $0x4000  }
0x44: {  	s29 =	sshra.s32 s29, $0x2;
	[sflag:s26] =	ssyncset.done $0x0  }
0x45: {  	s4 =	sadd.s32 $0x1400, s29;
	[sflag:s26] =	ssyncadd.s32 $0xFFFFC000  }
0x46: {  	[spmem:s2] =	stream.indirect.scatter.add.f32 [tilespmem:s22], [sflag:$0x3], $0x80, s4, s10, $0xb8;
	[tilespmem:$0x1E080] =	vst v63  }
0x47: {  	_ =	swait.ge [sflag:s20], $0x4000  }
0x48: {  	[sflag:s20] =	ssyncset.done $0x0  }
0x49: {  	s4 =	sadd.s32 $0x100, s29;
	[sflag:s20] =	ssyncadd.s32 $0xFFFFC000  }
0x4a: {  	[tilespmem:s22], [sflag:$0x1] =	stream.indirect.gather [hbm4b:s1+s10], $0x80, s4, s10, $0xb8;
	[tilespmem:$0x1E080] =	vst v63  }
0x4b: {  	_ =	swait.ge [sflag:s28], $0x4000  }
0x4c: {  	[sflag:s28] =	ssyncset.done $0x0  }
.Ltmp0:
0x4d: {  	s4 =	sadd.s32 $0x1480, s29;
	[sflag:s28] =	ssyncadd.s32 $0xFFFFC000;
	(pc) =	sbr.rel @p3 .LBB2_2-.Ltmp0, $4  }
0x4e: {  	[spmem:s2] =	stream.indirect.scatter.add.f32 [tilespmem:s23], [sflag:$0x3], $0x80, s4, s10, $0xb8;
	[tilespmem:$0x1E080] =	vst v63  }
0x4f: {  	_ =	swait.ge [sflag:s20], $0x4000  }
0x50: {  	[sflag:s20] =	ssyncset.done $0x0  }
0x51: {  	s29 =	sadd.s32 $0x180, s29;
	[sflag:s20] =	ssyncadd.s32 $0xFFFFC000  }
0x52: {  	[tilespmem:s23], [sflag:$0x2] =	stream.indirect.gather [hbm4b:s1+s10], $0x80, s29, s10, $0xb8;
	[tilespmem:$0x1E080] =	vst v63  }
0x53: {  	_ =	swait.ge [sflag:s26], $0x4000  }
0x54: {  	[sflag:s26] =	ssyncset.done $0x0  }
0x55: {  	s0 =	simm.s32 $0x2700;
	[sflag:s26] =	ssyncadd.s32 $0xFFFFC000  }
0x56: {  	[spmem:s2] =	stream.indirect.scatter.add.f32 [tilespmem:s22], [sflag:$0x3], $0x80, s0, s10, $0xb8;
	[tilespmem:$0x1E080] =	vst v63  }
0x57: {  	_ =	swait.ge [sflag:s20], $0x4000  }
0x58: {  	[sflag:s20] =	ssyncset.done $0x0  }
0x59: {  	[sflag:s20] =	ssyncadd.s32 $0xFFFFC000  }
0x5a: {  	_ =	swait.ge [sflag:s28], $0x4000  }
0x5b: {  	[sflag:s28] =	ssyncset.done $0x0  }
0x5c: {  	[sflag:s28] =	ssyncadd.s32 $0xFFFFC000  }
0x5d: {  	[spmem:s2] =	stream.indirect.scatter.add.f32 [tilespmem:s23], [sflag:$0x3], $0x80, s30, s10, $0xb8;
	[tilespmem:$0x1E080] =	vst v63  }
0x5e: {  	_ =	swait.ge [sflag:s20], $0x4000  }
0x5f: {  	[sflag:s20] =	ssyncset.done $0x0  }
0x60: {  	s4 =	simm.s32 $0x0;
	[sflag:s20] =	ssyncadd.s32 $0xFFFFC000  }
0x61: {  	[tilespmem:s4], [sflag:$0x3] =	stream.linear.gather [hbm4b:s8+s4], $0x1400, $0x38;
	[tilespmem:$0x1E080] =	vst v63  }
0x62: {  	_ =	swait.ge [sflag:s20], $0x1400  }
0x63: {  	[sflag:s20] =	ssyncset.done $0x0  }
0x64: {  	[sflag:s20] =	ssyncadd.s32 $0xFFFFEC00  }
0x65: {  	[tilespmem:s21], [sflag:$0x3] =	stream.linear.gather [hbm4b:s9+s4], $0x1400, $0x38;
	[tilespmem:$0x1E080] =	vst v63  }
0x66: {  	_ =	swait.ge [sflag:s20], $0x1400  }
0x67: {  	[sflag:s20] =	ssyncset.done $0x0  }
0x68: {  	[sflag:s20] =	ssyncadd.s32 $0xFFFFEC00  }
0x69: {  	[tilespmem:s22], [sflag:$0x1] =	stream.indirect.gather [hbm4b:s1+s10], $0x80, s11, s10, $0xb8;
	[tilespmem:$0x1E080] =	vst v63  }
0x6a: {  	_ = 	snop  }
0x6b: {  	[tilespmem:s23], [sflag:$0x2] =	stream.indirect.gather [hbm4b:s1+s10], $0x80, s12, s10, $0xb8;
	[tilespmem:$0x1E080] =	vst v63  }
0x6c: {  	_ =	swait.ge [sflag:s26], $0x4000  }
0x6d: {  	[sflag:s26] =	ssyncset.done $0x0  }
0x6e: {  	s7 =	sadd.s32 $0x0, s17;
	[sflag:s26] =	ssyncadd.s32 $0xFFFFC000  }
0x6f: {  	[spmem:s2] =	stream.indirect.scatter.add.f32 [tilespmem:s22], [sflag:$0x3], $0x80, s7, s10, $0xb8;
	[tilespmem:$0x1E080] =	vst v63  }
0x70: {  	_ =	swait.ge [sflag:s20], $0x4000  }
0x71: {  	s4 =	sadd.s32 $0x0, s11;
	[sflag:s20] =	ssyncset.done $0x0  }
0x72: {  	s29 =	sadd.s32 $0x100, s4;
	[sflag:s20] =	ssyncadd.s32 $0xFFFFC000  }
0x73: {  	[tilespmem:s22], [sflag:$0x1] =	stream.indirect.gather [hbm4b:s1+s10], $0x80, s29, s10, $0xb8;
	[tilespmem:$0x1E080] =	vst v63  }
0x74: {  	_ =	swait.ge [sflag:s28], $0x4000  }
0x75: {  	[sflag:s28] =	ssyncset.done $0x0  }
0x76: {  	s0 =	sadd.s32 $0x80, s7;
	[sflag:s28] =	ssyncadd.s32 $0xFFFFC000  }
0x77: {  	[spmem:s2] =	stream.indirect.scatter.add.f32 [tilespmem:s23], [sflag:$0x3], $0x80, s0, s10, $0xb8;
	[tilespmem:$0x1E080] =	vst v63  }
0x78: {  	_ =	swait.ge [sflag:s20], $0x4000  }
0x79: {  	[sflag:s20] =	ssyncset.done $0x0  }
0x7a: {  	s29 =	sadd.s32 $0x180, s4;
	s0 =	simm.s32 $0x400;
	[sflag:s20] =	ssyncadd.s32 $0xFFFFC000  }
.LBB2_4:
0x7b: {  	[tilespmem:s23], [sflag:$0x2] =	stream.indirect.gather [hbm4b:s1+s10], $0x80, s29, s10, $0xb8;
	[tilespmem:$0x1E080] =	vst v63  }
0x7c: {  	s4 =	smov.u32 s0  }
0x7d: {  	p3 =	sne.s32 s0, $0x4400;
	s0 =	sadd.s32 $0x400, s0;
	_ =	swait.ge [sflag:s26], $0x4000  }
0x7e: {  	s4 =	sshra.s32 s4, $0x2;
	[sflag:s26] =	ssyncset.done $0x0  }
0x7f: {  	s29 =	sadd.s32 s4, s17;
	s4 =	sadd.s32 s4, s11;
	[sflag:s26] =	ssyncadd.s32 $0xFFFFC000  }
0x80: {  	[spmem:s2] =	stream.indirect.scatter.add.f32 [tilespmem:s22], [sflag:$0x3], $0x80, s29, s10, $0xb8;
	[tilespmem:$0x1E080] =	vst v63  }
0x81: {  	_ =	swait.ge [sflag:s20], $0x4000  }
0x82: {  	[sflag:s20] =	ssyncset.done $0x0  }
0x83: {  	s7 =	sadd.s32 $0x100, s4;
	[sflag:s20] =	ssyncadd.s32 $0xFFFFC000  }
0x84: {  	[tilespmem:s22], [sflag:$0x1] =	stream.indirect.gather [hbm4b:s1+s10], $0x80, s7, s10, $0xb8;
	[tilespmem:$0x1E080] =	vst v63  }
0x85: {  	_ =	swait.ge [sflag:s28], $0x4000  }
0x86: {  	[sflag:s28] =	ssyncset.done $0x0  }
.Ltmp1:
0x87: {  	s7 =	sadd.s32 $0x80, s29;
	[sflag:s28] =	ssyncadd.s32 $0xFFFFC000;
	(pc) =	sbr.rel @p3 .LBB2_4-.Ltmp1, $4  }
0x88: {  	[spmem:s2] =	stream.indirect.scatter.add.f32 [tilespmem:s23], [sflag:$0x3], $0x80, s7, s10, $0xb8;
	[tilespmem:$0x1E080] =	vst v63  }
0x89: {  	_ =	swait.ge [sflag:s20], $0x4000  }
0x8a: {  	[sflag:s20] =	ssyncset.done $0x0  }
0x8b: {  	s29 =	sadd.s32 $0x180, s4;
	[sflag:s20] =	ssyncadd.s32 $0xFFFFC000  }
0x8c: {  	[tilespmem:s23], [sflag:$0x2] =	stream.indirect.gather [hbm4b:s1+s10], $0x80, s29, s10, $0xb8;
	[tilespmem:$0x1E080] =	vst v63  }
0x8d: {  	_ =	swait.ge [sflag:s26], $0x4000  }
0x8e: {  	[sflag:s26] =	ssyncset.done $0x0  }
0x8f: {  	[sflag:s26] =	ssyncadd.s32 $0xFFFFC000  }
0x90: {  	[spmem:s2] =	stream.indirect.scatter.add.f32 [tilespmem:s22], [sflag:$0x3], $0x80, s13, s10, $0xb8;
	[tilespmem:$0x1E080] =	vst v63  }
0x91: {  	_ =	swait.ge [sflag:s20], $0x4000  }
0x92: {  	s0 =	simm.s32 @!p1 $0x80;
	[sflag:s20] =	ssyncset.done $0x0  }
0x93: {  	s4 =	simm.s32 @!p1 $0x1380;
	s7 =	simm.s32 @!p1 $0x2800;
	[sflag:s20] =	ssyncadd.s32 $0xFFFFC000  }
0x94: {  	[tilespmem:s7], [sflag:$0x1] =	stream.indirect.gather @!p1 [hbm4b:s1+s0], $0x80, s4, s0, $0xb8;
	[tilespmem:$0x1E080] =	vst v63  }
0x95: {  	s4 =	simm.s32 @!p1 $0x2  }
0x96: {  	_ =	swait.ge @!p1 [sflag:s4], $0x4000  }
0x97: {  	[sflag:s4] =	ssyncset.done @!p1 $0x0  }
0x98: {  	s29 =	simm.s32 @!p1 $0x6800;
	[sflag:s4] =	ssyncadd.s32 @!p1 $0xFFFFC000;
	s4 =	simm.s32 @!p1 $0x2700  }
0x99: {  	[spmem:s2] =	stream.indirect.scatter.add.f32 @!p1 [tilespmem:s29], [sflag:$0x3], $0x80, s4, s0, $0xb8;
	[tilespmem:$0x1E080] =	vst v63  }
0x9a: {  	s0 =	simm.s32 @!p1 $0x3  }
0x9b: {  	_ =	swait.ge @!p1 [sflag:s0], $0x4000  }
0x9c: {  	s4 =	simm.s32 @!p1 $0x1;
	[sflag:s0] =	ssyncset.done @!p1 $0x0  }
0x9d: {  	s4 =	simm.s32 @p1 $0x2;
	[sflag:s0] =	ssyncadd.s32 @!p1 $0xFFFFC000  }
0x9e: {  	_ =	swait.ge [sflag:s4], $0x4000  }
0x9f: {  	[sflag:s4] =	ssyncset.done $0x0  }
0xa0: {  	s7 =	simm.s32 @p1 $0x6800;
	[sflag:s4] =	ssyncadd.s32 $0xFFFFC000  }
0xa1: {  	[spmem:s2] =	stream.indirect.scatter.add.f32 [tilespmem:s7], [sflag:$0x3], $0x80, s30, s10, $0xb8;
	[tilespmem:$0x1E080] =	vst v63  }
0xa2: {  	_ =	swait.ge [sflag:s20], $0x4000  }
0xa3: {  	s4 =	stileid.u32;
	[sflag:s20] =	ssyncset.done $0x0  }
0xa4: {  	s29 =	sshll.u32 s4, $0x6;
	[sflag:s20] =	ssyncadd.s32 $0xFFFFC000  }
0xa5: {  	s0 =	sor.u32 $0x1C03, s29;
	[bflag:$0x0] =	sbarrier.arrive $0xFFFF  }
0xa6: {  	[hbm:s14], [sflag:s0] =	dma.local [spmem:s24], $0x2700  }
0xa7: {  	_ =	swait.ge [sflag:s20], $0x2700  }
0xa8: {  	s31 =	sadd.s32 $0x1, s31;
	[sflag:s20] =	ssyncset.done $0x0  }
0xa9: {  	p3 =	sne.s32 s31, s16;
	[sflag:s20] =	ssyncadd.s32 $0xFFFFD900  }
0xaa: {  	[hbm:s15], [sflag:s0] =	dma.local @!p2 [spmem:s25], $0x100  }
.Ltmp2:
0xab: {  	_ = 	snop;
	(pc) =	sbr.rel @p3 .LBB2_1-.Ltmp2, $4  }
0xac: {  	s0 =	simm.s32 @!p2 $0x3  }
0xad: {  	_ =	swait.ge @!p2 [sflag:s0], $0x100  }
0xae: {  	[sflag:s0] =	ssyncset.done @!p2 $0x0  }
0xaf: {  	[sflag:s0] =	ssyncadd.s32 @!p2 $0xFFFFFF00  }
0xb0: {  	_ =	sfence.sel $0x180000  }
0xb1: {  	[bflag:$0x0] =	sbarrier.arrive $0xFFFF  }
0xb2: {  	_ =	strace $0x9000004A  }
0xb3: {  	[bflag:$0x2] =	sbarrier.arrive $0xFFFF  }
0xb4: {  	p0 =	sne.s32 s4, $0x0;
	s0 =	rddreg [dreg:$0x3]  }
0xb5: {  	s0 =	sadd.s32 @!p0 $0x100000, s0  }
0xb6: {  	[sflag:s0] =	ssyncadd.tile.s32 @!p0 $0x1;
	_ =	shalt  }
.Lfunc_end2:
_tile_overlayer_lowered:
.L_overlay_start_2:
0xb7: {  	(tag) =	ssettag $0x2  }
0xb8: {  	s0 =	rddreg [dreg:$0x0];
	s2 =	stileid.u32  }
0xb9: {  	s1 =	rddreg [dreg:$0x1];
	p0 =	sne.s32 s2, $0x0  }
0xba: {  	s3 =	rddreg [dreg:$0x2];
	[bflag:$0x3] =	sbarrier.arrive $0xFFFF;
	s2 =	simm.s32 @!p0 $0x1C03  }
0xbb: {  	[timem:s3], [sflag:s2] =	dma.local @!p0 [hbm:s0], s1  }
0xbc: {  	s0 =	simm.s32 @!p0 $0x3  }
0xbd: {  	_ =	swait.ge @!p0 [sflag:s0], s1  }
0xbe: {  	s1 =	ssub.s32 @!p0 $0x0, s1;
	[sflag:s0] =	ssyncset.done @!p0 $0x0  }
0xbf: {  	[sflag:s0] =	ssyncadd.s32 @!p0 s1  }
0xc0: {  	[bflag:$0x3] =	sbarrier.arrive $0xFFFF  }
0xc1: {  	_ =	shalt  }

// kernel: kernel.14.cloned.1.call-start
scs
__scs_entry_jumppad:
0x0: {  	(pc) =	sbr.rel $0x88, $3  }
0x1: {  	(tag) =	ssettag $0x0;
	lr =	simm.s32 $0x1  }
0x2: {  	[smem:$0x3F93] =	sst lr;
	_ =	strace $0xD0000000  }
0x3: {  	_ = 	snop  }
0x4: {  	_ = 	snop  }
0x5: {  	_ = 	snop  }
0x6: {  	_ = 	snop  }
0x7: {  	_ = 	snop  }
__scs_overlays_trampoline_lowered:
0x8: {  	[smem:$0x3FA2] =	sst s0  }
0x9: {  	[smem:$0x3FA3] =	sst s1  }
0xa: {  	[smem:$0x3FA4] =	sst s2  }
0xb: {  	[smem:$0x3FA5] =	sst s3  }
0xc: {  	[smem:$0x3FA6] =	sst s4  }
0xd: {  	[smem:$0x3FA7] =	sst s5  }
0xe: {  	[smem:$0x3FA8] =	sst s6  }
0xf: {  	[smem:$0x3FA9] =	sst s7  }
0x10: {  	[smem:$0x3FAA] =	sst s8  }
0x11: {  	[smem:$0x3FAB] =	sst s9;
	s0 =	simm.s32 @!p0 $0x0  }
0x12: {  	s1 =	sld [smem:$0x3F91];
	s0 =	simm.s32 @p0 $0x1  }
0x13: {  	[smem:$0x3FAC] =	sst s0;
	s0 =	simm.s32 @!p1 $0x0  }
0x14: {  	s2 =	sld [smem:$0x3F90];
	s0 =	simm.s32 @p1 $0x1  }
0x15: {  	[smem:$0x3FAD] =	sst s0;
	s0 =	simm.s32 @!p2 $0x0  }
0x16: {  	s3 =	sld [smem:$0x3FDB];
	s0 =	simm.s32 @p2 $0x1  }
0x17: {  	s4 =	simm.s32 $0x1BF5;
	[smem:$0x3FAF] =	sst s0  }
0x18: {  	s0 =	sld [smem:$0x3F92];
	_ =	swait.ge [sflag:s4], $0x0  }
0x19: {  	s7 =	sld [smem:$0x3F93]  }
0x1a: {  	s8 =	sadd.s32 $0xFFFFE003, lr  }
0x1b: {  	s9 =	sadd.s32 $0xFFFFFEF7, lr;
	s5 =	simm.s32 $0xFFFFFFFF;
	p2 =	slt.u32 s8, $0xFFFFF086  }
0x1c: {  	p1 =	slt.u32 s9, $0xF7A;
	s5 =	simm.s32 @!p2 $0x0  }
0x1d: {  	s5 =	simm.s32 @p1 $0x1;
	p0 =	seq.s32 s7, s2  }
0x1e: {  	s7 =	smul.u32 @!p0 $0xF7A, s2;
	p2 =	seq.s32 @!p0 s5, $0x0  }
0x1f: {  	s9 =	smul.u32 $0xF7A, s1;
	s8 =	simm.s32 @!p0 $0x1BF5;
	p2 =	por !p2, p0  }
0x20: {  	[sflag:s8] =	ssyncset.s32 @!p0 $0xFFFFF086;
	s6 =	sadd.s32 @!p0 s3, s7;
	s7 =	simm.s32 @!p0 $0x108  }
0x21: {  	s3 =	sadd.s32 s3, s9;
	s6 =	sadd.s32 @!p0 $0x88, s6;
	s7 =	simm.s32 @p2 $0x1082  }
0x22: {  	[simem:s7], [sflag:s8] =	dma.local @!p0 [hbm:s6], $0xF7A  }
0x23: {  	s9 =	sor.u32 $0xD0000000, s2;
	s6 =	simm.s32 $0x108;
	_ =	swait.ge @!p0 [sflag:s8], $0x0  }
0x24: {  	s3 =	sadd.s32 $0x88, s3;
	s6 =	simm.s32 @!p1 $0x1082;
	[sflag:s4] =	ssyncset.s32 $0xFFFFF086  }
0x25: {  	[simem:s6], [sflag:s4] =	dma.local [hbm:s3], $0xF7A  }
0x26: {  	[smem:$0x3F93] =	sst s1;
	(tag) =	ssettag s2;
	_ =	strace s9  }
0x27: {  	s1 =	sld [smem:$0x3FA3]  }
0x28: {  	s2 =	sld [smem:$0x3FA4]  }
0x29: {  	s4 =	sld [smem:$0x3FA6]  }
0x2a: {  	p0 =	seq.s32 s5, $0x0;
	s5 =	sld [smem:$0x3FA7]  }
0x2b: {  	s6 =	sld [smem:$0x3FA8]  }
0x2c: {  	s7 =	sld [smem:$0x3FA9]  }
0x2d: {  	s3 =	simm.s32 $0x108;
	s8 =	sld [smem:$0x3FAA]  }
0x2e: {  	s3 =	simm.s32 @!p0 $0x1082;
	s9 =	sld [smem:$0x3FAB]  }
0x2f: {  	lr =	sadd.s32 s0, s3;
	s0 =	sld [smem:$0x3FA2]  }
0x30: {  	s3 =	sld [smem:$0x3FA5]  }
0x31: {  	[smem:$0x3FAE] =	sst s10  }
0x32: {  	s10 =	sld [smem:$0x3FAC];
	_ =	sdelay $0x3  }
0x33: {  	p0 =	seq.s32 s10, $0x1;
	s10 =	sld [smem:$0x3FAE];
	_ =	sdelay $0x3  }
0x34: {  	[smem:$0x3FAE] =	sst s10  }
0x35: {  	s10 =	sld [smem:$0x3FAD];
	_ =	sdelay $0x3  }
0x36: {  	p1 =	seq.s32 s10, $0x1;
	s10 =	sld [smem:$0x3FAE];
	_ =	sdelay $0x3  }
0x37: {  	[smem:$0x3FAE] =	sst s10  }
0x38: {  	s10 =	sld [smem:$0x3FAF]  }
0x39: {  	_ = 	snop;
	(pc) =	sbr.ind lr, $3  }
0x3a: {  	_ = 	snop  }
0x3b: {  	_ = 	snop  }
0x3c: {  	p2 =	seq.s32 s10, $0x1;
	s10 =	sld [smem:$0x3FAE]  }
0x3d: {  	_ =	shalt  }
0x3e: {  	_ =	shalt  }
0x3f: {  	_ =	shalt  }
0x40: {  	_ =	shalt  }
0x41: {  	_ =	shalt  }
0x42: {  	_ =	shalt  }
0x43: {  	_ =	shalt  }
0x44: {  	_ =	shalt  }
0x45: {  	_ =	shalt  }
0x46: {  	_ =	shalt  }
0x47: {  	_ =	shalt  }
0x48: {  	_ =	shalt  }
0x49: {  	_ =	shalt  }
0x4a: {  	_ =	shalt  }
0x4b: {  	_ =	shalt  }
0x4c: {  	_ =	shalt  }
0x4d: {  	_ =	shalt  }
0x4e: {  	_ =	shalt  }
0x4f: {  	_ =	shalt  }
0x50: {  	_ =	shalt  }
0x51: {  	_ =	shalt  }
0x52: {  	_ =	shalt  }
0x53: {  	_ =	shalt  }
0x54: {  	_ =	shalt  }
0x55: {  	_ =	shalt  }
0x56: {  	_ =	shalt  }
0x57: {  	_ =	shalt  }
0x58: {  	_ =	shalt  }
0x59: {  	_ =	shalt  }
0x5a: {  	_ =	shalt  }
0x5b: {  	_ =	shalt  }
0x5c: {  	_ =	shalt  }
0x5d: {  	_ =	shalt  }
0x5e: {  	_ =	shalt  }
0x5f: {  	_ =	shalt  }
0x60: {  	_ =	shalt  }
0x61: {  	_ =	shalt  }
0x62: {  	_ =	shalt  }
0x63: {  	_ =	shalt  }
0x64: {  	_ =	shalt  }
0x65: {  	_ =	shalt  }
0x66: {  	_ =	shalt  }
0x67: {  	_ =	shalt  }
0x68: {  	_ =	shalt  }
0x69: {  	_ =	shalt  }
0x6a: {  	_ =	shalt  }
0x6b: {  	_ =	shalt  }
0x6c: {  	_ =	shalt  }
0x6d: {  	_ =	shalt  }
0x6e: {  	_ =	shalt  }
0x6f: {  	_ =	shalt  }
0x70: {  	_ =	shalt  }
0x71: {  	_ =	shalt  }
0x72: {  	_ =	shalt  }
0x73: {  	_ =	shalt  }
0x74: {  	_ =	shalt  }
0x75: {  	_ =	shalt  }
0x76: {  	_ =	shalt  }
0x77: {  	_ =	shalt  }
0x78: {  	_ =	shalt  }
0x79: {  	_ =	shalt  }
0x7a: {  	_ =	shalt  }
0x7b: {  	_ =	shalt  }
0x7c: {  	_ =	shalt  }
0x7d: {  	_ =	shalt  }
0x7e: {  	_ =	shalt  }
0x7f: {  	_ =	shalt  }
0x80: {  	_ =	shalt  }
0x81: {  	_ =	shalt  }
0x82: {  	_ =	shalt  }
0x83: {  	_ =	shalt  }
0x84: {  	_ =	shalt  }
0x85: {  	_ =	shalt  }
0x86: {  	_ =	shalt  }
0x87: {  	_ =	shalt  }
.Lfunc_end0:
.L_simem_size_0:
called_computation.2_lowered:
.L_overlay_start_0:
0x88: {  	s2 =	sld [smem:$0x3FD9]  }
0x89: {  	s3 =	sld [smem:$0x3FFE];
	_ =	sdelay $0x1  }
0x8a: {  	s1 =	srdreg.scid  }
0x8b: {  	s0 =	sand.u32 $0x1, s1  }
0x8c: {  	s16 =	sshll.u32 s0, $0xA;
	s2 =	sadd.s32 s3, s2  }
0x8d: {  	s2 =	sadd.s32 s2, s16  }
0x8e: {  	[smem:$0x3FBA] =	sst s2  }
0x8f: {  	_ = 	snop  }
0x90: {  	(tm) =	ssettm $0x1  }
0x91: {  	s17 =	sld [smem:$0x3FFB];
	_ =	sdelay $0x3  }
0x92: {  	_ =	strace s17  }
0x93: {  	s2 =	sld [smem:$0x3FFC];
	_ =	sdelay $0x3  }
0x94: {  	_ =	strace s2  }
0x95: {  	s2 =	sld [smem:$0x3FFD];
	_ =	sdelay $0x3  }
0x96: {  	_ =	strace s2  }
0x97: {  	_ =	strace $0x8FFFFFFF  }
0x98: {  	s18 =	sld [smem:$0x3FDB];
	_ =	sdelay $0x1  }
0x99: {  	s19 =	simm.s32 $_scs_section_size  }
0x9a: {  	s4 =	simm.s32 $_size__tile_overlayer_lowered;
	s5 =	simm.s32 $_tile_overlayer_lowered  }
0x9b: {  	s22 =	simm.s32 $0x1BFF;
	s21 =	sshll.u32 s5, $0x1;
	s2 =	sadd.s32 s19, s18  }
0x9c: {  	s6 =	simm.s32 $0x0;
	s20 =	sshll.u32 s4, $0x1;
	s4 =	sadd.s32 s21, s2  }
0x9d: {  	[timem:s6], [sflag:s22] =	dma.local [hbm:s4], s20  }
0x9e: {  	_ =	swait.ge [sflag:s22], s20  }
0x9f: {  	s3 =	ssub.s32 $0x0, s20;
	[sflag:s22] =	ssyncset.done $0x0  }
0xa0: {  	[sflag:s22] =	ssyncadd.s32 s3;
	_ =	sdelay $0x1  }
0xa1: {  	s23 =	simm.s32 $0x1B8B  }
0xa2: {  	_ =	swait.ge [sflag:s23], $0x1  }
0xa3: {  	[sflag:s23] =	ssyncset.done $0x0  }
0xa4: {  	s25 =	simm.s32 $0x1B8E;
	s24 =	sld [smem:$0x3FFE];
	[sflag:s23] =	ssyncadd.s32 $0xFFFFFFFF  }
0xa5: {  	s26 =	simm.s32 $execute0_lowered;
	[smem:$0x3FD2] =	sst s25  }
0xa6: {  	s4 =	sshll.u32 s26, $0x1;
	_ =	strace $0x8000004C;
	[dreg:$0x1] =	wrdreg $0xFFFFFFFF  }
0xa7: {  	s28 =	simm.s32 $_size_execute0_lowered;
	s2 =	sadd.s32 s2, s4;
	[dreg:$0x0] =	wrdreg $0x0  }
0xa8: {  	s4 =	sshll.u32 s28, $0x1;
	[dreg:$0x2] =	wrdreg s2  }
0xa9: {  	[dreg:$0x3] =	wrdreg s4  }
0xaa: {  	[dreg:$0x4] =	wrdreg $0xC0  }
0xab: {  	_ =	task [dreg:s6], $0x5FFFF  }
0xac: {  	[dreg:$0x1] =	wrdreg $0xFFFFFFFF  }
0xad: {  	[dreg:$0x0] =	wrdreg $0x60  }
0xae: {  	[dreg:$0x2] =	wrdreg s24  }
0xaf: {  	[dreg:$0x3] =	wrdreg $0xA8000  }
0xb0: {  	[dreg:$0x4] =	wrdreg $0x9  }
0xb1: {  	_ =	task.clear_ibuf [dreg:s6], $0x5FFFF;
	_ =	strace $0x9000004C  }
0xb2: {  	s29 =	simm.s32 $0x9;
	_ =	strace $0x8000004E  }
0xb3: {  	_ =	swait.ge [sflag:s29], $0x1  }
0xb4: {  	[sflag:s29] =	ssyncadd.s32 $0xFFFFFFFF  }
0xb5: {  	_ =	strace $0x9000004E  }
0xb6: {  	_ =	sfence  }
0xb7: {  	s30 =	sld [smem:$0x0];
	_ =	sdelay $0x2  }
0xb8: {  	s31 =	sshll.u32 s1, $0xD;
	s1 =	sshrl.u32 s1, $0x2  }
0xb9: {  	s3 =	sand.u32 $0x4000, s31;
	s1 =	sadd.s32 s1, s30  }
0xba: {  	s0 =	sor.u32 s3, s0;
	s1 =	sshll.u32 s1, $0x11  }
0xbb: {  	s0 =	sor.u32 s1, s0  }
0xbc: {  	s0 =	sadd.s32 $0x8F2B, s0  }
0xbd: {  	[sflag:s0] =	ssyncadd.remote.s32 $0x1  }
0xbe: {  	_ =	sfence.sel $0xFFFF  }
0xbf: {  	[dreg:$0x0] =	wrdreg $0xFFFFFFFF;
	(pc) =	sbr.abs _section_cstart, $3  }
0xc0: {  	[dreg:$0x1] =	wrdreg $0xFFFFFFFF  }
0xc1: {  	_ =	task.clear_ibuf [dreg:s6], $0x2FFFF;
	_ =	strace $0x9FFFFFFF  }
0xc2: {  	(tm) =	ssettm $0x7FFFFFFF  }
0xc3: {  	_ =	shalt  }
tec
execute0_lowered:
.L_overlay_start_1:
0x0: {  	(tag) =	ssettag $0x1  }
0x1: {  	s0 =	rddreg [dreg:$0x0]  }
0x2: {  	s1 =	rddreg [dreg:$0x1]  }
0x3: {  	s2 =	simm.s32 $0x0;
	s3 =	srdreg.scid;
	s12 =	simm.s32 $0x100  }
0x4: {  	s13 =	simm.s32 $0x2680;
	s21 =	simm.s32 $0x1400;
	s22 =	simm.s32 $0x2800  }
0x5: {  	s28 =	simm.s32 $0x2;
	s30 =	simm.s32 $0x2780;
	s31 =	simm.s32 $0x0  }
0x6: {  	[smem:$0x7FF] =	sst s2;
	s4 =	sadd.s32 $0x23400, s0;
	s8 =	sand.u32 $0x1, s3  }
0x7: {  	s9 =	sadd.s32 $0x3400, s0;
	s3 =	stileid.u32;
	s5 =	sadd.s32 $0x20C00, s0  }
0x8: {  	s0 =	sadd.s32 $0x4A600, s0;
	s18 =	sadd.s32 $0x128400, s1;
	s26 =	smul.u32 $0x4F000, s3  }
0x9: {  	_ =	strace $0x8000004D;
	s6 =	sshll.u32 s8, $0x4;
	s14 =	smul.u32 $0x138800, s8  }
0xa: {  	s7 =	ssub.s32 $0x2, s8;
	s15 =	smul.u32 $0x13800, s3;
	s23 =	sor.u32 s3, s6  }
0xb: {  	p2 =	sne.s32 s3, $0xF;
	s24 =	sshrl.u32 s7, $0x1;
	s10 =	smul.u32 $0x4E, s23  }
0xc: {  	s16 =	ssub.s32 s7, s24;
	s25 =	smax.u32 s23, $0x1C;
	p0 =	sgt.u32 s23, $0x1B  }
0xd: {  	s7 =	sshrl.u32 s26, $0x2;
	s17 =	sadd.s32 s15, s14;
	s20 =	sshrl.u32 s14, $0x3  }
0xe: {  	s24 =	sadd.s32 s15, s1;
	p1 =	slt.u32 s23, $0x1C;
	s23 =	simm.s32 $0x6800  }
0xf: {  	s26 =	simm.s32 $0x1;
	s19 =	sadd.s32 s7, s1;
	s12 =	simm.s32 @!p0 $0x180  }
0x10: {  	s17 =	sshrl.u32 s17, $0x3;
	s13 =	simm.s32 @!p0 $0x2700;
	s16 =	smax.u32 s16, $0x1  }
0x11: {  	s24 =	sshrl.u32 s24, $0x3;
	s6 =	sadd.s32 s10, s25;
	s10 =	simm.s32 $0x4F  }
0x12: {  	s14 =	sadd.s32 s0, s17;
	s0 =	sadd.s32 s0, s20;
	s20 =	simm.s32 $0x3  }
0x13: {  	s6 =	sadd.s32 $0xFFFFFFE4, s6;
	s10 =	simm.s32 @!p0 $0x4E;
	s15 =	sadd.s32 $0x27000, s0  }
0x14: {  	s0 =	sadd.s32 $0x138000, s1;
	s29 =	sshll.u32 s6, $0x4;
	s10 =	sadd.s32 s10, s6  }
0x15: {  	s25 =	sshrl.u32 @!p2 s0, $0x3;
	s6 =	sadd.s32 s9, s29;
	s10 =	sshll.u32 s10, $0x7  }
0x16: {  	s7 =	sadd.s32 $0x9C40, s6;
	s11 =	sadd.s32 $0xFFFFEC00, s10;
	s10 =	sshrl.u32 s10, $0x3  }
0x17: {  	[dreg:$0x3] =	wrdreg s7;
	s11 =	sshrl.u32 s11, $0x3;
	s10 =	sadd.s32 s9, s10  }
0x18: {  	s8 =	sadd.s32 s9, s11;
	s9 =	sadd.s32 $0x99C0, s10;
	s11 =	simm.s32 $0x80  }
0x19: {  	s10 =	simm.s32 $0x80;
	s11 =	simm.s32 @!p0 $0x100;
	p0 =	seq.s32 s3, $0xF  }
0x1a: {  	s17 =	sor.u32 $0x1400, s11;
	s18 =	sshrl.u32 @p0 s18, $0x3;
	s19 =	sshrl.u32 @!p0 s19, $0x3  }
.LBB2_1:
0x1b: {  	s0 =	simm.s32 @p0 $0x1FC3  }
0x1c: {  	[spmem:s18], [sflag:s0] =	dma.local @p0 [hbm:s5], $0x2080  }
0x1d: {  	s0 =	simm.s32 @p0 $0x3  }
0x1e: {  	_ =	swait.ge @p0 [sflag:s0], $0x2080  }
0x1f: {  	s29 =	sshll.u32 @!p0 s3, $0x6;
	[sflag:s0] =	ssyncset.done @p0 $0x0  }
0x20: {  	[sflag:s0] =	ssyncadd.s32 @p0 $0xFFFFDF80;
	s0 =	sor.u32 @!p0 $0x1C03, s29  }
0x21: {  	[spmem:s19], [sflag:s0] =	dma.local @!p0 [hbm:s5], $0x2780  }
0x22: {  	s0 =	simm.s32 @!p0 $0x3  }
0x23: {  	_ =	swait.ge @!p0 [sflag:s0], $0x2780  }
0x24: {  	[sflag:s0] =	ssyncset.done @!p0 $0x0  }
0x25: {  	[sflag:s0] =	ssyncadd.s32 @!p0 $0xFFFFD880  }
0x26: {  	[tilespmem:s2], [sflag:$0x3] =	stream.linear.gather [hbm4b:s6+s2], $0x1400, $0x38;
	[tilespmem:$0x1E080] =	vst v63  }
0x27: {  	_ =	swait.ge [sflag:s20], $0x1400  }
0x28: {  	[sflag:s20] =	ssyncset.done $0x0  }
0x29: {  	s3 =	rddreg [dreg:$0x3];
	[sflag:s20] =	ssyncadd.s32 $0xFFFFEC00  }
0x2a: {  	[tilespmem:s21], [sflag:$0x3] =	stream.linear.gather [hbm4b:s3+s2], $0x1400, $0x38;
	[tilespmem:$0x1E080] =	vst v63  }
0x2b: {  	_ =	swait.ge [sflag:s20], $0x1400  }
0x2c: {  	[sflag:s20] =	ssyncset.done $0x0  }
0x2d: {  	[sflag:s20] =	ssyncadd.s32 $0xFFFFEC00  }
0x2e: {  	[bflag:$0x0] =	sbarrier.arrive $0xFFFF  }
0x2f: {  	[tilespmem:s22], [sflag:$0x1] =	stream.indirect.gather [hbm4b:s4+s10], $0x80, s2, s10, $0xb8;
	[tilespmem:$0x1E080] =	vst v63  }
0x30: {  	_ = 	snop  }
0x31: {  	[tilespmem:s23], [sflag:$0x2] =	stream.indirect.gather [hbm4b:s4+s10], $0x80, s10, s10, $0xb8;
	[tilespmem:$0x1E080] =	vst v63  }
0x32: {  	_ =	swait.ge [sflag:s26], $0x4000  }
0x33: {  	[sflag:s26] =	ssyncset.done $0x0  }
0x34: {  	s7 =	simm.s32 $0x1400;
	[sflag:s26] =	ssyncadd.s32 $0xFFFFC000  }
0x35: {  	[spmem:s1] =	stream.indirect.scatter.add.f32 [tilespmem:s22], [sflag:$0x3], $0x80, s7, s10, $0xb8;
	[tilespmem:$0x1E080] =	vst v63  }
0x36: {  	_ =	swait.ge [sflag:s20], $0x4000  }
0x37: {  	[sflag:s20] =	ssyncset.done $0x0  }
0x38: {  	s3 =	simm.s32 $0x100;
	[sflag:s20] =	ssyncadd.s32 $0xFFFFC000  }
0x39: {  	[tilespmem:s22], [sflag:$0x1] =	stream.indirect.gather [hbm4b:s4+s10], $0x80, s3, s10, $0xb8;
	[tilespmem:$0x1E080] =	vst v63  }
0x3a: {  	_ =	swait.ge [sflag:s28], $0x4000  }
0x3b: {  	[sflag:s28] =	ssyncset.done $0x0  }
0x3c: {  	s7 =	simm.s32 $0x1480;
	[sflag:s28] =	ssyncadd.s32 $0xFFFFC000  }
0x3d: {  	[spmem:s1] =	stream.indirect.scatter.add.f32 [tilespmem:s23], [sflag:$0x3], $0x80, s7, s10, $0xb8;
	[tilespmem:$0x1E080] =	vst v63  }
0x3e: {  	_ =	swait.ge [sflag:s20], $0x4000  }
0x3f: {  	[sflag:s20] =	ssyncset.done $0x0  }
0x40: {  	s29 =	simm.s32 $0x180;
	s0 =	simm.s32 $0x400;
	[sflag:s20] =	ssyncadd.s32 $0xFFFFC000  }
.LBB2_2:
0x41: {  	[tilespmem:s23], [sflag:$0x2] =	stream.indirect.gather [hbm4b:s4+s10], $0x80, s29, s10, $0xb8;
	[tilespmem:$0x1E080] =	vst v63  }
0x42: {  	s29 =	smov.u32 s0  }
0x43: {  	p3 =	sne.s32 s0, $0x4800;
	s0 =	sadd.s32 $0x400, s0;
	_ =	swait.ge [sflag:s26], $0x4000  }
0x44: {  	s29 =	sshra.s32 s29, $0x2;
	[sflag:s26] =	ssyncset.done $0x0  }
0x45: {  	s3 =	sadd.s32 $0x1400, s29;
	[sflag:s26] =	ssyncadd.s32 $0xFFFFC000  }
0x46: {  	[spmem:s1] =	stream.indirect.scatter.add.f32 [tilespmem:s22], [sflag:$0x3], $0x80, s3, s10, $0xb8;
	[tilespmem:$0x1E080] =	vst v63  }
0x47: {  	_ =	swait.ge [sflag:s20], $0x4000  }
0x48: {  	[sflag:s20] =	ssyncset.done $0x0  }
0x49: {  	s3 =	sadd.s32 $0x100, s29;
	[sflag:s20] =	ssyncadd.s32 $0xFFFFC000  }
0x4a: {  	[tilespmem:s22], [sflag:$0x1] =	stream.indirect.gather [hbm4b:s4+s10], $0x80, s3, s10, $0xb8;
	[tilespmem:$0x1E080] =	vst v63  }
0x4b: {  	_ =	swait.ge [sflag:s28], $0x4000  }
0x4c: {  	[sflag:s28] =	ssyncset.done $0x0  }
.Ltmp0:
0x4d: {  	s3 =	sadd.s32 $0x1480, s29;
	[sflag:s28] =	ssyncadd.s32 $0xFFFFC000;
	(pc) =	sbr.rel @p3 .LBB2_2-.Ltmp0, $4  }
0x4e: {  	[spmem:s1] =	stream.indirect.scatter.add.f32 [tilespmem:s23], [sflag:$0x3], $0x80, s3, s10, $0xb8;
	[tilespmem:$0x1E080] =	vst v63  }
0x4f: {  	_ =	swait.ge [sflag:s20], $0x4000  }
0x50: {  	[sflag:s20] =	ssyncset.done $0x0  }
0x51: {  	s29 =	sadd.s32 $0x180, s29;
	[sflag:s20] =	ssyncadd.s32 $0xFFFFC000  }
0x52: {  	[tilespmem:s23], [sflag:$0x2] =	stream.indirect.gather [hbm4b:s4+s10], $0x80, s29, s10, $0xb8;
	[tilespmem:$0x1E080] =	vst v63  }
0x53: {  	_ =	swait.ge [sflag:s26], $0x4000  }
0x54: {  	[sflag:s26] =	ssyncset.done $0x0  }
0x55: {  	s0 =	simm.s32 $0x2700;
	[sflag:s26] =	ssyncadd.s32 $0xFFFFC000  }
0x56: {  	[spmem:s1] =	stream.indirect.scatter.add.f32 [tilespmem:s22], [sflag:$0x3], $0x80, s0, s10, $0xb8;
	[tilespmem:$0x1E080] =	vst v63  }
0x57: {  	_ =	swait.ge [sflag:s20], $0x4000  }
0x58: {  	[sflag:s20] =	ssyncset.done $0x0  }
0x59: {  	[sflag:s20] =	ssyncadd.s32 $0xFFFFC000  }
0x5a: {  	_ =	swait.ge [sflag:s28], $0x4000  }
0x5b: {  	[sflag:s28] =	ssyncset.done $0x0  }
0x5c: {  	[sflag:s28] =	ssyncadd.s32 $0xFFFFC000  }
0x5d: {  	[spmem:s1] =	stream.indirect.scatter.add.f32 [tilespmem:s23], [sflag:$0x3], $0x80, s30, s10, $0xb8;
	[tilespmem:$0x1E080] =	vst v63  }
0x5e: {  	_ =	swait.ge [sflag:s20], $0x4000  }
0x5f: {  	[sflag:s20] =	ssyncset.done $0x0  }
0x60: {  	s3 =	simm.s32 $0x0;
	[sflag:s20] =	ssyncadd.s32 $0xFFFFC000  }
0x61: {  	[tilespmem:s3], [sflag:$0x3] =	stream.linear.gather [hbm4b:s8+s3], $0x1400, $0x38;
	[tilespmem:$0x1E080] =	vst v63  }
0x62: {  	_ =	swait.ge [sflag:s20], $0x1400  }
0x63: {  	[sflag:s20] =	ssyncset.done $0x0  }
0x64: {  	[sflag:s20] =	ssyncadd.s32 $0xFFFFEC00  }
0x65: {  	[tilespmem:s21], [sflag:$0x3] =	stream.linear.gather [hbm4b:s9+s3], $0x1400, $0x38;
	[tilespmem:$0x1E080] =	vst v63  }
0x66: {  	_ =	swait.ge [sflag:s20], $0x1400  }
0x67: {  	[sflag:s20] =	ssyncset.done $0x0  }
0x68: {  	[sflag:s20] =	ssyncadd.s32 $0xFFFFEC00  }
0x69: {  	[tilespmem:s22], [sflag:$0x1] =	stream.indirect.gather [hbm4b:s4+s10], $0x80, s11, s10, $0xb8;
	[tilespmem:$0x1E080] =	vst v63  }
0x6a: {  	_ = 	snop  }
0x6b: {  	[tilespmem:s23], [sflag:$0x2] =	stream.indirect.gather [hbm4b:s4+s10], $0x80, s12, s10, $0xb8;
	[tilespmem:$0x1E080] =	vst v63  }
0x6c: {  	_ =	swait.ge [sflag:s26], $0x4000  }
0x6d: {  	[sflag:s26] =	ssyncset.done $0x0  }
0x6e: {  	s7 =	sadd.s32 $0x0, s17;
	[sflag:s26] =	ssyncadd.s32 $0xFFFFC000  }
0x6f: {  	[spmem:s1] =	stream.indirect.scatter.add.f32 [tilespmem:s22], [sflag:$0x3], $0x80, s7, s10, $0xb8;
	[tilespmem:$0x1E080] =	vst v63  }
0x70: {  	_ =	swait.ge [sflag:s20], $0x4000  }
0x71: {  	s3 =	sadd.s32 $0x0, s11;
	[sflag:s20] =	ssyncset.done $0x0  }
0x72: {  	s29 =	sadd.s32 $0x100, s3;
	[sflag:s20] =	ssyncadd.s32 $0xFFFFC000  }
0x73: {  	[tilespmem:s22], [sflag:$0x1] =	stream.indirect.gather [hbm4b:s4+s10], $0x80, s29, s10, $0xb8;
	[tilespmem:$0x1E080] =	vst v63  }
0x74: {  	_ =	swait.ge [sflag:s28], $0x4000  }
0x75: {  	[sflag:s28] =	ssyncset.done $0x0  }
0x76: {  	s0 =	sadd.s32 $0x80, s7;
	[sflag:s28] =	ssyncadd.s32 $0xFFFFC000  }
0x77: {  	[spmem:s1] =	stream.indirect.scatter.add.f32 [tilespmem:s23], [sflag:$0x3], $0x80, s0, s10, $0xb8;
	[tilespmem:$0x1E080] =	vst v63  }
0x78: {  	_ =	swait.ge [sflag:s20], $0x4000  }
0x79: {  	[sflag:s20] =	ssyncset.done $0x0  }
0x7a: {  	s29 =	sadd.s32 $0x180, s3;
	s0 =	simm.s32 $0x400;
	[sflag:s20] =	ssyncadd.s32 $0xFFFFC000  }
.LBB2_4:
0x7b: {  	[tilespmem:s23], [sflag:$0x2] =	stream.indirect.gather [hbm4b:s4+s10], $0x80, s29, s10, $0xb8;
	[tilespmem:$0x1E080] =	vst v63  }
0x7c: {  	s3 =	smov.u32 s0  }
0x7d: {  	p3 =	sne.s32 s0, $0x4400;
	s0 =	sadd.s32 $0x400, s0;
	_ =	swait.ge [sflag:s26], $0x4000  }
0x7e: {  	s3 =	sshra.s32 s3, $0x2;
	[sflag:s26] =	ssyncset.done $0x0  }
0x7f: {  	s29 =	sadd.s32 s3, s17;
	s3 =	sadd.s32 s3, s11;
	[sflag:s26] =	ssyncadd.s32 $0xFFFFC000  }
0x80: {  	[spmem:s1] =	stream.indirect.scatter.add.f32 [tilespmem:s22], [sflag:$0x3], $0x80, s29, s10, $0xb8;
	[tilespmem:$0x1E080] =	vst v63  }
0x81: {  	_ =	swait.ge [sflag:s20], $0x4000  }
0x82: {  	[sflag:s20] =	ssyncset.done $0x0  }
0x83: {  	s7 =	sadd.s32 $0x100, s3;
	[sflag:s20] =	ssyncadd.s32 $0xFFFFC000  }
0x84: {  	[tilespmem:s22], [sflag:$0x1] =	stream.indirect.gather [hbm4b:s4+s10], $0x80, s7, s10, $0xb8;
	[tilespmem:$0x1E080] =	vst v63  }
0x85: {  	_ =	swait.ge [sflag:s28], $0x4000  }
0x86: {  	[sflag:s28] =	ssyncset.done $0x0  }
.Ltmp1:
0x87: {  	s7 =	sadd.s32 $0x80, s29;
	[sflag:s28] =	ssyncadd.s32 $0xFFFFC000;
	(pc) =	sbr.rel @p3 .LBB2_4-.Ltmp1, $4  }
0x88: {  	[spmem:s1] =	stream.indirect.scatter.add.f32 [tilespmem:s23], [sflag:$0x3], $0x80, s7, s10, $0xb8;
	[tilespmem:$0x1E080] =	vst v63  }
0x89: {  	_ =	swait.ge [sflag:s20], $0x4000  }
0x8a: {  	[sflag:s20] =	ssyncset.done $0x0  }
0x8b: {  	s29 =	sadd.s32 $0x180, s3;
	[sflag:s20] =	ssyncadd.s32 $0xFFFFC000  }
0x8c: {  	[tilespmem:s23], [sflag:$0x2] =	stream.indirect.gather [hbm4b:s4+s10], $0x80, s29, s10, $0xb8;
	[tilespmem:$0x1E080] =	vst v63  }
0x8d: {  	_ =	swait.ge [sflag:s26], $0x4000  }
0x8e: {  	[sflag:s26] =	ssyncset.done $0x0  }
0x8f: {  	[sflag:s26] =	ssyncadd.s32 $0xFFFFC000  }
0x90: {  	[spmem:s1] =	stream.indirect.scatter.add.f32 [tilespmem:s22], [sflag:$0x3], $0x80, s13, s10, $0xb8;
	[tilespmem:$0x1E080] =	vst v63  }
0x91: {  	_ =	swait.ge [sflag:s20], $0x4000  }
0x92: {  	s0 =	simm.s32 @!p1 $0x80;
	[sflag:s20] =	ssyncset.done $0x0  }
0x93: {  	s3 =	simm.s32 @!p1 $0x1380;
	s7 =	simm.s32 @!p1 $0x2800;
	[sflag:s20] =	ssyncadd.s32 $0xFFFFC000  }
0x94: {  	[tilespmem:s7], [sflag:$0x1] =	stream.indirect.gather @!p1 [hbm4b:s4+s0], $0x80, s3, s0, $0xb8;
	[tilespmem:$0x1E080] =	vst v63  }
0x95: {  	s3 =	simm.s32 @!p1 $0x2  }
0x96: {  	_ =	swait.ge @!p1 [sflag:s3], $0x4000  }
0x97: {  	[sflag:s3] =	ssyncset.done @!p1 $0x0  }
0x98: {  	s29 =	simm.s32 @!p1 $0x6800;
	[sflag:s3] =	ssyncadd.s32 @!p1 $0xFFFFC000;
	s3 =	simm.s32 @!p1 $0x2700  }
0x99: {  	[spmem:s1] =	stream.indirect.scatter.add.f32 @!p1 [tilespmem:s29], [sflag:$0x3], $0x80, s3, s0, $0xb8;
	[tilespmem:$0x1E080] =	vst v63  }
0x9a: {  	s0 =	simm.s32 @!p1 $0x3  }
0x9b: {  	_ =	swait.ge @!p1 [sflag:s0], $0x4000  }
0x9c: {  	s3 =	simm.s32 @!p1 $0x1;
	[sflag:s0] =	ssyncset.done @!p1 $0x0  }
0x9d: {  	s3 =	simm.s32 @p1 $0x2;
	[sflag:s0] =	ssyncadd.s32 @!p1 $0xFFFFC000  }
0x9e: {  	_ =	swait.ge [sflag:s3], $0x4000  }
0x9f: {  	[sflag:s3] =	ssyncset.done $0x0  }
0xa0: {  	s7 =	simm.s32 @p1 $0x6800;
	[sflag:s3] =	ssyncadd.s32 $0xFFFFC000  }
0xa1: {  	[spmem:s1] =	stream.indirect.scatter.add.f32 [tilespmem:s7], [sflag:$0x3], $0x80, s30, s10, $0xb8;
	[tilespmem:$0x1E080] =	vst v63  }
0xa2: {  	_ =	swait.ge [sflag:s20], $0x4000  }
0xa3: {  	s3 =	stileid.u32;
	[sflag:s20] =	ssyncset.done $0x0  }
0xa4: {  	s29 =	sshll.u32 s3, $0x6;
	[sflag:s20] =	ssyncadd.s32 $0xFFFFC000  }
0xa5: {  	s0 =	sor.u32 $0x1C03, s29;
	[bflag:$0x0] =	sbarrier.arrive $0xFFFF  }
0xa6: {  	[hbm:s14], [sflag:s0] =	dma.local [spmem:s24], $0x2700  }
0xa7: {  	_ =	swait.ge [sflag:s20], $0x2700  }
0xa8: {  	s31 =	sadd.s32 $0x1, s31;
	[sflag:s20] =	ssyncset.done $0x0  }
0xa9: {  	p3 =	sne.s32 s31, s16;
	[sflag:s20] =	ssyncadd.s32 $0xFFFFD900  }
0xaa: {  	[hbm:s15], [sflag:s0] =	dma.local @!p2 [spmem:s25], $0x100  }
.Ltmp2:
0xab: {  	_ = 	snop;
	(pc) =	sbr.rel @p3 .LBB2_1-.Ltmp2, $4  }
0xac: {  	s0 =	simm.s32 @!p2 $0x3  }
0xad: {  	_ =	swait.ge @!p2 [sflag:s0], $0x100  }
0xae: {  	[sflag:s0] =	ssyncset.done @!p2 $0x0  }
0xaf: {  	[sflag:s0] =	ssyncadd.s32 @!p2 $0xFFFFFF00  }
0xb0: {  	_ =	sfence.sel $0x180000  }
0xb1: {  	[bflag:$0x0] =	sbarrier.arrive $0xFFFF  }
0xb2: {  	_ =	strace $0x9000004D  }
0xb3: {  	[bflag:$0x2] =	sbarrier.arrive $0xFFFF  }
0xb4: {  	p0 =	sne.s32 s3, $0x0;
	s0 =	rddreg [dreg:$0x2]  }
0xb5: {  	s0 =	sadd.s32 @!p0 $0x100000, s0  }
0xb6: {  	[sflag:s0] =	ssyncadd.tile.s32 @!p0 $0x1;
	_ =	shalt  }
.Lfunc_end2:
_tile_overlayer_lowered:
.L_overlay_start_2:
0xb7: {  	(tag) =	ssettag $0x2  }
0xb8: {  	s0 =	rddreg [dreg:$0x0];
	s2 =	stileid.u32  }
0xb9: {  	s1 =	rddreg [dreg:$0x1];
	p0 =	sne.s32 s2, $0x0  }
0xba: {  	s3 =	rddreg [dreg:$0x2];
	[bflag:$0x3] =	sbarrier.arrive $0xFFFF;
	s2 =	simm.s32 @!p0 $0x1C03  }
0xbb: {  	[timem:s3], [sflag:s2] =	dma.local @!p0 [hbm:s0], s1  }
0xbc: {  	s0 =	simm.s32 @!p0 $0x3  }
0xbd: {  	_ =	swait.ge @!p0 [sflag:s0], s1  }
0xbe: {  	s1 =	ssub.s32 @!p0 $0x0, s1;
	[sflag:s0] =	ssyncset.done @!p0 $0x0  }
0xbf: {  	[sflag:s0] =	ssyncadd.s32 @!p0 s1  }
0xc0: {  	[bflag:$0x3] =	sbarrier.arrive $0xFFFF  }
0xc1: {  	_ =	shalt  }

// kernel: kernel.17.cloned.1.call-start
scs
__scs_entry_jumppad:
0x0: {  	(pc) =	sbr.rel $0x88, $3  }
0x1: {  	(tag) =	ssettag $0x0;
	lr =	simm.s32 $0x1  }
0x2: {  	[smem:$0x3F93] =	sst lr;
	_ =	strace $0xD0000000  }
0x3: {  	_ = 	snop  }
0x4: {  	_ = 	snop  }
0x5: {  	_ = 	snop  }
0x6: {  	_ = 	snop  }
0x7: {  	_ = 	snop  }
__scs_overlays_trampoline_lowered:
0x8: {  	[smem:$0x3FA2] =	sst s0  }
0x9: {  	[smem:$0x3FA3] =	sst s1  }
0xa: {  	[smem:$0x3FA4] =	sst s2  }
0xb: {  	[smem:$0x3FA5] =	sst s3  }
0xc: {  	[smem:$0x3FA6] =	sst s4  }
0xd: {  	[smem:$0x3FA7] =	sst s5  }
0xe: {  	[smem:$0x3FA8] =	sst s6  }
0xf: {  	[smem:$0x3FA9] =	sst s7  }
0x10: {  	[smem:$0x3FAA] =	sst s8  }
0x11: {  	[smem:$0x3FAB] =	sst s9;
	s0 =	simm.s32 @!p0 $0x0  }
0x12: {  	s1 =	sld [smem:$0x3F91];
	s0 =	simm.s32 @p0 $0x1  }
0x13: {  	[smem:$0x3FAC] =	sst s0;
	s0 =	simm.s32 @!p1 $0x0  }
0x14: {  	s2 =	sld [smem:$0x3F90];
	s0 =	simm.s32 @p1 $0x1  }
0x15: {  	[smem:$0x3FAD] =	sst s0;
	s0 =	simm.s32 @!p2 $0x0  }
0x16: {  	s3 =	sld [smem:$0x3FDB];
	s0 =	simm.s32 @p2 $0x1  }
0x17: {  	s4 =	simm.s32 $0x1BF5;
	[smem:$0x3FAF] =	sst s0  }
0x18: {  	s0 =	sld [smem:$0x3F92];
	_ =	swait.ge [sflag:s4], $0x0  }
0x19: {  	s7 =	sld [smem:$0x3F93]  }
0x1a: {  	s8 =	sadd.s32 $0xFFFFE003, lr  }
0x1b: {  	s9 =	sadd.s32 $0xFFFFFEF7, lr;
	s5 =	simm.s32 $0xFFFFFFFF;
	p2 =	slt.u32 s8, $0xFFFFF086  }
0x1c: {  	p1 =	slt.u32 s9, $0xF7A;
	s5 =	simm.s32 @!p2 $0x0  }
0x1d: {  	s5 =	simm.s32 @p1 $0x1;
	p0 =	seq.s32 s7, s2  }
0x1e: {  	s7 =	smul.u32 @!p0 $0xF7A, s2;
	p2 =	seq.s32 @!p0 s5, $0x0  }
0x1f: {  	s9 =	smul.u32 $0xF7A, s1;
	s8 =	simm.s32 @!p0 $0x1BF5;
	p2 =	por !p2, p0  }
0x20: {  	[sflag:s8] =	ssyncset.s32 @!p0 $0xFFFFF086;
	s6 =	sadd.s32 @!p0 s3, s7;
	s7 =	simm.s32 @!p0 $0x108  }
0x21: {  	s3 =	sadd.s32 s3, s9;
	s6 =	sadd.s32 @!p0 $0x88, s6;
	s7 =	simm.s32 @p2 $0x1082  }
0x22: {  	[simem:s7], [sflag:s8] =	dma.local @!p0 [hbm:s6], $0xF7A  }
0x23: {  	s9 =	sor.u32 $0xD0000000, s2;
	s6 =	simm.s32 $0x108;
	_ =	swait.ge @!p0 [sflag:s8], $0x0  }
0x24: {  	s3 =	sadd.s32 $0x88, s3;
	s6 =	simm.s32 @!p1 $0x1082;
	[sflag:s4] =	ssyncset.s32 $0xFFFFF086  }
0x25: {  	[simem:s6], [sflag:s4] =	dma.local [hbm:s3], $0xF7A  }
0x26: {  	[smem:$0x3F93] =	sst s1;
	(tag) =	ssettag s2;
	_ =	strace s9  }
0x27: {  	s1 =	sld [smem:$0x3FA3]  }
0x28: {  	s2 =	sld [smem:$0x3FA4]  }
0x29: {  	s4 =	sld [smem:$0x3FA6]  }
0x2a: {  	p0 =	seq.s32 s5, $0x0;
	s5 =	sld [smem:$0x3FA7]  }
0x2b: {  	s6 =	sld [smem:$0x3FA8]  }
0x2c: {  	s7 =	sld [smem:$0x3FA9]  }
0x2d: {  	s3 =	simm.s32 $0x108;
	s8 =	sld [smem:$0x3FAA]  }
0x2e: {  	s3 =	simm.s32 @!p0 $0x1082;
	s9 =	sld [smem:$0x3FAB]  }
0x2f: {  	lr =	sadd.s32 s0, s3;
	s0 =	sld [smem:$0x3FA2]  }
0x30: {  	s3 =	sld [smem:$0x3FA5]  }
0x31: {  	[smem:$0x3FAE] =	sst s10  }
0x32: {  	s10 =	sld [smem:$0x3FAC];
	_ =	sdelay $0x3  }
0x33: {  	p0 =	seq.s32 s10, $0x1;
	s10 =	sld [smem:$0x3FAE];
	_ =	sdelay $0x3  }
0x34: {  	[smem:$0x3FAE] =	sst s10  }
0x35: {  	s10 =	sld [smem:$0x3FAD];
	_ =	sdelay $0x3  }
0x36: {  	p1 =	seq.s32 s10, $0x1;
	s10 =	sld [smem:$0x3FAE];
	_ =	sdelay $0x3  }
0x37: {  	[smem:$0x3FAE] =	sst s10  }
0x38: {  	s10 =	sld [smem:$0x3FAF]  }
0x39: {  	_ = 	snop;
	(pc) =	sbr.ind lr, $3  }
0x3a: {  	_ = 	snop  }
0x3b: {  	_ = 	snop  }
0x3c: {  	p2 =	seq.s32 s10, $0x1;
	s10 =	sld [smem:$0x3FAE]  }
0x3d: {  	_ =	shalt  }
0x3e: {  	_ =	shalt  }
0x3f: {  	_ =	shalt  }
0x40: {  	_ =	shalt  }
0x41: {  	_ =	shalt  }
0x42: {  	_ =	shalt  }
0x43: {  	_ =	shalt  }
0x44: {  	_ =	shalt  }
0x45: {  	_ =	shalt  }
0x46: {  	_ =	shalt  }
0x47: {  	_ =	shalt  }
0x48: {  	_ =	shalt  }
0x49: {  	_ =	shalt  }
0x4a: {  	_ =	shalt  }
0x4b: {  	_ =	shalt  }
0x4c: {  	_ =	shalt  }
0x4d: {  	_ =	shalt  }
0x4e: {  	_ =	shalt  }
0x4f: {  	_ =	shalt  }
0x50: {  	_ =	shalt  }
0x51: {  	_ =	shalt  }
0x52: {  	_ =	shalt  }
0x53: {  	_ =	shalt  }
0x54: {  	_ =	shalt  }
0x55: {  	_ =	shalt  }
0x56: {  	_ =	shalt  }
0x57: {  	_ =	shalt  }
0x58: {  	_ =	shalt  }
0x59: {  	_ =	shalt  }
0x5a: {  	_ =	shalt  }
0x5b: {  	_ =	shalt  }
0x5c: {  	_ =	shalt  }
0x5d: {  	_ =	shalt  }
0x5e: {  	_ =	shalt  }
0x5f: {  	_ =	shalt  }
0x60: {  	_ =	shalt  }
0x61: {  	_ =	shalt  }
0x62: {  	_ =	shalt  }
0x63: {  	_ =	shalt  }
0x64: {  	_ =	shalt  }
0x65: {  	_ =	shalt  }
0x66: {  	_ =	shalt  }
0x67: {  	_ =	shalt  }
0x68: {  	_ =	shalt  }
0x69: {  	_ =	shalt  }
0x6a: {  	_ =	shalt  }
0x6b: {  	_ =	shalt  }
0x6c: {  	_ =	shalt  }
0x6d: {  	_ =	shalt  }
0x6e: {  	_ =	shalt  }
0x6f: {  	_ =	shalt  }
0x70: {  	_ =	shalt  }
0x71: {  	_ =	shalt  }
0x72: {  	_ =	shalt  }
0x73: {  	_ =	shalt  }
0x74: {  	_ =	shalt  }
0x75: {  	_ =	shalt  }
0x76: {  	_ =	shalt  }
0x77: {  	_ =	shalt  }
0x78: {  	_ =	shalt  }
0x79: {  	_ =	shalt  }
0x7a: {  	_ =	shalt  }
0x7b: {  	_ =	shalt  }
0x7c: {  	_ =	shalt  }
0x7d: {  	_ =	shalt  }
0x7e: {  	_ =	shalt  }
0x7f: {  	_ =	shalt  }
0x80: {  	_ =	shalt  }
0x81: {  	_ =	shalt  }
0x82: {  	_ =	shalt  }
0x83: {  	_ =	shalt  }
0x84: {  	_ =	shalt  }
0x85: {  	_ =	shalt  }
0x86: {  	_ =	shalt  }
0x87: {  	_ =	shalt  }
.Lfunc_end0:
.L_simem_size_0:
called_computation.3_lowered:
.L_overlay_start_0:
0x88: {  	s2 =	sld [smem:$0x3FD9]  }
0x89: {  	s3 =	sld [smem:$0x3FFE];
	_ =	sdelay $0x1  }
0x8a: {  	s1 =	srdreg.scid  }
0x8b: {  	s0 =	sand.u32 $0x1, s1  }
0x8c: {  	s14 =	sshll.u32 s0, $0xA;
	s2 =	sadd.s32 s3, s2  }
0x8d: {  	s2 =	sadd.s32 s2, s14  }
0x8e: {  	[smem:$0x3FBA] =	sst s2  }
0x8f: {  	_ = 	snop  }
0x90: {  	s2 =	sld [smem:$0x3FD0];
	_ =	sdelay $0x2  }
0x91: {  	s15 =	simm.s32 $0xB;
	s4 =	simm.s32 $0x10  }
0x92: {  	[smem:s4], [sflag:s15] =	dma.local [hbm:s2], $0x1  }
0x93: {  	_ =	swait.eq [sflag:s15], $0x1  }
0x94: {  	[sflag:s15] =	ssyncset.done $0x0  }
0x95: {  	[sflag:s15] =	ssyncadd.s32 $0xFFFFFFFF  }
0x96: {  	s16 =	sld [smem:$0x11];
	(tm) =	ssettm $0x1  }
0x97: {  	s17 =	sld [smem:$0x3FFB];
	_ =	sdelay $0x3  }
0x98: {  	_ =	strace s17  }
0x99: {  	s3 =	sld [smem:$0x3FFC];
	_ =	sdelay $0x3  }
0x9a: {  	_ =	strace s3  }
0x9b: {  	s3 =	sld [smem:$0x3FFD];
	_ =	sdelay $0x3  }
0x9c: {  	_ =	strace s3  }
0x9d: {  	_ =	strace $0x8FFFFFFF  }
0x9e: {  	s18 =	sld [smem:$0x3FDB];
	_ =	sdelay $0x1  }
0x9f: {  	s19 =	simm.s32 $_scs_section_size  }
0xa0: {  	s5 =	simm.s32 $_size__tile_overlayer_lowered;
	s6 =	simm.s32 $_tile_overlayer_lowered  }
0xa1: {  	s22 =	simm.s32 $0x1BFF;
	s21 =	sshll.u32 s6, $0x1;
	s3 =	sadd.s32 s19, s18  }
0xa2: {  	s7 =	simm.s32 $0x0;
	s20 =	sshll.u32 s5, $0x1;
	s5 =	sadd.s32 s21, s3  }
0xa3: {  	[timem:s7], [sflag:s22] =	dma.local [hbm:s5], s20  }
0xa4: {  	_ =	swait.ge [sflag:s22], s20  }
0xa5: {  	s4 =	ssub.s32 $0x0, s20;
	[sflag:s22] =	ssyncset.done $0x0  }
0xa6: {  	[sflag:s22] =	ssyncadd.s32 s4;
	_ =	sdelay $0x1  }
0xa7: {  	s23 =	simm.s32 $0x1B8B  }
0xa8: {  	_ =	swait.ge [sflag:s23], $0x1  }
0xa9: {  	[sflag:s23] =	ssyncset.done $0x0  }
0xaa: {  	s25 =	simm.s32 $0x1B8E;
	s24 =	sld [smem:$0x3FFE];
	[sflag:s23] =	ssyncadd.s32 $0xFFFFFFFF  }
0xab: {  	s26 =	simm.s32 $execute0_lowered;
	[smem:$0x3FD2] =	sst s25  }
0xac: {  	s5 =	sshll.u32 s26, $0x1;
	_ =	strace $0x8000004F;
	[dreg:$0x1] =	wrdreg $0xFFFFFFFF  }
0xad: {  	s28 =	simm.s32 $_size_execute0_lowered;
	s3 =	sadd.s32 s3, s5;
	[dreg:$0x0] =	wrdreg $0x0  }
0xae: {  	s5 =	sshll.u32 s28, $0x1;
	[dreg:$0x2] =	wrdreg s3  }
0xaf: {  	[dreg:$0x3] =	wrdreg s5  }
0xb0: {  	[dreg:$0x4] =	wrdreg $0xC0  }
0xb1: {  	_ =	task [dreg:s7], $0x5FFFF  }
0xb2: {  	[dreg:$0x1] =	wrdreg $0xFFFFFFFF  }
0xb3: {  	[dreg:$0x0] =	wrdreg $0x60  }
0xb4: {  	[dreg:$0x2] =	wrdreg s24  }
0xb5: {  	[dreg:$0x3] =	wrdreg s16  }
0xb6: {  	[dreg:$0x4] =	wrdreg $0x8F000  }
0xb7: {  	[dreg:$0x5] =	wrdreg $0x9  }
0xb8: {  	_ =	task.clear_ibuf [dreg:s7], $0x6FFFF;
	_ =	strace $0x9000004F  }
0xb9: {  	s29 =	simm.s32 $0x9;
	_ =	strace $0x80000051  }
0xba: {  	_ =	swait.ge [sflag:s29], $0x1  }
0xbb: {  	[sflag:s29] =	ssyncadd.s32 $0xFFFFFFFF  }
0xbc: {  	_ =	strace $0x90000051  }
0xbd: {  	_ =	sfence  }
0xbe: {  	s30 =	sld [smem:$0x0];
	_ =	sdelay $0x2  }
0xbf: {  	s31 =	sshll.u32 s1, $0xD;
	s1 =	sshrl.u32 s1, $0x2  }
0xc0: {  	s3 =	sand.u32 $0x4000, s31;
	s1 =	sadd.s32 s1, s30  }
0xc1: {  	s0 =	sor.u32 s3, s0;
	s1 =	sshll.u32 s1, $0x11  }
0xc2: {  	s0 =	sor.u32 s1, s0  }
0xc3: {  	s0 =	sadd.s32 $0x8F2B, s0  }
0xc4: {  	[sflag:s0] =	ssyncadd.remote.s32 $0x1  }
0xc5: {  	_ =	sfence.sel $0xFFFF  }
0xc6: {  	[dreg:$0x0] =	wrdreg $0xFFFFFFFF;
	(pc) =	sbr.abs _section_cstart, $3  }
0xc7: {  	[dreg:$0x1] =	wrdreg $0xFFFFFFFF  }
0xc8: {  	_ =	task.clear_ibuf [dreg:s7], $0x2FFFF;
	_ =	strace $0x9FFFFFFF  }
0xc9: {  	(tm) =	ssettm $0x7FFFFFFF  }
tec
execute0_lowered:
.L_overlay_start_1:
0x0: {  	(tag) =	ssettag $0x1  }
0x1: {  	s0 =	rddreg [dreg:$0x0]  }
0x2: {  	s2 =	rddreg [dreg:$0x2];
	s1 =	srdreg.scid  }
0x3: {  	s4 =	simm.s32 $0x0;
	s15 =	stileid.u32;
	s14 =	simm.s32 $0x9  }
0x4: {  	s16 =	simm.s32 $0x80;
	s17 =	simm.s32 $0x4F00;
	s18 =	simm.s32 $0x5700  }
0x5: {  	s20 =	simm.s32 $0x5F00;
	s29 =	simm.s32 $0x7700;
	s31 =	simm.s32 $0x7F00  }
0x6: {  	s19 =	simm.s32 $0x1;
	s28 =	simm.s32 $0x4;
	s30 =	simm.s32 $0x5  }
0x7: {  	s1 =	sand.u32 $0x1, s1;
	[smem:$0x7FF] =	sst s4;
	s8 =	smul.u32 $0x9E00, s15  }
0x8: {  	s5 =	sadd.s32 $0x16E00, s0;
	s7 =	sadd.s32 $0x1BE00, s0;
	s21 =	smul.u32 $0x2700, s15  }
0x9: {  	s12 =	sadd.s32 $0x25080, s2;
	p0 =	seq.s32 s15, $0xF;
	p2 =	sne.s32 s15, $0xF  }
0xa: {  	s3 =	sshll.u32 s1, $0x4;
	_ =	strace $0x80000050;
	s9 =	ssub.s32 $0x2, s1  }
0xb: {  	s1 =	smul.u32 $0x27100, s1;
	s3 =	sor.u32 s15, s3;
	s11 =	sshrl.u32 s9, $0x1  }
0xc: {  	s8 =	sshrl.u32 s8, $0x2;
	s26 =	sadd.s32 s21, s2;
	s6 =	smul.u32 $0x4E, s3  }
0xd: {  	s10 =	smax.u32 s3, $0x1C;
	s11 =	ssub.s32 s9, s11;
	s8 =	sadd.s32 s8, s2  }
0xe: {  	s22 =	sadd.s32 s21, s1;
	s25 =	sshrl.u32 s1, $0x3;
	p1 =	slt.u32 s3, $0x1C  }
0xf: {  	s21 =	simm.s32 $0x2;
	s3 =	simm.s32 $0x7;
	s6 =	sadd.s32 s6, s10  }
0x10: {  	s1 =	simm.s32 $0x8;
	s13 =	sshrl.u32 @!p0 s8, $0x3;
	s6 =	sshll.u32 s6, $0x4  }
0x11: {  	s10 =	smax.u32 s11, $0x1;
	s11 =	sshrl.u32 @p0 s12, $0x3;
	s0 =	sadd.s32 s0, s6  }
0x12: {  	s6 =	sshrl.u32 s22, $0x3;
	s22 =	simm.s32 $0x6700;
	s23 =	sadd.s32 $0x3240, s0  }
0x13: {  	s0 =	sadd.s32 $0xCE80, s0;
	s24 =	sadd.s32 s7, s6;
	[dreg:$0x4] =	wrdreg s23  }
0x14: {  	s6 =	sshll.u32 @!p0 s15, $0x6;
	s15 =	simm.s32 $0x8700;
	[dreg:$0x5] =	wrdreg s0  }
0x15: {  	[dreg:$0x6] =	wrdreg s24;
	s0 =	sadd.s32 s7, s25;
	s12 =	sor.u32 @!p0 $0x1C09, s6  }
0x16: {  	s24 =	sshrl.u32 s26, $0x3;
	s26 =	simm.s32 $0x6F00;
	s0 =	sadd.s32 $0x4E00, s0  }
0x17: {  	s23 =	simm.s32 $0x3;
	[dreg:$0x7] =	wrdreg s0;
	s0 =	sadd.s32 $0x27000, s2  }
0x18: {  	s6 =	simm.s32 $0x0;
	s25 =	sshrl.u32 @!p2 s0, $0x3;
	s0 =	simm.s32 $0x6  }
.LBB2_1:
0x19: {  	s7 =	simm.s32 @p0 $0x1FC9;
	s8 =	rddreg [dreg:$0x1]  }
0x1a: {  	[spmem:s11], [sflag:s7] =	dma.local @p0 [hbm:s8], $0x410  }
0x1b: {  	s7 =	simm.s32 @p0 $0x9  }
0x1c: {  	_ =	swait.ge @p0 [sflag:s7], $0x410  }
0x1d: {  	[sflag:s7] =	ssyncset.done @p0 $0x0  }
0x1e: {  	[sflag:s7] =	ssyncadd.s32 @p0 $0xFFFFFBF0;
	s7 =	simm.s32 @!p0 $0x9  }
0x1f: {  	[spmem:s13], [sflag:s12] =	dma.local @!p0 [hbm:s8], $0x4F0  }
0x20: {  	_ =	swait.ge @!p0 [sflag:s7], $0x4F0  }
0x21: {  	[sflag:s7] =	ssyncset.done @!p0 $0x0  }
0x22: {  	s9 =	rddreg [dreg:$0x4];
	[sflag:s7] =	ssyncadd.s32 @!p0 $0xFFFFFB10  }
0x23: {  	[tilespmem:s4], [sflag:$0x9] =	stream.linear.gather [hbm4b:s9+s4], $0x2780, $0x38;
	[tilespmem:$0xB610] =	vst v63  }
0x24: {  	_ =	swait.ge [sflag:s14], $0x2780  }
0x25: {  	[sflag:s14] =	ssyncset.done $0x0  }
0x26: {  	s9 =	simm.s32 $0x2780;
	s8 =	rddreg [dreg:$0x5];
	[sflag:s14] =	ssyncadd.s32 $0xFFFFD880  }
0x27: {  	[tilespmem:s9], [sflag:$0x9] =	stream.linear.gather [hbm4b:s8+s4], $0x2780, $0x38;
	[tilespmem:$0xB610] =	vst v63  }
0x28: {  	_ =	swait.ge [sflag:s14], $0x2780  }
0x29: {  	[sflag:s14] =	ssyncset.done $0x0  }
0x2a: {  	[sflag:s14] =	ssyncadd.s32 $0xFFFFD880  }
0x2b: {  	[bflag:$0x0] =	sbarrier.arrive $0xFFFF  }
0x2c: {  	[tilespmem:s17], [sflag:$0x1] =	stream.indirect.gather [hbm4b:s5+s16], $0x10, s4, s16, $0xb8;
	[tilespmem:$0xB610] =	vst v63  }
0x2d: {  	_ = 	snop  }
0x2e: {  	[tilespmem:s18], [sflag:$0x2] =	stream.indirect.gather [hbm4b:s5+s16], $0x10, s16, s16, $0xb8;
	[tilespmem:$0xB610] =	vst v63  }
0x2f: {  	s9 =	simm.s32 $0x100  }
0x30: {  	[tilespmem:s20], [sflag:$0x3] =	stream.indirect.gather [hbm4b:s5+s16], $0x10, s9, s16, $0xb8;
	[tilespmem:$0xB610] =	vst v63  }
0x31: {  	s8 =	simm.s32 $0x180  }
0x32: {  	[tilespmem:s22], [sflag:$0x4] =	stream.indirect.gather [hbm4b:s5+s16], $0x10, s8, s16, $0xb8;
	[tilespmem:$0xB610] =	vst v63  }
0x33: {  	s9 =	simm.s32 $0x200  }
0x34: {  	[tilespmem:s26], [sflag:$0x5] =	stream.indirect.gather [hbm4b:s5+s16], $0x10, s9, s16, $0xb8;
	[tilespmem:$0xB610] =	vst v63  }
0x35: {  	s8 =	simm.s32 $0x280  }
0x36: {  	[tilespmem:s29], [sflag:$0x6] =	stream.indirect.gather [hbm4b:s5+s16], $0x10, s8, s16, $0xb8;
	[tilespmem:$0xB610] =	vst v63  }
0x37: {  	s9 =	simm.s32 $0x300  }
0x38: {  	[tilespmem:s31], [sflag:$0x7] =	stream.indirect.gather [hbm4b:s5+s16], $0x10, s9, s16, $0xb8;
	[tilespmem:$0xB610] =	vst v63  }
0x39: {  	s8 =	simm.s32 $0x380  }
0x3a: {  	[tilespmem:s15], [sflag:$0x8] =	stream.indirect.gather [hbm4b:s5+s16], $0x10, s8, s16, $0xb8;
	[tilespmem:$0xB610] =	vst v63  }
0x3b: {  	_ =	swait.ge [sflag:s19], $0x800  }
0x3c: {  	[sflag:s19] =	ssyncset.done $0x0  }
0x3d: {  	s9 =	simm.s32 $0x2780;
	[sflag:s19] =	ssyncadd.s32 $0xFFFFF800  }
0x3e: {  	[spmem:s2] =	stream.indirect.scatter.add.f32 [tilespmem:s17], [sflag:$0x9], $0x10, s9, s16, $0xb8;
	[tilespmem:$0xB610] =	vst v63  }
0x3f: {  	_ =	swait.ge [sflag:s14], $0x800  }
0x40: {  	[sflag:s14] =	ssyncset.done $0x0  }
0x41: {  	s8 =	simm.s32 $0x400;
	[sflag:s14] =	ssyncadd.s32 $0xFFFFF800  }
0x42: {  	[tilespmem:s17], [sflag:$0x1] =	stream.indirect.gather [hbm4b:s5+s16], $0x10, s8, s16, $0xb8;
	[tilespmem:$0xB610] =	vst v63  }
0x43: {  	_ =	swait.ge [sflag:s21], $0x800  }
0x44: {  	[sflag:s21] =	ssyncset.done $0x0  }
0x45: {  	s9 =	simm.s32 $0x2800;
	[sflag:s21] =	ssyncadd.s32 $0xFFFFF800  }
0x46: {  	[spmem:s2] =	stream.indirect.scatter.add.f32 [tilespmem:s18], [sflag:$0x9], $0x10, s9, s16, $0xb8;
	[tilespmem:$0xB610] =	vst v63  }
0x47: {  	_ =	swait.ge [sflag:s14], $0x800  }
0x48: {  	[sflag:s14] =	ssyncset.done $0x0  }
0x49: {  	s8 =	simm.s32 $0x480;
	[sflag:s14] =	ssyncadd.s32 $0xFFFFF800  }
0x4a: {  	[tilespmem:s18], [sflag:$0x2] =	stream.indirect.gather [hbm4b:s5+s16], $0x10, s8, s16, $0xb8;
	[tilespmem:$0xB610] =	vst v63  }
0x4b: {  	_ =	swait.ge [sflag:s23], $0x800  }
0x4c: {  	[sflag:s23] =	ssyncset.done $0x0  }
0x4d: {  	s9 =	simm.s32 $0x2880;
	[sflag:s23] =	ssyncadd.s32 $0xFFFFF800  }
0x4e: {  	[spmem:s2] =	stream.indirect.scatter.add.f32 [tilespmem:s20], [sflag:$0x9], $0x10, s9, s16, $0xb8;
	[tilespmem:$0xB610] =	vst v63  }
0x4f: {  	_ =	swait.ge [sflag:s14], $0x800  }
0x50: {  	[sflag:s14] =	ssyncset.done $0x0  }
0x51: {  	s8 =	simm.s32 $0x500;
	[sflag:s14] =	ssyncadd.s32 $0xFFFFF800  }
0x52: {  	[tilespmem:s20], [sflag:$0x3] =	stream.indirect.gather [hbm4b:s5+s16], $0x10, s8, s16, $0xb8;
	[tilespmem:$0xB610] =	vst v63  }
0x53: {  	_ =	swait.ge [sflag:s28], $0x800  }
0x54: {  	[sflag:s28] =	ssyncset.done $0x0  }
0x55: {  	s9 =	simm.s32 $0x2900;
	[sflag:s28] =	ssyncadd.s32 $0xFFFFF800  }
0x56: {  	[spmem:s2] =	stream.indirect.scatter.add.f32 [tilespmem:s22], [sflag:$0x9], $0x10, s9, s16, $0xb8;
	[tilespmem:$0xB610] =	vst v63  }
0x57: {  	_ =	swait.ge [sflag:s14], $0x800  }
0x58: {  	[sflag:s14] =	ssyncset.done $0x0  }
0x59: {  	s8 =	simm.s32 $0x580;
	[sflag:s14] =	ssyncadd.s32 $0xFFFFF800  }
0x5a: {  	[tilespmem:s22], [sflag:$0x4] =	stream.indirect.gather [hbm4b:s5+s16], $0x10, s8, s16, $0xb8;
	[tilespmem:$0xB610] =	vst v63  }
0x5b: {  	_ =	swait.ge [sflag:s30], $0x800  }
0x5c: {  	[sflag:s30] =	ssyncset.done $0x0  }
0x5d: {  	s9 =	simm.s32 $0x2980;
	[sflag:s30] =	ssyncadd.s32 $0xFFFFF800  }
0x5e: {  	[spmem:s2] =	stream.indirect.scatter.add.f32 [tilespmem:s26], [sflag:$0x9], $0x10, s9, s16, $0xb8;
	[tilespmem:$0xB610] =	vst v63  }
0x5f: {  	_ =	swait.ge [sflag:s14], $0x800  }
0x60: {  	[sflag:s14] =	ssyncset.done $0x0  }
0x61: {  	s8 =	simm.s32 $0x600;
	[sflag:s14] =	ssyncadd.s32 $0xFFFFF800  }
0x62: {  	[tilespmem:s26], [sflag:$0x5] =	stream.indirect.gather [hbm4b:s5+s16], $0x10, s8, s16, $0xb8;
	[tilespmem:$0xB610] =	vst v63  }
0x63: {  	_ =	swait.ge [sflag:s0], $0x800  }
0x64: {  	[sflag:s0] =	ssyncset.done $0x0  }
0x65: {  	s9 =	simm.s32 $0x2A00;
	[sflag:s0] =	ssyncadd.s32 $0xFFFFF800  }
0x66: {  	[spmem:s2] =	stream.indirect.scatter.add.f32 [tilespmem:s29], [sflag:$0x9], $0x10, s9, s16, $0xb8;
	[tilespmem:$0xB610] =	vst v63  }
0x67: {  	_ =	swait.ge [sflag:s14], $0x800  }
0x68: {  	[sflag:s14] =	ssyncset.done $0x0  }
0x69: {  	s8 =	simm.s32 $0x680;
	[sflag:s14] =	ssyncadd.s32 $0xFFFFF800  }
0x6a: {  	[tilespmem:s29], [sflag:$0x6] =	stream.indirect.gather [hbm4b:s5+s16], $0x10, s8, s16, $0xb8;
	[tilespmem:$0xB610] =	vst v63  }
0x6b: {  	_ =	swait.ge [sflag:s3], $0x800  }
0x6c: {  	[sflag:s3] =	ssyncset.done $0x0  }
0x6d: {  	s9 =	simm.s32 $0x2A80;
	[sflag:s3] =	ssyncadd.s32 $0xFFFFF800  }
0x6e: {  	[spmem:s2] =	stream.indirect.scatter.add.f32 [tilespmem:s31], [sflag:$0x9], $0x10, s9, s16, $0xb8;
	[tilespmem:$0xB610] =	vst v63  }
0x6f: {  	_ =	swait.ge [sflag:s14], $0x800  }
0x70: {  	[sflag:s14] =	ssyncset.done $0x0  }
0x71: {  	s8 =	simm.s32 $0x700;
	[sflag:s14] =	ssyncadd.s32 $0xFFFFF800  }
0x72: {  	[tilespmem:s31], [sflag:$0x7] =	stream.indirect.gather [hbm4b:s5+s16], $0x10, s8, s16, $0xb8;
	[tilespmem:$0xB610] =	vst v63  }
0x73: {  	_ =	swait.ge [sflag:s1], $0x800  }
0x74: {  	[sflag:s1] =	ssyncset.done $0x0  }
0x75: {  	s9 =	simm.s32 $0x2B00;
	[sflag:s1] =	ssyncadd.s32 $0xFFFFF800  }
0x76: {  	[spmem:s2] =	stream.indirect.scatter.add.f32 [tilespmem:s15], [sflag:$0x9], $0x10, s9, s16, $0xb8;
	[tilespmem:$0xB610] =	vst v63  }
0x77: {  	_ =	swait.ge [sflag:s14], $0x800  }
0x78: {  	[sflag:s14] =	ssyncset.done $0x0  }
0x79: {  	s7 =	simm.s32 $0x1000;
	s8 =	simm.s32 $0x780;
	[sflag:s14] =	ssyncadd.s32 $0xFFFFF800  }
.LBB2_2:
0x7a: {  	[tilespmem:s15], [sflag:$0x8] =	stream.indirect.gather [hbm4b:s5+s16], $0x10, s8, s16, $0xb8;
	[tilespmem:$0xB610] =	vst v63  }
0x7b: {  	s8 =	smov.u32 s7  }
0x7c: {  	p3 =	sne.s32 s7, $0x7000;
	s7 =	sadd.s32 $0x1000, s7;
	_ =	swait.ge [sflag:s19], $0x800  }
0x7d: {  	s8 =	sshra.s32 s8, $0x2;
	[sflag:s19] =	ssyncset.done $0x0  }
0x7e: {  	s9 =	sadd.s32 $0x2780, s8;
	[sflag:s19] =	ssyncadd.s32 $0xFFFFF800  }
0x7f: {  	[spmem:s2] =	stream.indirect.scatter.add.f32 [tilespmem:s17], [sflag:$0x9], $0x10, s9, s16, $0xb8;
	[tilespmem:$0xB610] =	vst v63  }
0x80: {  	_ =	swait.ge [sflag:s14], $0x800  }
0x81: {  	[sflag:s14] =	ssyncset.done $0x0  }
0x82: {  	s9 =	sadd.s32 $0x400, s8;
	[sflag:s14] =	ssyncadd.s32 $0xFFFFF800  }
0x83: {  	[tilespmem:s17], [sflag:$0x1] =	stream.indirect.gather [hbm4b:s5+s16], $0x10, s9, s16, $0xb8;
	[tilespmem:$0xB610] =	vst v63  }
0x84: {  	_ =	swait.ge [sflag:s21], $0x800  }
0x85: {  	[sflag:s21] =	ssyncset.done $0x0  }
0x86: {  	s9 =	sadd.s32 $0x2800, s8;
	[sflag:s21] =	ssyncadd.s32 $0xFFFFF800  }
0x87: {  	[spmem:s2] =	stream.indirect.scatter.add.f32 [tilespmem:s18], [sflag:$0x9], $0x10, s9, s16, $0xb8;
	[tilespmem:$0xB610] =	vst v63  }
0x88: {  	_ =	swait.ge [sflag:s14], $0x800  }
0x89: {  	[sflag:s14] =	ssyncset.done $0x0  }
0x8a: {  	s9 =	sadd.s32 $0x480, s8;
	[sflag:s14] =	ssyncadd.s32 $0xFFFFF800  }
0x8b: {  	[tilespmem:s18], [sflag:$0x2] =	stream.indirect.gather [hbm4b:s5+s16], $0x10, s9, s16, $0xb8;
	[tilespmem:$0xB610] =	vst v63  }
0x8c: {  	_ =	swait.ge [sflag:s23], $0x800  }
0x8d: {  	[sflag:s23] =	ssyncset.done $0x0  }
0x8e: {  	s9 =	sadd.s32 $0x2880, s8;
	[sflag:s23] =	ssyncadd.s32 $0xFFFFF800  }
0x8f: {  	[spmem:s2] =	stream.indirect.scatter.add.f32 [tilespmem:s20], [sflag:$0x9], $0x10, s9, s16, $0xb8;
	[tilespmem:$0xB610] =	vst v63  }
0x90: {  	_ =	swait.ge [sflag:s14], $0x800  }
0x91: {  	[sflag:s14] =	ssyncset.done $0x0  }
0x92: {  	s9 =	sadd.s32 $0x500, s8;
	[sflag:s14] =	ssyncadd.s32 $0xFFFFF800  }
0x93: {  	[tilespmem:s20], [sflag:$0x3] =	stream.indirect.gather [hbm4b:s5+s16], $0x10, s9, s16, $0xb8;
	[tilespmem:$0xB610] =	vst v63  }
0x94: {  	_ =	swait.ge [sflag:s28], $0x800  }
0x95: {  	[sflag:s28] =	ssyncset.done $0x0  }
0x96: {  	s9 =	sadd.s32 $0x2900, s8;
	[sflag:s28] =	ssyncadd.s32 $0xFFFFF800  }
0x97: {  	[spmem:s2] =	stream.indirect.scatter.add.f32 [tilespmem:s22], [sflag:$0x9], $0x10, s9, s16, $0xb8;
	[tilespmem:$0xB610] =	vst v63  }
0x98: {  	_ =	swait.ge [sflag:s14], $0x800  }
0x99: {  	[sflag:s14] =	ssyncset.done $0x0  }
0x9a: {  	s9 =	sadd.s32 $0x580, s8;
	[sflag:s14] =	ssyncadd.s32 $0xFFFFF800  }
0x9b: {  	[tilespmem:s22], [sflag:$0x4] =	stream.indirect.gather [hbm4b:s5+s16], $0x10, s9, s16, $0xb8;
	[tilespmem:$0xB610] =	vst v63  }
0x9c: {  	_ =	swait.ge [sflag:s30], $0x800  }
0x9d: {  	[sflag:s30] =	ssyncset.done $0x0  }
0x9e: {  	s9 =	sadd.s32 $0x2980, s8;
	[sflag:s30] =	ssyncadd.s32 $0xFFFFF800  }
0x9f: {  	[spmem:s2] =	stream.indirect.scatter.add.f32 [tilespmem:s26], [sflag:$0x9], $0x10, s9, s16, $0xb8;
	[tilespmem:$0xB610] =	vst v63  }
0xa0: {  	_ =	swait.ge [sflag:s14], $0x800  }
0xa1: {  	[sflag:s14] =	ssyncset.done $0x0  }
0xa2: {  	s9 =	sadd.s32 $0x600, s8;
	[sflag:s14] =	ssyncadd.s32 $0xFFFFF800  }
0xa3: {  	[tilespmem:s26], [sflag:$0x5] =	stream.indirect.gather [hbm4b:s5+s16], $0x10, s9, s16, $0xb8;
	[tilespmem:$0xB610] =	vst v63  }
0xa4: {  	_ =	swait.ge [sflag:s0], $0x800  }
0xa5: {  	[sflag:s0] =	ssyncset.done $0x0  }
0xa6: {  	s9 =	sadd.s32 $0x2A00, s8;
	[sflag:s0] =	ssyncadd.s32 $0xFFFFF800  }
0xa7: {  	[spmem:s2] =	stream.indirect.scatter.add.f32 [tilespmem:s29], [sflag:$0x9], $0x10, s9, s16, $0xb8;
	[tilespmem:$0xB610] =	vst v63  }
0xa8: {  	_ =	swait.ge [sflag:s14], $0x800  }
0xa9: {  	[sflag:s14] =	ssyncset.done $0x0  }
0xaa: {  	s9 =	sadd.s32 $0x680, s8;
	[sflag:s14] =	ssyncadd.s32 $0xFFFFF800  }
0xab: {  	[tilespmem:s29], [sflag:$0x6] =	stream.indirect.gather [hbm4b:s5+s16], $0x10, s9, s16, $0xb8;
	[tilespmem:$0xB610] =	vst v63  }
0xac: {  	_ =	swait.ge [sflag:s3], $0x800  }
0xad: {  	[sflag:s3] =	ssyncset.done $0x0  }
0xae: {  	s9 =	sadd.s32 $0x2A80, s8;
	[sflag:s3] =	ssyncadd.s32 $0xFFFFF800  }
0xaf: {  	[spmem:s2] =	stream.indirect.scatter.add.f32 [tilespmem:s31], [sflag:$0x9], $0x10, s9, s16, $0xb8;
	[tilespmem:$0xB610] =	vst v63  }
0xb0: {  	_ =	swait.ge [sflag:s14], $0x800  }
0xb1: {  	[sflag:s14] =	ssyncset.done $0x0  }
0xb2: {  	s9 =	sadd.s32 $0x700, s8;
	[sflag:s14] =	ssyncadd.s32 $0xFFFFF800  }
0xb3: {  	[tilespmem:s31], [sflag:$0x7] =	stream.indirect.gather [hbm4b:s5+s16], $0x10, s9, s16, $0xb8;
	[tilespmem:$0xB610] =	vst v63  }
0xb4: {  	_ =	swait.ge [sflag:s1], $0x800  }
0xb5: {  	[sflag:s1] =	ssyncset.done $0x0  }
.Ltmp0:
0xb6: {  	s9 =	sadd.s32 $0x2B00, s8;
	[sflag:s1] =	ssyncadd.s32 $0xFFFFF800;
	(pc) =	sbr.rel @p3 .LBB2_2-.Ltmp0, $4  }
0xb7: {  	[spmem:s2] =	stream.indirect.scatter.add.f32 [tilespmem:s15], [sflag:$0x9], $0x10, s9, s16, $0xb8;
	[tilespmem:$0xB610] =	vst v63  }
0xb8: {  	_ =	swait.ge [sflag:s14], $0x800  }
0xb9: {  	[sflag:s14] =	ssyncset.done $0x0  }
0xba: {  	s8 =	sadd.s32 $0x780, s8;
	[sflag:s14] =	ssyncadd.s32 $0xFFFFF800  }
0xbb: {  	[tilespmem:s15], [sflag:$0x8] =	stream.indirect.gather [hbm4b:s5+s16], $0x10, s8, s16, $0xb8;
	[tilespmem:$0xB610] =	vst v63  }
0xbc: {  	_ =	swait.ge [sflag:s19], $0x800  }
0xbd: {  	[sflag:s19] =	ssyncset.done $0x0  }
0xbe: {  	s7 =	simm.s32 $0x4780;
	[sflag:s19] =	ssyncadd.s32 $0xFFFFF800  }
0xbf: {  	[spmem:s2] =	stream.indirect.scatter.add.f32 [tilespmem:s17], [sflag:$0x9], $0x10, s7, s16, $0xb8;
	[tilespmem:$0xB610] =	vst v63  }
0xc0: {  	_ =	swait.ge [sflag:s14], $0x800  }
0xc1: {  	[sflag:s14] =	ssyncset.done $0x0  }
0xc2: {  	s8 =	simm.s32 $0x2400;
	[sflag:s14] =	ssyncadd.s32 $0xFFFFF800  }
0xc3: {  	[tilespmem:s17], [sflag:$0x1] =	stream.indirect.gather [hbm4b:s5+s16], $0x10, s8, s16, $0xb8;
	[tilespmem:$0xB610] =	vst v63  }
0xc4: {  	_ =	swait.ge [sflag:s21], $0x800  }
0xc5: {  	[sflag:s21] =	ssyncset.done $0x0  }
0xc6: {  	s9 =	simm.s32 $0x4800;
	[sflag:s21] =	ssyncadd.s32 $0xFFFFF800  }
0xc7: {  	[spmem:s2] =	stream.indirect.scatter.add.f32 [tilespmem:s18], [sflag:$0x9], $0x10, s9, s16, $0xb8;
	[tilespmem:$0xB610] =	vst v63  }
0xc8: {  	_ =	swait.ge [sflag:s14], $0x800  }
0xc9: {  	[sflag:s14] =	ssyncset.done $0x0  }
0xca: {  	s8 =	simm.s32 $0x2480;
	[sflag:s14] =	ssyncadd.s32 $0xFFFFF800  }
0xcb: {  	[tilespmem:s18], [sflag:$0x2] =	stream.indirect.gather [hbm4b:s5+s16], $0x10, s8, s16, $0xb8;
	[tilespmem:$0xB610] =	vst v63  }
0xcc: {  	_ =	swait.ge [sflag:s23], $0x800  }
0xcd: {  	[sflag:s23] =	ssyncset.done $0x0  }
0xce: {  	s9 =	simm.s32 $0x4880;
	[sflag:s23] =	ssyncadd.s32 $0xFFFFF800  }
0xcf: {  	[spmem:s2] =	stream.indirect.scatter.add.f32 [tilespmem:s20], [sflag:$0x9], $0x10, s9, s16, $0xb8;
	[tilespmem:$0xB610] =	vst v63  }
0xd0: {  	_ =	swait.ge [sflag:s14], $0x800  }
0xd1: {  	[sflag:s14] =	ssyncset.done $0x0  }
0xd2: {  	s8 =	simm.s32 $0x2500;
	[sflag:s14] =	ssyncadd.s32 $0xFFFFF800  }
0xd3: {  	[tilespmem:s20], [sflag:$0x3] =	stream.indirect.gather [hbm4b:s5+s16], $0x10, s8, s16, $0xb8;
	[tilespmem:$0xB610] =	vst v63  }
0xd4: {  	_ =	swait.ge [sflag:s28], $0x800  }
0xd5: {  	[sflag:s28] =	ssyncset.done $0x0  }
0xd6: {  	s9 =	simm.s32 $0x4900;
	[sflag:s28] =	ssyncadd.s32 $0xFFFFF800  }
0xd7: {  	[spmem:s2] =	stream.indirect.scatter.add.f32 [tilespmem:s22], [sflag:$0x9], $0x10, s9, s16, $0xb8;
	[tilespmem:$0xB610] =	vst v63  }
0xd8: {  	_ =	swait.ge [sflag:s14], $0x800  }
0xd9: {  	[sflag:s14] =	ssyncset.done $0x0  }
0xda: {  	s8 =	simm.s32 $0x2580;
	[sflag:s14] =	ssyncadd.s32 $0xFFFFF800  }
0xdb: {  	[tilespmem:s22], [sflag:$0x4] =	stream.indirect.gather [hbm4b:s5+s16], $0x10, s8, s16, $0xb8;
	[tilespmem:$0xB610] =	vst v63  }
0xdc: {  	_ =	swait.ge [sflag:s30], $0x800  }
0xdd: {  	[sflag:s30] =	ssyncset.done $0x0  }
0xde: {  	s9 =	simm.s32 $0x4980;
	[sflag:s30] =	ssyncadd.s32 $0xFFFFF800  }
0xdf: {  	[spmem:s2] =	stream.indirect.scatter.add.f32 [tilespmem:s26], [sflag:$0x9], $0x10, s9, s16, $0xb8;
	[tilespmem:$0xB610] =	vst v63  }
0xe0: {  	_ =	swait.ge [sflag:s14], $0x800  }
0xe1: {  	[sflag:s14] =	ssyncset.done $0x0  }
0xe2: {  	s8 =	simm.s32 $0x2600;
	[sflag:s14] =	ssyncadd.s32 $0xFFFFF800  }
0xe3: {  	[tilespmem:s26], [sflag:$0x5] =	stream.indirect.gather [hbm4b:s5+s16], $0x10, s8, s16, $0xb8;
	[tilespmem:$0xB610] =	vst v63  }
0xe4: {  	_ =	swait.ge [sflag:s0], $0x800  }
0xe5: {  	[sflag:s0] =	ssyncset.done $0x0  }
0xe6: {  	s9 =	simm.s32 $0x4A00;
	[sflag:s0] =	ssyncadd.s32 $0xFFFFF800  }
0xe7: {  	[spmem:s2] =	stream.indirect.scatter.add.f32 [tilespmem:s29], [sflag:$0x9], $0x10, s9, s16, $0xb8;
	[tilespmem:$0xB610] =	vst v63  }
0xe8: {  	_ =	swait.ge [sflag:s14], $0x800  }
0xe9: {  	[sflag:s14] =	ssyncset.done $0x0  }
0xea: {  	s8 =	simm.s32 $0x2680;
	[sflag:s14] =	ssyncadd.s32 $0xFFFFF800  }
0xeb: {  	[tilespmem:s29], [sflag:$0x6] =	stream.indirect.gather [hbm4b:s5+s16], $0x10, s8, s16, $0xb8;
	[tilespmem:$0xB610] =	vst v63  }
0xec: {  	_ =	swait.ge [sflag:s3], $0x800  }
0xed: {  	[sflag:s3] =	ssyncset.done $0x0  }
0xee: {  	s9 =	simm.s32 $0x4A80;
	[sflag:s3] =	ssyncadd.s32 $0xFFFFF800  }
0xef: {  	[spmem:s2] =	stream.indirect.scatter.add.f32 [tilespmem:s31], [sflag:$0x9], $0x10, s9, s16, $0xb8;
	[tilespmem:$0xB610] =	vst v63  }
0xf0: {  	_ =	swait.ge [sflag:s14], $0x800  }
0xf1: {  	s7 =	simm.s32 @!p1 $0x80;
	[sflag:s14] =	ssyncset.done $0x0  }
0xf2: {  	s8 =	simm.s32 @!p1 $0x2700;
	s9 =	simm.s32 @!p1 $0x7F00;
	[sflag:s14] =	ssyncadd.s32 $0xFFFFF800  }
0xf3: {  	[tilespmem:s9], [sflag:$0x7] =	stream.indirect.gather @!p1 [hbm4b:s5+s7], $0x10, s8, s7, $0xb8;
	[tilespmem:$0xB610] =	vst v63  }
0xf4: {  	_ =	swait.ge [sflag:s1], $0x800  }
0xf5: {  	[sflag:s1] =	ssyncset.done $0x0  }
0xf6: {  	s8 =	simm.s32 $0x4B00;
	[sflag:s1] =	ssyncadd.s32 $0xFFFFF800  }
0xf7: {  	[spmem:s2] =	stream.indirect.scatter.add.f32 [tilespmem:s15], [sflag:$0x9], $0x10, s8, s16, $0xb8;
	[tilespmem:$0xB610] =	vst v63  }
0xf8: {  	_ =	swait.ge [sflag:s14], $0x800  }
0xf9: {  	[sflag:s14] =	ssyncset.done $0x0  }
0xfa: {  	[sflag:s14] =	ssyncadd.s32 $0xFFFFF800  }
0xfb: {  	_ =	swait.ge [sflag:s19], $0x800  }
0xfc: {  	[sflag:s19] =	ssyncset.done $0x0  }
0xfd: {  	s8 =	simm.s32 $0x4B80;
	[sflag:s19] =	ssyncadd.s32 $0xFFFFF800  }
0xfe: {  	[spmem:s2] =	stream.indirect.scatter.add.f32 [tilespmem:s17], [sflag:$0x9], $0x10, s8, s16, $0xb8;
	[tilespmem:$0xB610] =	vst v63  }
0xff: {  	_ =	swait.ge [sflag:s14], $0x800  }
0x100: {  	[sflag:s14] =	ssyncset.done $0x0  }
0x101: {  	[sflag:s14] =	ssyncadd.s32 $0xFFFFF800  }
0x102: {  	_ =	swait.ge [sflag:s21], $0x800  }
0x103: {  	[sflag:s21] =	ssyncset.done $0x0  }
0x104: {  	s8 =	simm.s32 $0x4C00;
	[sflag:s21] =	ssyncadd.s32 $0xFFFFF800  }
0x105: {  	[spmem:s2] =	stream.indirect.scatter.add.f32 [tilespmem:s18], [sflag:$0x9], $0x10, s8, s16, $0xb8;
	[tilespmem:$0xB610] =	vst v63  }
0x106: {  	_ =	swait.ge [sflag:s14], $0x800  }
0x107: {  	[sflag:s14] =	ssyncset.done $0x0  }
0x108: {  	[sflag:s14] =	ssyncadd.s32 $0xFFFFF800  }
0x109: {  	_ =	swait.ge [sflag:s23], $0x800  }
0x10a: {  	[sflag:s23] =	ssyncset.done $0x0  }
0x10b: {  	s8 =	simm.s32 $0x4C80;
	[sflag:s23] =	ssyncadd.s32 $0xFFFFF800  }
0x10c: {  	[spmem:s2] =	stream.indirect.scatter.add.f32 [tilespmem:s20], [sflag:$0x9], $0x10, s8, s16, $0xb8;
	[tilespmem:$0xB610] =	vst v63  }
0x10d: {  	_ =	swait.ge [sflag:s14], $0x800  }
0x10e: {  	[sflag:s14] =	ssyncset.done $0x0  }
0x10f: {  	[sflag:s14] =	ssyncadd.s32 $0xFFFFF800  }
0x110: {  	_ =	swait.ge [sflag:s28], $0x800  }
0x111: {  	[sflag:s28] =	ssyncset.done $0x0  }
0x112: {  	s8 =	simm.s32 $0x4D00;
	[sflag:s28] =	ssyncadd.s32 $0xFFFFF800  }
0x113: {  	[spmem:s2] =	stream.indirect.scatter.add.f32 [tilespmem:s22], [sflag:$0x9], $0x10, s8, s16, $0xb8;
	[tilespmem:$0xB610] =	vst v63  }
0x114: {  	_ =	swait.ge [sflag:s14], $0x800  }
0x115: {  	[sflag:s14] =	ssyncset.done $0x0  }
0x116: {  	[sflag:s14] =	ssyncadd.s32 $0xFFFFF800  }
0x117: {  	_ =	swait.ge [sflag:s30], $0x800  }
0x118: {  	[sflag:s30] =	ssyncset.done $0x0  }
0x119: {  	s8 =	simm.s32 $0x4D80;
	[sflag:s30] =	ssyncadd.s32 $0xFFFFF800  }
0x11a: {  	[spmem:s2] =	stream.indirect.scatter.add.f32 [tilespmem:s26], [sflag:$0x9], $0x10, s8, s16, $0xb8;
	[tilespmem:$0xB610] =	vst v63  }
0x11b: {  	_ =	swait.ge [sflag:s14], $0x800  }
0x11c: {  	[sflag:s14] =	ssyncset.done $0x0  }
0x11d: {  	[sflag:s14] =	ssyncadd.s32 $0xFFFFF800  }
0x11e: {  	_ =	swait.ge [sflag:s0], $0x800  }
0x11f: {  	[sflag:s0] =	ssyncset.done $0x0  }
0x120: {  	s8 =	simm.s32 $0x4E00;
	[sflag:s0] =	ssyncadd.s32 $0xFFFFF800  }
0x121: {  	[spmem:s2] =	stream.indirect.scatter.add.f32 [tilespmem:s29], [sflag:$0x9], $0x10, s8, s16, $0xb8;
	[tilespmem:$0xB610] =	vst v63  }
0x122: {  	_ =	swait.ge [sflag:s14], $0x800  }
0x123: {  	[sflag:s14] =	ssyncset.done $0x0  }
0x124: {  	s8 =	simm.s32 @!p1 $0x7;
	[sflag:s14] =	ssyncadd.s32 $0xFFFFF800  }
0x125: {  	_ =	swait.ge @!p1 [sflag:s8], $0x800  }
0x126: {  	[sflag:s8] =	ssyncset.done @!p1 $0x0  }
0x127: {  	[sflag:s8] =	ssyncadd.s32 @!p1 $0xFFFFF800;
	s8 =	simm.s32 @!p1 $0x4E80  }
0x128: {  	[spmem:s2] =	stream.indirect.scatter.add.f32 @!p1 [tilespmem:s9], [sflag:$0x9], $0x10, s8, s7, $0xb8;
	[tilespmem:$0xB610] =	vst v63  }
0x129: {  	s7 =	simm.s32 @!p1 $0x9  }
0x12a: {  	_ =	swait.ge @!p1 [sflag:s7], $0x800  }
0x12b: {  	[sflag:s7] =	ssyncset.done @!p1 $0x0  }
0x12c: {  	s8 =	stileid.u32;
	[sflag:s7] =	ssyncadd.s32 @!p1 $0xFFFFF800  }
0x12d: {  	s7 =	sshll.u32 s8, $0x6;
	[bflag:$0x0] =	sbarrier.arrive $0xFFFF  }
0x12e: {  	s7 =	sor.u32 $0x1C09, s7;
	s9 =	rddreg [dreg:$0x6]  }
0x12f: {  	[hbm:s9], [sflag:s7] =	dma.local [spmem:s24], $0x4E0  }
0x130: {  	_ =	swait.ge [sflag:s14], $0x4E0  }
0x131: {  	s6 =	sadd.s32 $0x1, s6;
	[sflag:s14] =	ssyncset.done $0x0  }
0x132: {  	p3 =	sne.s32 s6, s10;
	s8 =	rddreg [dreg:$0x7];
	[sflag:s14] =	ssyncadd.s32 $0xFFFFFB20  }
0x133: {  	[hbm:s8], [sflag:s7] =	dma.local @!p2 [spmem:s25], $0x20  }
.Ltmp1:
0x134: {  	_ = 	snop;
	(pc) =	sbr.rel @p3 .LBB2_1-.Ltmp1, $4  }
0x135: {  	s7 =	simm.s32 @!p2 $0x9  }
0x136: {  	_ =	swait.ge @!p2 [sflag:s7], $0x20  }
0x137: {  	[sflag:s7] =	ssyncset.done @!p2 $0x0  }
0x138: {  	[sflag:s7] =	ssyncadd.s32 @!p2 $0xFFFFFFE0  }
0x139: {  	_ =	sfence.sel $0x180000  }
0x13a: {  	[bflag:$0x0] =	sbarrier.arrive $0xFFFF  }
0x13b: {  	_ =	strace $0x90000050  }
0x13c: {  	s0 =	stileid.u32;
	[bflag:$0x2] =	sbarrier.arrive $0xFFFF  }
0x13d: {  	p0 =	sne.s32 s0, $0x0;
	s0 =	rddreg [dreg:$0x3]  }
0x13e: {  	s0 =	sadd.s32 @!p0 $0x100000, s0  }
0x13f: {  	[sflag:s0] =	ssyncadd.tile.s32 @!p0 $0x1;
	_ =	shalt  }
.Lfunc_end2:
_tile_overlayer_lowered:
.L_overlay_start_2:
0x140: {  	(tag) =	ssettag $0x2  }
0x141: {  	s0 =	rddreg [dreg:$0x0];
	s2 =	stileid.u32  }
0x142: {  	s1 =	rddreg [dreg:$0x1];
	p0 =	sne.s32 s2, $0x0  }
0x143: {  	s3 =	rddreg [dreg:$0x2];
	[bflag:$0x3] =	sbarrier.arrive $0xFFFF;
	s2 =	simm.s32 @!p0 $0x1C09  }
0x144: {  	[timem:s3], [sflag:s2] =	dma.local @!p0 [hbm:s0], s1  }
0x145: {  	s0 =	simm.s32 @!p0 $0x9  }
0x146: {  	_ =	swait.ge @!p0 [sflag:s0], s1  }
0x147: {  	s1 =	ssub.s32 @!p0 $0x0, s1;
	[sflag:s0] =	ssyncset.done @!p0 $0x0  }
0x148: {  	[sflag:s0] =	ssyncadd.s32 @!p0 s1  }
0x149: {  	[bflag:$0x3] =	sbarrier.arrive $0xFFFF  }
0x14a: {  	_ =	shalt  }

// kernel: kernel.8.cloned.1.call-start
scs
__scs_entry_jumppad:
0x0: {  	(pc) =	sbr.rel $0x88, $3  }
0x1: {  	(tag) =	ssettag $0x0;
	lr =	simm.s32 $0x1  }
0x2: {  	[smem:$0x3F93] =	sst lr;
	_ =	strace $0xD0000000  }
0x3: {  	_ = 	snop  }
0x4: {  	_ = 	snop  }
0x5: {  	_ = 	snop  }
0x6: {  	_ = 	snop  }
0x7: {  	_ = 	snop  }
__scs_overlays_trampoline_lowered:
0x8: {  	[smem:$0x3FA2] =	sst s0  }
0x9: {  	[smem:$0x3FA3] =	sst s1  }
0xa: {  	[smem:$0x3FA4] =	sst s2  }
0xb: {  	[smem:$0x3FA5] =	sst s3  }
0xc: {  	[smem:$0x3FA6] =	sst s4  }
0xd: {  	[smem:$0x3FA7] =	sst s5  }
0xe: {  	[smem:$0x3FA8] =	sst s6  }
0xf: {  	[smem:$0x3FA9] =	sst s7  }
0x10: {  	[smem:$0x3FAA] =	sst s8  }
0x11: {  	[smem:$0x3FAB] =	sst s9;
	s0 =	simm.s32 @!p0 $0x0  }
0x12: {  	s1 =	sld [smem:$0x3F91];
	s0 =	simm.s32 @p0 $0x1  }
0x13: {  	[smem:$0x3FAC] =	sst s0;
	s0 =	simm.s32 @!p1 $0x0  }
0x14: {  	s2 =	sld [smem:$0x3F90];
	s0 =	simm.s32 @p1 $0x1  }
0x15: {  	[smem:$0x3FAD] =	sst s0;
	s0 =	simm.s32 @!p2 $0x0  }
0x16: {  	s3 =	sld [smem:$0x3FDB];
	s0 =	simm.s32 @p2 $0x1  }
0x17: {  	s4 =	simm.s32 $0x1BF5;
	[smem:$0x3FAF] =	sst s0  }
0x18: {  	s0 =	sld [smem:$0x3F92];
	_ =	swait.ge [sflag:s4], $0x0  }
0x19: {  	s7 =	sld [smem:$0x3F93]  }
0x1a: {  	s8 =	sadd.s32 $0xFFFFE003, lr  }
0x1b: {  	s9 =	sadd.s32 $0xFFFFFEF7, lr;
	s5 =	simm.s32 $0xFFFFFFFF;
	p2 =	slt.u32 s8, $0xFFFFF086  }
0x1c: {  	p1 =	slt.u32 s9, $0xF7A;
	s5 =	simm.s32 @!p2 $0x0  }
0x1d: {  	s5 =	simm.s32 @p1 $0x1;
	p0 =	seq.s32 s7, s2  }
0x1e: {  	s7 =	smul.u32 @!p0 $0xF7A, s2;
	p2 =	seq.s32 @!p0 s5, $0x0  }
0x1f: {  	s9 =	smul.u32 $0xF7A, s1;
	s8 =	simm.s32 @!p0 $0x1BF5;
	p2 =	por !p2, p0  }
0x20: {  	[sflag:s8] =	ssyncset.s32 @!p0 $0xFFFFF086;
	s6 =	sadd.s32 @!p0 s3, s7;
	s7 =	simm.s32 @!p0 $0x108  }
0x21: {  	s3 =	sadd.s32 s3, s9;
	s6 =	sadd.s32 @!p0 $0x88, s6;
	s7 =	simm.s32 @p2 $0x1082  }
0x22: {  	[simem:s7], [sflag:s8] =	dma.local @!p0 [hbm:s6], $0xF7A  }
0x23: {  	s9 =	sor.u32 $0xD0000000, s2;
	s6 =	simm.s32 $0x108;
	_ =	swait.ge @!p0 [sflag:s8], $0x0  }
0x24: {  	s3 =	sadd.s32 $0x88, s3;
	s6 =	simm.s32 @!p1 $0x1082;
	[sflag:s4] =	ssyncset.s32 $0xFFFFF086  }
0x25: {  	[simem:s6], [sflag:s4] =	dma.local [hbm:s3], $0xF7A  }
0x26: {  	[smem:$0x3F93] =	sst s1;
	(tag) =	ssettag s2;
	_ =	strace s9  }
0x27: {  	s1 =	sld [smem:$0x3FA3]  }
0x28: {  	s2 =	sld [smem:$0x3FA4]  }
0x29: {  	s4 =	sld [smem:$0x3FA6]  }
0x2a: {  	p0 =	seq.s32 s5, $0x0;
	s5 =	sld [smem:$0x3FA7]  }
0x2b: {  	s6 =	sld [smem:$0x3FA8]  }
0x2c: {  	s7 =	sld [smem:$0x3FA9]  }
0x2d: {  	s3 =	simm.s32 $0x108;
	s8 =	sld [smem:$0x3FAA]  }
0x2e: {  	s3 =	simm.s32 @!p0 $0x1082;
	s9 =	sld [smem:$0x3FAB]  }
0x2f: {  	lr =	sadd.s32 s0, s3;
	s0 =	sld [smem:$0x3FA2]  }
0x30: {  	s3 =	sld [smem:$0x3FA5]  }
0x31: {  	[smem:$0x3FAE] =	sst s10  }
0x32: {  	s10 =	sld [smem:$0x3FAC];
	_ =	sdelay $0x3  }
0x33: {  	p0 =	seq.s32 s10, $0x1;
	s10 =	sld [smem:$0x3FAE];
	_ =	sdelay $0x3  }
0x34: {  	[smem:$0x3FAE] =	sst s10  }
0x35: {  	s10 =	sld [smem:$0x3FAD];
	_ =	sdelay $0x3  }
0x36: {  	p1 =	seq.s32 s10, $0x1;
	s10 =	sld [smem:$0x3FAE];
	_ =	sdelay $0x3  }
0x37: {  	[smem:$0x3FAE] =	sst s10  }
0x38: {  	s10 =	sld [smem:$0x3FAF]  }
0x39: {  	_ = 	snop;
	(pc) =	sbr.ind lr, $3  }
0x3a: {  	_ = 	snop  }
0x3b: {  	_ = 	snop  }
0x3c: {  	p2 =	seq.s32 s10, $0x1;
	s10 =	sld [smem:$0x3FAE]  }
0x3d: {  	_ =	shalt  }
0x3e: {  	_ =	shalt  }
0x3f: {  	_ =	shalt  }
0x40: {  	_ =	shalt  }
0x41: {  	_ =	shalt  }
0x42: {  	_ =	shalt  }
0x43: {  	_ =	shalt  }
0x44: {  	_ =	shalt  }
0x45: {  	_ =	shalt  }
0x46: {  	_ =	shalt  }
0x47: {  	_ =	shalt  }
0x48: {  	_ =	shalt  }
0x49: {  	_ =	shalt  }
0x4a: {  	_ =	shalt  }
0x4b: {  	_ =	shalt  }
0x4c: {  	_ =	shalt  }
0x4d: {  	_ =	shalt  }
0x4e: {  	_ =	shalt  }
0x4f: {  	_ =	shalt  }
0x50: {  	_ =	shalt  }
0x51: {  	_ =	shalt  }
0x52: {  	_ =	shalt  }
0x53: {  	_ =	shalt  }
0x54: {  	_ =	shalt  }
0x55: {  	_ =	shalt  }
0x56: {  	_ =	shalt  }
0x57: {  	_ =	shalt  }
0x58: {  	_ =	shalt  }
0x59: {  	_ =	shalt  }
0x5a: {  	_ =	shalt  }
0x5b: {  	_ =	shalt  }
0x5c: {  	_ =	shalt  }
0x5d: {  	_ =	shalt  }
0x5e: {  	_ =	shalt  }
0x5f: {  	_ =	shalt  }
0x60: {  	_ =	shalt  }
0x61: {  	_ =	shalt  }
0x62: {  	_ =	shalt  }
0x63: {  	_ =	shalt  }
0x64: {  	_ =	shalt  }
0x65: {  	_ =	shalt  }
0x66: {  	_ =	shalt  }
0x67: {  	_ =	shalt  }
0x68: {  	_ =	shalt  }
0x69: {  	_ =	shalt  }
0x6a: {  	_ =	shalt  }
0x6b: {  	_ =	shalt  }
0x6c: {  	_ =	shalt  }
0x6d: {  	_ =	shalt  }
0x6e: {  	_ =	shalt  }
0x6f: {  	_ =	shalt  }
0x70: {  	_ =	shalt  }
0x71: {  	_ =	shalt  }
0x72: {  	_ =	shalt  }
0x73: {  	_ =	shalt  }
0x74: {  	_ =	shalt  }
0x75: {  	_ =	shalt  }
0x76: {  	_ =	shalt  }
0x77: {  	_ =	shalt  }
0x78: {  	_ =	shalt  }
0x79: {  	_ =	shalt  }
0x7a: {  	_ =	shalt  }
0x7b: {  	_ =	shalt  }
0x7c: {  	_ =	shalt  }
0x7d: {  	_ =	shalt  }
0x7e: {  	_ =	shalt  }
0x7f: {  	_ =	shalt  }
0x80: {  	_ =	shalt  }
0x81: {  	_ =	shalt  }
0x82: {  	_ =	shalt  }
0x83: {  	_ =	shalt  }
0x84: {  	_ =	shalt  }
0x85: {  	_ =	shalt  }
0x86: {  	_ =	shalt  }
0x87: {  	_ =	shalt  }
.Lfunc_end0:
.L_simem_size_0:
called_computation_lowered:
.L_overlay_start_0:
0x88: {  	s2 =	sld [smem:$0x3FD9]  }
0x89: {  	s3 =	sld [smem:$0x3FFE];
	_ =	sdelay $0x1  }
0x8a: {  	s1 =	srdreg.scid  }
0x8b: {  	s0 =	sand.u32 $0x1, s1  }
0x8c: {  	s14 =	sshll.u32 s0, $0xA;
	s2 =	sadd.s32 s3, s2  }
0x8d: {  	s2 =	sadd.s32 s2, s14  }
0x8e: {  	[smem:$0x3FBA] =	sst s2  }
0x8f: {  	_ = 	snop  }
0x90: {  	s2 =	sld [smem:$0x3FD0];
	_ =	sdelay $0x2  }
0x91: {  	s15 =	simm.s32 $0xB;
	s4 =	simm.s32 $0x10  }
0x92: {  	[smem:s4], [sflag:s15] =	dma.local [hbm:s2], $0x1  }
0x93: {  	_ =	swait.eq [sflag:s15], $0x1  }
0x94: {  	[sflag:s15] =	ssyncset.done $0x0  }
0x95: {  	[sflag:s15] =	ssyncadd.s32 $0xFFFFFFFF  }
0x96: {  	s16 =	sld [smem:$0x11];
	(tm) =	ssettm $0x1  }
0x97: {  	s17 =	sld [smem:$0x3FFB];
	_ =	sdelay $0x3  }
0x98: {  	_ =	strace s17  }
0x99: {  	s3 =	sld [smem:$0x3FFC];
	_ =	sdelay $0x3  }
0x9a: {  	_ =	strace s3  }
0x9b: {  	s3 =	sld [smem:$0x3FFD];
	_ =	sdelay $0x3  }
0x9c: {  	_ =	strace s3  }
0x9d: {  	_ =	strace $0x8FFFFFFF  }
0x9e: {  	s18 =	sld [smem:$0x3FDB];
	_ =	sdelay $0x1  }
0x9f: {  	s19 =	simm.s32 $_scs_section_size  }
0xa0: {  	s5 =	simm.s32 $_size__tile_overlayer_lowered;
	s6 =	simm.s32 $_tile_overlayer_lowered  }
0xa1: {  	s22 =	simm.s32 $0x1BFF;
	s21 =	sshll.u32 s6, $0x1;
	s3 =	sadd.s32 s19, s18  }
0xa2: {  	s7 =	simm.s32 $0x0;
	s20 =	sshll.u32 s5, $0x1;
	s5 =	sadd.s32 s21, s3  }
0xa3: {  	[timem:s7], [sflag:s22] =	dma.local [hbm:s5], s20  }
0xa4: {  	_ =	swait.ge [sflag:s22], s20  }
0xa5: {  	s4 =	ssub.s32 $0x0, s20;
	[sflag:s22] =	ssyncset.done $0x0  }
0xa6: {  	[sflag:s22] =	ssyncadd.s32 s4;
	_ =	sdelay $0x1  }
0xa7: {  	s23 =	simm.s32 $0x1B8B  }
0xa8: {  	_ =	swait.ge [sflag:s23], $0x1  }
0xa9: {  	[sflag:s23] =	ssyncset.done $0x0  }
0xaa: {  	s25 =	simm.s32 $0x1B8E;
	s24 =	sld [smem:$0x3FFE];
	[sflag:s23] =	ssyncadd.s32 $0xFFFFFFFF  }
0xab: {  	s26 =	simm.s32 $execute0_lowered;
	[smem:$0x3FD2] =	sst s25  }
0xac: {  	s5 =	sshll.u32 s26, $0x1;
	_ =	strace $0x80000046;
	[dreg:$0x1] =	wrdreg $0xFFFFFFFF  }
0xad: {  	s28 =	simm.s32 $_size_execute0_lowered;
	s3 =	sadd.s32 s3, s5;
	[dreg:$0x0] =	wrdreg $0x0  }
0xae: {  	s5 =	sshll.u32 s28, $0x1;
	[dreg:$0x2] =	wrdreg s3  }
0xaf: {  	[dreg:$0x3] =	wrdreg s5  }
0xb0: {  	[dreg:$0x4] =	wrdreg $0xC0  }
0xb1: {  	_ =	task [dreg:s7], $0x5FFFF  }
0xb2: {  	[dreg:$0x1] =	wrdreg $0xFFFFFFFF  }
0xb3: {  	[dreg:$0x0] =	wrdreg $0x60  }
0xb4: {  	[dreg:$0x2] =	wrdreg s24  }
0xb5: {  	[dreg:$0x3] =	wrdreg s16  }
0xb6: {  	[dreg:$0x4] =	wrdreg $0x2F800  }
0xb7: {  	[dreg:$0x5] =	wrdreg $0x9  }
0xb8: {  	_ =	task.clear_ibuf [dreg:s7], $0x6FFFF;
	_ =	strace $0x90000046  }
0xb9: {  	s29 =	simm.s32 $0x9;
	_ =	strace $0x80000048  }
0xba: {  	_ =	swait.ge [sflag:s29], $0x1  }
0xbb: {  	[sflag:s29] =	ssyncadd.s32 $0xFFFFFFFF  }
0xbc: {  	_ =	strace $0x90000048  }
0xbd: {  	_ =	sfence  }
0xbe: {  	s30 =	sld [smem:$0x0];
	_ =	sdelay $0x2  }
0xbf: {  	s31 =	sshll.u32 s1, $0xD;
	s1 =	sshrl.u32 s1, $0x2  }
0xc0: {  	s3 =	sand.u32 $0x4000, s31;
	s1 =	sadd.s32 s1, s30  }
0xc1: {  	s0 =	sor.u32 s3, s0;
	s1 =	sshll.u32 s1, $0x11  }
0xc2: {  	s0 =	sor.u32 s1, s0  }
0xc3: {  	s0 =	sadd.s32 $0x8F2B, s0  }
0xc4: {  	[sflag:s0] =	ssyncadd.remote.s32 $0x1  }
0xc5: {  	_ =	sfence.sel $0xFFFF  }
0xc6: {  	[dreg:$0x0] =	wrdreg $0xFFFFFFFF;
	(pc) =	sbr.abs _section_cstart, $3  }
0xc7: {  	[dreg:$0x1] =	wrdreg $0xFFFFFFFF  }
0xc8: {  	_ =	task.clear_ibuf [dreg:s7], $0x2FFFF;
	_ =	strace $0x9FFFFFFF  }
0xc9: {  	(tm) =	ssettm $0x7FFFFFFF  }
tec
execute0_lowered:
.L_overlay_start_1:
0x0: {  	(tag) =	ssettag $0x1  }
0x1: {  	s5 =	rddreg [dreg:$0x0]  }
0x2: {  	s0 =	srdreg.scid;
	s2 =	rddreg [dreg:$0x1]  }
0x3: {  	s3 =	rddreg [dreg:$0x2];
	s1 =	stileid.u32;
	s4 =	simm.s32 $0x0  }
0x4: {  	s14 =	simm.s32 $0x2780;
	s15 =	simm.s32 $0x1;
	s17 =	simm.s32 $0x2480  }
0x5: {  	s18 =	simm.s32 $0x2500;
	s19 =	simm.s32 $0x2580;
	s20 =	simm.s32 $0x2600  }
0x6: {  	s21 =	simm.s32 $0x2680;
	s6 =	sand.u32 $0x1, s0;
	s0 =	rddreg [dreg:$0x3]  }
0x7: {  	s24 =	simm.s32 $0x0;
	[smem:$0x7FF] =	sst s4;
	s9 =	smul.u32 $0x9E00, s1  }
0x8: {  	s8 =	sadd.s32 $0x16E00, s5;
	s28 =	smul.u32 $0x2700, s1;
	p0 =	seq.s32 s1, $0xF  }
0x9: {  	s23 =	sadd.s32 $0x27000, s3;
	p2 =	sne.s32 s1, $0xF;
	s7 =	sshll.u32 s6, $0x4  }
0xa: {  	_ =	strace $0x80000047;
	s10 =	ssub.s32 $0x2, s6;
	s6 =	smul.u32 $0x27100, s6  }
0xb: {  	s23 =	sshrl.u32 @!p2 s23, $0x3;
	s16 =	sor.u32 s1, s7;
	s12 =	sshrl.u32 s10, $0x1  }
0xc: {  	s9 =	sshrl.u32 s9, $0x2;
	s22 =	sadd.s32 s28, s3;
	s7 =	smul.u32 $0x4E, s16  }
0xd: {  	s11 =	smax.u32 s16, $0x1C;
	s10 =	ssub.s32 s10, s12;
	s12 =	sadd.s32 s9, s3  }
0xe: {  	s9 =	sadd.s32 $0x25080, s3;
	s13 =	sadd.s32 s28, s6;
	s30 =	sshrl.u32 s6, $0x3  }
0xf: {  	p1 =	slt.u32 s16, $0x1C;
	s16 =	simm.s32 $0x2400;
	s22 =	sshrl.u32 s22, $0x3  }
0x10: {  	s29 =	sshrl.u32 s13, $0x3;
	s31 =	sadd.s32 s8, s30;
	s9 =	sshrl.u32 @p0 s9, $0x3  }
0x11: {  	s13 =	simm.s32 $0x80;
	s7 =	sadd.s32 s7, s11;
	s6 =	sadd.s32 s8, s29  }
0x12: {  	s8 =	smax.u32 s10, $0x1;
	s10 =	sshll.u32 @!p0 s1, $0x6;
	s7 =	sshll.u32 s7, $0x4  }
0x13: {  	s11 =	sshrl.u32 @!p0 s12, $0x3;
	s12 =	simm.s32 $0x2;
	s5 =	sadd.s32 s5, s7  }
0x14: {  	v0 =	vimm.f32 $1.000000000e+00;
	s10 =	sor.u32 @!p0 $0x1C02, s10;
	s7 =	sadd.s32 $0x4E00, s31;
	s5 =	sadd.s32 $0xCE80, s5  }
.LBB2_1:
0x15: {  	s25 =	simm.s32 @p0 $0x1FC2  }
0x16: {  	[spmem:s9], [sflag:s25] =	dma.local @p0 [hbm:s2], $0x410  }
0x17: {  	s25 =	simm.s32 @p0 $0x2  }
0x18: {  	_ =	swait.ge @p0 [sflag:s25], $0x410  }
0x19: {  	[sflag:s25] =	ssyncset.done @p0 $0x0  }
0x1a: {  	[sflag:s25] =	ssyncadd.s32 @p0 $0xFFFFFBF0;
	s25 =	simm.s32 @!p0 $0x2  }
0x1b: {  	[spmem:s11], [sflag:s10] =	dma.local @!p0 [hbm:s2], $0x4F0  }
0x1c: {  	_ =	swait.ge @!p0 [sflag:s25], $0x4F0  }
0x1d: {  	[sflag:s25] =	ssyncset.done @!p0 $0x0  }
0x1e: {  	[sflag:s25] =	ssyncadd.s32 @!p0 $0xFFFFFB10  }
0x1f: {  	[tilespmem:s4], [sflag:$0x2] =	stream.linear.gather [hbm4b:s5+s4], $0x2780, $0x38;
	[tilespmem:$0x5690] =	vst v63  }
0x20: {  	_ =	swait.ge [sflag:s12], $0x2780  }
0x21: {  	[sflag:s12] =	ssyncset.done $0x0  }
0x22: {  	s26 =	simm.s32 $0x0;
	s25 =	simm.s32 $0x40;
	[sflag:s12] =	ssyncadd.s32 $0xFFFFD880  }
.LBB2_2:
0x23: {  	p3 =	sne.s32 s25, $0x1FC0;
	[tilespmem:s26+$0x2780] =	vst v0;
	s26 =	smov.u32 s25;
	s25 =	sadd.s32 $0x40, s25  }
.Ltmp0:
0x24: {  	(pc) =	sbr.rel @p3 .LBB2_2-.Ltmp0, $2  }
0x25: {  	_ =	sdelay $0x2  }
0x26: {  	s26 =	sshra.s32 s26, $0x2  }
0x27: {  	[tilespmem:s26+$0x2780] =	vst v0  }
0x28: {  	s25 =	simm.s32 $0x0;
	[bflag:$0x0] =	sbarrier.arrive $0xFFFF  }
0x29: {  	[spmem:s3] =	stream.indirect.scatter.add.f32 [tilespmem:s14], [sflag:$0x1], $0x10, s25, s13, $0xb8;
	[tilespmem:$0x5690] =	vst v63  }
0x2a: {  	s29 =	simm.s32 $0x80  }
0x2b: {  	[spmem:s3] =	stream.indirect.scatter.add.f32 [tilespmem:s14], [sflag:$0x1], $0x10, s29, s13, $0xb8;
	[tilespmem:$0x5690] =	vst v63  }
0x2c: {  	s30 =	simm.s32 $0x100  }
0x2d: {  	[spmem:s3] =	stream.indirect.scatter.add.f32 [tilespmem:s14], [sflag:$0x1], $0x10, s30, s13, $0xb8;
	[tilespmem:$0x5690] =	vst v63  }
0x2e: {  	s31 =	simm.s32 $0x180  }
0x2f: {  	[spmem:s3] =	stream.indirect.scatter.add.f32 [tilespmem:s14], [sflag:$0x1], $0x10, s31, s13, $0xb8;
	[tilespmem:$0x5690] =	vst v63  }
0x30: {  	s26 =	simm.s32 $0x200  }
0x31: {  	[spmem:s3] =	stream.indirect.scatter.add.f32 [tilespmem:s14], [sflag:$0x1], $0x10, s26, s13, $0xb8;
	[tilespmem:$0x5690] =	vst v63  }
0x32: {  	s29 =	simm.s32 $0x280  }
0x33: {  	[spmem:s3] =	stream.indirect.scatter.add.f32 [tilespmem:s14], [sflag:$0x1], $0x10, s29, s13, $0xb8;
	[tilespmem:$0x5690] =	vst v63  }
0x34: {  	s30 =	simm.s32 $0x300  }
0x35: {  	[spmem:s3] =	stream.indirect.scatter.add.f32 [tilespmem:s14], [sflag:$0x1], $0x10, s30, s13, $0xb8;
	[tilespmem:$0x5690] =	vst v63  }
0x36: {  	s31 =	simm.s32 $0x380  }
0x37: {  	[spmem:s3] =	stream.indirect.scatter.add.f32 [tilespmem:s14], [sflag:$0x1], $0x10, s31, s13, $0xb8;
	[tilespmem:$0x5690] =	vst v63  }
0x38: {  	_ =	swait.ge [sflag:s15], $0x800  }
0x39: {  	[sflag:s15] =	ssyncset.done $0x0  }
0x3a: {  	[sflag:s15] =	ssyncadd.s32 $0xFFFFF800  }
0x3b: {  	_ =	swait.ge [sflag:s15], $0x800  }
0x3c: {  	[sflag:s15] =	ssyncset.done $0x0  }
0x3d: {  	[sflag:s15] =	ssyncadd.s32 $0xFFFFF800  }
0x3e: {  	_ =	swait.ge [sflag:s15], $0x800  }
0x3f: {  	[sflag:s15] =	ssyncset.done $0x0  }
0x40: {  	[sflag:s15] =	ssyncadd.s32 $0xFFFFF800  }
0x41: {  	_ =	swait.ge [sflag:s15], $0x800  }
0x42: {  	[sflag:s15] =	ssyncset.done $0x0  }
0x43: {  	[sflag:s15] =	ssyncadd.s32 $0xFFFFF800  }
0x44: {  	_ =	swait.ge [sflag:s15], $0x800  }
0x45: {  	[sflag:s15] =	ssyncset.done $0x0  }
0x46: {  	[sflag:s15] =	ssyncadd.s32 $0xFFFFF800  }
0x47: {  	_ =	swait.ge [sflag:s15], $0x800  }
0x48: {  	[sflag:s15] =	ssyncset.done $0x0  }
0x49: {  	[sflag:s15] =	ssyncadd.s32 $0xFFFFF800  }
0x4a: {  	_ =	swait.ge [sflag:s15], $0x800  }
0x4b: {  	[sflag:s15] =	ssyncset.done $0x0  }
0x4c: {  	[sflag:s15] =	ssyncadd.s32 $0xFFFFF800  }
0x4d: {  	_ =	swait.ge [sflag:s15], $0x800  }
0x4e: {  	s28 =	simm.s32 $0x2000;
	s25 =	simm.s32 $0x1000;
	[sflag:s15] =	ssyncset.done $0x0  }
.LBB2_4:
0x4f: {  	s29 =	sshra.s32 s25, $0x2  }
0x50: {  	[sflag:s15] =	ssyncadd.s32 $0xFFFFF800;
	s25 =	smov.u32 s28;
	s26 =	sadd.s32 $0x1000, s28  }
0x51: {  	[spmem:s3] =	stream.indirect.scatter.add.f32 [tilespmem:s14], [sflag:$0x1], $0x10, s29, s13, $0xb8;
	[tilespmem:$0x5690] =	vst v63  }
0x52: {  	p3 =	sne.s32 s28, $0x8000;
	s28 =	sadd.s32 $0x80, s29  }
0x53: {  	[spmem:s3] =	stream.indirect.scatter.add.f32 [tilespmem:s14], [sflag:$0x1], $0x10, s28, s13, $0xb8;
	[tilespmem:$0x5690] =	vst v63  }
0x54: {  	s28 =	sadd.s32 $0x100, s29  }
0x55: {  	[spmem:s3] =	stream.indirect.scatter.add.f32 [tilespmem:s14], [sflag:$0x1], $0x10, s28, s13, $0xb8;
	[tilespmem:$0x5690] =	vst v63  }
0x56: {  	s28 =	sadd.s32 $0x180, s29  }
0x57: {  	[spmem:s3] =	stream.indirect.scatter.add.f32 [tilespmem:s14], [sflag:$0x1], $0x10, s28, s13, $0xb8;
	[tilespmem:$0x5690] =	vst v63  }
0x58: {  	s28 =	sadd.s32 $0x200, s29  }
0x59: {  	[spmem:s3] =	stream.indirect.scatter.add.f32 [tilespmem:s14], [sflag:$0x1], $0x10, s28, s13, $0xb8;
	[tilespmem:$0x5690] =	vst v63  }
0x5a: {  	s28 =	sadd.s32 $0x280, s29  }
0x5b: {  	[spmem:s3] =	stream.indirect.scatter.add.f32 [tilespmem:s14], [sflag:$0x1], $0x10, s28, s13, $0xb8;
	[tilespmem:$0x5690] =	vst v63  }
0x5c: {  	s28 =	sadd.s32 $0x300, s29  }
0x5d: {  	[spmem:s3] =	stream.indirect.scatter.add.f32 [tilespmem:s14], [sflag:$0x1], $0x10, s28, s13, $0xb8;
	[tilespmem:$0x5690] =	vst v63  }
0x5e: {  	s28 =	sadd.s32 $0x380, s29  }
0x5f: {  	[spmem:s3] =	stream.indirect.scatter.add.f32 [tilespmem:s14], [sflag:$0x1], $0x10, s28, s13, $0xb8;
	[tilespmem:$0x5690] =	vst v63  }
0x60: {  	_ =	swait.ge [sflag:s15], $0x800  }
0x61: {  	[sflag:s15] =	ssyncset.done $0x0  }
0x62: {  	[sflag:s15] =	ssyncadd.s32 $0xFFFFF800  }
0x63: {  	_ =	swait.ge [sflag:s15], $0x800  }
0x64: {  	[sflag:s15] =	ssyncset.done $0x0  }
0x65: {  	[sflag:s15] =	ssyncadd.s32 $0xFFFFF800  }
0x66: {  	_ =	swait.ge [sflag:s15], $0x800  }
0x67: {  	[sflag:s15] =	ssyncset.done $0x0  }
0x68: {  	[sflag:s15] =	ssyncadd.s32 $0xFFFFF800  }
0x69: {  	_ =	swait.ge [sflag:s15], $0x800  }
0x6a: {  	[sflag:s15] =	ssyncset.done $0x0  }
0x6b: {  	[sflag:s15] =	ssyncadd.s32 $0xFFFFF800  }
0x6c: {  	_ =	swait.ge [sflag:s15], $0x800  }
0x6d: {  	[sflag:s15] =	ssyncset.done $0x0  }
0x6e: {  	[sflag:s15] =	ssyncadd.s32 $0xFFFFF800  }
0x6f: {  	_ =	swait.ge [sflag:s15], $0x800  }
0x70: {  	[sflag:s15] =	ssyncset.done $0x0  }
0x71: {  	[sflag:s15] =	ssyncadd.s32 $0xFFFFF800  }
.Ltmp1:
0x72: {  	_ =	swait.ge [sflag:s15], $0x800;
	(pc) =	sbr.rel @p3 .LBB2_4-.Ltmp1, $4  }
0x73: {  	[sflag:s15] =	ssyncset.done $0x0  }
0x74: {  	[sflag:s15] =	ssyncadd.s32 $0xFFFFF800  }
0x75: {  	_ =	swait.ge [sflag:s15], $0x800  }
0x76: {  	s28 =	smov.u32 s26;
	[sflag:s15] =	ssyncset.done $0x0  }
0x77: {  	s25 =	sshra.s32 s25, $0x2;
	[sflag:s15] =	ssyncadd.s32 $0xFFFFF800  }
0x78: {  	[spmem:s3] =	stream.indirect.scatter.add.f32 [tilespmem:s14], [sflag:$0x1], $0x10, s25, s13, $0xb8;
	[tilespmem:$0x5690] =	vst v63  }
0x79: {  	s26 =	sadd.s32 $0x80, s25  }
0x7a: {  	[spmem:s3] =	stream.indirect.scatter.add.f32 [tilespmem:s14], [sflag:$0x1], $0x10, s26, s13, $0xb8;
	[tilespmem:$0x5690] =	vst v63  }
0x7b: {  	s30 =	sadd.s32 $0x100, s25  }
0x7c: {  	[spmem:s3] =	stream.indirect.scatter.add.f32 [tilespmem:s14], [sflag:$0x1], $0x10, s30, s13, $0xb8;
	[tilespmem:$0x5690] =	vst v63  }
0x7d: {  	s31 =	sadd.s32 $0x180, s25  }
0x7e: {  	[spmem:s3] =	stream.indirect.scatter.add.f32 [tilespmem:s14], [sflag:$0x1], $0x10, s31, s13, $0xb8;
	[tilespmem:$0x5690] =	vst v63  }
0x7f: {  	s28 =	sadd.s32 $0x200, s25  }
0x80: {  	[spmem:s3] =	stream.indirect.scatter.add.f32 [tilespmem:s14], [sflag:$0x1], $0x10, s28, s13, $0xb8;
	[tilespmem:$0x5690] =	vst v63  }
0x81: {  	s29 =	sadd.s32 $0x280, s25  }
0x82: {  	[spmem:s3] =	stream.indirect.scatter.add.f32 [tilespmem:s14], [sflag:$0x1], $0x10, s29, s13, $0xb8;
	[tilespmem:$0x5690] =	vst v63  }
0x83: {  	s30 =	sadd.s32 $0x300, s25  }
0x84: {  	[spmem:s3] =	stream.indirect.scatter.add.f32 [tilespmem:s14], [sflag:$0x1], $0x10, s30, s13, $0xb8;
	[tilespmem:$0x5690] =	vst v63  }
0x85: {  	s25 =	sadd.s32 $0x380, s25  }
0x86: {  	[spmem:s3] =	stream.indirect.scatter.add.f32 [tilespmem:s14], [sflag:$0x1], $0x10, s25, s13, $0xb8;
	[tilespmem:$0x5690] =	vst v63  }
0x87: {  	_ =	swait.ge [sflag:s15], $0x800  }
0x88: {  	[sflag:s15] =	ssyncset.done $0x0  }
0x89: {  	[sflag:s15] =	ssyncadd.s32 $0xFFFFF800  }
0x8a: {  	_ =	swait.ge [sflag:s15], $0x800  }
0x8b: {  	[sflag:s15] =	ssyncset.done $0x0  }
0x8c: {  	[sflag:s15] =	ssyncadd.s32 $0xFFFFF800  }
0x8d: {  	_ =	swait.ge [sflag:s15], $0x800  }
0x8e: {  	[sflag:s15] =	ssyncset.done $0x0  }
0x8f: {  	[sflag:s15] =	ssyncadd.s32 $0xFFFFF800  }
0x90: {  	_ =	swait.ge [sflag:s15], $0x800  }
0x91: {  	[sflag:s15] =	ssyncset.done $0x0  }
0x92: {  	[sflag:s15] =	ssyncadd.s32 $0xFFFFF800  }
0x93: {  	_ =	swait.ge [sflag:s15], $0x800  }
0x94: {  	[sflag:s15] =	ssyncset.done $0x0  }
0x95: {  	[sflag:s15] =	ssyncadd.s32 $0xFFFFF800  }
0x96: {  	_ =	swait.ge [sflag:s15], $0x800  }
0x97: {  	[sflag:s15] =	ssyncset.done $0x0  }
0x98: {  	[sflag:s15] =	ssyncadd.s32 $0xFFFFF800  }
0x99: {  	_ =	swait.ge [sflag:s15], $0x800  }
0x9a: {  	[sflag:s15] =	ssyncset.done $0x0  }
0x9b: {  	[sflag:s15] =	ssyncadd.s32 $0xFFFFF800  }
0x9c: {  	_ =	swait.ge [sflag:s15], $0x800  }
0x9d: {  	[sflag:s15] =	ssyncset.done $0x0  }
0x9e: {  	[sflag:s15] =	ssyncadd.s32 $0xFFFFF800  }
0x9f: {  	[spmem:s3] =	stream.indirect.scatter.add.f32 [tilespmem:s14], [sflag:$0x1], $0x10, s16, s13, $0xb8;
	[tilespmem:$0x5690] =	vst v63  }
0xa0: {  	_ = 	snop  }
0xa1: {  	[spmem:s3] =	stream.indirect.scatter.add.f32 [tilespmem:s14], [sflag:$0x1], $0x10, s17, s13, $0xb8;
	[tilespmem:$0x5690] =	vst v63  }
0xa2: {  	_ = 	snop  }
0xa3: {  	[spmem:s3] =	stream.indirect.scatter.add.f32 [tilespmem:s14], [sflag:$0x1], $0x10, s18, s13, $0xb8;
	[tilespmem:$0x5690] =	vst v63  }
0xa4: {  	_ = 	snop  }
0xa5: {  	[spmem:s3] =	stream.indirect.scatter.add.f32 [tilespmem:s14], [sflag:$0x1], $0x10, s19, s13, $0xb8;
	[tilespmem:$0x5690] =	vst v63  }
0xa6: {  	_ = 	snop  }
0xa7: {  	[spmem:s3] =	stream.indirect.scatter.add.f32 [tilespmem:s14], [sflag:$0x1], $0x10, s20, s13, $0xb8;
	[tilespmem:$0x5690] =	vst v63  }
0xa8: {  	_ = 	snop  }
0xa9: {  	[spmem:s3] =	stream.indirect.scatter.add.f32 [tilespmem:s14], [sflag:$0x1], $0x10, s21, s13, $0xb8;
	[tilespmem:$0x5690] =	vst v63  }
0xaa: {  	s26 =	simm.s32 @!p1 $0x2700;
	s28 =	simm.s32 @!p1 $0x2780;
	s25 =	simm.s32 @!p1 $0x80  }
0xab: {  	[spmem:s3] =	stream.indirect.scatter.add.f32 @!p1 [tilespmem:s28], [sflag:$0x1], $0x10, s26, s25, $0xb8;
	[tilespmem:$0x5690] =	vst v63  }
0xac: {  	_ =	swait.ge [sflag:s15], $0x800  }
0xad: {  	[sflag:s15] =	ssyncset.done $0x0  }
0xae: {  	[sflag:s15] =	ssyncadd.s32 $0xFFFFF800  }
0xaf: {  	_ =	swait.ge [sflag:s15], $0x800  }
0xb0: {  	[sflag:s15] =	ssyncset.done $0x0  }
0xb1: {  	[sflag:s15] =	ssyncadd.s32 $0xFFFFF800  }
0xb2: {  	_ =	swait.ge [sflag:s15], $0x800  }
0xb3: {  	[sflag:s15] =	ssyncset.done $0x0  }
0xb4: {  	[sflag:s15] =	ssyncadd.s32 $0xFFFFF800  }
0xb5: {  	_ =	swait.ge [sflag:s15], $0x800  }
0xb6: {  	[sflag:s15] =	ssyncset.done $0x0  }
0xb7: {  	[sflag:s15] =	ssyncadd.s32 $0xFFFFF800  }
0xb8: {  	_ =	swait.ge [sflag:s15], $0x800  }
0xb9: {  	[sflag:s15] =	ssyncset.done $0x0  }
0xba: {  	[sflag:s15] =	ssyncadd.s32 $0xFFFFF800  }
0xbb: {  	_ =	swait.ge [sflag:s15], $0x800  }
0xbc: {  	[sflag:s15] =	ssyncset.done $0x0  }
0xbd: {  	s25 =	simm.s32 @!p1 $0x1;
	[sflag:s15] =	ssyncadd.s32 $0xFFFFF800  }
0xbe: {  	_ =	swait.ge @!p1 [sflag:s25], $0x800  }
0xbf: {  	[sflag:s25] =	ssyncset.done @!p1 $0x0  }
0xc0: {  	s31 =	sshll.u32 s1, $0x6;
	[sflag:s25] =	ssyncadd.s32 @!p1 $0xFFFFF800  }
0xc1: {  	s25 =	sor.u32 $0x1C02, s31;
	[bflag:$0x0] =	sbarrier.arrive $0xFFFF  }
0xc2: {  	[hbm:s6], [sflag:s25] =	dma.local [spmem:s22], $0x4E0  }
0xc3: {  	_ =	swait.ge [sflag:s12], $0x4E0  }
0xc4: {  	s24 =	sadd.s32 $0x1, s24;
	[sflag:s12] =	ssyncset.done $0x0  }
0xc5: {  	p3 =	sne.s32 s24, s8;
	[sflag:s12] =	ssyncadd.s32 $0xFFFFFB20  }
0xc6: {  	[hbm:s7], [sflag:s25] =	dma.local @!p2 [spmem:s23], $0x20  }
.Ltmp2:
0xc7: {  	_ = 	snop;
	(pc) =	sbr.rel @p3 .LBB2_1-.Ltmp2, $4  }
0xc8: {  	s25 =	simm.s32 @!p2 $0x2  }
0xc9: {  	_ =	swait.ge @!p2 [sflag:s25], $0x20  }
0xca: {  	[sflag:s25] =	ssyncset.done @!p2 $0x0  }
0xcb: {  	[sflag:s25] =	ssyncadd.s32 @!p2 $0xFFFFFFE0  }
0xcc: {  	_ =	sfence.sel $0x180000  }
0xcd: {  	[bflag:$0x0] =	sbarrier.arrive $0xFFFF  }
0xce: {  	p0 =	sne.s32 s1, $0x0;
	_ =	strace $0x90000047  }
0xcf: {  	s0 =	sadd.s32 @!p0 $0x100000, s0;
	[bflag:$0x2] =	sbarrier.arrive $0xFFFF  }
0xd0: {  	[sflag:s0] =	ssyncadd.tile.s32 @!p0 $0x1;
	_ =	shalt  }
.Lfunc_end2:
_tile_overlayer_lowered:
.L_overlay_start_2:
0xd1: {  	(tag) =	ssettag $0x2  }
0xd2: {  	s0 =	rddreg [dreg:$0x0];
	s2 =	stileid.u32  }
0xd3: {  	s1 =	rddreg [dreg:$0x1];
	p0 =	sne.s32 s2, $0x0  }
0xd4: {  	s3 =	rddreg [dreg:$0x2];
	[bflag:$0x3] =	sbarrier.arrive $0xFFFF;
	s2 =	simm.s32 @!p0 $0x1C02  }
0xd5: {  	[timem:s3], [sflag:s2] =	dma.local @!p0 [hbm:s0], s1  }
0xd6: {  	s0 =	simm.s32 @!p0 $0x2  }
0xd7: {  	_ =	swait.ge @!p0 [sflag:s0], s1  }
0xd8: {  	s1 =	ssub.s32 @!p0 $0x0, s1;
	[sflag:s0] =	ssyncset.done @!p0 $0x0  }
0xd9: {  	[sflag:s0] =	ssyncadd.s32 @!p0 s1  }
0xda: {  	[bflag:$0x3] =	sbarrier.arrive $0xFFFF  }
0xdb: {  	_ =	shalt  }

</sc_bundles>
